<compile_context>
chip_gen: v7x
topology: tpu7x:2x2x1
jax: 0.10.2.dev20260603
libtpu: 0.0.44.dev20260713+nightly
codegen_flags: <defaults>
</compile_context>

<pallas_src>
import functools

import jax
import jax.numpy as jnp
from jax import lax
from jax.experimental import pallas as pl
from jax.experimental.pallas import tpu as pltpu
from jax.experimental.pallas import tpu_sc as plsc

_NC = 2
_NS = 16
_NW = _NC * _NS
_CHUNK = 128



@functools.lru_cache(maxsize=None)
def _make_count(k: int, n_cnt: int):
    mesh = plsc.VectorSubcoreMesh(core_axis_name="c", subcore_axis_name="s")
    tile_rows = n_cnt // _NS

    @functools.partial(
        pl.kernel,
        out_type=jax.ShapeDtypeStruct((_NC * n_cnt,), jnp.float32),
        mesh=mesh,
        scratch_types=[
            pltpu.VMEM((k, _CHUNK), jnp.int32),
            pltpu.VMEM((_CHUNK,), jnp.float32),
            pltpu.VMEM((tile_rows,), jnp.float32),
            pltpu.VMEM_SHARED((n_cnt,), jnp.float32),
            pltpu.SemaphoreType.DMA,
        ],
    )
    def cnt(edges_hbm, out_hbm, didx, ones, zeros, acc, sem):
        c = lax.axis_index("c")
        s = lax.axis_index("s")
        wid = s * _NC + c
        cp = pltpu.async_copy(edges_hbm.at[1, wid], didx, sem)

        onev = jnp.ones((16,), jnp.float32)
        zv = jnp.zeros((16,), jnp.float32)
        for j in range(_CHUNK // 16):
            ones[pl.ds(j * 16, 16)] = onev

        def zfill(i, _):
            zeros[pl.ds(i * 16, 16)] = zv
            return 0

        lax.fori_loop(0, tile_rows // 16, zfill, 0)
        pltpu.sync_copy(zeros, acc.at[pl.ds(s * tile_rows, tile_rows)])
        cp.wait()
        plsc.subcore_barrier()

        def body(j, _):
            pltpu.sync_copy(ones, acc.at[didx.at[j]], add=True)
            return 0

        lax.fori_loop(0, k, body, 0)
        plsc.subcore_barrier()
        pltpu.sync_copy(acc.at[pl.ds(s * tile_rows, tile_rows)],
                        out_hbm.at[pl.ds(c * n_cnt + s * tile_rows, tile_rows)])

    return cnt


@functools.lru_cache(maxsize=None)
def _make_segsum(n: int, d: int, k: int):
    n_out = -(-n // (_NS * 8)) * _NS * 8
    rpt = n_out // _NS
    kb = 40
    assert k % kb == 0
    deep = d <= 32
    mesh = plsc.VectorSubcoreMesh(core_axis_name="c", subcore_axis_name="s")

    if deep:
        return _make_segsum_deep(n, d, k, n_out, rpt, mesh)

    @functools.partial(
        pl.kernel,
        out_type=jax.ShapeDtypeStruct((_NC, n_out, d), jnp.float32),
        mesh=mesh,
        compiler_params=pltpu.CompilerParams(use_tc_tiling_on_sc=(d % 128 == 0)),
        scratch_types=[
            pltpu.VMEM((kb, _CHUNK), jnp.int32),
            pltpu.VMEM((kb, _CHUNK), jnp.int32),
            pltpu.VMEM((_CHUNK, d), jnp.float32),
            pltpu.VMEM((_CHUNK, d), jnp.float32),
            pltpu.VMEM_SHARED((n_out, d), jnp.float32),
            pltpu.SemaphoreType.DMA,
            pltpu.SemaphoreType.DMA,
        ],
    )
    def segsum(hw_hbm, edges_hbm, out_hbm,
               sidx, didx, bufa, bufb, acc, sga, sgb):
        c = lax.axis_index("c")
        s = lax.axis_index("s")
        wid = s * _NC + c

        zv = jnp.zeros((16,), jnp.float32)

        def zrow(i, _):
            for j in range(d // 16):
                bufa[i, pl.ds(j * 16, 16)] = zv
            return 0

        lax.fori_loop(0, _CHUNK, zrow, 0)

        base = s * rpt
        nfull, rem = divmod(rpt, _CHUNK)
        for j in range(nfull):
            pltpu.sync_copy(bufa, acc.at[pl.ds(base + j * _CHUNK, _CHUNK), :])
        if rem:
            pltpu.sync_copy(bufa.at[pl.ds(0, rem), :],
                            acc.at[pl.ds(base + nfull * _CHUNK, rem), :])
        plsc.subcore_barrier()

        def gstart(j, buf, sem):
            return pltpu.async_copy(hw_hbm.at[sidx.at[j]], buf, sem)

        def scat(j, buf):
            pltpu.sync_copy(buf, acc.at[didx.at[j]], add=True)

        for b in range(k // kb):
            pltpu.sync_copy(edges_hbm.at[0, wid, pl.ds(b * kb, kb)], sidx)
            pltpu.sync_copy(edges_hbm.at[1, wid, pl.ds(b * kb, kb)], didx)

            ga = gstart(0, bufa, sga)

            def body(p, _):
                j = 2 * p
                gb = gstart(j + 1, bufb, sgb)
                ga.wait()
                scat(j, bufa)
                gstart(j + 2, bufa, sga)
                gb.wait()
                scat(j + 1, bufb)
                return 0

            lax.fori_loop(0, kb // 2 - 1, body, 0)
            gb = gstart(kb - 1, bufb, sgb)
            ga.wait()
            scat(kb - 2, bufa)
            gb.wait()
            scat(kb - 1, bufb)

        plsc.subcore_barrier()
        pltpu.sync_copy(acc.at[pl.ds(s * rpt, rpt), :],
                        out_hbm.at[c, pl.ds(s * rpt, rpt), :])

    return segsum


def _make_segsum_deep(n: int, d: int, k: int, n_out: int, rpt: int, mesh):
    NB = 4
    assert k % (2 * NB) == 0 and k >= 4 * NB
    R = k // (2 * NB)

    @functools.partial(
        pl.kernel,
        out_type=jax.ShapeDtypeStruct((_NC, n_out, d), jnp.float32),
        mesh=mesh,
        compiler_params=pltpu.CompilerParams(use_tc_tiling_on_sc=(d % 128 == 0)),
        scratch_types=[
            pltpu.VMEM((k, _CHUNK), jnp.int32),
            pltpu.VMEM((k, _CHUNK), jnp.int32),
        ] + [pltpu.VMEM((_CHUNK, d), jnp.float32) for _ in range(2 * NB)] + [
            pltpu.VMEM_SHARED((n_out, d), jnp.float32),
            pltpu.SemaphoreType.DMA,
            pltpu.SemaphoreType.DMA,
            pltpu.SemaphoreType.DMA,
            pltpu.SemaphoreType.DMA,
        ],
    )
    def segsum(hw_hbm, edges_hbm, out_hbm, sidx, didx,
               a0, a1, a2, a3, b0, b1, b2, b3, acc, gsa, gsb, ssa, ssb):
        c = lax.axis_index("c")
        s = lax.axis_index("s")
        wid = s * _NC + c
        bufa = [a0, a1, a2, a3]
        bufb = [b0, b1, b2, b3]

        zv = jnp.zeros((16,), jnp.float32)

        def zrow(i, _):
            for j in range(d // 16):
                a0[i, pl.ds(j * 16, 16)] = zv
            return 0

        lax.fori_loop(0, _CHUNK, zrow, 0)
        zbase = s * rpt
        nfull, rem = divmod(rpt, _CHUNK)
        for j in range(nfull):
            pltpu.sync_copy(a0, acc.at[pl.ds(zbase + j * _CHUNK, _CHUNK), :])
        if rem:
            pltpu.sync_copy(a0.at[pl.ds(0, rem), :],
                            acc.at[pl.ds(zbase + nfull * _CHUNK, rem), :])

        pltpu.sync_copy(edges_hbm.at[0, wid], sidx)
        pltpu.sync_copy(edges_hbm.at[1, wid], didx)
        plsc.subcore_barrier()

        def fire_g(j, buf, sem):
            return pltpu.async_copy(hw_hbm.at[sidx.at[j]], buf, sem)

        def fire_s(j, buf, sem):
            return pltpu.async_copy(buf, acc.at[didx.at[j]], sem, add=True)

        def half_round(base, bufs, gsem, ssem, nxt):
            hs = []
            for i in range(NB):
                pltpu.make_async_copy(hw_hbm.at[sidx.at[base + i]],
                                      bufs[i], gsem).wait()
                hs.append(fire_s(base + i, bufs[i], ssem))
            for h in hs:
                h.wait()
            if nxt is not None:
                for i in range(NB):
                    fire_g(nxt + i, bufs[i], gsem)

        for i in range(NB):
            fire_g(i, bufa[i], gsa)

        def round_body(r, _):
            base = 2 * NB * r
            for i in range(NB):
                fire_g(base + NB + i, bufb[i], gsb)
            half_round(base, bufa, gsa, ssa, base + 2 * NB)
            half_round(base + NB, bufb, gsb, ssb, None)
            return 0

        lax.fori_loop(0, R - 1, round_body, 0)
        base = 2 * NB * (R - 1)
        for i in range(NB):
            fire_g(base + NB + i, bufb[i], gsb)
        half_round(base, bufa, gsa, ssa, None)
        half_round(base + NB, bufb, gsb, ssb, None)

        plsc.subcore_barrier()
        pltpu.sync_copy(acc.at[pl.ds(s * rpt, rpt), :],
                        out_hbm.at[c, pl.ds(s * rpt, rpt), :])

    return segsum



def _first_body(x_ref, w_ref, c0_ref, c1_ref, hw_ref, dis_ref):
    dis = lax.rsqrt(1.0 + c0_ref[...] + c1_ref[...])
    dis_ref[...] = dis
    hw_ref[...] = jnp.dot(x_ref[...], w_ref[...],
                          preferred_element_type=jnp.float32) * dis


def _first_call(x, wt, c0, c1):
    n = x.shape[0]
    return pl.pallas_call(
        _first_body,
        out_shape=(jax.ShapeDtypeStruct((n, wt.shape[1]), jnp.float32),
                   jax.ShapeDtypeStruct((n, 1), jnp.float32)),
    )(x, wt, c0, c1)


def _mid_body(acc_ref, hwp_ref, dis_ref, b_ref, w_ref, out_ref):
    n = hwp_ref.shape[0]
    dis = dis_ref[...]
    h = (acc_ref[0, :n, :] + acc_ref[1, :n, :] + hwp_ref[...]) * dis + b_ref[...]
    h = jnp.maximum(h, 0.0)
    out_ref[...] = jnp.dot(h, w_ref[...],
                           preferred_element_type=jnp.float32) * dis


def _mid_call(acc, hwp, dis, b, wt):
    n = hwp.shape[0]
    return pl.pallas_call(
        _mid_body,
        out_shape=jax.ShapeDtypeStruct((n, wt.shape[1]), jnp.float32),
    )(acc, hwp, dis, b, wt)


def _fin_body(acc_ref, hwp_ref, dis_ref, b_ref, out_ref):
    n = hwp_ref.shape[0]
    out_ref[...] = (acc_ref[0, :n, :] + acc_ref[1, :n, :] + hwp_ref[...]) \
        * dis_ref[...] + b_ref[...]


def _fin_call(acc, hwp, dis, b):
    return pl.pallas_call(
        _fin_body,
        out_shape=jax.ShapeDtypeStruct(hwp.shape, jnp.float32),
    )(acc, hwp, dis, b)



def kernel(x, edge_index, W1, b1, W2, b2, W3, b3):
    n = x.shape[0]
    e = edge_index.shape[1]
    per = _NW * _CHUNK
    k = -(-(-(-e // per)) // 16) * 16
    pad = k * per - e

    pidx = jnp.arange(pad, dtype=jnp.int32)
    pad2d = jnp.stack([pidx % jnp.int32(min(_CHUNK, n)),
                       n + (pidx % jnp.int32(16))])
    et = jnp.concatenate([edge_index, pad2d], axis=1).reshape(2, _NW, k, _CHUNK)

    tile_rows = -(-(n + 16) // (_NS * 128)) * 128
    n_cnt = tile_rows * _NS

    counts = _make_count(k, n_cnt)(et)
    c0 = counts[:n].reshape(n, 1)
    c1 = counts[n_cnt:n_cnt + n].reshape(n, 1)

    hw1, dis = _first_call(x, W1.T, c0, c1)
    acc1 = _make_segsum(n, W1.shape[0], k)(hw1, et)
    hw2 = _mid_call(acc1, hw1, dis, b1.reshape(1, -1), W2.T)
    acc2 = _make_segsum(n, W2.shape[0], k)(hw2, et)
    hw3 = _mid_call(acc2, hw2, dis, b2.reshape(1, -1), W3.T)
    acc3 = _make_segsum(n, W3.shape[0], k)(hw3, et)
    z = _fin_call(acc3, hw3, dis, b3.reshape(1, -1))
    return z

# --- scband reference (transcript-rebuilt; emitter-appended) ---
"""Pipeline reference for scband-gcnedge-prediction-48473000903025 (READ-ONLY COPY).

The authoritative reference and input builder live on the scoring server;
editing this copy changes nothing except your own understanding.
"""

import jax, jax.numpy as jnp
import numpy as np

N = 10000
E = 320000
D_IN = 128
D_HID = 128
D_OUT = 32


def setup_inputs(seed: int = 0) -> dict:
    key = jax.random.key(seed)
    ks = jax.random.split(key, 8)
    x = jax.random.normal(ks[0], (N, D_IN), dtype=jnp.float32)
    edge_index = jax.random.randint(ks[1], (2, E), 0, N, dtype=jnp.int32)
    W1 = jax.random.normal(ks[2], (D_HID, D_IN), dtype=jnp.float32) / np.sqrt(D_IN)
    b1 = jnp.zeros((D_HID,), dtype=jnp.float32)
    W2 = jax.random.normal(ks[3], (D_HID, D_HID), dtype=jnp.float32) / np.sqrt(D_HID)
    b2 = jnp.zeros((D_HID,), dtype=jnp.float32)
    W3 = jax.random.normal(ks[4], (D_OUT, D_HID), dtype=jnp.float32) / np.sqrt(D_HID)
    b3 = jnp.zeros((D_OUT,), dtype=jnp.float32)
    return {"x": x, "edge_index": edge_index, "W1": W1, "b1": b1, "W2": W2, "b2": b2, "W3": W3, "b3": b3}


def reference(x, edge_index, W1, b1, W2, b2, W3, b3):
    # GCNEdgePrediction.encode with drop_edge keep_ratio=1.0 (identity), no pairnorm.
    n = x.shape[0]
    loops = jnp.arange(n, dtype=edge_index.dtype)
    src = jnp.concatenate([edge_index[0], loops])
    dst = jnp.concatenate([edge_index[1], loops])
    # symmetric GCN normalization (gcn_norm with add_self_loops, edge_weight=1)
    deg = jnp.zeros((n,), x.dtype).at[dst].add(jnp.ones_like(dst, dtype=x.dtype))
    dis = jnp.where(deg > 0, jax.lax.rsqrt(jnp.maximum(deg, 1e-12)), 0.0)
    norm = dis[src] * dis[dst]

    def gcn_conv(h, W, b):
        hw = h @ W.T
        msg = hw[src] * norm[:, None]
        out = jnp.zeros((n, hw.shape[1]), hw.dtype).at[dst].add(msg)
        return out + b

    h = jax.nn.relu(gcn_conv(x, W1, b1))
    h = jax.nn.relu(gcn_conv(h, W2, b2))
    z = gcn_conv(h, W3, b3)
    return z

if __name__ == "__main__":
    import jax
    _d = setup_inputs()
    print(jax.jit(kernel)(*tuple(_d.values())))

</pallas_src>

<mosaic_0001>
#map = affine_map<(d0, d1) -> (0, 0)>
#map1 = affine_map<(d0, d1) -> (0, 0, 0, 0)>
#map2 = affine_map<(d0, d1) -> (0, 0, 0)>
module attributes {stable_mosaic.version = 14 : i64} {
  func.func @segsum(%arg0: i32, %arg1: i32, %arg2: memref<10000x128xf32, #tpu.memory_space<hbm>>, %arg3: memref<2x32x80x128xi32, #tpu.memory_space<hbm>>, %arg4: memref<2x10112x128xf32, #tpu.memory_space<hbm>>, %arg5: memref<40x128xi32, #tpu.memory_space<vmem>>, %arg6: memref<40x128xi32, #tpu.memory_space<vmem>>, %arg7: memref<128x128xf32, #tpu.memory_space<vmem>>, %arg8: memref<128x128xf32, #tpu.memory_space<vmem>>, %arg9: memref<10112x128xf32, #tpu.memory_space<vmem_shared>>, %arg10: memref<!tpu.dma_semaphore, #tpu.memory_space<semaphore_mem>>, %arg11: memref<!tpu.dma_semaphore, #tpu.memory_space<semaphore_mem>>) attributes {dimension_semantics = [#tpu.dimension_semantics<core_parallel>, #tpu.dimension_semantics<subcore_parallel>], iteration_bounds = array<i64: 2, 16>, scalar_prefetch = 0 : i64, scratch_operands = 7 : i64, tpu.core_type = #tpu.core_type<sc_vector_subcore>, window_params = [{transform_indices = #map}, {transform_indices = #map1}, {transform_indices = #map2}]} {
    %mul3A = arith.constant 2 : i32
    %mul3A_0 = arith.muli %arg1, %mul3A : i32
    %add3A = arith.addi %mul3A_0, %arg0 : i32
    %broadcast_in_dim3A = arith.constant 0.000000e+00 : f32
    %broadcast_in_dim3A_1 = vector.broadcast %broadcast_in_dim3A : f32 to vector<16xf32>
    %scan3A = arith.constant 0 : i32
    %scan3A_2 = arith.constant 0 : i32
    %scan3A_3 = arith.constant 128 : i32
    %scan3A_4 = arith.addi %scan3A_2, %scan3A_3 : i32
    %scan3A_5 = arith.constant 1 : i32
    %scan3A_6 = scf.for %scan3A_102 = %scan3A_2 to %scan3A_4 step %scan3A_5 iter_args(%scan3A_103 = %scan3A) -> (i32)  : i32 {
      %swap3A = arith.index_cast %scan3A_102 : i32 to index
      %swap3A_104 = arith.constant 0 : index
      %swap3A_105 = tpu.vector_load %arg7[%swap3A, %swap3A_104] {strides = array<i32>} : memref<128x128xf32, #tpu.memory_space<vmem>>, vector<1x16xf32>,
      %swap3A_106 = vector.shape_cast %swap3A_105 : vector<1x16xf32> to vector<16xf32>
      %swap3A_107 = vector.shape_cast %broadcast_in_dim3A_1 : vector<16xf32> to vector<1x16xf32>
      tpu.vector_store %arg7[%swap3A, %swap3A_104], %swap3A_107 {strides = array<i32>} : memref<128x128xf32, #tpu.memory_space<vmem>>, vector<1x16xf32>,
      %swap3A_108 = arith.index_cast %scan3A_102 : i32 to index
      %swap3A_109 = arith.constant 16 : index
      %swap3A_110 = tpu.vector_load %arg7[%swap3A_108, %swap3A_109] {strides = array<i32>} : memref<128x128xf32, #tpu.memory_space<vmem>>, vector<1x16xf32>,
      %swap3A_111 = vector.shape_cast %swap3A_110 : vector<1x16xf32> to vector<16xf32>
      %swap3A_112 = vector.shape_cast %broadcast_in_dim3A_1 : vector<16xf32> to vector<1x16xf32>
      tpu.vector_store %arg7[%swap3A_108, %swap3A_109], %swap3A_112 {strides = array<i32>} : memref<128x128xf32, #tpu.memory_space<vmem>>, vector<1x16xf32>,
      %swap3A_113 = arith.index_cast %scan3A_102 : i32 to index
      %swap3A_114 = arith.constant 32 : index
      %swap3A_115 = tpu.vector_load %arg7[%swap3A_113, %swap3A_114] {strides = array<i32>} : memref<128x128xf32, #tpu.memory_space<vmem>>, vector<1x16xf32>,
      %swap3A_116 = vector.shape_cast %swap3A_115 : vector<1x16xf32> to vector<16xf32>
      %swap3A_117 = vector.shape_cast %broadcast_in_dim3A_1 : vector<16xf32> to vector<1x16xf32>
      tpu.vector_store %arg7[%swap3A_113, %swap3A_114], %swap3A_117 {strides = array<i32>} : memref<128x128xf32, #tpu.memory_space<vmem>>, vector<1x16xf32>,
      %swap3A_118 = arith.index_cast %scan3A_102 : i32 to index
      %swap3A_119 = arith.constant 48 : index
      %swap3A_120 = tpu.vector_load %arg7[%swap3A_118, %swap3A_119] {strides = array<i32>} : memref<128x128xf32, #tpu.memory_space<vmem>>, vector<1x16xf32>,
      %swap3A_121 = vector.shape_cast %swap3A_120 : vector<1x16xf32> to vector<16xf32>
      %swap3A_122 = vector.shape_cast %broadcast_in_dim3A_1 : vector<16xf32> to vector<1x16xf32>
      tpu.vector_store %arg7[%swap3A_118, %swap3A_119], %swap3A_122 {strides = array<i32>} : memref<128x128xf32, #tpu.memory_space<vmem>>, vector<1x16xf32>,
      %swap3A_123 = arith.index_cast %scan3A_102 : i32 to index
      %swap3A_124 = arith.constant 64 : index
      %swap3A_125 = tpu.vector_load %arg7[%swap3A_123, %swap3A_124] {strides = array<i32>} : memref<128x128xf32, #tpu.memory_space<vmem>>, vector<1x16xf32>,
      %swap3A_126 = vector.shape_cast %swap3A_125 : vector<1x16xf32> to vector<16xf32>
      %swap3A_127 = vector.shape_cast %broadcast_in_dim3A_1 : vector<16xf32> to vector<1x16xf32>
      tpu.vector_store %arg7[%swap3A_123, %swap3A_124], %swap3A_127 {strides = array<i32>} : memref<128x128xf32, #tpu.memory_space<vmem>>, vector<1x16xf32>,
      %swap3A_128 = arith.index_cast %scan3A_102 : i32 to index
      %swap3A_129 = arith.constant 80 : index
      %swap3A_130 = tpu.vector_load %arg7[%swap3A_128, %swap3A_129] {strides = array<i32>} : memref<128x128xf32, #tpu.memory_space<vmem>>, vector<1x16xf32>,
      %swap3A_131 = vector.shape_cast %swap3A_130 : vector<1x16xf32> to vector<16xf32>
      %swap3A_132 = vector.shape_cast %broadcast_in_dim3A_1 : vector<16xf32> to vector<1x16xf32>
      tpu.vector_store %arg7[%swap3A_128, %swap3A_129], %swap3A_132 {strides = array<i32>} : memref<128x128xf32, #tpu.memory_space<vmem>>, vector<1x16xf32>,
      %swap3A_133 = arith.index_cast %scan3A_102 : i32 to index
      %swap3A_134 = arith.constant 96 : index
      %swap3A_135 = tpu.vector_load %arg7[%swap3A_133, %swap3A_134] {strides = array<i32>} : memref<128x128xf32, #tpu.memory_space<vmem>>, vector<1x16xf32>,
      %swap3A_136 = vector.shape_cast %swap3A_135 : vector<1x16xf32> to vector<16xf32>
      %swap3A_137 = vector.shape_cast %broadcast_in_dim3A_1 : vector<16xf32> to vector<1x16xf32>
      tpu.vector_store %arg7[%swap3A_133, %swap3A_134], %swap3A_137 {strides = array<i32>} : memref<128x128xf32, #tpu.memory_space<vmem>>, vector<1x16xf32>,
      %swap3A_138 = arith.index_cast %scan3A_102 : i32 to index
      %swap3A_139 = arith.constant 112 : index
      %swap3A_140 = tpu.vector_load %arg7[%swap3A_138, %swap3A_139] {strides = array<i32>} : memref<128x128xf32, #tpu.memory_space<vmem>>, vector<1x16xf32>,
      %swap3A_141 = vector.shape_cast %swap3A_140 : vector<1x16xf32> to vector<16xf32>
      %swap3A_142 = vector.shape_cast %broadcast_in_dim3A_1 : vector<16xf32> to vector<1x16xf32>
      tpu.vector_store %arg7[%swap3A_138, %swap3A_139], %swap3A_142 {strides = array<i32>} : memref<128x128xf32, #tpu.memory_space<vmem>>, vector<1x16xf32>,
      %scan3A_143 = arith.constant 0 : i32
      scf.yield %scan3A_143 : i32
    }
    %scan3A_7 = arith.constant 128 : i32
    %mul3A_8 = arith.constant 632 : i32
    %mul3A_9 = arith.muli %arg1, %mul3A_8 : i32
    %add3A_10 = arith.constant 0 : i32
    %add3A_11 = arith.addi %mul3A_9, %add3A_10 : i32
    "tpu.region"() ({
      %run_scoped3A_102 = tpu.sem_alloc : memref<!tpu.dma_semaphore, #tpu.memory_space<semaphore_mem>>
      %dma_start3A_103 = arith.constant 0 : i32
      %dma_start3A_104 = tpu.memref_slice %arg9[%add3A_11, %dma_start3A_103] : memref<10112x128xf32, #tpu.memory_space<vmem_shared>> -> memref<128x128xf32, #tpu.memory_space<vmem_shared>>
      %dma_start3A_105 = arith.constant 0 : i32
      %dma_start3A_106 = tpu.memref_slice %arg9[%add3A_11, %dma_start3A_105] : memref<10112x128xf32, #tpu.memory_space<vmem_shared>> -> memref<128x128xf32, #tpu.memory_space<vmem_shared>>
      tpu.enqueue_dma source(%arg7 : memref<128x128xf32, #tpu.memory_space<vmem>>) target(%dma_start3A_106 : memref<128x128xf32, #tpu.memory_space<vmem_shared>>) target_semaphore(%run_scoped3A_102 : memref<!tpu.dma_semaphore, #tpu.memory_space<semaphore_mem>>)
      %dma_wait3A_107 = arith.constant 0 : i32
      %dma_wait3A_108 = tpu.memref_slice %arg9[%add3A_11, %dma_wait3A_107] : memref<10112x128xf32, #tpu.memory_space<vmem_shared>> -> memref<128x128xf32, #tpu.memory_space<vmem_shared>>
      %dma_wait3A_109 = arith.constant 0 : i32
      %dma_wait3A_110 = tpu.memref_slice %arg9[%add3A_11, %dma_wait3A_109] : memref<10112x128xf32, #tpu.memory_space<vmem_shared>> -> memref<128x128xf32, #tpu.memory_space<vmem_shared>>
      tpu.wait_dma2 semaphore(%run_scoped3A_102 : memref<!tpu.dma_semaphore, #tpu.memory_space<semaphore_mem>>) src(%arg7 : memref<128x128xf32, #tpu.memory_space<vmem>>) dst(%dma_wait3A_110 : memref<128x128xf32, #tpu.memory_space<vmem_shared>>)
      tpu.yield
    }) : () -> ()
    %add3A_12 = arith.constant 128 : i32
    %add3A_13 = arith.addi %mul3A_9, %add3A_12 : i32
    "tpu.region"() ({
      %run_scoped3A_102 = tpu.sem_alloc : memref<!tpu.dma_semaphore, #tpu.memory_space<semaphore_mem>>
      %dma_start3A_103 = arith.constant 0 : i32
      %dma_start3A_104 = tpu.memref_slice %arg9[%add3A_13, %dma_start3A_103] : memref<10112x128xf32, #tpu.memory_space<vmem_shared>> -> memref<128x128xf32, #tpu.memory_space<vmem_shared>>
      %dma_start3A_105 = arith.constant 0 : i32
      %dma_start3A_106 = tpu.memref_slice %arg9[%add3A_13, %dma_start3A_105] : memref<10112x128xf32, #tpu.memory_space<vmem_shared>> -> memref<128x128xf32, #tpu.memory_space<vmem_shared>>
      tpu.enqueue_dma source(%arg7 : memref<128x128xf32, #tpu.memory_space<vmem>>) target(%dma_start3A_106 : memref<128x128xf32, #tpu.memory_space<vmem_shared>>) target_semaphore(%run_scoped3A_102 : memref<!tpu.dma_semaphore, #tpu.memory_space<semaphore_mem>>)
      %dma_wait3A_107 = arith.constant 0 : i32
      %dma_wait3A_108 = tpu.memref_slice %arg9[%add3A_13, %dma_wait3A_107] : memref<10112x128xf32, #tpu.memory_space<vmem_shared>> -> memref<128x128xf32, #tpu.memory_space<vmem_shared>>
      %dma_wait3A_109 = arith.constant 0 : i32
      %dma_wait3A_110 = tpu.memref_slice %arg9[%add3A_13, %dma_wait3A_109] : memref<10112x128xf32, #tpu.memory_space<vmem_shared>> -> memref<128x128xf32, #tpu.memory_space<vmem_shared>>
      tpu.wait_dma2 semaphore(%run_scoped3A_102 : memref<!tpu.dma_semaphore, #tpu.memory_space<semaphore_mem>>) src(%arg7 : memref<128x128xf32, #tpu.memory_space<vmem>>) dst(%dma_wait3A_110 : memref<128x128xf32, #tpu.memory_space<vmem_shared>>)
      tpu.yield
    }) : () -> ()
    %add3A_14 = arith.constant 256 : i32
    %add3A_15 = arith.addi %mul3A_9, %add3A_14 : i32
    "tpu.region"() ({
      %run_scoped3A_102 = tpu.sem_alloc : memref<!tpu.dma_semaphore, #tpu.memory_space<semaphore_mem>>
      %dma_start3A_103 = arith.constant 0 : i32
      %dma_start3A_104 = tpu.memref_slice %arg9[%add3A_15, %dma_start3A_103] : memref<10112x128xf32, #tpu.memory_space<vmem_shared>> -> memref<128x128xf32, #tpu.memory_space<vmem_shared>>
      %dma_start3A_105 = arith.constant 0 : i32
      %dma_start3A_106 = tpu.memref_slice %arg9[%add3A_15, %dma_start3A_105] : memref<10112x128xf32, #tpu.memory_space<vmem_shared>> -> memref<128x128xf32, #tpu.memory_space<vmem_shared>>
      tpu.enqueue_dma source(%arg7 : memref<128x128xf32, #tpu.memory_space<vmem>>) target(%dma_start3A_106 : memref<128x128xf32, #tpu.memory_space<vmem_shared>>) target_semaphore(%run_scoped3A_102 : memref<!tpu.dma_semaphore, #tpu.memory_space<semaphore_mem>>)
      %dma_wait3A_107 = arith.constant 0 : i32
      %dma_wait3A_108 = tpu.memref_slice %arg9[%add3A_15, %dma_wait3A_107] : memref<10112x128xf32, #tpu.memory_space<vmem_shared>> -> memref<128x128xf32, #tpu.memory_space<vmem_shared>>
      %dma_wait3A_109 = arith.constant 0 : i32
      %dma_wait3A_110 = tpu.memref_slice %arg9[%add3A_15, %dma_wait3A_109] : memref<10112x128xf32, #tpu.memory_space<vmem_shared>> -> memref<128x128xf32, #tpu.memory_space<vmem_shared>>
      tpu.wait_dma2 semaphore(%run_scoped3A_102 : memref<!tpu.dma_semaphore, #tpu.memory_space<semaphore_mem>>) src(%arg7 : memref<128x128xf32, #tpu.memory_space<vmem>>) dst(%dma_wait3A_110 : memref<128x128xf32, #tpu.memory_space<vmem_shared>>)
      tpu.yield
    }) : () -> ()
    %add3A_16 = arith.constant 384 : i32
    %add3A_17 = arith.addi %mul3A_9, %add3A_16 : i32
    "tpu.region"() ({
      %run_scoped3A_102 = tpu.sem_alloc : memref<!tpu.dma_semaphore, #tpu.memory_space<semaphore_mem>>
      %dma_start3A_103 = arith.constant 0 : i32
      %dma_start3A_104 = tpu.memref_slice %arg9[%add3A_17, %dma_start3A_103] : memref<10112x128xf32, #tpu.memory_space<vmem_shared>> -> memref<128x128xf32, #tpu.memory_space<vmem_shared>>
      %dma_start3A_105 = arith.constant 0 : i32
      %dma_start3A_106 = tpu.memref_slice %arg9[%add3A_17, %dma_start3A_105] : memref<10112x128xf32, #tpu.memory_space<vmem_shared>> -> memref<128x128xf32, #tpu.memory_space<vmem_shared>>
      tpu.enqueue_dma source(%arg7 : memref<128x128xf32, #tpu.memory_space<vmem>>) target(%dma_start3A_106 : memref<128x128xf32, #tpu.memory_space<vmem_shared>>) target_semaphore(%run_scoped3A_102 : memref<!tpu.dma_semaphore, #tpu.memory_space<semaphore_mem>>)
      %dma_wait3A_107 = arith.constant 0 : i32
      %dma_wait3A_108 = tpu.memref_slice %arg9[%add3A_17, %dma_wait3A_107] : memref<10112x128xf32, #tpu.memory_space<vmem_shared>> -> memref<128x128xf32, #tpu.memory_space<vmem_shared>>
      %dma_wait3A_109 = arith.constant 0 : i32
      %dma_wait3A_110 = tpu.memref_slice %arg9[%add3A_17, %dma_wait3A_109] : memref<10112x128xf32, #tpu.memory_space<vmem_shared>> -> memref<128x128xf32, #tpu.memory_space<vmem_shared>>
      tpu.wait_dma2 semaphore(%run_scoped3A_102 : memref<!tpu.dma_semaphore, #tpu.memory_space<semaphore_mem>>) src(%arg7 : memref<128x128xf32, #tpu.memory_space<vmem>>) dst(%dma_wait3A_110 : memref<128x128xf32, #tpu.memory_space<vmem_shared>>)
      tpu.yield
    }) : () -> ()
    %add3A_18 = arith.constant 512 : i32
    %add3A_19 = arith.addi %mul3A_9, %add3A_18 : i32
    "tpu.region"() ({
      %run_scoped3A_102 = tpu.sem_alloc : memref<!tpu.dma_semaphore, #tpu.memory_space<semaphore_mem>>
      %dma_start3A_103 = arith.constant 0 : i32
      %dma_start3A_104 = arith.constant 0 : i32
      %dma_start3A_105 = tpu.memref_slice %arg7[%dma_start3A_103, %dma_start3A_104] : memref<128x128xf32, #tpu.memory_space<vmem>> -> memref<120x128xf32, #tpu.memory_space<vmem>>
      %dma_start3A_106 = arith.constant 0 : i32
      %dma_start3A_107 = tpu.memref_slice %arg9[%add3A_19, %dma_start3A_106] : memref<10112x128xf32, #tpu.memory_space<vmem_shared>> -> memref<120x128xf32, #tpu.memory_space<vmem_shared>>
      %dma_start3A_108 = arith.constant 0 : i32
      %dma_start3A_109 = tpu.memref_slice %arg9[%add3A_19, %dma_start3A_108] : memref<10112x128xf32, #tpu.memory_space<vmem_shared>> -> memref<120x128xf32, #tpu.memory_space<vmem_shared>>
      %dma_start3A_110 = arith.constant 0 : i32
      %dma_start3A_111 = arith.constant 0 : i32
      %dma_start3A_112 = tpu.memref_slice %arg7[%dma_start3A_110, %dma_start3A_111] : memref<128x128xf32, #tpu.memory_space<vmem>> -> memref<120x128xf32, #tpu.memory_space<vmem>>
      tpu.enqueue_dma source(%dma_start3A_112 : memref<120x128xf32, #tpu.memory_space<vmem>>) target(%dma_start3A_109 : memref<120x128xf32, #tpu.memory_space<vmem_shared>>) target_semaphore(%run_scoped3A_102 : memref<!tpu.dma_semaphore, #tpu.memory_space<semaphore_mem>>)
      %dma_wait3A_113 = arith.constant 0 : i32
      %dma_wait3A_114 = arith.constant 0 : i32
      %dma_wait3A_115 = tpu.memref_slice %arg7[%dma_wait3A_113, %dma_wait3A_114] : memref<128x128xf32, #tpu.memory_space<vmem>> -> memref<120x128xf32, #tpu.memory_space<vmem>>
      %dma_wait3A_116 = arith.constant 0 : i32
      %dma_wait3A_117 = tpu.memref_slice %arg9[%add3A_19, %dma_wait3A_116] : memref<10112x128xf32, #tpu.memory_space<vmem_shared>> -> memref<120x128xf32, #tpu.memory_space<vmem_shared>>
      %dma_wait3A_118 = arith.constant 0 : i32
      %dma_wait3A_119 = tpu.memref_slice %arg9[%add3A_19, %dma_wait3A_118] : memref<10112x128xf32, #tpu.memory_space<vmem_shared>> -> memref<120x128xf32, #tpu.memory_space<vmem_shared>>
      %dma_wait3A_120 = arith.constant 0 : i32
      %dma_wait3A_121 = arith.constant 0 : i32
      %dma_wait3A_122 = tpu.memref_slice %arg7[%dma_wait3A_120, %dma_wait3A_121] : memref<128x128xf32, #tpu.memory_space<vmem>> -> memref<120x128xf32, #tpu.memory_space<vmem>>
      tpu.wait_dma2 semaphore(%run_scoped3A_102 : memref<!tpu.dma_semaphore, #tpu.memory_space<semaphore_mem>>) src(%dma_wait3A_122 : memref<120x128xf32, #tpu.memory_space<vmem>>) dst(%dma_wait3A_119 : memref<120x128xf32, #tpu.memory_space<vmem_shared>>)
      tpu.yield
    }) : () -> ()
    %barrier3A = arith.constant 0 : index
    tpu.barrier barrier_id(%barrier3A)
    %run_scoped3A = arith.constant 0 : i32
    "tpu.region"() ({
      %run_scoped3A_102 = tpu.sem_alloc : memref<!tpu.dma_semaphore, #tpu.memory_space<semaphore_mem>>
      %dma_start3A_103 = arith.constant 0 : i32
      %dma_start3A_104 = arith.constant 0 : i32
      %dma_start3A_105 = tpu.memref_slice %arg3[%run_scoped3A, %add3A, %dma_start3A_103, %dma_start3A_104] : memref<2x32x80x128xi32, #tpu.memory_space<hbm>> -> memref<1x1x40x128xi32, #tpu.memory_space<hbm>>
      %dma_start3A_106 = tpu.memref_squeeze %dma_start3A_105 : memref<1x1x40x128xi32, #tpu.memory_space<hbm>> -> memref<40x128xi32, #tpu.memory_space<hbm>>
      %dma_start3A_107 = arith.constant 0 : i32
      %dma_start3A_108 = arith.constant 0 : i32
      %dma_start3A_109 = tpu.memref_slice %arg3[%run_scoped3A, %add3A, %dma_start3A_107, %dma_start3A_108] : memref<2x32x80x128xi32, #tpu.memory_space<hbm>> -> memref<1x1x40x128xi32, #tpu.memory_space<hbm>>
      %dma_start3A_110 = tpu.memref_squeeze %dma_start3A_109 : memref<1x1x40x128xi32, #tpu.memory_space<hbm>> -> memref<40x128xi32, #tpu.memory_space<hbm>>
      tpu.enqueue_dma source(%dma_start3A_110 : memref<40x128xi32, #tpu.memory_space<hbm>>) target(%arg5 : memref<40x128xi32, #tpu.memory_space<vmem>>) target_semaphore(%run_scoped3A_102 : memref<!tpu.dma_semaphore, #tpu.memory_space<semaphore_mem>>)
      %dma_wait3A_111 = arith.constant 0 : i32
      %dma_wait3A_112 = arith.constant 0 : i32
      %dma_wait3A_113 = tpu.memref_slice %arg3[%run_scoped3A, %add3A, %dma_wait3A_111, %dma_wait3A_112] : memref<2x32x80x128xi32, #tpu.memory_space<hbm>> -> memref<1x1x40x128xi32, #tpu.memory_space<hbm>>
      %dma_wait3A_114 = tpu.memref_squeeze %dma_wait3A_113 : memref<1x1x40x128xi32, #tpu.memory_space<hbm>> -> memref<40x128xi32, #tpu.memory_space<hbm>>
      %dma_wait3A_115 = arith.constant 0 : i32
      %dma_wait3A_116 = arith.constant 0 : i32
      %dma_wait3A_117 = tpu.memref_slice %arg3[%run_scoped3A, %add3A, %dma_wait3A_115, %dma_wait3A_116] : memref<2x32x80x128xi32, #tpu.memory_space<hbm>> -> memref<1x1x40x128xi32, #tpu.memory_space<hbm>>
      %dma_wait3A_118 = tpu.memref_squeeze %dma_wait3A_117 : memref<1x1x40x128xi32, #tpu.memory_space<hbm>> -> memref<40x128xi32, #tpu.memory_space<hbm>>
      tpu.wait_dma2 semaphore(%run_scoped3A_102 : memref<!tpu.dma_semaphore, #tpu.memory_space<semaphore_mem>>) src(%dma_wait3A_118 : memref<40x128xi32, #tpu.memory_space<hbm>>) dst(%arg5 : memref<40x128xi32, #tpu.memory_space<vmem>>)
      tpu.yield
    }) : () -> ()
    %run_scoped3A_20 = arith.constant 1 : i32
    "tpu.region"() ({
      %run_scoped3A_102 = tpu.sem_alloc : memref<!tpu.dma_semaphore, #tpu.memory_space<semaphore_mem>>
      %dma_start3A_103 = arith.constant 0 : i32
      %dma_start3A_104 = arith.constant 0 : i32
      %dma_start3A_105 = tpu.memref_slice %arg3[%run_scoped3A_20, %add3A, %dma_start3A_103, %dma_start3A_104] : memref<2x32x80x128xi32, #tpu.memory_space<hbm>> -> memref<1x1x40x128xi32, #tpu.memory_space<hbm>>
      %dma_start3A_106 = tpu.memref_squeeze %dma_start3A_105 : memref<1x1x40x128xi32, #tpu.memory_space<hbm>> -> memref<40x128xi32, #tpu.memory_space<hbm>>
      %dma_start3A_107 = arith.constant 0 : i32
      %dma_start3A_108 = arith.constant 0 : i32
      %dma_start3A_109 = tpu.memref_slice %arg3[%run_scoped3A_20, %add3A, %dma_start3A_107, %dma_start3A_108] : memref<2x32x80x128xi32, #tpu.memory_space<hbm>> -> memref<1x1x40x128xi32, #tpu.memory_space<hbm>>
      %dma_start3A_110 = tpu.memref_squeeze %dma_start3A_109 : memref<1x1x40x128xi32, #tpu.memory_space<hbm>> -> memref<40x128xi32, #tpu.memory_space<hbm>>
      tpu.enqueue_dma source(%dma_start3A_110 : memref<40x128xi32, #tpu.memory_space<hbm>>) target(%arg6 : memref<40x128xi32, #tpu.memory_space<vmem>>) target_semaphore(%run_scoped3A_102 : memref<!tpu.dma_semaphore, #tpu.memory_space<semaphore_mem>>)
      %dma_wait3A_111 = arith.constant 0 : i32
      %dma_wait3A_112 = arith.constant 0 : i32
      %dma_wait3A_113 = tpu.memref_slice %arg3[%run_scoped3A_20, %add3A, %dma_wait3A_111, %dma_wait3A_112] : memref<2x32x80x128xi32, #tpu.memory_space<hbm>> -> memref<1x1x40x128xi32, #tpu.memory_space<hbm>>
      %dma_wait3A_114 = tpu.memref_squeeze %dma_wait3A_113 : memref<1x1x40x128xi32, #tpu.memory_space<hbm>> -> memref<40x128xi32, #tpu.memory_space<hbm>>
      %dma_wait3A_115 = arith.constant 0 : i32
      %dma_wait3A_116 = arith.constant 0 : i32
      %dma_wait3A_117 = tpu.memref_slice %arg3[%run_scoped3A_20, %add3A, %dma_wait3A_115, %dma_wait3A_116] : memref<2x32x80x128xi32, #tpu.memory_space<hbm>> -> memref<1x1x40x128xi32, #tpu.memory_space<hbm>>
      %dma_wait3A_118 = tpu.memref_squeeze %dma_wait3A_117 : memref<1x1x40x128xi32, #tpu.memory_space<hbm>> -> memref<40x128xi32, #tpu.memory_space<hbm>>
      tpu.wait_dma2 semaphore(%run_scoped3A_102 : memref<!tpu.dma_semaphore, #tpu.memory_space<semaphore_mem>>) src(%dma_wait3A_118 : memref<40x128xi32, #tpu.memory_space<hbm>>) dst(%arg6 : memref<40x128xi32, #tpu.memory_space<vmem>>)
      tpu.yield
    }) : () -> ()
    %dma_start3A = arith.constant 0 : i32
    %dma_start3A_21 = arith.constant 0 : i32
    %dma_start3A_22 = tpu.memref_slice %arg5[%dma_start3A, %dma_start3A_21] : memref<40x128xi32, #tpu.memory_space<vmem>> -> memref<1x128xi32, #tpu.memory_space<vmem>>
    %dma_start3A_23 = tpu.memref_squeeze %dma_start3A_22 : memref<1x128xi32, #tpu.memory_space<vmem>> -> memref<128xi32, #tpu.memory_space<vmem>>
    %dma_start3A_24 = arith.constant 0 : i32
    %dma_start3A_25 = arith.constant 0 : i32
    %dma_start3A_26 = tpu.memref_slice %arg2[%dma_start3A_24, %dma_start3A_25] : memref<10000x128xf32, #tpu.memory_space<hbm>> -> memref<10000x128xf32, #tpu.memory_space<hbm>>
    tpu.enqueue_indirect_dma source(%dma_start3A_26 : memref<10000x128xf32, #tpu.memory_space<hbm>>) target(%arg7 : memref<128x128xf32, #tpu.memory_space<vmem>>) offsets(%dma_start3A_23 : memref<128xi32, #tpu.memory_space<vmem>>) semaphore(%arg10 : memref<!tpu.dma_semaphore, #tpu.memory_space<semaphore_mem>>)
    %scan3A_27 = arith.constant 0 : i32
    %scan3A_28 = arith.constant 0 : i32
    %scan3A_29 = arith.constant 0 : i32
    %scan3A_30 = arith.constant 19 : i32
    %scan3A_31 = arith.addi %scan3A_29, %scan3A_30 : i32
    %scan3A_32 = arith.constant 1 : i32
    %scan3A_33 = scf.for %scan3A_102 = %scan3A_29 to %scan3A_31 step %scan3A_32 iter_args(%scan3A_103 = %scan3A_28) -> (i32)  : i32 {
      %mul3A_104 = arith.constant 2 : i32
      %mul3A_105 = arith.muli %mul3A_104, %scan3A_102 : i32
      %add3A_106 = arith.constant 1 : i32
      %add3A_107 = arith.addi %mul3A_105, %add3A_106 : i32
      %dma_start3A_108 = arith.constant 0 : i32
      %dma_start3A_109 = tpu.memref_slice %arg5[%add3A_107, %dma_start3A_108] : memref<40x128xi32, #tpu.memory_space<vmem>> -> memref<1x128xi32, #tpu.memory_space<vmem>>
      %dma_start3A_110 = tpu.memref_squeeze %dma_start3A_109 : memref<1x128xi32, #tpu.memory_space<vmem>> -> memref<128xi32, #tpu.memory_space<vmem>>
      %dma_start3A_111 = arith.constant 0 : i32
      %dma_start3A_112 = arith.constant 0 : i32
      %dma_start3A_113 = tpu.memref_slice %arg2[%dma_start3A_111, %dma_start3A_112] : memref<10000x128xf32, #tpu.memory_space<hbm>> -> memref<10000x128xf32, #tpu.memory_space<hbm>>
      tpu.enqueue_indirect_dma source(%dma_start3A_113 : memref<10000x128xf32, #tpu.memory_space<hbm>>) target(%arg8 : memref<128x128xf32, #tpu.memory_space<vmem>>) offsets(%dma_start3A_110 : memref<128xi32, #tpu.memory_space<vmem>>) semaphore(%arg11 : memref<!tpu.dma_semaphore, #tpu.memory_space<semaphore_mem>>)
      %dma_wait3A_114 = arith.constant 0 : i32
      %dma_wait3A_115 = tpu.memref_slice %arg5[%scan3A_27, %dma_wait3A_114] : memref<40x128xi32, #tpu.memory_space<vmem>> -> memref<1x128xi32, #tpu.memory_space<vmem>>
      %dma_wait3A_116 = tpu.memref_squeeze %dma_wait3A_115 : memref<1x128xi32, #tpu.memory_space<vmem>> -> memref<128xi32, #tpu.memory_space<vmem>>
      %dma_wait3A_117 = arith.constant 0 : i32
      %dma_wait3A_118 = arith.constant 0 : i32
      %dma_wait3A_119 = tpu.memref_slice %arg2[%dma_wait3A_117, %dma_wait3A_118] : memref<10000x128xf32, #tpu.memory_space<hbm>> -> memref<10000x128xf32, #tpu.memory_space<hbm>>
      tpu.wait_indirect_dma semaphore(%arg10 : memref<!tpu.dma_semaphore, #tpu.memory_space<semaphore_mem>>) src(%dma_wait3A_119 : memref<10000x128xf32, #tpu.memory_space<hbm>>) dst(%arg7 : memref<128x128xf32, #tpu.memory_space<vmem>>)
      "tpu.region"() ({
        %run_scoped3A_137 = tpu.sem_alloc : memref<!tpu.dma_semaphore, #tpu.memory_space<semaphore_mem>>
        %dma_start3A_138 = arith.constant 0 : i32
        %dma_start3A_139 = tpu.memref_slice %arg6[%mul3A_105, %dma_start3A_138] : memref<40x128xi32, #tpu.memory_space<vmem>> -> memref<1x128xi32, #tpu.memory_space<vmem>>
        %dma_start3A_140 = tpu.memref_squeeze %dma_start3A_139 : memref<1x128xi32, #tpu.memory_space<vmem>> -> memref<128xi32, #tpu.memory_space<vmem>>
        %dma_start3A_141 = arith.constant 0 : i32
        %dma_start3A_142 = arith.constant 0 : i32
        %dma_start3A_143 = tpu.memref_slice %arg9[%dma_start3A_141, %dma_start3A_142] : memref<10112x128xf32, #tpu.memory_space<vmem_shared>> -> memref<10112x128xf32, #tpu.memory_space<vmem_shared>>
        tpu.enqueue_indirect_dma source(%arg7 : memref<128x128xf32, #tpu.memory_space<vmem>>) target(%dma_start3A_143 : memref<10112x128xf32, #tpu.memory_space<vmem_shared>>) offsets(%dma_start3A_140 : memref<128xi32, #tpu.memory_space<vmem>>) semaphore(%run_scoped3A_137 : memref<!tpu.dma_semaphore, #tpu.memory_space<semaphore_mem>>) {add = true}
        %dma_wait3A_144 = arith.constant 0 : i32
        %dma_wait3A_145 = tpu.memref_slice %arg6[%mul3A_105, %dma_wait3A_144] : memref<40x128xi32, #tpu.memory_space<vmem>> -> memref<1x128xi32, #tpu.memory_space<vmem>>
        %dma_wait3A_146 = tpu.memref_squeeze %dma_wait3A_145 : memref<1x128xi32, #tpu.memory_space<vmem>> -> memref<128xi32, #tpu.memory_space<vmem>>
        %dma_wait3A_147 = arith.constant 0 : i32
        %dma_wait3A_148 = arith.constant 0 : i32
        %dma_wait3A_149 = tpu.memref_slice %arg9[%dma_wait3A_147, %dma_wait3A_148] : memref<10112x128xf32, #tpu.memory_space<vmem_shared>> -> memref<10112x128xf32, #tpu.memory_space<vmem_shared>>
        tpu.wait_indirect_dma semaphore(%run_scoped3A_137 : memref<!tpu.dma_semaphore, #tpu.memory_space<semaphore_mem>>) src(%arg7 : memref<128x128xf32, #tpu.memory_space<vmem>>) dst(%dma_wait3A_149 : memref<10112x128xf32, #tpu.memory_space<vmem_shared>>)
        tpu.yield
      }) : () -> ()
      %add3A_120 = arith.constant 2 : i32
      %add3A_121 = arith.addi %mul3A_105, %add3A_120 : i32
      %dma_start3A_122 = arith.constant 0 : i32
      %dma_start3A_123 = tpu.memref_slice %arg5[%add3A_121, %dma_start3A_122] : memref<40x128xi32, #tpu.memory_space<vmem>> -> memref<1x128xi32, #tpu.memory_space<vmem>>
      %dma_start3A_124 = tpu.memref_squeeze %dma_start3A_123 : memref<1x128xi32, #tpu.memory_space<vmem>> -> memref<128xi32, #tpu.memory_space<vmem>>
      %dma_start3A_125 = arith.constant 0 : i32
      %dma_start3A_126 = arith.constant 0 : i32
      %dma_start3A_127 = tpu.memref_slice %arg2[%dma_start3A_125, %dma_start3A_126] : memref<10000x128xf32, #tpu.memory_space<hbm>> -> memref<10000x128xf32, #tpu.memory_space<hbm>>
      tpu.enqueue_indirect_dma source(%dma_start3A_127 : memref<10000x128xf32, #tpu.memory_space<hbm>>) target(%arg7 : memref<128x128xf32, #tpu.memory_space<vmem>>) offsets(%dma_start3A_124 : memref<128xi32, #tpu.memory_space<vmem>>) semaphore(%arg10 : memref<!tpu.dma_semaphore, #tpu.memory_space<semaphore_mem>>)
      %dma_wait3A_128 = arith.constant 0 : i32
      %dma_wait3A_129 = tpu.memref_slice %arg5[%add3A_107, %dma_wait3A_128] : memref<40x128xi32, #tpu.memory_space<vmem>> -> memref<1x128xi32, #tpu.memory_space<vmem>>
      %dma_wait3A_130 = tpu.memref_squeeze %dma_wait3A_129 : memref<1x128xi32, #tpu.memory_space<vmem>> -> memref<128xi32, #tpu.memory_space<vmem>>
      %dma_wait3A_131 = arith.constant 0 : i32
      %dma_wait3A_132 = arith.constant 0 : i32
      %dma_wait3A_133 = tpu.memref_slice %arg2[%dma_wait3A_131, %dma_wait3A_132] : memref<10000x128xf32, #tpu.memory_space<hbm>> -> memref<10000x128xf32, #tpu.memory_space<hbm>>
      tpu.wait_indirect_dma semaphore(%arg11 : memref<!tpu.dma_semaphore, #tpu.memory_space<semaphore_mem>>) src(%dma_wait3A_133 : memref<10000x128xf32, #tpu.memory_space<hbm>>) dst(%arg8 : memref<128x128xf32, #tpu.memory_space<vmem>>)
      %add3A_134 = arith.constant 1 : i32
      %add3A_135 = arith.addi %mul3A_105, %add3A_134 : i32
      "tpu.region"() ({
        %run_scoped3A_137 = tpu.sem_alloc : memref<!tpu.dma_semaphore, #tpu.memory_space<semaphore_mem>>
        %dma_start3A_138 = arith.constant 0 : i32
        %dma_start3A_139 = tpu.memref_slice %arg6[%add3A_135, %dma_start3A_138] : memref<40x128xi32, #tpu.memory_space<vmem>> -> memref<1x128xi32, #tpu.memory_space<vmem>>
        %dma_start3A_140 = tpu.memref_squeeze %dma_start3A_139 : memref<1x128xi32, #tpu.memory_space<vmem>> -> memref<128xi32, #tpu.memory_space<vmem>>
        %dma_start3A_141 = arith.constant 0 : i32
        %dma_start3A_142 = arith.constant 0 : i32
        %dma_start3A_143 = tpu.memref_slice %arg9[%dma_start3A_141, %dma_start3A_142] : memref<10112x128xf32, #tpu.memory_space<vmem_shared>> -> memref<10112x128xf32, #tpu.memory_space<vmem_shared>>
        tpu.enqueue_indirect_dma source(%arg8 : memref<128x128xf32, #tpu.memory_space<vmem>>) target(%dma_start3A_143 : memref<10112x128xf32, #tpu.memory_space<vmem_shared>>) offsets(%dma_start3A_140 : memref<128xi32, #tpu.memory_space<vmem>>) semaphore(%run_scoped3A_137 : memref<!tpu.dma_semaphore, #tpu.memory_space<semaphore_mem>>) {add = true}
        %dma_wait3A_144 = arith.constant 0 : i32
        %dma_wait3A_145 = tpu.memref_slice %arg6[%add3A_135, %dma_wait3A_144] : memref<40x128xi32, #tpu.memory_space<vmem>> -> memref<1x128xi32, #tpu.memory_space<vmem>>
        %dma_wait3A_146 = tpu.memref_squeeze %dma_wait3A_145 : memref<1x128xi32, #tpu.memory_space<vmem>> -> memref<128xi32, #tpu.memory_space<vmem>>
        %dma_wait3A_147 = arith.constant 0 : i32
        %dma_wait3A_148 = arith.constant 0 : i32
        %dma_wait3A_149 = tpu.memref_slice %arg9[%dma_wait3A_147, %dma_wait3A_148] : memref<10112x128xf32, #tpu.memory_space<vmem_shared>> -> memref<10112x128xf32, #tpu.memory_space<vmem_shared>>
        tpu.wait_indirect_dma semaphore(%run_scoped3A_137 : memref<!tpu.dma_semaphore, #tpu.memory_space<semaphore_mem>>) src(%arg8 : memref<128x128xf32, #tpu.memory_space<vmem>>) dst(%dma_wait3A_149 : memref<10112x128xf32, #tpu.memory_space<vmem_shared>>)
        tpu.yield
      }) : () -> ()
      %scan3A_136 = arith.constant 0 : i32
      scf.yield %scan3A_136 : i32
    }
    %scan3A_34 = arith.constant 19 : i32
    %dma_start3A_35 = arith.constant 39 : i32
    %dma_start3A_36 = arith.constant 0 : i32
    %dma_start3A_37 = tpu.memref_slice %arg5[%dma_start3A_35, %dma_start3A_36] : memref<40x128xi32, #tpu.memory_space<vmem>> -> memref<1x128xi32, #tpu.memory_space<vmem>>
    %dma_start3A_38 = tpu.memref_squeeze %dma_start3A_37 : memref<1x128xi32, #tpu.memory_space<vmem>> -> memref<128xi32, #tpu.memory_space<vmem>>
    %dma_start3A_39 = arith.constant 0 : i32
    %dma_start3A_40 = arith.constant 0 : i32
    %dma_start3A_41 = tpu.memref_slice %arg2[%dma_start3A_39, %dma_start3A_40] : memref<10000x128xf32, #tpu.memory_space<hbm>> -> memref<10000x128xf32, #tpu.memory_space<hbm>>
    tpu.enqueue_indirect_dma source(%dma_start3A_41 : memref<10000x128xf32, #tpu.memory_space<hbm>>) target(%arg8 : memref<128x128xf32, #tpu.memory_space<vmem>>) offsets(%dma_start3A_38 : memref<128xi32, #tpu.memory_space<vmem>>) semaphore(%arg11 : memref<!tpu.dma_semaphore, #tpu.memory_space<semaphore_mem>>)
    %dma_wait3A = arith.constant 0 : i32
    %dma_wait3A_42 = arith.constant 0 : i32
    %dma_wait3A_43 = tpu.memref_slice %arg5[%dma_wait3A, %dma_wait3A_42] : memref<40x128xi32, #tpu.memory_space<vmem>> -> memref<1x128xi32, #tpu.memory_space<vmem>>
    %dma_wait3A_44 = tpu.memref_squeeze %dma_wait3A_43 : memref<1x128xi32, #tpu.memory_space<vmem>> -> memref<128xi32, #tpu.memory_space<vmem>>
    %dma_wait3A_45 = arith.constant 0 : i32
    %dma_wait3A_46 = arith.constant 0 : i32
    %dma_wait3A_47 = tpu.memref_slice %arg2[%dma_wait3A_45, %dma_wait3A_46] : memref<10000x128xf32, #tpu.memory_space<hbm>> -> memref<10000x128xf32, #tpu.memory_space<hbm>>
    tpu.wait_indirect_dma semaphore(%arg10 : memref<!tpu.dma_semaphore, #tpu.memory_space<semaphore_mem>>) src(%dma_wait3A_47 : memref<10000x128xf32, #tpu.memory_space<hbm>>) dst(%arg7 : memref<128x128xf32, #tpu.memory_space<vmem>>)
    %run_scoped3A_48 = arith.constant 38 : i32
    "tpu.region"() ({
      %run_scoped3A_102 = tpu.sem_alloc : memref<!tpu.dma_semaphore, #tpu.memory_space<semaphore_mem>>
      %dma_start3A_103 = arith.constant 0 : i32
      %dma_start3A_104 = tpu.memref_slice %arg6[%run_scoped3A_48, %dma_start3A_103] : memref<40x128xi32, #tpu.memory_space<vmem>> -> memref<1x128xi32, #tpu.memory_space<vmem>>
      %dma_start3A_105 = tpu.memref_squeeze %dma_start3A_104 : memref<1x128xi32, #tpu.memory_space<vmem>> -> memref<128xi32, #tpu.memory_space<vmem>>
      %dma_start3A_106 = arith.constant 0 : i32
      %dma_start3A_107 = arith.constant 0 : i32
      %dma_start3A_108 = tpu.memref_slice %arg9[%dma_start3A_106, %dma_start3A_107] : memref<10112x128xf32, #tpu.memory_space<vmem_shared>> -> memref<10112x128xf32, #tpu.memory_space<vmem_shared>>
      tpu.enqueue_indirect_dma source(%arg7 : memref<128x128xf32, #tpu.memory_space<vmem>>) target(%dma_start3A_108 : memref<10112x128xf32, #tpu.memory_space<vmem_shared>>) offsets(%dma_start3A_105 : memref<128xi32, #tpu.memory_space<vmem>>) semaphore(%run_scoped3A_102 : memref<!tpu.dma_semaphore, #tpu.memory_space<semaphore_mem>>) {add = true}
      %dma_wait3A_109 = arith.constant 0 : i32
      %dma_wait3A_110 = tpu.memref_slice %arg6[%run_scoped3A_48, %dma_wait3A_109] : memref<40x128xi32, #tpu.memory_space<vmem>> -> memref<1x128xi32, #tpu.memory_space<vmem>>
      %dma_wait3A_111 = tpu.memref_squeeze %dma_wait3A_110 : memref<1x128xi32, #tpu.memory_space<vmem>> -> memref<128xi32, #tpu.memory_space<vmem>>
      %dma_wait3A_112 = arith.constant 0 : i32
      %dma_wait3A_113 = arith.constant 0 : i32
      %dma_wait3A_114 = tpu.memref_slice %arg9[%dma_wait3A_112, %dma_wait3A_113] : memref<10112x128xf32, #tpu.memory_space<vmem_shared>> -> memref<10112x128xf32, #tpu.memory_space<vmem_shared>>
      tpu.wait_indirect_dma semaphore(%run_scoped3A_102 : memref<!tpu.dma_semaphore, #tpu.memory_space<semaphore_mem>>) src(%arg7 : memref<128x128xf32, #tpu.memory_space<vmem>>) dst(%dma_wait3A_114 : memref<10112x128xf32, #tpu.memory_space<vmem_shared>>)
      tpu.yield
    }) : () -> ()
    %dma_wait3A_49 = arith.constant 39 : i32
    %dma_wait3A_50 = arith.constant 0 : i32
    %dma_wait3A_51 = tpu.memref_slice %arg5[%dma_wait3A_49, %dma_wait3A_50] : memref<40x128xi32, #tpu.memory_space<vmem>> -> memref<1x128xi32, #tpu.memory_space<vmem>>
    %dma_wait3A_52 = tpu.memref_squeeze %dma_wait3A_51 : memref<1x128xi32, #tpu.memory_space<vmem>> -> memref<128xi32, #tpu.memory_space<vmem>>
    %dma_wait3A_53 = arith.constant 0 : i32
    %dma_wait3A_54 = arith.constant 0 : i32
    %dma_wait3A_55 = tpu.memref_slice %arg2[%dma_wait3A_53, %dma_wait3A_54] : memref<10000x128xf32, #tpu.memory_space<hbm>> -> memref<10000x128xf32, #tpu.memory_space<hbm>>
    tpu.wait_indirect_dma semaphore(%arg11 : memref<!tpu.dma_semaphore, #tpu.memory_space<semaphore_mem>>) src(%dma_wait3A_55 : memref<10000x128xf32, #tpu.memory_space<hbm>>) dst(%arg8 : memref<128x128xf32, #tpu.memory_space<vmem>>)
    %run_scoped3A_56 = arith.constant 39 : i32
    "tpu.region"() ({
      %run_scoped3A_102 = tpu.sem_alloc : memref<!tpu.dma_semaphore, #tpu.memory_space<semaphore_mem>>
      %dma_start3A_103 = arith.constant 0 : i32
      %dma_start3A_104 = tpu.memref_slice %arg6[%run_scoped3A_56, %dma_start3A_103] : memref<40x128xi32, #tpu.memory_space<vmem>> -> memref<1x128xi32, #tpu.memory_space<vmem>>
      %dma_start3A_105 = tpu.memref_squeeze %dma_start3A_104 : memref<1x128xi32, #tpu.memory_space<vmem>> -> memref<128xi32, #tpu.memory_space<vmem>>
      %dma_start3A_106 = arith.constant 0 : i32
      %dma_start3A_107 = arith.constant 0 : i32
      %dma_start3A_108 = tpu.memref_slice %arg9[%dma_start3A_106, %dma_start3A_107] : memref<10112x128xf32, #tpu.memory_space<vmem_shared>> -> memref<10112x128xf32, #tpu.memory_space<vmem_shared>>
      tpu.enqueue_indirect_dma source(%arg8 : memref<128x128xf32, #tpu.memory_space<vmem>>) target(%dma_start3A_108 : memref<10112x128xf32, #tpu.memory_space<vmem_shared>>) offsets(%dma_start3A_105 : memref<128xi32, #tpu.memory_space<vmem>>) semaphore(%run_scoped3A_102 : memref<!tpu.dma_semaphore, #tpu.memory_space<semaphore_mem>>) {add = true}
      %dma_wait3A_109 = arith.constant 0 : i32
      %dma_wait3A_110 = tpu.memref_slice %arg6[%run_scoped3A_56, %dma_wait3A_109] : memref<40x128xi32, #tpu.memory_space<vmem>> -> memref<1x128xi32, #tpu.memory_space<vmem>>
      %dma_wait3A_111 = tpu.memref_squeeze %dma_wait3A_110 : memref<1x128xi32, #tpu.memory_space<vmem>> -> memref<128xi32, #tpu.memory_space<vmem>>
      %dma_wait3A_112 = arith.constant 0 : i32
      %dma_wait3A_113 = arith.constant 0 : i32
      %dma_wait3A_114 = tpu.memref_slice %arg9[%dma_wait3A_112, %dma_wait3A_113] : memref<10112x128xf32, #tpu.memory_space<vmem_shared>> -> memref<10112x128xf32, #tpu.memory_space<vmem_shared>>
      tpu.wait_indirect_dma semaphore(%run_scoped3A_102 : memref<!tpu.dma_semaphore, #tpu.memory_space<semaphore_mem>>) src(%arg8 : memref<128x128xf32, #tpu.memory_space<vmem>>) dst(%dma_wait3A_114 : memref<10112x128xf32, #tpu.memory_space<vmem_shared>>)
      tpu.yield
    }) : () -> ()
    %run_scoped3A_57 = arith.constant 0 : i32
    "tpu.region"() ({
      %run_scoped3A_102 = tpu.sem_alloc : memref<!tpu.dma_semaphore, #tpu.memory_space<semaphore_mem>>
      %dma_start3A_103 = arith.constant 40 : i32
      %dma_start3A_104 = arith.constant 0 : i32
      %dma_start3A_105 = tpu.memref_slice %arg3[%run_scoped3A_57, %add3A, %dma_start3A_103, %dma_start3A_104] : memref<2x32x80x128xi32, #tpu.memory_space<hbm>> -> memref<1x1x40x128xi32, #tpu.memory_space<hbm>>
      %dma_start3A_106 = tpu.memref_squeeze %dma_start3A_105 : memref<1x1x40x128xi32, #tpu.memory_space<hbm>> -> memref<40x128xi32, #tpu.memory_space<hbm>>
      %dma_start3A_107 = arith.constant 40 : i32
      %dma_start3A_108 = arith.constant 0 : i32
      %dma_start3A_109 = tpu.memref_slice %arg3[%run_scoped3A_57, %add3A, %dma_start3A_107, %dma_start3A_108] : memref<2x32x80x128xi32, #tpu.memory_space<hbm>> -> memref<1x1x40x128xi32, #tpu.memory_space<hbm>>
      %dma_start3A_110 = tpu.memref_squeeze %dma_start3A_109 : memref<1x1x40x128xi32, #tpu.memory_space<hbm>> -> memref<40x128xi32, #tpu.memory_space<hbm>>
      tpu.enqueue_dma source(%dma_start3A_110 : memref<40x128xi32, #tpu.memory_space<hbm>>) target(%arg5 : memref<40x128xi32, #tpu.memory_space<vmem>>) target_semaphore(%run_scoped3A_102 : memref<!tpu.dma_semaphore, #tpu.memory_space<semaphore_mem>>)
      %dma_wait3A_111 = arith.constant 40 : i32
      %dma_wait3A_112 = arith.constant 0 : i32
      %dma_wait3A_113 = tpu.memref_slice %arg3[%run_scoped3A_57, %add3A, %dma_wait3A_111, %dma_wait3A_112] : memref<2x32x80x128xi32, #tpu.memory_space<hbm>> -> memref<1x1x40x128xi32, #tpu.memory_space<hbm>>
      %dma_wait3A_114 = tpu.memref_squeeze %dma_wait3A_113 : memref<1x1x40x128xi32, #tpu.memory_space<hbm>> -> memref<40x128xi32, #tpu.memory_space<hbm>>
      %dma_wait3A_115 = arith.constant 40 : i32
      %dma_wait3A_116 = arith.constant 0 : i32
      %dma_wait3A_117 = tpu.memref_slice %arg3[%run_scoped3A_57, %add3A, %dma_wait3A_115, %dma_wait3A_116] : memref<2x32x80x128xi32, #tpu.memory_space<hbm>> -> memref<1x1x40x128xi32, #tpu.memory_space<hbm>>
      %dma_wait3A_118 = tpu.memref_squeeze %dma_wait3A_117 : memref<1x1x40x128xi32, #tpu.memory_space<hbm>> -> memref<40x128xi32, #tpu.memory_space<hbm>>
      tpu.wait_dma2 semaphore(%run_scoped3A_102 : memref<!tpu.dma_semaphore, #tpu.memory_space<semaphore_mem>>) src(%dma_wait3A_118 : memref<40x128xi32, #tpu.memory_space<hbm>>) dst(%arg5 : memref<40x128xi32, #tpu.memory_space<vmem>>)
      tpu.yield
    }) : () -> ()
    %run_scoped3A_58 = arith.constant 1 : i32
    "tpu.region"() ({
      %run_scoped3A_102 = tpu.sem_alloc : memref<!tpu.dma_semaphore, #tpu.memory_space<semaphore_mem>>
      %dma_start3A_103 = arith.constant 40 : i32
      %dma_start3A_104 = arith.constant 0 : i32
      %dma_start3A_105 = tpu.memref_slice %arg3[%run_scoped3A_58, %add3A, %dma_start3A_103, %dma_start3A_104] : memref<2x32x80x128xi32, #tpu.memory_space<hbm>> -> memref<1x1x40x128xi32, #tpu.memory_space<hbm>>
      %dma_start3A_106 = tpu.memref_squeeze %dma_start3A_105 : memref<1x1x40x128xi32, #tpu.memory_space<hbm>> -> memref<40x128xi32, #tpu.memory_space<hbm>>
      %dma_start3A_107 = arith.constant 40 : i32
      %dma_start3A_108 = arith.constant 0 : i32
      %dma_start3A_109 = tpu.memref_slice %arg3[%run_scoped3A_58, %add3A, %dma_start3A_107, %dma_start3A_108] : memref<2x32x80x128xi32, #tpu.memory_space<hbm>> -> memref<1x1x40x128xi32, #tpu.memory_space<hbm>>
      %dma_start3A_110 = tpu.memref_squeeze %dma_start3A_109 : memref<1x1x40x128xi32, #tpu.memory_space<hbm>> -> memref<40x128xi32, #tpu.memory_space<hbm>>
      tpu.enqueue_dma source(%dma_start3A_110 : memref<40x128xi32, #tpu.memory_space<hbm>>) target(%arg6 : memref<40x128xi32, #tpu.memory_space<vmem>>) target_semaphore(%run_scoped3A_102 : memref<!tpu.dma_semaphore, #tpu.memory_space<semaphore_mem>>)
      %dma_wait3A_111 = arith.constant 40 : i32
      %dma_wait3A_112 = arith.constant 0 : i32
      %dma_wait3A_113 = tpu.memref_slice %arg3[%run_scoped3A_58, %add3A, %dma_wait3A_111, %dma_wait3A_112] : memref<2x32x80x128xi32, #tpu.memory_space<hbm>> -> memref<1x1x40x128xi32, #tpu.memory_space<hbm>>
      %dma_wait3A_114 = tpu.memref_squeeze %dma_wait3A_113 : memref<1x1x40x128xi32, #tpu.memory_space<hbm>> -> memref<40x128xi32, #tpu.memory_space<hbm>>
      %dma_wait3A_115 = arith.constant 40 : i32
      %dma_wait3A_116 = arith.constant 0 : i32
      %dma_wait3A_117 = tpu.memref_slice %arg3[%run_scoped3A_58, %add3A, %dma_wait3A_115, %dma_wait3A_116] : memref<2x32x80x128xi32, #tpu.memory_space<hbm>> -> memref<1x1x40x128xi32, #tpu.memory_space<hbm>>
      %dma_wait3A_118 = tpu.memref_squeeze %dma_wait3A_117 : memref<1x1x40x128xi32, #tpu.memory_space<hbm>> -> memref<40x128xi32, #tpu.memory_space<hbm>>
      tpu.wait_dma2 semaphore(%run_scoped3A_102 : memref<!tpu.dma_semaphore, #tpu.memory_space<semaphore_mem>>) src(%dma_wait3A_118 : memref<40x128xi32, #tpu.memory_space<hbm>>) dst(%arg6 : memref<40x128xi32, #tpu.memory_space<vmem>>)
      tpu.yield
    }) : () -> ()
    %dma_start3A_59 = arith.constant 0 : i32
    %dma_start3A_60 = arith.constant 0 : i32
    %dma_start3A_61 = tpu.memref_slice %arg5[%dma_start3A_59, %dma_start3A_60] : memref<40x128xi32, #tpu.memory_space<vmem>> -> memref<1x128xi32, #tpu.memory_space<vmem>>
    %dma_start3A_62 = tpu.memref_squeeze %dma_start3A_61 : memref<1x128xi32, #tpu.memory_space<vmem>> -> memref<128xi32, #tpu.memory_space<vmem>>
    %dma_start3A_63 = arith.constant 0 : i32
    %dma_start3A_64 = arith.constant 0 : i32
    %dma_start3A_65 = tpu.memref_slice %arg2[%dma_start3A_63, %dma_start3A_64] : memref<10000x128xf32, #tpu.memory_space<hbm>> -> memref<10000x128xf32, #tpu.memory_space<hbm>>
    tpu.enqueue_indirect_dma source(%dma_start3A_65 : memref<10000x128xf32, #tpu.memory_space<hbm>>) target(%arg7 : memref<128x128xf32, #tpu.memory_space<vmem>>) offsets(%dma_start3A_62 : memref<128xi32, #tpu.memory_space<vmem>>) semaphore(%arg10 : memref<!tpu.dma_semaphore, #tpu.memory_space<semaphore_mem>>)
    %scan3A_66 = arith.constant 0 : i32
    %scan3A_67 = arith.constant 0 : i32
    %scan3A_68 = arith.constant 0 : i32
    %scan3A_69 = arith.constant 19 : i32
    %scan3A_70 = arith.addi %scan3A_68, %scan3A_69 : i32
    %scan3A_71 = arith.constant 1 : i32
    %scan3A_72 = scf.for %scan3A_102 = %scan3A_68 to %scan3A_70 step %scan3A_71 iter_args(%scan3A_103 = %scan3A_67) -> (i32)  : i32 {
      %mul3A_104 = arith.constant 2 : i32
      %mul3A_105 = arith.muli %mul3A_104, %scan3A_102 : i32
      %add3A_106 = arith.constant 1 : i32
      %add3A_107 = arith.addi %mul3A_105, %add3A_106 : i32
      %dma_start3A_108 = arith.constant 0 : i32
      %dma_start3A_109 = tpu.memref_slice %arg5[%add3A_107, %dma_start3A_108] : memref<40x128xi32, #tpu.memory_space<vmem>> -> memref<1x128xi32, #tpu.memory_space<vmem>>
      %dma_start3A_110 = tpu.memref_squeeze %dma_start3A_109 : memref<1x128xi32, #tpu.memory_space<vmem>> -> memref<128xi32, #tpu.memory_space<vmem>>
      %dma_start3A_111 = arith.constant 0 : i32
      %dma_start3A_112 = arith.constant 0 : i32
      %dma_start3A_113 = tpu.memref_slice %arg2[%dma_start3A_111, %dma_start3A_112] : memref<10000x128xf32, #tpu.memory_space<hbm>> -> memref<10000x128xf32, #tpu.memory_space<hbm>>
      tpu.enqueue_indirect_dma source(%dma_start3A_113 : memref<10000x128xf32, #tpu.memory_space<hbm>>) target(%arg8 : memref<128x128xf32, #tpu.memory_space<vmem>>) offsets(%dma_start3A_110 : memref<128xi32, #tpu.memory_space<vmem>>) semaphore(%arg11 : memref<!tpu.dma_semaphore, #tpu.memory_space<semaphore_mem>>)
      %dma_wait3A_114 = arith.constant 0 : i32
      %dma_wait3A_115 = tpu.memref_slice %arg5[%scan3A_66, %dma_wait3A_114] : memref<40x128xi32, #tpu.memory_space<vmem>> -> memref<1x128xi32, #tpu.memory_space<vmem>>
      %dma_wait3A_116 = tpu.memref_squeeze %dma_wait3A_115 : memref<1x128xi32, #tpu.memory_space<vmem>> -> memref<128xi32, #tpu.memory_space<vmem>>
      %dma_wait3A_117 = arith.constant 0 : i32
      %dma_wait3A_118 = arith.constant 0 : i32
      %dma_wait3A_119 = tpu.memref_slice %arg2[%dma_wait3A_117, %dma_wait3A_118] : memref<10000x128xf32, #tpu.memory_space<hbm>> -> memref<10000x128xf32, #tpu.memory_space<hbm>>
      tpu.wait_indirect_dma semaphore(%arg10 : memref<!tpu.dma_semaphore, #tpu.memory_space<semaphore_mem>>) src(%dma_wait3A_119 : memref<10000x128xf32, #tpu.memory_space<hbm>>) dst(%arg7 : memref<128x128xf32, #tpu.memory_space<vmem>>)
      "tpu.region"() ({
        %run_scoped3A_137 = tpu.sem_alloc : memref<!tpu.dma_semaphore, #tpu.memory_space<semaphore_mem>>
        %dma_start3A_138 = arith.constant 0 : i32
        %dma_start3A_139 = tpu.memref_slice %arg6[%mul3A_105, %dma_start3A_138] : memref<40x128xi32, #tpu.memory_space<vmem>> -> memref<1x128xi32, #tpu.memory_space<vmem>>
        %dma_start3A_140 = tpu.memref_squeeze %dma_start3A_139 : memref<1x128xi32, #tpu.memory_space<vmem>> -> memref<128xi32, #tpu.memory_space<vmem>>
        %dma_start3A_141 = arith.constant 0 : i32
        %dma_start3A_142 = arith.constant 0 : i32
        %dma_start3A_143 = tpu.memref_slice %arg9[%dma_start3A_141, %dma_start3A_142] : memref<10112x128xf32, #tpu.memory_space<vmem_shared>> -> memref<10112x128xf32, #tpu.memory_space<vmem_shared>>
        tpu.enqueue_indirect_dma source(%arg7 : memref<128x128xf32, #tpu.memory_space<vmem>>) target(%dma_start3A_143 : memref<10112x128xf32, #tpu.memory_space<vmem_shared>>) offsets(%dma_start3A_140 : memref<128xi32, #tpu.memory_space<vmem>>) semaphore(%run_scoped3A_137 : memref<!tpu.dma_semaphore, #tpu.memory_space<semaphore_mem>>) {add = true}
        %dma_wait3A_144 = arith.constant 0 : i32
        %dma_wait3A_145 = tpu.memref_slice %arg6[%mul3A_105, %dma_wait3A_144] : memref<40x128xi32, #tpu.memory_space<vmem>> -> memref<1x128xi32, #tpu.memory_space<vmem>>
        %dma_wait3A_146 = tpu.memref_squeeze %dma_wait3A_145 : memref<1x128xi32, #tpu.memory_space<vmem>> -> memref<128xi32, #tpu.memory_space<vmem>>
        %dma_wait3A_147 = arith.constant 0 : i32
        %dma_wait3A_148 = arith.constant 0 : i32
        %dma_wait3A_149 = tpu.memref_slice %arg9[%dma_wait3A_147, %dma_wait3A_148] : memref<10112x128xf32, #tpu.memory_space<vmem_shared>> -> memref<10112x128xf32, #tpu.memory_space<vmem_shared>>
        tpu.wait_indirect_dma semaphore(%run_scoped3A_137 : memref<!tpu.dma_semaphore, #tpu.memory_space<semaphore_mem>>) src(%arg7 : memref<128x128xf32, #tpu.memory_space<vmem>>) dst(%dma_wait3A_149 : memref<10112x128xf32, #tpu.memory_space<vmem_shared>>)
        tpu.yield
      }) : () -> ()
      %add3A_120 = arith.constant 2 : i32
      %add3A_121 = arith.addi %mul3A_105, %add3A_120 : i32
      %dma_start3A_122 = arith.constant 0 : i32
      %dma_start3A_123 = tpu.memref_slice %arg5[%add3A_121, %dma_start3A_122] : memref<40x128xi32, #tpu.memory_space<vmem>> -> memref<1x128xi32, #tpu.memory_space<vmem>>
      %dma_start3A_124 = tpu.memref_squeeze %dma_start3A_123 : memref<1x128xi32, #tpu.memory_space<vmem>> -> memref<128xi32, #tpu.memory_space<vmem>>
      %dma_start3A_125 = arith.constant 0 : i32
      %dma_start3A_126 = arith.constant 0 : i32
      %dma_start3A_127 = tpu.memref_slice %arg2[%dma_start3A_125, %dma_start3A_126] : memref<10000x128xf32, #tpu.memory_space<hbm>> -> memref<10000x128xf32, #tpu.memory_space<hbm>>
      tpu.enqueue_indirect_dma source(%dma_start3A_127 : memref<10000x128xf32, #tpu.memory_space<hbm>>) target(%arg7 : memref<128x128xf32, #tpu.memory_space<vmem>>) offsets(%dma_start3A_124 : memref<128xi32, #tpu.memory_space<vmem>>) semaphore(%arg10 : memref<!tpu.dma_semaphore, #tpu.memory_space<semaphore_mem>>)
      %dma_wait3A_128 = arith.constant 0 : i32
      %dma_wait3A_129 = tpu.memref_slice %arg5[%add3A_107, %dma_wait3A_128] : memref<40x128xi32, #tpu.memory_space<vmem>> -> memref<1x128xi32, #tpu.memory_space<vmem>>
      %dma_wait3A_130 = tpu.memref_squeeze %dma_wait3A_129 : memref<1x128xi32, #tpu.memory_space<vmem>> -> memref<128xi32, #tpu.memory_space<vmem>>
      %dma_wait3A_131 = arith.constant 0 : i32
      %dma_wait3A_132 = arith.constant 0 : i32
      %dma_wait3A_133 = tpu.memref_slice %arg2[%dma_wait3A_131, %dma_wait3A_132] : memref<10000x128xf32, #tpu.memory_space<hbm>> -> memref<10000x128xf32, #tpu.memory_space<hbm>>
      tpu.wait_indirect_dma semaphore(%arg11 : memref<!tpu.dma_semaphore, #tpu.memory_space<semaphore_mem>>) src(%dma_wait3A_133 : memref<10000x128xf32, #tpu.memory_space<hbm>>) dst(%arg8 : memref<128x128xf32, #tpu.memory_space<vmem>>)
      %add3A_134 = arith.constant 1 : i32
      %add3A_135 = arith.addi %mul3A_105, %add3A_134 : i32
      "tpu.region"() ({
        %run_scoped3A_137 = tpu.sem_alloc : memref<!tpu.dma_semaphore, #tpu.memory_space<semaphore_mem>>
        %dma_start3A_138 = arith.constant 0 : i32
        %dma_start3A_139 = tpu.memref_slice %arg6[%add3A_135, %dma_start3A_138] : memref<40x128xi32, #tpu.memory_space<vmem>> -> memref<1x128xi32, #tpu.memory_space<vmem>>
        %dma_start3A_140 = tpu.memref_squeeze %dma_start3A_139 : memref<1x128xi32, #tpu.memory_space<vmem>> -> memref<128xi32, #tpu.memory_space<vmem>>
        %dma_start3A_141 = arith.constant 0 : i32
        %dma_start3A_142 = arith.constant 0 : i32
        %dma_start3A_143 = tpu.memref_slice %arg9[%dma_start3A_141, %dma_start3A_142] : memref<10112x128xf32, #tpu.memory_space<vmem_shared>> -> memref<10112x128xf32, #tpu.memory_space<vmem_shared>>
        tpu.enqueue_indirect_dma source(%arg8 : memref<128x128xf32, #tpu.memory_space<vmem>>) target(%dma_start3A_143 : memref<10112x128xf32, #tpu.memory_space<vmem_shared>>) offsets(%dma_start3A_140 : memref<128xi32, #tpu.memory_space<vmem>>) semaphore(%run_scoped3A_137 : memref<!tpu.dma_semaphore, #tpu.memory_space<semaphore_mem>>) {add = true}
        %dma_wait3A_144 = arith.constant 0 : i32
        %dma_wait3A_145 = tpu.memref_slice %arg6[%add3A_135, %dma_wait3A_144] : memref<40x128xi32, #tpu.memory_space<vmem>> -> memref<1x128xi32, #tpu.memory_space<vmem>>
        %dma_wait3A_146 = tpu.memref_squeeze %dma_wait3A_145 : memref<1x128xi32, #tpu.memory_space<vmem>> -> memref<128xi32, #tpu.memory_space<vmem>>
        %dma_wait3A_147 = arith.constant 0 : i32
        %dma_wait3A_148 = arith.constant 0 : i32
        %dma_wait3A_149 = tpu.memref_slice %arg9[%dma_wait3A_147, %dma_wait3A_148] : memref<10112x128xf32, #tpu.memory_space<vmem_shared>> -> memref<10112x128xf32, #tpu.memory_space<vmem_shared>>
        tpu.wait_indirect_dma semaphore(%run_scoped3A_137 : memref<!tpu.dma_semaphore, #tpu.memory_space<semaphore_mem>>) src(%arg8 : memref<128x128xf32, #tpu.memory_space<vmem>>) dst(%dma_wait3A_149 : memref<10112x128xf32, #tpu.memory_space<vmem_shared>>)
        tpu.yield
      }) : () -> ()
      %scan3A_136 = arith.constant 0 : i32
      scf.yield %scan3A_136 : i32
    }
    %scan3A_73 = arith.constant 19 : i32
    %dma_start3A_74 = arith.constant 39 : i32
    %dma_start3A_75 = arith.constant 0 : i32
    %dma_start3A_76 = tpu.memref_slice %arg5[%dma_start3A_74, %dma_start3A_75] : memref<40x128xi32, #tpu.memory_space<vmem>> -> memref<1x128xi32, #tpu.memory_space<vmem>>
    %dma_start3A_77 = tpu.memref_squeeze %dma_start3A_76 : memref<1x128xi32, #tpu.memory_space<vmem>> -> memref<128xi32, #tpu.memory_space<vmem>>
    %dma_start3A_78 = arith.constant 0 : i32
    %dma_start3A_79 = arith.constant 0 : i32
    %dma_start3A_80 = tpu.memref_slice %arg2[%dma_start3A_78, %dma_start3A_79] : memref<10000x128xf32, #tpu.memory_space<hbm>> -> memref<10000x128xf32, #tpu.memory_space<hbm>>
    tpu.enqueue_indirect_dma source(%dma_start3A_80 : memref<10000x128xf32, #tpu.memory_space<hbm>>) target(%arg8 : memref<128x128xf32, #tpu.memory_space<vmem>>) offsets(%dma_start3A_77 : memref<128xi32, #tpu.memory_space<vmem>>) semaphore(%arg11 : memref<!tpu.dma_semaphore, #tpu.memory_space<semaphore_mem>>)
    %dma_wait3A_81 = arith.constant 0 : i32
    %dma_wait3A_82 = arith.constant 0 : i32
    %dma_wait3A_83 = tpu.memref_slice %arg5[%dma_wait3A_81, %dma_wait3A_82] : memref<40x128xi32, #tpu.memory_space<vmem>> -> memref<1x128xi32, #tpu.memory_space<vmem>>
    %dma_wait3A_84 = tpu.memref_squeeze %dma_wait3A_83 : memref<1x128xi32, #tpu.memory_space<vmem>> -> memref<128xi32, #tpu.memory_space<vmem>>
    %dma_wait3A_85 = arith.constant 0 : i32
    %dma_wait3A_86 = arith.constant 0 : i32
    %dma_wait3A_87 = tpu.memref_slice %arg2[%dma_wait3A_85, %dma_wait3A_86] : memref<10000x128xf32, #tpu.memory_space<hbm>> -> memref<10000x128xf32, #tpu.memory_space<hbm>>
    tpu.wait_indirect_dma semaphore(%arg10 : memref<!tpu.dma_semaphore, #tpu.memory_space<semaphore_mem>>) src(%dma_wait3A_87 : memref<10000x128xf32, #tpu.memory_space<hbm>>) dst(%arg7 : memref<128x128xf32, #tpu.memory_space<vmem>>)
    %run_scoped3A_88 = arith.constant 38 : i32
    "tpu.region"() ({
      %run_scoped3A_102 = tpu.sem_alloc : memref<!tpu.dma_semaphore, #tpu.memory_space<semaphore_mem>>
      %dma_start3A_103 = arith.constant 0 : i32
      %dma_start3A_104 = tpu.memref_slice %arg6[%run_scoped3A_88, %dma_start3A_103] : memref<40x128xi32, #tpu.memory_space<vmem>> -> memref<1x128xi32, #tpu.memory_space<vmem>>
      %dma_start3A_105 = tpu.memref_squeeze %dma_start3A_104 : memref<1x128xi32, #tpu.memory_space<vmem>> -> memref<128xi32, #tpu.memory_space<vmem>>
      %dma_start3A_106 = arith.constant 0 : i32
      %dma_start3A_107 = arith.constant 0 : i32
      %dma_start3A_108 = tpu.memref_slice %arg9[%dma_start3A_106, %dma_start3A_107] : memref<10112x128xf32, #tpu.memory_space<vmem_shared>> -> memref<10112x128xf32, #tpu.memory_space<vmem_shared>>
      tpu.enqueue_indirect_dma source(%arg7 : memref<128x128xf32, #tpu.memory_space<vmem>>) target(%dma_start3A_108 : memref<10112x128xf32, #tpu.memory_space<vmem_shared>>) offsets(%dma_start3A_105 : memref<128xi32, #tpu.memory_space<vmem>>) semaphore(%run_scoped3A_102 : memref<!tpu.dma_semaphore, #tpu.memory_space<semaphore_mem>>) {add = true}
      %dma_wait3A_109 = arith.constant 0 : i32
      %dma_wait3A_110 = tpu.memref_slice %arg6[%run_scoped3A_88, %dma_wait3A_109] : memref<40x128xi32, #tpu.memory_space<vmem>> -> memref<1x128xi32, #tpu.memory_space<vmem>>
      %dma_wait3A_111 = tpu.memref_squeeze %dma_wait3A_110 : memref<1x128xi32, #tpu.memory_space<vmem>> -> memref<128xi32, #tpu.memory_space<vmem>>
      %dma_wait3A_112 = arith.constant 0 : i32
      %dma_wait3A_113 = arith.constant 0 : i32
      %dma_wait3A_114 = tpu.memref_slice %arg9[%dma_wait3A_112, %dma_wait3A_113] : memref<10112x128xf32, #tpu.memory_space<vmem_shared>> -> memref<10112x128xf32, #tpu.memory_space<vmem_shared>>
      tpu.wait_indirect_dma semaphore(%run_scoped3A_102 : memref<!tpu.dma_semaphore, #tpu.memory_space<semaphore_mem>>) src(%arg7 : memref<128x128xf32, #tpu.memory_space<vmem>>) dst(%dma_wait3A_114 : memref<10112x128xf32, #tpu.memory_space<vmem_shared>>)
      tpu.yield
    }) : () -> ()
    %dma_wait3A_89 = arith.constant 39 : i32
    %dma_wait3A_90 = arith.constant 0 : i32
    %dma_wait3A_91 = tpu.memref_slice %arg5[%dma_wait3A_89, %dma_wait3A_90] : memref<40x128xi32, #tpu.memory_space<vmem>> -> memref<1x128xi32, #tpu.memory_space<vmem>>
    %dma_wait3A_92 = tpu.memref_squeeze %dma_wait3A_91 : memref<1x128xi32, #tpu.memory_space<vmem>> -> memref<128xi32, #tpu.memory_space<vmem>>
    %dma_wait3A_93 = arith.constant 0 : i32
    %dma_wait3A_94 = arith.constant 0 : i32
    %dma_wait3A_95 = tpu.memref_slice %arg2[%dma_wait3A_93, %dma_wait3A_94] : memref<10000x128xf32, #tpu.memory_space<hbm>> -> memref<10000x128xf32, #tpu.memory_space<hbm>>
    tpu.wait_indirect_dma semaphore(%arg11 : memref<!tpu.dma_semaphore, #tpu.memory_space<semaphore_mem>>) src(%dma_wait3A_95 : memref<10000x128xf32, #tpu.memory_space<hbm>>) dst(%arg8 : memref<128x128xf32, #tpu.memory_space<vmem>>)
    %run_scoped3A_96 = arith.constant 39 : i32
    "tpu.region"() ({
      %run_scoped3A_102 = tpu.sem_alloc : memref<!tpu.dma_semaphore, #tpu.memory_space<semaphore_mem>>
      %dma_start3A_103 = arith.constant 0 : i32
      %dma_start3A_104 = tpu.memref_slice %arg6[%run_scoped3A_96, %dma_start3A_103] : memref<40x128xi32, #tpu.memory_space<vmem>> -> memref<1x128xi32, #tpu.memory_space<vmem>>
      %dma_start3A_105 = tpu.memref_squeeze %dma_start3A_104 : memref<1x128xi32, #tpu.memory_space<vmem>> -> memref<128xi32, #tpu.memory_space<vmem>>
      %dma_start3A_106 = arith.constant 0 : i32
      %dma_start3A_107 = arith.constant 0 : i32
      %dma_start3A_108 = tpu.memref_slice %arg9[%dma_start3A_106, %dma_start3A_107] : memref<10112x128xf32, #tpu.memory_space<vmem_shared>> -> memref<10112x128xf32, #tpu.memory_space<vmem_shared>>
      tpu.enqueue_indirect_dma source(%arg8 : memref<128x128xf32, #tpu.memory_space<vmem>>) target(%dma_start3A_108 : memref<10112x128xf32, #tpu.memory_space<vmem_shared>>) offsets(%dma_start3A_105 : memref<128xi32, #tpu.memory_space<vmem>>) semaphore(%run_scoped3A_102 : memref<!tpu.dma_semaphore, #tpu.memory_space<semaphore_mem>>) {add = true}
      %dma_wait3A_109 = arith.constant 0 : i32
      %dma_wait3A_110 = tpu.memref_slice %arg6[%run_scoped3A_96, %dma_wait3A_109] : memref<40x128xi32, #tpu.memory_space<vmem>> -> memref<1x128xi32, #tpu.memory_space<vmem>>
      %dma_wait3A_111 = tpu.memref_squeeze %dma_wait3A_110 : memref<1x128xi32, #tpu.memory_space<vmem>> -> memref<128xi32, #tpu.memory_space<vmem>>
      %dma_wait3A_112 = arith.constant 0 : i32
      %dma_wait3A_113 = arith.constant 0 : i32
      %dma_wait3A_114 = tpu.memref_slice %arg9[%dma_wait3A_112, %dma_wait3A_113] : memref<10112x128xf32, #tpu.memory_space<vmem_shared>> -> memref<10112x128xf32, #tpu.memory_space<vmem_shared>>
      tpu.wait_indirect_dma semaphore(%run_scoped3A_102 : memref<!tpu.dma_semaphore, #tpu.memory_space<semaphore_mem>>) src(%arg8 : memref<128x128xf32, #tpu.memory_space<vmem>>) dst(%dma_wait3A_114 : memref<10112x128xf32, #tpu.memory_space<vmem_shared>>)
      tpu.yield
    }) : () -> ()
    %barrier3A_97 = arith.constant 0 : index
    tpu.barrier barrier_id(%barrier3A_97)
    %mul3A_98 = arith.constant 632 : i32
    %mul3A_99 = arith.muli %arg1, %mul3A_98 : i32
    %mul3A_100 = arith.constant 632 : i32
    %mul3A_101 = arith.muli %arg1, %mul3A_100 : i32
    "tpu.region"() ({
      %run_scoped3A_102 = tpu.sem_alloc : memref<!tpu.dma_semaphore, #tpu.memory_space<semaphore_mem>>
      %dma_start3A_103 = arith.constant 0 : i32
      %dma_start3A_104 = tpu.memref_slice %arg4[%arg0, %mul3A_101, %dma_start3A_103] : memref<2x10112x128xf32, #tpu.memory_space<hbm>> -> memref<1x632x128xf32, #tpu.memory_space<hbm>>
      %dma_start3A_105 = tpu.memref_squeeze %dma_start3A_104 : memref<1x632x128xf32, #tpu.memory_space<hbm>> -> memref<632x128xf32, #tpu.memory_space<hbm>>
      %dma_start3A_106 = arith.constant 0 : i32
      %dma_start3A_107 = tpu.memref_slice %arg9[%mul3A_99, %dma_start3A_106] : memref<10112x128xf32, #tpu.memory_space<vmem_shared>> -> memref<632x128xf32, #tpu.memory_space<vmem_shared>>
      tpu.enqueue_dma source(%dma_start3A_107 : memref<632x128xf32, #tpu.memory_space<vmem_shared>>) target(%dma_start3A_105 : memref<632x128xf32, #tpu.memory_space<hbm>>) target_semaphore(%run_scoped3A_102 : memref<!tpu.dma_semaphore, #tpu.memory_space<semaphore_mem>>)
      %dma_wait3A_108 = arith.constant 0 : i32
      %dma_wait3A_109 = tpu.memref_slice %arg4[%arg0, %mul3A_101, %dma_wait3A_108] : memref<2x10112x128xf32, #tpu.memory_space<hbm>> -> memref<1x632x128xf32, #tpu.memory_space<hbm>>
      %dma_wait3A_110 = tpu.memref_squeeze %dma_wait3A_109 : memref<1x632x128xf32, #tpu.memory_space<hbm>> -> memref<632x128xf32, #tpu.memory_space<hbm>>
      %dma_wait3A_111 = arith.constant 0 : i32
      %dma_wait3A_112 = tpu.memref_slice %arg9[%mul3A_99, %dma_wait3A_111] : memref<10112x128xf32, #tpu.memory_space<vmem_shared>> -> memref<632x128xf32, #tpu.memory_space<vmem_shared>>
      tpu.wait_dma2 semaphore(%run_scoped3A_102 : memref<!tpu.dma_semaphore, #tpu.memory_space<semaphore_mem>>) src(%dma_wait3A_112 : memref<632x128xf32, #tpu.memory_space<vmem_shared>>) dst(%dma_wait3A_110 : memref<632x128xf32, #tpu.memory_space<hbm>>)
      tpu.yield
    }) : () -> ()
    return
  }
}

#map = affine_map<(d0, d1) -> (0, 0, 0, 0)>
#map1 = affine_map<(d0, d1) -> (0)>
module attributes {stable_mosaic.version = 14 : i64} {
  func.func @cnt(%arg0: i32, %arg1: i32, %arg2: memref<2x32x80x128xi32, #tpu.memory_space<hbm>>, %arg3: memref<20480xf32, #tpu.memory_space<hbm>>, %arg4: memref<80x128xi32, #tpu.memory_space<vmem>>, %arg5: memref<128xf32, #tpu.memory_space<vmem>>, %arg6: memref<640xf32, #tpu.memory_space<vmem>>, %arg7: memref<10240xf32, #tpu.memory_space<vmem_shared>>, %arg8: memref<!tpu.dma_semaphore, #tpu.memory_space<semaphore_mem>>) attributes {dimension_semantics = [#tpu.dimension_semantics<core_parallel>, #tpu.dimension_semantics<subcore_parallel>], iteration_bounds = array<i64: 2, 16>, scalar_prefetch = 0 : i64, scratch_operands = 5 : i64, tpu.core_type = #tpu.core_type<sc_vector_subcore>, window_params = [{transform_indices = #map}, {transform_indices = #map1}]} {
    %mul3A = arith.constant 2 : i32
    %mul3A_0 = arith.muli %arg1, %mul3A : i32
    %add3A = arith.addi %mul3A_0, %arg0 : i32
    %dma_start3A = arith.constant 1 : i32
    %dma_start3A_1 = arith.constant 0 : i32
    %dma_start3A_2 = arith.constant 0 : i32
    %dma_start3A_3 = tpu.memref_slice %arg2[%dma_start3A, %add3A, %dma_start3A_1, %dma_start3A_2] : memref<2x32x80x128xi32, #tpu.memory_space<hbm>> -> memref<1x1x80x128xi32, #tpu.memory_space<hbm>>
    %dma_start3A_4 = tpu.memref_squeeze %dma_start3A_3 : memref<1x1x80x128xi32, #tpu.memory_space<hbm>> -> memref<80x128xi32, #tpu.memory_space<hbm>>
    %dma_start3A_5 = arith.constant 0 : i32
    %dma_start3A_6 = arith.constant 0 : i32
    %dma_start3A_7 = tpu.memref_slice %arg2[%dma_start3A, %add3A, %dma_start3A_5, %dma_start3A_6] : memref<2x32x80x128xi32, #tpu.memory_space<hbm>> -> memref<1x1x80x128xi32, #tpu.memory_space<hbm>>
    %dma_start3A_8 = tpu.memref_squeeze %dma_start3A_7 : memref<1x1x80x128xi32, #tpu.memory_space<hbm>> -> memref<80x128xi32, #tpu.memory_space<hbm>>
    tpu.enqueue_dma source(%dma_start3A_8 : memref<80x128xi32, #tpu.memory_space<hbm>>) target(%arg4 : memref<80x128xi32, #tpu.memory_space<vmem>>) target_semaphore(%arg8 : memref<!tpu.dma_semaphore, #tpu.memory_space<semaphore_mem>>)
    %broadcast_in_dim3A = arith.constant 1.000000e+00 : f32
    %broadcast_in_dim3A_9 = vector.broadcast %broadcast_in_dim3A : f32 to vector<16xf32>
    %broadcast_in_dim3A_10 = arith.constant 0.000000e+00 : f32
    %broadcast_in_dim3A_11 = vector.broadcast %broadcast_in_dim3A_10 : f32 to vector<16xf32>
    %swap3A = arith.constant 0 : index
    %swap3A_12 = tpu.vector_load %arg5[%swap3A] {strides = array<i32>} : memref<128xf32, #tpu.memory_space<vmem>>, vector<16xf32>,
    %swap3A_13 = vector.shape_cast %swap3A_12 : vector<16xf32> to vector<16xf32>
    %swap3A_14 = vector.shape_cast %broadcast_in_dim3A_9 : vector<16xf32> to vector<16xf32>
    tpu.vector_store %arg5[%swap3A], %swap3A_14 {strides = array<i32>} : memref<128xf32, #tpu.memory_space<vmem>>, vector<16xf32>,
    %swap3A_15 = arith.constant 16 : index
    %swap3A_16 = tpu.vector_load %arg5[%swap3A_15] {strides = array<i32>} : memref<128xf32, #tpu.memory_space<vmem>>, vector<16xf32>,
    %swap3A_17 = vector.shape_cast %swap3A_16 : vector<16xf32> to vector<16xf32>
    %swap3A_18 = vector.shape_cast %broadcast_in_dim3A_9 : vector<16xf32> to vector<16xf32>
    tpu.vector_store %arg5[%swap3A_15], %swap3A_18 {strides = array<i32>} : memref<128xf32, #tpu.memory_space<vmem>>, vector<16xf32>,
    %swap3A_19 = arith.constant 32 : index
    %swap3A_20 = tpu.vector_load %arg5[%swap3A_19] {strides = array<i32>} : memref<128xf32, #tpu.memory_space<vmem>>, vector<16xf32>,
    %swap3A_21 = vector.shape_cast %swap3A_20 : vector<16xf32> to vector<16xf32>
    %swap3A_22 = vector.shape_cast %broadcast_in_dim3A_9 : vector<16xf32> to vector<16xf32>
    tpu.vector_store %arg5[%swap3A_19], %swap3A_22 {strides = array<i32>} : memref<128xf32, #tpu.memory_space<vmem>>, vector<16xf32>,
    %swap3A_23 = arith.constant 48 : index
    %swap3A_24 = tpu.vector_load %arg5[%swap3A_23] {strides = array<i32>} : memref<128xf32, #tpu.memory_space<vmem>>, vector<16xf32>,
    %swap3A_25 = vector.shape_cast %swap3A_24 : vector<16xf32> to vector<16xf32>
    %swap3A_26 = vector.shape_cast %broadcast_in_dim3A_9 : vector<16xf32> to vector<16xf32>
    tpu.vector_store %arg5[%swap3A_23], %swap3A_26 {strides = array<i32>} : memref<128xf32, #tpu.memory_space<vmem>>, vector<16xf32>,
    %swap3A_27 = arith.constant 64 : index
    %swap3A_28 = tpu.vector_load %arg5[%swap3A_27] {strides = array<i32>} : memref<128xf32, #tpu.memory_space<vmem>>, vector<16xf32>,
    %swap3A_29 = vector.shape_cast %swap3A_28 : vector<16xf32> to vector<16xf32>
    %swap3A_30 = vector.shape_cast %broadcast_in_dim3A_9 : vector<16xf32> to vector<16xf32>
    tpu.vector_store %arg5[%swap3A_27], %swap3A_30 {strides = array<i32>} : memref<128xf32, #tpu.memory_space<vmem>>, vector<16xf32>,
    %swap3A_31 = arith.constant 80 : index
    %swap3A_32 = tpu.vector_load %arg5[%swap3A_31] {strides = array<i32>} : memref<128xf32, #tpu.memory_space<vmem>>, vector<16xf32>,
    %swap3A_33 = vector.shape_cast %swap3A_32 : vector<16xf32> to vector<16xf32>
    %swap3A_34 = vector.shape_cast %broadcast_in_dim3A_9 : vector<16xf32> to vector<16xf32>
    tpu.vector_store %arg5[%swap3A_31], %swap3A_34 {strides = array<i32>} : memref<128xf32, #tpu.memory_space<vmem>>, vector<16xf32>,
    %swap3A_35 = arith.constant 96 : index
    %swap3A_36 = tpu.vector_load %arg5[%swap3A_35] {strides = array<i32>} : memref<128xf32, #tpu.memory_space<vmem>>, vector<16xf32>,
    %swap3A_37 = vector.shape_cast %swap3A_36 : vector<16xf32> to vector<16xf32>
    %swap3A_38 = vector.shape_cast %broadcast_in_dim3A_9 : vector<16xf32> to vector<16xf32>
    tpu.vector_store %arg5[%swap3A_35], %swap3A_38 {strides = array<i32>} : memref<128xf32, #tpu.memory_space<vmem>>, vector<16xf32>,
    %swap3A_39 = arith.constant 112 : index
    %swap3A_40 = tpu.vector_load %arg5[%swap3A_39] {strides = array<i32>} : memref<128xf32, #tpu.memory_space<vmem>>, vector<16xf32>,
    %swap3A_41 = vector.shape_cast %swap3A_40 : vector<16xf32> to vector<16xf32>
    %swap3A_42 = vector.shape_cast %broadcast_in_dim3A_9 : vector<16xf32> to vector<16xf32>
    tpu.vector_store %arg5[%swap3A_39], %swap3A_42 {strides = array<i32>} : memref<128xf32, #tpu.memory_space<vmem>>, vector<16xf32>,
    %scan3A = arith.constant 0 : i32
    %scan3A_43 = arith.constant 0 : i32
    %scan3A_44 = arith.constant 40 : i32
    %scan3A_45 = arith.addi %scan3A_43, %scan3A_44 : i32
    %scan3A_46 = arith.constant 1 : i32
    %scan3A_47 = scf.for %scan3A_74 = %scan3A_43 to %scan3A_45 step %scan3A_46 iter_args(%scan3A_75 = %scan3A) -> (i32)  : i32 {
      %mul3A_76 = arith.constant 16 : i32
      %mul3A_77 = arith.muli %scan3A_74, %mul3A_76 : i32
      %swap3A_78 = arith.index_cast %mul3A_77 : i32 to index
      %swap3A_79 = tpu.vector_load %arg6[%swap3A_78] {strides = array<i32>} : memref<640xf32, #tpu.memory_space<vmem>>, vector<16xf32>,
      %swap3A_80 = vector.shape_cast %swap3A_79 : vector<16xf32> to vector<16xf32>
      %swap3A_81 = vector.shape_cast %broadcast_in_dim3A_11 : vector<16xf32> to vector<16xf32>
      tpu.vector_store %arg6[%swap3A_78], %swap3A_81 {strides = array<i32>} : memref<640xf32, #tpu.memory_space<vmem>>, vector<16xf32>,
      %scan3A_82 = arith.constant 0 : i32
      scf.yield %scan3A_82 : i32
    }
    %scan3A_48 = arith.constant 40 : i32
    %mul3A_49 = arith.constant 640 : i32
    %mul3A_50 = arith.muli %arg1, %mul3A_49 : i32
    "tpu.region"() ({
      %run_scoped3A = tpu.sem_alloc : memref<!tpu.dma_semaphore, #tpu.memory_space<semaphore_mem>>
      %dma_start3A_74 = tpu.memref_slice %arg7[%mul3A_50] : memref<10240xf32, #tpu.memory_space<vmem_shared>> -> memref<640xf32, #tpu.memory_space<vmem_shared>>
      %dma_start3A_75 = tpu.memref_slice %arg7[%mul3A_50] : memref<10240xf32, #tpu.memory_space<vmem_shared>> -> memref<640xf32, #tpu.memory_space<vmem_shared>>
      tpu.enqueue_dma source(%arg6 : memref<640xf32, #tpu.memory_space<vmem>>) target(%dma_start3A_75 : memref<640xf32, #tpu.memory_space<vmem_shared>>) target_semaphore(%run_scoped3A : memref<!tpu.dma_semaphore, #tpu.memory_space<semaphore_mem>>)
      %dma_wait3A_76 = tpu.memref_slice %arg7[%mul3A_50] : memref<10240xf32, #tpu.memory_space<vmem_shared>> -> memref<640xf32, #tpu.memory_space<vmem_shared>>
      %dma_wait3A_77 = tpu.memref_slice %arg7[%mul3A_50] : memref<10240xf32, #tpu.memory_space<vmem_shared>> -> memref<640xf32, #tpu.memory_space<vmem_shared>>
      tpu.wait_dma2 semaphore(%run_scoped3A : memref<!tpu.dma_semaphore, #tpu.memory_space<semaphore_mem>>) src(%arg6 : memref<640xf32, #tpu.memory_space<vmem>>) dst(%dma_wait3A_77 : memref<640xf32, #tpu.memory_space<vmem_shared>>)
      tpu.yield
    }) : () -> ()
    %dma_wait3A = arith.constant 1 : i32
    %dma_wait3A_51 = arith.constant 0 : i32
    %dma_wait3A_52 = arith.constant 0 : i32
    %dma_wait3A_53 = tpu.memref_slice %arg2[%dma_wait3A, %add3A, %dma_wait3A_51, %dma_wait3A_52] : memref<2x32x80x128xi32, #tpu.memory_space<hbm>> -> memref<1x1x80x128xi32, #tpu.memory_space<hbm>>
    %dma_wait3A_54 = tpu.memref_squeeze %dma_wait3A_53 : memref<1x1x80x128xi32, #tpu.memory_space<hbm>> -> memref<80x128xi32, #tpu.memory_space<hbm>>
    %dma_wait3A_55 = arith.constant 0 : i32
    %dma_wait3A_56 = arith.constant 0 : i32
    %dma_wait3A_57 = tpu.memref_slice %arg2[%dma_wait3A, %add3A, %dma_wait3A_55, %dma_wait3A_56] : memref<2x32x80x128xi32, #tpu.memory_space<hbm>> -> memref<1x1x80x128xi32, #tpu.memory_space<hbm>>
    %dma_wait3A_58 = tpu.memref_squeeze %dma_wait3A_57 : memref<1x1x80x128xi32, #tpu.memory_space<hbm>> -> memref<80x128xi32, #tpu.memory_space<hbm>>
    tpu.wait_dma2 semaphore(%arg8 : memref<!tpu.dma_semaphore, #tpu.memory_space<semaphore_mem>>) src(%dma_wait3A_58 : memref<80x128xi32, #tpu.memory_space<hbm>>) dst(%arg4 : memref<80x128xi32, #tpu.memory_space<vmem>>)
    %barrier3A = arith.constant 0 : index
    tpu.barrier barrier_id(%barrier3A)
    %scan3A_59 = arith.constant 0 : i32
    %scan3A_60 = arith.constant 0 : i32
    %scan3A_61 = arith.constant 80 : i32
    %scan3A_62 = arith.addi %scan3A_60, %scan3A_61 : i32
    %scan3A_63 = arith.constant 1 : i32
    %scan3A_64 = scf.for %scan3A_74 = %scan3A_60 to %scan3A_62 step %scan3A_63 iter_args(%scan3A_75 = %scan3A_59) -> (i32)  : i32 {
      "tpu.region"() ({
        %run_scoped3A = tpu.sem_alloc : memref<!tpu.dma_semaphore, #tpu.memory_space<semaphore_mem>>
        %dma_start3A_77 = arith.constant 0 : i32
        %dma_start3A_78 = tpu.memref_slice %arg4[%scan3A_74, %dma_start3A_77] : memref<80x128xi32, #tpu.memory_space<vmem>> -> memref<1x128xi32, #tpu.memory_space<vmem>>
        %dma_start3A_79 = tpu.memref_squeeze %dma_start3A_78 : memref<1x128xi32, #tpu.memory_space<vmem>> -> memref<128xi32, #tpu.memory_space<vmem>>
        %dma_start3A_80 = arith.constant 0 : i32
        %dma_start3A_81 = tpu.memref_slice %arg7[%dma_start3A_80] : memref<10240xf32, #tpu.memory_space<vmem_shared>> -> memref<10240xf32, #tpu.memory_space<vmem_shared>>
        tpu.enqueue_indirect_dma source(%arg5 : memref<128xf32, #tpu.memory_space<vmem>>) target(%dma_start3A_81 : memref<10240xf32, #tpu.memory_space<vmem_shared>>) offsets(%dma_start3A_79 : memref<128xi32, #tpu.memory_space<vmem>>) semaphore(%run_scoped3A : memref<!tpu.dma_semaphore, #tpu.memory_space<semaphore_mem>>) {add = true}
        %dma_wait3A_82 = arith.constant 0 : i32
        %dma_wait3A_83 = tpu.memref_slice %arg4[%scan3A_74, %dma_wait3A_82] : memref<80x128xi32, #tpu.memory_space<vmem>> -> memref<1x128xi32, #tpu.memory_space<vmem>>
        %dma_wait3A_84 = tpu.memref_squeeze %dma_wait3A_83 : memref<1x128xi32, #tpu.memory_space<vmem>> -> memref<128xi32, #tpu.memory_space<vmem>>
        %dma_wait3A_85 = arith.constant 0 : i32
        %dma_wait3A_86 = tpu.memref_slice %arg7[%dma_wait3A_85] : memref<10240xf32, #tpu.memory_space<vmem_shared>> -> memref<10240xf32, #tpu.memory_space<vmem_shared>>
        tpu.wait_indirect_dma semaphore(%run_scoped3A : memref<!tpu.dma_semaphore, #tpu.memory_space<semaphore_mem>>) src(%arg5 : memref<128xf32, #tpu.memory_space<vmem>>) dst(%dma_wait3A_86 : memref<10240xf32, #tpu.memory_space<vmem_shared>>)
        tpu.yield
      }) : () -> ()
      %scan3A_76 = arith.constant 0 : i32
      scf.yield %scan3A_76 : i32
    }
    %scan3A_65 = arith.constant 80 : i32
    %barrier3A_66 = arith.constant 0 : index
    tpu.barrier barrier_id(%barrier3A_66)
    %mul3A_67 = arith.constant 640 : i32
    %mul3A_68 = arith.muli %arg1, %mul3A_67 : i32
    %mul3A_69 = arith.constant 10240 : i32
    %mul3A_70 = arith.muli %arg0, %mul3A_69 : i32
    %mul3A_71 = arith.constant 640 : i32
    %mul3A_72 = arith.muli %arg1, %mul3A_71 : i32
    %add3A_73 = arith.addi %mul3A_70, %mul3A_72 : i32
    "tpu.region"() ({
      %run_scoped3A = tpu.sem_alloc : memref<!tpu.dma_semaphore, #tpu.memory_space<semaphore_mem>>
      %dma_start3A_74 = tpu.memref_slice %arg3[%add3A_73] : memref<20480xf32, #tpu.memory_space<hbm>> -> memref<640xf32, #tpu.memory_space<hbm>>
      %dma_start3A_75 = tpu.memref_slice %arg7[%mul3A_68] : memref<10240xf32, #tpu.memory_space<vmem_shared>> -> memref<640xf32, #tpu.memory_space<vmem_shared>>
      tpu.enqueue_dma source(%dma_start3A_75 : memref<640xf32, #tpu.memory_space<vmem_shared>>) target(%dma_start3A_74 : memref<640xf32, #tpu.memory_space<hbm>>) target_semaphore(%run_scoped3A : memref<!tpu.dma_semaphore, #tpu.memory_space<semaphore_mem>>)
      %dma_wait3A_76 = tpu.memref_slice %arg3[%add3A_73] : memref<20480xf32, #tpu.memory_space<hbm>> -> memref<640xf32, #tpu.memory_space<hbm>>
      %dma_wait3A_77 = tpu.memref_slice %arg7[%mul3A_68] : memref<10240xf32, #tpu.memory_space<vmem_shared>> -> memref<640xf32, #tpu.memory_space<vmem_shared>>
      tpu.wait_dma2 semaphore(%run_scoped3A : memref<!tpu.dma_semaphore, #tpu.memory_space<semaphore_mem>>) src(%dma_wait3A_77 : memref<640xf32, #tpu.memory_space<vmem_shared>>) dst(%dma_wait3A_76 : memref<640xf32, #tpu.memory_space<hbm>>)
      tpu.yield
    }) : () -> ()
    return
  }
}

#map = affine_map<(d0, d1) -> (0, 0)>
#map1 = affine_map<(d0, d1) -> (0, 0, 0, 0)>
#map2 = affine_map<(d0, d1) -> (0, 0, 0)>
module attributes {stable_mosaic.version = 14 : i64} {
  func.func @segsum(%arg0: i32, %arg1: i32, %arg2: memref<10000x128xf32, #tpu.memory_space<hbm>>, %arg3: memref<2x32x80x128xi32, #tpu.memory_space<hbm>>, %arg4: memref<2x10112x128xf32, #tpu.memory_space<hbm>>, %arg5: memref<40x128xi32, #tpu.memory_space<vmem>>, %arg6: memref<40x128xi32, #tpu.memory_space<vmem>>, %arg7: memref<128x128xf32, #tpu.memory_space<vmem>>, %arg8: memref<128x128xf32, #tpu.memory_space<vmem>>, %arg9: memref<10112x128xf32, #tpu.memory_space<vmem_shared>>, %arg10: memref<!tpu.dma_semaphore, #tpu.memory_space<semaphore_mem>>, %arg11: memref<!tpu.dma_semaphore, #tpu.memory_space<semaphore_mem>>) attributes {dimension_semantics = [#tpu.dimension_semantics<core_parallel>, #tpu.dimension_semantics<subcore_parallel>], iteration_bounds = array<i64: 2, 16>, scalar_prefetch = 0 : i64, scratch_operands = 7 : i64, tpu.core_type = #tpu.core_type<sc_vector_subcore>, window_params = [{transform_indices = #map}, {transform_indices = #map1}, {transform_indices = #map2}]} {
    %mul3A = arith.constant 2 : i32
    %mul3A_0 = arith.muli %arg1, %mul3A : i32
    %add3A = arith.addi %mul3A_0, %arg0 : i32
    %broadcast_in_dim3A = arith.constant 0.000000e+00 : f32
    %broadcast_in_dim3A_1 = vector.broadcast %broadcast_in_dim3A : f32 to vector<16xf32>
    %scan3A = arith.constant 0 : i32
    %scan3A_2 = arith.constant 0 : i32
    %scan3A_3 = arith.constant 128 : i32
    %scan3A_4 = arith.addi %scan3A_2, %scan3A_3 : i32
    %scan3A_5 = arith.constant 1 : i32
    %scan3A_6 = scf.for %scan3A_102 = %scan3A_2 to %scan3A_4 step %scan3A_5 iter_args(%scan3A_103 = %scan3A) -> (i32)  : i32 {
      %swap3A = arith.index_cast %scan3A_102 : i32 to index
      %swap3A_104 = arith.constant 0 : index
      %swap3A_105 = tpu.vector_load %arg7[%swap3A, %swap3A_104] {strides = array<i32>} : memref<128x128xf32, #tpu.memory_space<vmem>>, vector<1x16xf32>,
      %swap3A_106 = vector.shape_cast %swap3A_105 : vector<1x16xf32> to vector<16xf32>
      %swap3A_107 = vector.shape_cast %broadcast_in_dim3A_1 : vector<16xf32> to vector<1x16xf32>
      tpu.vector_store %arg7[%swap3A, %swap3A_104], %swap3A_107 {strides = array<i32>} : memref<128x128xf32, #tpu.memory_space<vmem>>, vector<1x16xf32>,
      %swap3A_108 = arith.index_cast %scan3A_102 : i32 to index
      %swap3A_109 = arith.constant 16 : index
      %swap3A_110 = tpu.vector_load %arg7[%swap3A_108, %swap3A_109] {strides = array<i32>} : memref<128x128xf32, #tpu.memory_space<vmem>>, vector<1x16xf32>,
      %swap3A_111 = vector.shape_cast %swap3A_110 : vector<1x16xf32> to vector<16xf32>
      %swap3A_112 = vector.shape_cast %broadcast_in_dim3A_1 : vector<16xf32> to vector<1x16xf32>
      tpu.vector_store %arg7[%swap3A_108, %swap3A_109], %swap3A_112 {strides = array<i32>} : memref<128x128xf32, #tpu.memory_space<vmem>>, vector<1x16xf32>,
      %swap3A_113 = arith.index_cast %scan3A_102 : i32 to index
      %swap3A_114 = arith.constant 32 : index
      %swap3A_115 = tpu.vector_load %arg7[%swap3A_113, %swap3A_114] {strides = array<i32>} : memref<128x128xf32, #tpu.memory_space<vmem>>, vector<1x16xf32>,
      %swap3A_116 = vector.shape_cast %swap3A_115 : vector<1x16xf32> to vector<16xf32>
      %swap3A_117 = vector.shape_cast %broadcast_in_dim3A_1 : vector<16xf32> to vector<1x16xf32>
      tpu.vector_store %arg7[%swap3A_113, %swap3A_114], %swap3A_117 {strides = array<i32>} : memref<128x128xf32, #tpu.memory_space<vmem>>, vector<1x16xf32>,
      %swap3A_118 = arith.index_cast %scan3A_102 : i32 to index
      %swap3A_119 = arith.constant 48 : index
      %swap3A_120 = tpu.vector_load %arg7[%swap3A_118, %swap3A_119] {strides = array<i32>} : memref<128x128xf32, #tpu.memory_space<vmem>>, vector<1x16xf32>,
      %swap3A_121 = vector.shape_cast %swap3A_120 : vector<1x16xf32> to vector<16xf32>
      %swap3A_122 = vector.shape_cast %broadcast_in_dim3A_1 : vector<16xf32> to vector<1x16xf32>
      tpu.vector_store %arg7[%swap3A_118, %swap3A_119], %swap3A_122 {strides = array<i32>} : memref<128x128xf32, #tpu.memory_space<vmem>>, vector<1x16xf32>,
      %swap3A_123 = arith.index_cast %scan3A_102 : i32 to index
      %swap3A_124 = arith.constant 64 : index
      %swap3A_125 = tpu.vector_load %arg7[%swap3A_123, %swap3A_124] {strides = array<i32>} : memref<128x128xf32, #tpu.memory_space<vmem>>, vector<1x16xf32>,
      %swap3A_126 = vector.shape_cast %swap3A_125 : vector<1x16xf32> to vector<16xf32>
      %swap3A_127 = vector.shape_cast %broadcast_in_dim3A_1 : vector<16xf32> to vector<1x16xf32>
      tpu.vector_store %arg7[%swap3A_123, %swap3A_124], %swap3A_127 {strides = array<i32>} : memref<128x128xf32, #tpu.memory_space<vmem>>, vector<1x16xf32>,
      %swap3A_128 = arith.index_cast %scan3A_102 : i32 to index
      %swap3A_129 = arith.constant 80 : index
      %swap3A_130 = tpu.vector_load %arg7[%swap3A_128, %swap3A_129] {strides = array<i32>} : memref<128x128xf32, #tpu.memory_space<vmem>>, vector<1x16xf32>,
      %swap3A_131 = vector.shape_cast %swap3A_130 : vector<1x16xf32> to vector<16xf32>
      %swap3A_132 = vector.shape_cast %broadcast_in_dim3A_1 : vector<16xf32> to vector<1x16xf32>
      tpu.vector_store %arg7[%swap3A_128, %swap3A_129], %swap3A_132 {strides = array<i32>} : memref<128x128xf32, #tpu.memory_space<vmem>>, vector<1x16xf32>,
      %swap3A_133 = arith.index_cast %scan3A_102 : i32 to index
      %swap3A_134 = arith.constant 96 : index
      %swap3A_135 = tpu.vector_load %arg7[%swap3A_133, %swap3A_134] {strides = array<i32>} : memref<128x128xf32, #tpu.memory_space<vmem>>, vector<1x16xf32>,
      %swap3A_136 = vector.shape_cast %swap3A_135 : vector<1x16xf32> to vector<16xf32>
      %swap3A_137 = vector.shape_cast %broadcast_in_dim3A_1 : vector<16xf32> to vector<1x16xf32>
      tpu.vector_store %arg7[%swap3A_133, %swap3A_134], %swap3A_137 {strides = array<i32>} : memref<128x128xf32, #tpu.memory_space<vmem>>, vector<1x16xf32>,
      %swap3A_138 = arith.index_cast %scan3A_102 : i32 to index
      %swap3A_139 = arith.constant 112 : index
      %swap3A_140 = tpu.vector_load %arg7[%swap3A_138, %swap3A_139] {strides = array<i32>} : memref<128x128xf32, #tpu.memory_space<vmem>>, vector<1x16xf32>,
      %swap3A_141 = vector.shape_cast %swap3A_140 : vector<1x16xf32> to vector<16xf32>
      %swap3A_142 = vector.shape_cast %broadcast_in_dim3A_1 : vector<16xf32> to vector<1x16xf32>
      tpu.vector_store %arg7[%swap3A_138, %swap3A_139], %swap3A_142 {strides = array<i32>} : memref<128x128xf32, #tpu.memory_space<vmem>>, vector<1x16xf32>,
      %scan3A_143 = arith.constant 0 : i32
      scf.yield %scan3A_143 : i32
    }
    %scan3A_7 = arith.constant 128 : i32
    %mul3A_8 = arith.constant 632 : i32
    %mul3A_9 = arith.muli %arg1, %mul3A_8 : i32
    %add3A_10 = arith.constant 0 : i32
    %add3A_11 = arith.addi %mul3A_9, %add3A_10 : i32
    "tpu.region"() ({
      %run_scoped3A_102 = tpu.sem_alloc : memref<!tpu.dma_semaphore, #tpu.memory_space<semaphore_mem>>
      %dma_start3A_103 = arith.constant 0 : i32
      %dma_start3A_104 = tpu.memref_slice %arg9[%add3A_11, %dma_start3A_103] : memref<10112x128xf32, #tpu.memory_space<vmem_shared>> -> memref<128x128xf32, #tpu.memory_space<vmem_shared>>
      %dma_start3A_105 = arith.constant 0 : i32
      %dma_start3A_106 = tpu.memref_slice %arg9[%add3A_11, %dma_start3A_105] : memref<10112x128xf32, #tpu.memory_space<vmem_shared>> -> memref<128x128xf32, #tpu.memory_space<vmem_shared>>
      tpu.enqueue_dma source(%arg7 : memref<128x128xf32, #tpu.memory_space<vmem>>) target(%dma_start3A_106 : memref<128x128xf32, #tpu.memory_space<vmem_shared>>) target_semaphore(%run_scoped3A_102 : memref<!tpu.dma_semaphore, #tpu.memory_space<semaphore_mem>>)
      %dma_wait3A_107 = arith.constant 0 : i32
      %dma_wait3A_108 = tpu.memref_slice %arg9[%add3A_11, %dma_wait3A_107] : memref<10112x128xf32, #tpu.memory_space<vmem_shared>> -> memref<128x128xf32, #tpu.memory_space<vmem_shared>>
      %dma_wait3A_109 = arith.constant 0 : i32
      %dma_wait3A_110 = tpu.memref_slice %arg9[%add3A_11, %dma_wait3A_109] : memref<10112x128xf32, #tpu.memory_space<vmem_shared>> -> memref<128x128xf32, #tpu.memory_space<vmem_shared>>
      tpu.wait_dma2 semaphore(%run_scoped3A_102 : memref<!tpu.dma_semaphore, #tpu.memory_space<semaphore_mem>>) src(%arg7 : memref<128x128xf32, #tpu.memory_space<vmem>>) dst(%dma_wait3A_110 : memref<128x128xf32, #tpu.memory_space<vmem_shared>>)
      tpu.yield
    }) : () -> ()
    %add3A_12 = arith.constant 128 : i32
    %add3A_13 = arith.addi %mul3A_9, %add3A_12 : i32
    "tpu.region"() ({
      %run_scoped3A_102 = tpu.sem_alloc : memref<!tpu.dma_semaphore, #tpu.memory_space<semaphore_mem>>
      %dma_start3A_103 = arith.constant 0 : i32
      %dma_start3A_104 = tpu.memref_slice %arg9[%add3A_13, %dma_start3A_103] : memref<10112x128xf32, #tpu.memory_space<vmem_shared>> -> memref<128x128xf32, #tpu.memory_space<vmem_shared>>
      %dma_start3A_105 = arith.constant 0 : i32
      %dma_start3A_106 = tpu.memref_slice %arg9[%add3A_13, %dma_start3A_105] : memref<10112x128xf32, #tpu.memory_space<vmem_shared>> -> memref<128x128xf32, #tpu.memory_space<vmem_shared>>
      tpu.enqueue_dma source(%arg7 : memref<128x128xf32, #tpu.memory_space<vmem>>) target(%dma_start3A_106 : memref<128x128xf32, #tpu.memory_space<vmem_shared>>) target_semaphore(%run_scoped3A_102 : memref<!tpu.dma_semaphore, #tpu.memory_space<semaphore_mem>>)
      %dma_wait3A_107 = arith.constant 0 : i32
      %dma_wait3A_108 = tpu.memref_slice %arg9[%add3A_13, %dma_wait3A_107] : memref<10112x128xf32, #tpu.memory_space<vmem_shared>> -> memref<128x128xf32, #tpu.memory_space<vmem_shared>>
      %dma_wait3A_109 = arith.constant 0 : i32
      %dma_wait3A_110 = tpu.memref_slice %arg9[%add3A_13, %dma_wait3A_109] : memref<10112x128xf32, #tpu.memory_space<vmem_shared>> -> memref<128x128xf32, #tpu.memory_space<vmem_shared>>
      tpu.wait_dma2 semaphore(%run_scoped3A_102 : memref<!tpu.dma_semaphore, #tpu.memory_space<semaphore_mem>>) src(%arg7 : memref<128x128xf32, #tpu.memory_space<vmem>>) dst(%dma_wait3A_110 : memref<128x128xf32, #tpu.memory_space<vmem_shared>>)
      tpu.yield
    }) : () -> ()
    %add3A_14 = arith.constant 256 : i32
    %add3A_15 = arith.addi %mul3A_9, %add3A_14 : i32
    "tpu.region"() ({
      %run_scoped3A_102 = tpu.sem_alloc : memref<!tpu.dma_semaphore, #tpu.memory_space<semaphore_mem>>
      %dma_start3A_103 = arith.constant 0 : i32
      %dma_start3A_104 = tpu.memref_slice %arg9[%add3A_15, %dma_start3A_103] : memref<10112x128xf32, #tpu.memory_space<vmem_shared>> -> memref<128x128xf32, #tpu.memory_space<vmem_shared>>
      %dma_start3A_105 = arith.constant 0 : i32
      %dma_start3A_106 = tpu.memref_slice %arg9[%add3A_15, %dma_start3A_105] : memref<10112x128xf32, #tpu.memory_space<vmem_shared>> -> memref<128x128xf32, #tpu.memory_space<vmem_shared>>
      tpu.enqueue_dma source(%arg7 : memref<128x128xf32, #tpu.memory_space<vmem>>) target(%dma_start3A_106 : memref<128x128xf32, #tpu.memory_space<vmem_shared>>) target_semaphore(%run_scoped3A_102 : memref<!tpu.dma_semaphore, #tpu.memory_space<semaphore_mem>>)
      %dma_wait3A_107 = arith.constant 0 : i32
      %dma_wait3A_108 = tpu.memref_slice %arg9[%add3A_15, %dma_wait3A_107] : memref<10112x128xf32, #tpu.memory_space<vmem_shared>> -> memref<128x128xf32, #tpu.memory_space<vmem_shared>>
      %dma_wait3A_109 = arith.constant 0 : i32
      %dma_wait3A_110 = tpu.memref_slice %arg9[%add3A_15, %dma_wait3A_109] : memref<10112x128xf32, #tpu.memory_space<vmem_shared>> -> memref<128x128xf32, #tpu.memory_space<vmem_shared>>
      tpu.wait_dma2 semaphore(%run_scoped3A_102 : memref<!tpu.dma_semaphore, #tpu.memory_space<semaphore_mem>>) src(%arg7 : memref<128x128xf32, #tpu.memory_space<vmem>>) dst(%dma_wait3A_110 : memref<128x128xf32, #tpu.memory_space<vmem_shared>>)
      tpu.yield
    }) : () -> ()
    %add3A_16 = arith.constant 384 : i32
    %add3A_17 = arith.addi %mul3A_9, %add3A_16 : i32
    "tpu.region"() ({
      %run_scoped3A_102 = tpu.sem_alloc : memref<!tpu.dma_semaphore, #tpu.memory_space<semaphore_mem>>
      %dma_start3A_103 = arith.constant 0 : i32
      %dma_start3A_104 = tpu.memref_slice %arg9[%add3A_17, %dma_start3A_103] : memref<10112x128xf32, #tpu.memory_space<vmem_shared>> -> memref<128x128xf32, #tpu.memory_space<vmem_shared>>
      %dma_start3A_105 = arith.constant 0 : i32
      %dma_start3A_106 = tpu.memref_slice %arg9[%add3A_17, %dma_start3A_105] : memref<10112x128xf32, #tpu.memory_space<vmem_shared>> -> memref<128x128xf32, #tpu.memory_space<vmem_shared>>
      tpu.enqueue_dma source(%arg7 : memref<128x128xf32, #tpu.memory_space<vmem>>) target(%dma_start3A_106 : memref<128x128xf32, #tpu.memory_space<vmem_shared>>) target_semaphore(%run_scoped3A_102 : memref<!tpu.dma_semaphore, #tpu.memory_space<semaphore_mem>>)
      %dma_wait3A_107 = arith.constant 0 : i32
      %dma_wait3A_108 = tpu.memref_slice %arg9[%add3A_17, %dma_wait3A_107] : memref<10112x128xf32, #tpu.memory_space<vmem_shared>> -> memref<128x128xf32, #tpu.memory_space<vmem_shared>>
      %dma_wait3A_109 = arith.constant 0 : i32
      %dma_wait3A_110 = tpu.memref_slice %arg9[%add3A_17, %dma_wait3A_109] : memref<10112x128xf32, #tpu.memory_space<vmem_shared>> -> memref<128x128xf32, #tpu.memory_space<vmem_shared>>
      tpu.wait_dma2 semaphore(%run_scoped3A_102 : memref<!tpu.dma_semaphore, #tpu.memory_space<semaphore_mem>>) src(%arg7 : memref<128x128xf32, #tpu.memory_space<vmem>>) dst(%dma_wait3A_110 : memref<128x128xf32, #tpu.memory_space<vmem_shared>>)
      tpu.yield
    }) : () -> ()
    %add3A_18 = arith.constant 512 : i32
    %add3A_19 = arith.addi %mul3A_9, %add3A_18 : i32
    "tpu.region"() ({
      %run_scoped3A_102 = tpu.sem_alloc : memref<!tpu.dma_semaphore, #tpu.memory_space<semaphore_mem>>
      %dma_start3A_103 = arith.constant 0 : i32
      %dma_start3A_104 = arith.constant 0 : i32
      %dma_start3A_105 = tpu.memref_slice %arg7[%dma_start3A_103, %dma_start3A_104] : memref<128x128xf32, #tpu.memory_space<vmem>> -> memref<120x128xf32, #tpu.memory_space<vmem>>
      %dma_start3A_106 = arith.constant 0 : i32
      %dma_start3A_107 = tpu.memref_slice %arg9[%add3A_19, %dma_start3A_106] : memref<10112x128xf32, #tpu.memory_space<vmem_shared>> -> memref<120x128xf32, #tpu.memory_space<vmem_shared>>
      %dma_start3A_108 = arith.constant 0 : i32
      %dma_start3A_109 = tpu.memref_slice %arg9[%add3A_19, %dma_start3A_108] : memref<10112x128xf32, #tpu.memory_space<vmem_shared>> -> memref<120x128xf32, #tpu.memory_space<vmem_shared>>
      %dma_start3A_110 = arith.constant 0 : i32
      %dma_start3A_111 = arith.constant 0 : i32
      %dma_start3A_112 = tpu.memref_slice %arg7[%dma_start3A_110, %dma_start3A_111] : memref<128x128xf32, #tpu.memory_space<vmem>> -> memref<120x128xf32, #tpu.memory_space<vmem>>
      tpu.enqueue_dma source(%dma_start3A_112 : memref<120x128xf32, #tpu.memory_space<vmem>>) target(%dma_start3A_109 : memref<120x128xf32, #tpu.memory_space<vmem_shared>>) target_semaphore(%run_scoped3A_102 : memref<!tpu.dma_semaphore, #tpu.memory_space<semaphore_mem>>)
      %dma_wait3A_113 = arith.constant 0 : i32
      %dma_wait3A_114 = arith.constant 0 : i32
      %dma_wait3A_115 = tpu.memref_slice %arg7[%dma_wait3A_113, %dma_wait3A_114] : memref<128x128xf32, #tpu.memory_space<vmem>> -> memref<120x128xf32, #tpu.memory_space<vmem>>
      %dma_wait3A_116 = arith.constant 0 : i32
      %dma_wait3A_117 = tpu.memref_slice %arg9[%add3A_19, %dma_wait3A_116] : memref<10112x128xf32, #tpu.memory_space<vmem_shared>> -> memref<120x128xf32, #tpu.memory_space<vmem_shared>>
      %dma_wait3A_118 = arith.constant 0 : i32
      %dma_wait3A_119 = tpu.memref_slice %arg9[%add3A_19, %dma_wait3A_118] : memref<10112x128xf32, #tpu.memory_space<vmem_shared>> -> memref<120x128xf32, #tpu.memory_space<vmem_shared>>
      %dma_wait3A_120 = arith.constant 0 : i32
      %dma_wait3A_121 = arith.constant 0 : i32
      %dma_wait3A_122 = tpu.memref_slice %arg7[%dma_wait3A_120, %dma_wait3A_121] : memref<128x128xf32, #tpu.memory_space<vmem>> -> memref<120x128xf32, #tpu.memory_space<vmem>>
      tpu.wait_dma2 semaphore(%run_scoped3A_102 : memref<!tpu.dma_semaphore, #tpu.memory_space<semaphore_mem>>) src(%dma_wait3A_122 : memref<120x128xf32, #tpu.memory_space<vmem>>) dst(%dma_wait3A_119 : memref<120x128xf32, #tpu.memory_space<vmem_shared>>)
      tpu.yield
    }) : () -> ()
    %barrier3A = arith.constant 0 : index
    tpu.barrier barrier_id(%barrier3A)
    %run_scoped3A = arith.constant 0 : i32
    "tpu.region"() ({
      %run_scoped3A_102 = tpu.sem_alloc : memref<!tpu.dma_semaphore, #tpu.memory_space<semaphore_mem>>
      %dma_start3A_103 = arith.constant 0 : i32
      %dma_start3A_104 = arith.constant 0 : i32
      %dma_start3A_105 = tpu.memref_slice %arg3[%run_scoped3A, %add3A, %dma_start3A_103, %dma_start3A_104] : memref<2x32x80x128xi32, #tpu.memory_space<hbm>> -> memref<1x1x40x128xi32, #tpu.memory_space<hbm>>
      %dma_start3A_106 = tpu.memref_squeeze %dma_start3A_105 : memref<1x1x40x128xi32, #tpu.memory_space<hbm>> -> memref<40x128xi32, #tpu.memory_space<hbm>>
      %dma_start3A_107 = arith.constant 0 : i32
      %dma_start3A_108 = arith.constant 0 : i32
      %dma_start3A_109 = tpu.memref_slice %arg3[%run_scoped3A, %add3A, %dma_start3A_107, %dma_start3A_108] : memref<2x32x80x128xi32, #tpu.memory_space<hbm>> -> memref<1x1x40x128xi32, #tpu.memory_space<hbm>>
      %dma_start3A_110 = tpu.memref_squeeze %dma_start3A_109 : memref<1x1x40x128xi32, #tpu.memory_space<hbm>> -> memref<40x128xi32, #tpu.memory_space<hbm>>
      tpu.enqueue_dma source(%dma_start3A_110 : memref<40x128xi32, #tpu.memory_space<hbm>>) target(%arg5 : memref<40x128xi32, #tpu.memory_space<vmem>>) target_semaphore(%run_scoped3A_102 : memref<!tpu.dma_semaphore, #tpu.memory_space<semaphore_mem>>)
      %dma_wait3A_111 = arith.constant 0 : i32
      %dma_wait3A_112 = arith.constant 0 : i32
      %dma_wait3A_113 = tpu.memref_slice %arg3[%run_scoped3A, %add3A, %dma_wait3A_111, %dma_wait3A_112] : memref<2x32x80x128xi32, #tpu.memory_space<hbm>> -> memref<1x1x40x128xi32, #tpu.memory_space<hbm>>
      %dma_wait3A_114 = tpu.memref_squeeze %dma_wait3A_113 : memref<1x1x40x128xi32, #tpu.memory_space<hbm>> -> memref<40x128xi32, #tpu.memory_space<hbm>>
      %dma_wait3A_115 = arith.constant 0 : i32
      %dma_wait3A_116 = arith.constant 0 : i32
      %dma_wait3A_117 = tpu.memref_slice %arg3[%run_scoped3A, %add3A, %dma_wait3A_115, %dma_wait3A_116] : memref<2x32x80x128xi32, #tpu.memory_space<hbm>> -> memref<1x1x40x128xi32, #tpu.memory_space<hbm>>
      %dma_wait3A_118 = tpu.memref_squeeze %dma_wait3A_117 : memref<1x1x40x128xi32, #tpu.memory_space<hbm>> -> memref<40x128xi32, #tpu.memory_space<hbm>>
      tpu.wait_dma2 semaphore(%run_scoped3A_102 : memref<!tpu.dma_semaphore, #tpu.memory_space<semaphore_mem>>) src(%dma_wait3A_118 : memref<40x128xi32, #tpu.memory_space<hbm>>) dst(%arg5 : memref<40x128xi32, #tpu.memory_space<vmem>>)
      tpu.yield
    }) : () -> ()
    %run_scoped3A_20 = arith.constant 1 : i32
    "tpu.region"() ({
      %run_scoped3A_102 = tpu.sem_alloc : memref<!tpu.dma_semaphore, #tpu.memory_space<semaphore_mem>>
      %dma_start3A_103 = arith.constant 0 : i32
      %dma_start3A_104 = arith.constant 0 : i32
      %dma_start3A_105 = tpu.memref_slice %arg3[%run_scoped3A_20, %add3A, %dma_start3A_103, %dma_start3A_104] : memref<2x32x80x128xi32, #tpu.memory_space<hbm>> -> memref<1x1x40x128xi32, #tpu.memory_space<hbm>>
      %dma_start3A_106 = tpu.memref_squeeze %dma_start3A_105 : memref<1x1x40x128xi32, #tpu.memory_space<hbm>> -> memref<40x128xi32, #tpu.memory_space<hbm>>
      %dma_start3A_107 = arith.constant 0 : i32
      %dma_start3A_108 = arith.constant 0 : i32
      %dma_start3A_109 = tpu.memref_slice %arg3[%run_scoped3A_20, %add3A, %dma_start3A_107, %dma_start3A_108] : memref<2x32x80x128xi32, #tpu.memory_space<hbm>> -> memref<1x1x40x128xi32, #tpu.memory_space<hbm>>
      %dma_start3A_110 = tpu.memref_squeeze %dma_start3A_109 : memref<1x1x40x128xi32, #tpu.memory_space<hbm>> -> memref<40x128xi32, #tpu.memory_space<hbm>>
      tpu.enqueue_dma source(%dma_start3A_110 : memref<40x128xi32, #tpu.memory_space<hbm>>) target(%arg6 : memref<40x128xi32, #tpu.memory_space<vmem>>) target_semaphore(%run_scoped3A_102 : memref<!tpu.dma_semaphore, #tpu.memory_space<semaphore_mem>>)
      %dma_wait3A_111 = arith.constant 0 : i32
      %dma_wait3A_112 = arith.constant 0 : i32
      %dma_wait3A_113 = tpu.memref_slice %arg3[%run_scoped3A_20, %add3A, %dma_wait3A_111, %dma_wait3A_112] : memref<2x32x80x128xi32, #tpu.memory_space<hbm>> -> memref<1x1x40x128xi32, #tpu.memory_space<hbm>>
      %dma_wait3A_114 = tpu.memref_squeeze %dma_wait3A_113 : memref<1x1x40x128xi32, #tpu.memory_space<hbm>> -> memref<40x128xi32, #tpu.memory_space<hbm>>
      %dma_wait3A_115 = arith.constant 0 : i32
      %dma_wait3A_116 = arith.constant 0 : i32
      %dma_wait3A_117 = tpu.memref_slice %arg3[%run_scoped3A_20, %add3A, %dma_wait3A_115, %dma_wait3A_116] : memref<2x32x80x128xi32, #tpu.memory_space<hbm>> -> memref<1x1x40x128xi32, #tpu.memory_space<hbm>>
      %dma_wait3A_118 = tpu.memref_squeeze %dma_wait3A_117 : memref<1x1x40x128xi32, #tpu.memory_space<hbm>> -> memref<40x128xi32, #tpu.memory_space<hbm>>
      tpu.wait_dma2 semaphore(%run_scoped3A_102 : memref<!tpu.dma_semaphore, #tpu.memory_space<semaphore_mem>>) src(%dma_wait3A_118 : memref<40x128xi32, #tpu.memory_space<hbm>>) dst(%arg6 : memref<40x128xi32, #tpu.memory_space<vmem>>)
      tpu.yield
    }) : () -> ()
    %dma_start3A = arith.constant 0 : i32
    %dma_start3A_21 = arith.constant 0 : i32
    %dma_start3A_22 = tpu.memref_slice %arg5[%dma_start3A, %dma_start3A_21] : memref<40x128xi32, #tpu.memory_space<vmem>> -> memref<1x128xi32, #tpu.memory_space<vmem>>
    %dma_start3A_23 = tpu.memref_squeeze %dma_start3A_22 : memref<1x128xi32, #tpu.memory_space<vmem>> -> memref<128xi32, #tpu.memory_space<vmem>>
    %dma_start3A_24 = arith.constant 0 : i32
    %dma_start3A_25 = arith.constant 0 : i32
    %dma_start3A_26 = tpu.memref_slice %arg2[%dma_start3A_24, %dma_start3A_25] : memref<10000x128xf32, #tpu.memory_space<hbm>> -> memref<10000x128xf32, #tpu.memory_space<hbm>>
    tpu.enqueue_indirect_dma source(%dma_start3A_26 : memref<10000x128xf32, #tpu.memory_space<hbm>>) target(%arg7 : memref<128x128xf32, #tpu.memory_space<vmem>>) offsets(%dma_start3A_23 : memref<128xi32, #tpu.memory_space<vmem>>) semaphore(%arg10 : memref<!tpu.dma_semaphore, #tpu.memory_space<semaphore_mem>>)
    %scan3A_27 = arith.constant 0 : i32
    %scan3A_28 = arith.constant 0 : i32
    %scan3A_29 = arith.constant 0 : i32
    %scan3A_30 = arith.constant 19 : i32
    %scan3A_31 = arith.addi %scan3A_29, %scan3A_30 : i32
    %scan3A_32 = arith.constant 1 : i32
    %scan3A_33 = scf.for %scan3A_102 = %scan3A_29 to %scan3A_31 step %scan3A_32 iter_args(%scan3A_103 = %scan3A_28) -> (i32)  : i32 {
      %mul3A_104 = arith.constant 2 : i32
      %mul3A_105 = arith.muli %mul3A_104, %scan3A_102 : i32
      %add3A_106 = arith.constant 1 : i32
      %add3A_107 = arith.addi %mul3A_105, %add3A_106 : i32
      %dma_start3A_108 = arith.constant 0 : i32
      %dma_start3A_109 = tpu.memref_slice %arg5[%add3A_107, %dma_start3A_108] : memref<40x128xi32, #tpu.memory_space<vmem>> -> memref<1x128xi32, #tpu.memory_space<vmem>>
      %dma_start3A_110 = tpu.memref_squeeze %dma_start3A_109 : memref<1x128xi32, #tpu.memory_space<vmem>> -> memref<128xi32, #tpu.memory_space<vmem>>
      %dma_start3A_111 = arith.constant 0 : i32
      %dma_start3A_112 = arith.constant 0 : i32
      %dma_start3A_113 = tpu.memref_slice %arg2[%dma_start3A_111, %dma_start3A_112] : memref<10000x128xf32, #tpu.memory_space<hbm>> -> memref<10000x128xf32, #tpu.memory_space<hbm>>
      tpu.enqueue_indirect_dma source(%dma_start3A_113 : memref<10000x128xf32, #tpu.memory_space<hbm>>) target(%arg8 : memref<128x128xf32, #tpu.memory_space<vmem>>) offsets(%dma_start3A_110 : memref<128xi32, #tpu.memory_space<vmem>>) semaphore(%arg11 : memref<!tpu.dma_semaphore, #tpu.memory_space<semaphore_mem>>)
      %dma_wait3A_114 = arith.constant 0 : i32
      %dma_wait3A_115 = tpu.memref_slice %arg5[%scan3A_27, %dma_wait3A_114] : memref<40x128xi32, #tpu.memory_space<vmem>> -> memref<1x128xi32, #tpu.memory_space<vmem>>
      %dma_wait3A_116 = tpu.memref_squeeze %dma_wait3A_115 : memref<1x128xi32, #tpu.memory_space<vmem>> -> memref<128xi32, #tpu.memory_space<vmem>>
      %dma_wait3A_117 = arith.constant 0 : i32
      %dma_wait3A_118 = arith.constant 0 : i32
      %dma_wait3A_119 = tpu.memref_slice %arg2[%dma_wait3A_117, %dma_wait3A_118] : memref<10000x128xf32, #tpu.memory_space<hbm>> -> memref<10000x128xf32, #tpu.memory_space<hbm>>
      tpu.wait_indirect_dma semaphore(%arg10 : memref<!tpu.dma_semaphore, #tpu.memory_space<semaphore_mem>>) src(%dma_wait3A_119 : memref<10000x128xf32, #tpu.memory_space<hbm>>) dst(%arg7 : memref<128x128xf32, #tpu.memory_space<vmem>>)
      "tpu.region"() ({
        %run_scoped3A_137 = tpu.sem_alloc : memref<!tpu.dma_semaphore, #tpu.memory_space<semaphore_mem>>
        %dma_start3A_138 = arith.constant 0 : i32
        %dma_start3A_139 = tpu.memref_slice %arg6[%mul3A_105, %dma_start3A_138] : memref<40x128xi32, #tpu.memory_space<vmem>> -> memref<1x128xi32, #tpu.memory_space<vmem>>
        %dma_start3A_140 = tpu.memref_squeeze %dma_start3A_139 : memref<1x128xi32, #tpu.memory_space<vmem>> -> memref<128xi32, #tpu.memory_space<vmem>>
        %dma_start3A_141 = arith.constant 0 : i32
        %dma_start3A_142 = arith.constant 0 : i32
        %dma_start3A_143 = tpu.memref_slice %arg9[%dma_start3A_141, %dma_start3A_142] : memref<10112x128xf32, #tpu.memory_space<vmem_shared>> -> memref<10112x128xf32, #tpu.memory_space<vmem_shared>>
        tpu.enqueue_indirect_dma source(%arg7 : memref<128x128xf32, #tpu.memory_space<vmem>>) target(%dma_start3A_143 : memref<10112x128xf32, #tpu.memory_space<vmem_shared>>) offsets(%dma_start3A_140 : memref<128xi32, #tpu.memory_space<vmem>>) semaphore(%run_scoped3A_137 : memref<!tpu.dma_semaphore, #tpu.memory_space<semaphore_mem>>) {add = true}
        %dma_wait3A_144 = arith.constant 0 : i32
        %dma_wait3A_145 = tpu.memref_slice %arg6[%mul3A_105, %dma_wait3A_144] : memref<40x128xi32, #tpu.memory_space<vmem>> -> memref<1x128xi32, #tpu.memory_space<vmem>>
        %dma_wait3A_146 = tpu.memref_squeeze %dma_wait3A_145 : memref<1x128xi32, #tpu.memory_space<vmem>> -> memref<128xi32, #tpu.memory_space<vmem>>
        %dma_wait3A_147 = arith.constant 0 : i32
        %dma_wait3A_148 = arith.constant 0 : i32
        %dma_wait3A_149 = tpu.memref_slice %arg9[%dma_wait3A_147, %dma_wait3A_148] : memref<10112x128xf32, #tpu.memory_space<vmem_shared>> -> memref<10112x128xf32, #tpu.memory_space<vmem_shared>>
        tpu.wait_indirect_dma semaphore(%run_scoped3A_137 : memref<!tpu.dma_semaphore, #tpu.memory_space<semaphore_mem>>) src(%arg7 : memref<128x128xf32, #tpu.memory_space<vmem>>) dst(%dma_wait3A_149 : memref<10112x128xf32, #tpu.memory_space<vmem_shared>>)
        tpu.yield
      }) : () -> ()
      %add3A_120 = arith.constant 2 : i32
      %add3A_121 = arith.addi %mul3A_105, %add3A_120 : i32
      %dma_start3A_122 = arith.constant 0 : i32
      %dma_start3A_123 = tpu.memref_slice %arg5[%add3A_121, %dma_start3A_122] : memref<40x128xi32, #tpu.memory_space<vmem>> -> memref<1x128xi32, #tpu.memory_space<vmem>>
      %dma_start3A_124 = tpu.memref_squeeze %dma_start3A_123 : memref<1x128xi32, #tpu.memory_space<vmem>> -> memref<128xi32, #tpu.memory_space<vmem>>
      %dma_start3A_125 = arith.constant 0 : i32
      %dma_start3A_126 = arith.constant 0 : i32
      %dma_start3A_127 = tpu.memref_slice %arg2[%dma_start3A_125, %dma_start3A_126] : memref<10000x128xf32, #tpu.memory_space<hbm>> -> memref<10000x128xf32, #tpu.memory_space<hbm>>
      tpu.enqueue_indirect_dma source(%dma_start3A_127 : memref<10000x128xf32, #tpu.memory_space<hbm>>) target(%arg7 : memref<128x128xf32, #tpu.memory_space<vmem>>) offsets(%dma_start3A_124 : memref<128xi32, #tpu.memory_space<vmem>>) semaphore(%arg10 : memref<!tpu.dma_semaphore, #tpu.memory_space<semaphore_mem>>)
      %dma_wait3A_128 = arith.constant 0 : i32
      %dma_wait3A_129 = tpu.memref_slice %arg5[%add3A_107, %dma_wait3A_128] : memref<40x128xi32, #tpu.memory_space<vmem>> -> memref<1x128xi32, #tpu.memory_space<vmem>>
      %dma_wait3A_130 = tpu.memref_squeeze %dma_wait3A_129 : memref<1x128xi32, #tpu.memory_space<vmem>> -> memref<128xi32, #tpu.memory_space<vmem>>
      %dma_wait3A_131 = arith.constant 0 : i32
      %dma_wait3A_132 = arith.constant 0 : i32
      %dma_wait3A_133 = tpu.memref_slice %arg2[%dma_wait3A_131, %dma_wait3A_132] : memref<10000x128xf32, #tpu.memory_space<hbm>> -> memref<10000x128xf32, #tpu.memory_space<hbm>>
      tpu.wait_indirect_dma semaphore(%arg11 : memref<!tpu.dma_semaphore, #tpu.memory_space<semaphore_mem>>) src(%dma_wait3A_133 : memref<10000x128xf32, #tpu.memory_space<hbm>>) dst(%arg8 : memref<128x128xf32, #tpu.memory_space<vmem>>)
      %add3A_134 = arith.constant 1 : i32
      %add3A_135 = arith.addi %mul3A_105, %add3A_134 : i32
      "tpu.region"() ({
        %run_scoped3A_137 = tpu.sem_alloc : memref<!tpu.dma_semaphore, #tpu.memory_space<semaphore_mem>>
        %dma_start3A_138 = arith.constant 0 : i32
        %dma_start3A_139 = tpu.memref_slice %arg6[%add3A_135, %dma_start3A_138] : memref<40x128xi32, #tpu.memory_space<vmem>> -> memref<1x128xi32, #tpu.memory_space<vmem>>
        %dma_start3A_140 = tpu.memref_squeeze %dma_start3A_139 : memref<1x128xi32, #tpu.memory_space<vmem>> -> memref<128xi32, #tpu.memory_space<vmem>>
        %dma_start3A_141 = arith.constant 0 : i32
        %dma_start3A_142 = arith.constant 0 : i32
        %dma_start3A_143 = tpu.memref_slice %arg9[%dma_start3A_141, %dma_start3A_142] : memref<10112x128xf32, #tpu.memory_space<vmem_shared>> -> memref<10112x128xf32, #tpu.memory_space<vmem_shared>>
        tpu.enqueue_indirect_dma source(%arg8 : memref<128x128xf32, #tpu.memory_space<vmem>>) target(%dma_start3A_143 : memref<10112x128xf32, #tpu.memory_space<vmem_shared>>) offsets(%dma_start3A_140 : memref<128xi32, #tpu.memory_space<vmem>>) semaphore(%run_scoped3A_137 : memref<!tpu.dma_semaphore, #tpu.memory_space<semaphore_mem>>) {add = true}
        %dma_wait3A_144 = arith.constant 0 : i32
        %dma_wait3A_145 = tpu.memref_slice %arg6[%add3A_135, %dma_wait3A_144] : memref<40x128xi32, #tpu.memory_space<vmem>> -> memref<1x128xi32, #tpu.memory_space<vmem>>
        %dma_wait3A_146 = tpu.memref_squeeze %dma_wait3A_145 : memref<1x128xi32, #tpu.memory_space<vmem>> -> memref<128xi32, #tpu.memory_space<vmem>>
        %dma_wait3A_147 = arith.constant 0 : i32
        %dma_wait3A_148 = arith.constant 0 : i32
        %dma_wait3A_149 = tpu.memref_slice %arg9[%dma_wait3A_147, %dma_wait3A_148] : memref<10112x128xf32, #tpu.memory_space<vmem_shared>> -> memref<10112x128xf32, #tpu.memory_space<vmem_shared>>
        tpu.wait_indirect_dma semaphore(%run_scoped3A_137 : memref<!tpu.dma_semaphore, #tpu.memory_space<semaphore_mem>>) src(%arg8 : memref<128x128xf32, #tpu.memory_space<vmem>>) dst(%dma_wait3A_149 : memref<10112x128xf32, #tpu.memory_space<vmem_shared>>)
        tpu.yield
      }) : () -> ()
      %scan3A_136 = arith.constant 0 : i32
      scf.yield %scan3A_136 : i32
    }
    %scan3A_34 = arith.constant 19 : i32
    %dma_start3A_35 = arith.constant 39 : i32
    %dma_start3A_36 = arith.constant 0 : i32
    %dma_start3A_37 = tpu.memref_slice %arg5[%dma_start3A_35, %dma_start3A_36] : memref<40x128xi32, #tpu.memory_space<vmem>> -> memref<1x128xi32, #tpu.memory_space<vmem>>
    %dma_start3A_38 = tpu.memref_squeeze %dma_start3A_37 : memref<1x128xi32, #tpu.memory_space<vmem>> -> memref<128xi32, #tpu.memory_space<vmem>>
    %dma_start3A_39 = arith.constant 0 : i32
    %dma_start3A_40 = arith.constant 0 : i32
    %dma_start3A_41 = tpu.memref_slice %arg2[%dma_start3A_39, %dma_start3A_40] : memref<10000x128xf32, #tpu.memory_space<hbm>> -> memref<10000x128xf32, #tpu.memory_space<hbm>>
    tpu.enqueue_indirect_dma source(%dma_start3A_41 : memref<10000x128xf32, #tpu.memory_space<hbm>>) target(%arg8 : memref<128x128xf32, #tpu.memory_space<vmem>>) offsets(%dma_start3A_38 : memref<128xi32, #tpu.memory_space<vmem>>) semaphore(%arg11 : memref<!tpu.dma_semaphore, #tpu.memory_space<semaphore_mem>>)
    %dma_wait3A = arith.constant 0 : i32
    %dma_wait3A_42 = arith.constant 0 : i32
    %dma_wait3A_43 = tpu.memref_slice %arg5[%dma_wait3A, %dma_wait3A_42] : memref<40x128xi32, #tpu.memory_space<vmem>> -> memref<1x128xi32, #tpu.memory_space<vmem>>
    %dma_wait3A_44 = tpu.memref_squeeze %dma_wait3A_43 : memref<1x128xi32, #tpu.memory_space<vmem>> -> memref<128xi32, #tpu.memory_space<vmem>>
    %dma_wait3A_45 = arith.constant 0 : i32
    %dma_wait3A_46 = arith.constant 0 : i32
    %dma_wait3A_47 = tpu.memref_slice %arg2[%dma_wait3A_45, %dma_wait3A_46] : memref<10000x128xf32, #tpu.memory_space<hbm>> -> memref<10000x128xf32, #tpu.memory_space<hbm>>
    tpu.wait_indirect_dma semaphore(%arg10 : memref<!tpu.dma_semaphore, #tpu.memory_space<semaphore_mem>>) src(%dma_wait3A_47 : memref<10000x128xf32, #tpu.memory_space<hbm>>) dst(%arg7 : memref<128x128xf32, #tpu.memory_space<vmem>>)
    %run_scoped3A_48 = arith.constant 38 : i32
    "tpu.region"() ({
      %run_scoped3A_102 = tpu.sem_alloc : memref<!tpu.dma_semaphore, #tpu.memory_space<semaphore_mem>>
      %dma_start3A_103 = arith.constant 0 : i32
      %dma_start3A_104 = tpu.memref_slice %arg6[%run_scoped3A_48, %dma_start3A_103] : memref<40x128xi32, #tpu.memory_space<vmem>> -> memref<1x128xi32, #tpu.memory_space<vmem>>
      %dma_start3A_105 = tpu.memref_squeeze %dma_start3A_104 : memref<1x128xi32, #tpu.memory_space<vmem>> -> memref<128xi32, #tpu.memory_space<vmem>>
      %dma_start3A_106 = arith.constant 0 : i32
      %dma_start3A_107 = arith.constant 0 : i32
      %dma_start3A_108 = tpu.memref_slice %arg9[%dma_start3A_106, %dma_start3A_107] : memref<10112x128xf32, #tpu.memory_space<vmem_shared>> -> memref<10112x128xf32, #tpu.memory_space<vmem_shared>>
      tpu.enqueue_indirect_dma source(%arg7 : memref<128x128xf32, #tpu.memory_space<vmem>>) target(%dma_start3A_108 : memref<10112x128xf32, #tpu.memory_space<vmem_shared>>) offsets(%dma_start3A_105 : memref<128xi32, #tpu.memory_space<vmem>>) semaphore(%run_scoped3A_102 : memref<!tpu.dma_semaphore, #tpu.memory_space<semaphore_mem>>) {add = true}
      %dma_wait3A_109 = arith.constant 0 : i32
      %dma_wait3A_110 = tpu.memref_slice %arg6[%run_scoped3A_48, %dma_wait3A_109] : memref<40x128xi32, #tpu.memory_space<vmem>> -> memref<1x128xi32, #tpu.memory_space<vmem>>
      %dma_wait3A_111 = tpu.memref_squeeze %dma_wait3A_110 : memref<1x128xi32, #tpu.memory_space<vmem>> -> memref<128xi32, #tpu.memory_space<vmem>>
      %dma_wait3A_112 = arith.constant 0 : i32
      %dma_wait3A_113 = arith.constant 0 : i32
      %dma_wait3A_114 = tpu.memref_slice %arg9[%dma_wait3A_112, %dma_wait3A_113] : memref<10112x128xf32, #tpu.memory_space<vmem_shared>> -> memref<10112x128xf32, #tpu.memory_space<vmem_shared>>
      tpu.wait_indirect_dma semaphore(%run_scoped3A_102 : memref<!tpu.dma_semaphore, #tpu.memory_space<semaphore_mem>>) src(%arg7 : memref<128x128xf32, #tpu.memory_space<vmem>>) dst(%dma_wait3A_114 : memref<10112x128xf32, #tpu.memory_space<vmem_shared>>)
      tpu.yield
    }) : () -> ()
    %dma_wait3A_49 = arith.constant 39 : i32
    %dma_wait3A_50 = arith.constant 0 : i32
    %dma_wait3A_51 = tpu.memref_slice %arg5[%dma_wait3A_49, %dma_wait3A_50] : memref<40x128xi32, #tpu.memory_space<vmem>> -> memref<1x128xi32, #tpu.memory_space<vmem>>
    %dma_wait3A_52 = tpu.memref_squeeze %dma_wait3A_51 : memref<1x128xi32, #tpu.memory_space<vmem>> -> memref<128xi32, #tpu.memory_space<vmem>>
    %dma_wait3A_53 = arith.constant 0 : i32
    %dma_wait3A_54 = arith.constant 0 : i32
    %dma_wait3A_55 = tpu.memref_slice %arg2[%dma_wait3A_53, %dma_wait3A_54] : memref<10000x128xf32, #tpu.memory_space<hbm>> -> memref<10000x128xf32, #tpu.memory_space<hbm>>
    tpu.wait_indirect_dma semaphore(%arg11 : memref<!tpu.dma_semaphore, #tpu.memory_space<semaphore_mem>>) src(%dma_wait3A_55 : memref<10000x128xf32, #tpu.memory_space<hbm>>) dst(%arg8 : memref<128x128xf32, #tpu.memory_space<vmem>>)
    %run_scoped3A_56 = arith.constant 39 : i32
    "tpu.region"() ({
      %run_scoped3A_102 = tpu.sem_alloc : memref<!tpu.dma_semaphore, #tpu.memory_space<semaphore_mem>>
      %dma_start3A_103 = arith.constant 0 : i32
      %dma_start3A_104 = tpu.memref_slice %arg6[%run_scoped3A_56, %dma_start3A_103] : memref<40x128xi32, #tpu.memory_space<vmem>> -> memref<1x128xi32, #tpu.memory_space<vmem>>
      %dma_start3A_105 = tpu.memref_squeeze %dma_start3A_104 : memref<1x128xi32, #tpu.memory_space<vmem>> -> memref<128xi32, #tpu.memory_space<vmem>>
      %dma_start3A_106 = arith.constant 0 : i32
      %dma_start3A_107 = arith.constant 0 : i32
      %dma_start3A_108 = tpu.memref_slice %arg9[%dma_start3A_106, %dma_start3A_107] : memref<10112x128xf32, #tpu.memory_space<vmem_shared>> -> memref<10112x128xf32, #tpu.memory_space<vmem_shared>>
      tpu.enqueue_indirect_dma source(%arg8 : memref<128x128xf32, #tpu.memory_space<vmem>>) target(%dma_start3A_108 : memref<10112x128xf32, #tpu.memory_space<vmem_shared>>) offsets(%dma_start3A_105 : memref<128xi32, #tpu.memory_space<vmem>>) semaphore(%run_scoped3A_102 : memref<!tpu.dma_semaphore, #tpu.memory_space<semaphore_mem>>) {add = true}
      %dma_wait3A_109 = arith.constant 0 : i32
      %dma_wait3A_110 = tpu.memref_slice %arg6[%run_scoped3A_56, %dma_wait3A_109] : memref<40x128xi32, #tpu.memory_space<vmem>> -> memref<1x128xi32, #tpu.memory_space<vmem>>
      %dma_wait3A_111 = tpu.memref_squeeze %dma_wait3A_110 : memref<1x128xi32, #tpu.memory_space<vmem>> -> memref<128xi32, #tpu.memory_space<vmem>>
      %dma_wait3A_112 = arith.constant 0 : i32
      %dma_wait3A_113 = arith.constant 0 : i32
      %dma_wait3A_114 = tpu.memref_slice %arg9[%dma_wait3A_112, %dma_wait3A_113] : memref<10112x128xf32, #tpu.memory_space<vmem_shared>> -> memref<10112x128xf32, #tpu.memory_space<vmem_shared>>
      tpu.wait_indirect_dma semaphore(%run_scoped3A_102 : memref<!tpu.dma_semaphore, #tpu.memory_space<semaphore_mem>>) src(%arg8 : memref<128x128xf32, #tpu.memory_space<vmem>>) dst(%dma_wait3A_114 : memref<10112x128xf32, #tpu.memory_space<vmem_shared>>)
      tpu.yield
    }) : () -> ()
    %run_scoped3A_57 = arith.constant 0 : i32
    "tpu.region"() ({
      %run_scoped3A_102 = tpu.sem_alloc : memref<!tpu.dma_semaphore, #tpu.memory_space<semaphore_mem>>
      %dma_start3A_103 = arith.constant 40 : i32
      %dma_start3A_104 = arith.constant 0 : i32
      %dma_start3A_105 = tpu.memref_slice %arg3[%run_scoped3A_57, %add3A, %dma_start3A_103, %dma_start3A_104] : memref<2x32x80x128xi32, #tpu.memory_space<hbm>> -> memref<1x1x40x128xi32, #tpu.memory_space<hbm>>
      %dma_start3A_106 = tpu.memref_squeeze %dma_start3A_105 : memref<1x1x40x128xi32, #tpu.memory_space<hbm>> -> memref<40x128xi32, #tpu.memory_space<hbm>>
      %dma_start3A_107 = arith.constant 40 : i32
      %dma_start3A_108 = arith.constant 0 : i32
      %dma_start3A_109 = tpu.memref_slice %arg3[%run_scoped3A_57, %add3A, %dma_start3A_107, %dma_start3A_108] : memref<2x32x80x128xi32, #tpu.memory_space<hbm>> -> memref<1x1x40x128xi32, #tpu.memory_space<hbm>>
      %dma_start3A_110 = tpu.memref_squeeze %dma_start3A_109 : memref<1x1x40x128xi32, #tpu.memory_space<hbm>> -> memref<40x128xi32, #tpu.memory_space<hbm>>
      tpu.enqueue_dma source(%dma_start3A_110 : memref<40x128xi32, #tpu.memory_space<hbm>>) target(%arg5 : memref<40x128xi32, #tpu.memory_space<vmem>>) target_semaphore(%run_scoped3A_102 : memref<!tpu.dma_semaphore, #tpu.memory_space<semaphore_mem>>)
      %dma_wait3A_111 = arith.constant 40 : i32
      %dma_wait3A_112 = arith.constant 0 : i32
      %dma_wait3A_113 = tpu.memref_slice %arg3[%run_scoped3A_57, %add3A, %dma_wait3A_111, %dma_wait3A_112] : memref<2x32x80x128xi32, #tpu.memory_space<hbm>> -> memref<1x1x40x128xi32, #tpu.memory_space<hbm>>
      %dma_wait3A_114 = tpu.memref_squeeze %dma_wait3A_113 : memref<1x1x40x128xi32, #tpu.memory_space<hbm>> -> memref<40x128xi32, #tpu.memory_space<hbm>>
      %dma_wait3A_115 = arith.constant 40 : i32
      %dma_wait3A_116 = arith.constant 0 : i32
      %dma_wait3A_117 = tpu.memref_slice %arg3[%run_scoped3A_57, %add3A, %dma_wait3A_115, %dma_wait3A_116] : memref<2x32x80x128xi32, #tpu.memory_space<hbm>> -> memref<1x1x40x128xi32, #tpu.memory_space<hbm>>
      %dma_wait3A_118 = tpu.memref_squeeze %dma_wait3A_117 : memref<1x1x40x128xi32, #tpu.memory_space<hbm>> -> memref<40x128xi32, #tpu.memory_space<hbm>>
      tpu.wait_dma2 semaphore(%run_scoped3A_102 : memref<!tpu.dma_semaphore, #tpu.memory_space<semaphore_mem>>) src(%dma_wait3A_118 : memref<40x128xi32, #tpu.memory_space<hbm>>) dst(%arg5 : memref<40x128xi32, #tpu.memory_space<vmem>>)
      tpu.yield
    }) : () -> ()
    %run_scoped3A_58 = arith.constant 1 : i32
    "tpu.region"() ({
      %run_scoped3A_102 = tpu.sem_alloc : memref<!tpu.dma_semaphore, #tpu.memory_space<semaphore_mem>>
      %dma_start3A_103 = arith.constant 40 : i32
      %dma_start3A_104 = arith.constant 0 : i32
      %dma_start3A_105 = tpu.memref_slice %arg3[%run_scoped3A_58, %add3A, %dma_start3A_103, %dma_start3A_104] : memref<2x32x80x128xi32, #tpu.memory_space<hbm>> -> memref<1x1x40x128xi32, #tpu.memory_space<hbm>>
      %dma_start3A_106 = tpu.memref_squeeze %dma_start3A_105 : memref<1x1x40x128xi32, #tpu.memory_space<hbm>> -> memref<40x128xi32, #tpu.memory_space<hbm>>
      %dma_start3A_107 = arith.constant 40 : i32
      %dma_start3A_108 = arith.constant 0 : i32
      %dma_start3A_109 = tpu.memref_slice %arg3[%run_scoped3A_58, %add3A, %dma_start3A_107, %dma_start3A_108] : memref<2x32x80x128xi32, #tpu.memory_space<hbm>> -> memref<1x1x40x128xi32, #tpu.memory_space<hbm>>
      %dma_start3A_110 = tpu.memref_squeeze %dma_start3A_109 : memref<1x1x40x128xi32, #tpu.memory_space<hbm>> -> memref<40x128xi32, #tpu.memory_space<hbm>>
      tpu.enqueue_dma source(%dma_start3A_110 : memref<40x128xi32, #tpu.memory_space<hbm>>) target(%arg6 : memref<40x128xi32, #tpu.memory_space<vmem>>) target_semaphore(%run_scoped3A_102 : memref<!tpu.dma_semaphore, #tpu.memory_space<semaphore_mem>>)
      %dma_wait3A_111 = arith.constant 40 : i32
      %dma_wait3A_112 = arith.constant 0 : i32
      %dma_wait3A_113 = tpu.memref_slice %arg3[%run_scoped3A_58, %add3A, %dma_wait3A_111, %dma_wait3A_112] : memref<2x32x80x128xi32, #tpu.memory_space<hbm>> -> memref<1x1x40x128xi32, #tpu.memory_space<hbm>>
      %dma_wait3A_114 = tpu.memref_squeeze %dma_wait3A_113 : memref<1x1x40x128xi32, #tpu.memory_space<hbm>> -> memref<40x128xi32, #tpu.memory_space<hbm>>
      %dma_wait3A_115 = arith.constant 40 : i32
      %dma_wait3A_116 = arith.constant 0 : i32
      %dma_wait3A_117 = tpu.memref_slice %arg3[%run_scoped3A_58, %add3A, %dma_wait3A_115, %dma_wait3A_116] : memref<2x32x80x128xi32, #tpu.memory_space<hbm>> -> memref<1x1x40x128xi32, #tpu.memory_space<hbm>>
      %dma_wait3A_118 = tpu.memref_squeeze %dma_wait3A_117 : memref<1x1x40x128xi32, #tpu.memory_space<hbm>> -> memref<40x128xi32, #tpu.memory_space<hbm>>
      tpu.wait_dma2 semaphore(%run_scoped3A_102 : memref<!tpu.dma_semaphore, #tpu.memory_space<semaphore_mem>>) src(%dma_wait3A_118 : memref<40x128xi32, #tpu.memory_space<hbm>>) dst(%arg6 : memref<40x128xi32, #tpu.memory_space<vmem>>)
      tpu.yield
    }) : () -> ()
    %dma_start3A_59 = arith.constant 0 : i32
    %dma_start3A_60 = arith.constant 0 : i32
    %dma_start3A_61 = tpu.memref_slice %arg5[%dma_start3A_59, %dma_start3A_60] : memref<40x128xi32, #tpu.memory_space<vmem>> -> memref<1x128xi32, #tpu.memory_space<vmem>>
    %dma_start3A_62 = tpu.memref_squeeze %dma_start3A_61 : memref<1x128xi32, #tpu.memory_space<vmem>> -> memref<128xi32, #tpu.memory_space<vmem>>
    %dma_start3A_63 = arith.constant 0 : i32
    %dma_start3A_64 = arith.constant 0 : i32
    %dma_start3A_65 = tpu.memref_slice %arg2[%dma_start3A_63, %dma_start3A_64] : memref<10000x128xf32, #tpu.memory_space<hbm>> -> memref<10000x128xf32, #tpu.memory_space<hbm>>
    tpu.enqueue_indirect_dma source(%dma_start3A_65 : memref<10000x128xf32, #tpu.memory_space<hbm>>) target(%arg7 : memref<128x128xf32, #tpu.memory_space<vmem>>) offsets(%dma_start3A_62 : memref<128xi32, #tpu.memory_space<vmem>>) semaphore(%arg10 : memref<!tpu.dma_semaphore, #tpu.memory_space<semaphore_mem>>)
    %scan3A_66 = arith.constant 0 : i32
    %scan3A_67 = arith.constant 0 : i32
    %scan3A_68 = arith.constant 0 : i32
    %scan3A_69 = arith.constant 19 : i32
    %scan3A_70 = arith.addi %scan3A_68, %scan3A_69 : i32
    %scan3A_71 = arith.constant 1 : i32
    %scan3A_72 = scf.for %scan3A_102 = %scan3A_68 to %scan3A_70 step %scan3A_71 iter_args(%scan3A_103 = %scan3A_67) -> (i32)  : i32 {
      %mul3A_104 = arith.constant 2 : i32
      %mul3A_105 = arith.muli %mul3A_104, %scan3A_102 : i32
      %add3A_106 = arith.constant 1 : i32
      %add3A_107 = arith.addi %mul3A_105, %add3A_106 : i32
      %dma_start3A_108 = arith.constant 0 : i32
      %dma_start3A_109 = tpu.memref_slice %arg5[%add3A_107, %dma_start3A_108] : memref<40x128xi32, #tpu.memory_space<vmem>> -> memref<1x128xi32, #tpu.memory_space<vmem>>
      %dma_start3A_110 = tpu.memref_squeeze %dma_start3A_109 : memref<1x128xi32, #tpu.memory_space<vmem>> -> memref<128xi32, #tpu.memory_space<vmem>>
      %dma_start3A_111 = arith.constant 0 : i32
      %dma_start3A_112 = arith.constant 0 : i32
      %dma_start3A_113 = tpu.memref_slice %arg2[%dma_start3A_111, %dma_start3A_112] : memref<10000x128xf32, #tpu.memory_space<hbm>> -> memref<10000x128xf32, #tpu.memory_space<hbm>>
      tpu.enqueue_indirect_dma source(%dma_start3A_113 : memref<10000x128xf32, #tpu.memory_space<hbm>>) target(%arg8 : memref<128x128xf32, #tpu.memory_space<vmem>>) offsets(%dma_start3A_110 : memref<128xi32, #tpu.memory_space<vmem>>) semaphore(%arg11 : memref<!tpu.dma_semaphore, #tpu.memory_space<semaphore_mem>>)
      %dma_wait3A_114 = arith.constant 0 : i32
      %dma_wait3A_115 = tpu.memref_slice %arg5[%scan3A_66, %dma_wait3A_114] : memref<40x128xi32, #tpu.memory_space<vmem>> -> memref<1x128xi32, #tpu.memory_space<vmem>>
      %dma_wait3A_116 = tpu.memref_squeeze %dma_wait3A_115 : memref<1x128xi32, #tpu.memory_space<vmem>> -> memref<128xi32, #tpu.memory_space<vmem>>
      %dma_wait3A_117 = arith.constant 0 : i32
      %dma_wait3A_118 = arith.constant 0 : i32
      %dma_wait3A_119 = tpu.memref_slice %arg2[%dma_wait3A_117, %dma_wait3A_118] : memref<10000x128xf32, #tpu.memory_space<hbm>> -> memref<10000x128xf32, #tpu.memory_space<hbm>>
      tpu.wait_indirect_dma semaphore(%arg10 : memref<!tpu.dma_semaphore, #tpu.memory_space<semaphore_mem>>) src(%dma_wait3A_119 : memref<10000x128xf32, #tpu.memory_space<hbm>>) dst(%arg7 : memref<128x128xf32, #tpu.memory_space<vmem>>)
      "tpu.region"() ({
        %run_scoped3A_137 = tpu.sem_alloc : memref<!tpu.dma_semaphore, #tpu.memory_space<semaphore_mem>>
        %dma_start3A_138 = arith.constant 0 : i32
        %dma_start3A_139 = tpu.memref_slice %arg6[%mul3A_105, %dma_start3A_138] : memref<40x128xi32, #tpu.memory_space<vmem>> -> memref<1x128xi32, #tpu.memory_space<vmem>>
        %dma_start3A_140 = tpu.memref_squeeze %dma_start3A_139 : memref<1x128xi32, #tpu.memory_space<vmem>> -> memref<128xi32, #tpu.memory_space<vmem>>
        %dma_start3A_141 = arith.constant 0 : i32
        %dma_start3A_142 = arith.constant 0 : i32
        %dma_start3A_143 = tpu.memref_slice %arg9[%dma_start3A_141, %dma_start3A_142] : memref<10112x128xf32, #tpu.memory_space<vmem_shared>> -> memref<10112x128xf32, #tpu.memory_space<vmem_shared>>
        tpu.enqueue_indirect_dma source(%arg7 : memref<128x128xf32, #tpu.memory_space<vmem>>) target(%dma_start3A_143 : memref<10112x128xf32, #tpu.memory_space<vmem_shared>>) offsets(%dma_start3A_140 : memref<128xi32, #tpu.memory_space<vmem>>) semaphore(%run_scoped3A_137 : memref<!tpu.dma_semaphore, #tpu.memory_space<semaphore_mem>>) {add = true}
        %dma_wait3A_144 = arith.constant 0 : i32
        %dma_wait3A_145 = tpu.memref_slice %arg6[%mul3A_105, %dma_wait3A_144] : memref<40x128xi32, #tpu.memory_space<vmem>> -> memref<1x128xi32, #tpu.memory_space<vmem>>
        %dma_wait3A_146 = tpu.memref_squeeze %dma_wait3A_145 : memref<1x128xi32, #tpu.memory_space<vmem>> -> memref<128xi32, #tpu.memory_space<vmem>>
        %dma_wait3A_147 = arith.constant 0 : i32
        %dma_wait3A_148 = arith.constant 0 : i32
        %dma_wait3A_149 = tpu.memref_slice %arg9[%dma_wait3A_147, %dma_wait3A_148] : memref<10112x128xf32, #tpu.memory_space<vmem_shared>> -> memref<10112x128xf32, #tpu.memory_space<vmem_shared>>
        tpu.wait_indirect_dma semaphore(%run_scoped3A_137 : memref<!tpu.dma_semaphore, #tpu.memory_space<semaphore_mem>>) src(%arg7 : memref<128x128xf32, #tpu.memory_space<vmem>>) dst(%dma_wait3A_149 : memref<10112x128xf32, #tpu.memory_space<vmem_shared>>)
        tpu.yield
      }) : () -> ()
      %add3A_120 = arith.constant 2 : i32
      %add3A_121 = arith.addi %mul3A_105, %add3A_120 : i32
      %dma_start3A_122 = arith.constant 0 : i32
      %dma_start3A_123 = tpu.memref_slice %arg5[%add3A_121, %dma_start3A_122] : memref<40x128xi32, #tpu.memory_space<vmem>> -> memref<1x128xi32, #tpu.memory_space<vmem>>
      %dma_start3A_124 = tpu.memref_squeeze %dma_start3A_123 : memref<1x128xi32, #tpu.memory_space<vmem>> -> memref<128xi32, #tpu.memory_space<vmem>>
      %dma_start3A_125 = arith.constant 0 : i32
      %dma_start3A_126 = arith.constant 0 : i32
      %dma_start3A_127 = tpu.memref_slice %arg2[%dma_start3A_125, %dma_start3A_126] : memref<10000x128xf32, #tpu.memory_space<hbm>> -> memref<10000x128xf32, #tpu.memory_space<hbm>>
      tpu.enqueue_indirect_dma source(%dma_start3A_127 : memref<10000x128xf32, #tpu.memory_space<hbm>>) target(%arg7 : memref<128x128xf32, #tpu.memory_space<vmem>>) offsets(%dma_start3A_124 : memref<128xi32, #tpu.memory_space<vmem>>) semaphore(%arg10 : memref<!tpu.dma_semaphore, #tpu.memory_space<semaphore_mem>>)
      %dma_wait3A_128 = arith.constant 0 : i32
      %dma_wait3A_129 = tpu.memref_slice %arg5[%add3A_107, %dma_wait3A_128] : memref<40x128xi32, #tpu.memory_space<vmem>> -> memref<1x128xi32, #tpu.memory_space<vmem>>
      %dma_wait3A_130 = tpu.memref_squeeze %dma_wait3A_129 : memref<1x128xi32, #tpu.memory_space<vmem>> -> memref<128xi32, #tpu.memory_space<vmem>>
      %dma_wait3A_131 = arith.constant 0 : i32
      %dma_wait3A_132 = arith.constant 0 : i32
      %dma_wait3A_133 = tpu.memref_slice %arg2[%dma_wait3A_131, %dma_wait3A_132] : memref<10000x128xf32, #tpu.memory_space<hbm>> -> memref<10000x128xf32, #tpu.memory_space<hbm>>
      tpu.wait_indirect_dma semaphore(%arg11 : memref<!tpu.dma_semaphore, #tpu.memory_space<semaphore_mem>>) src(%dma_wait3A_133 : memref<10000x128xf32, #tpu.memory_space<hbm>>) dst(%arg8 : memref<128x128xf32, #tpu.memory_space<vmem>>)
      %add3A_134 = arith.constant 1 : i32
      %add3A_135 = arith.addi %mul3A_105, %add3A_134 : i32
      "tpu.region"() ({
        %run_scoped3A_137 = tpu.sem_alloc : memref<!tpu.dma_semaphore, #tpu.memory_space<semaphore_mem>>
        %dma_start3A_138 = arith.constant 0 : i32
        %dma_start3A_139 = tpu.memref_slice %arg6[%add3A_135, %dma_start3A_138] : memref<40x128xi32, #tpu.memory_space<vmem>> -> memref<1x128xi32, #tpu.memory_space<vmem>>
        %dma_start3A_140 = tpu.memref_squeeze %dma_start3A_139 : memref<1x128xi32, #tpu.memory_space<vmem>> -> memref<128xi32, #tpu.memory_space<vmem>>
        %dma_start3A_141 = arith.constant 0 : i32
        %dma_start3A_142 = arith.constant 0 : i32
        %dma_start3A_143 = tpu.memref_slice %arg9[%dma_start3A_141, %dma_start3A_142] : memref<10112x128xf32, #tpu.memory_space<vmem_shared>> -> memref<10112x128xf32, #tpu.memory_space<vmem_shared>>
        tpu.enqueue_indirect_dma source(%arg8 : memref<128x128xf32, #tpu.memory_space<vmem>>) target(%dma_start3A_143 : memref<10112x128xf32, #tpu.memory_space<vmem_shared>>) offsets(%dma_start3A_140 : memref<128xi32, #tpu.memory_space<vmem>>) semaphore(%run_scoped3A_137 : memref<!tpu.dma_semaphore, #tpu.memory_space<semaphore_mem>>) {add = true}
        %dma_wait3A_144 = arith.constant 0 : i32
        %dma_wait3A_145 = tpu.memref_slice %arg6[%add3A_135, %dma_wait3A_144] : memref<40x128xi32, #tpu.memory_space<vmem>> -> memref<1x128xi32, #tpu.memory_space<vmem>>
        %dma_wait3A_146 = tpu.memref_squeeze %dma_wait3A_145 : memref<1x128xi32, #tpu.memory_space<vmem>> -> memref<128xi32, #tpu.memory_space<vmem>>
        %dma_wait3A_147 = arith.constant 0 : i32
        %dma_wait3A_148 = arith.constant 0 : i32
        %dma_wait3A_149 = tpu.memref_slice %arg9[%dma_wait3A_147, %dma_wait3A_148] : memref<10112x128xf32, #tpu.memory_space<vmem_shared>> -> memref<10112x128xf32, #tpu.memory_space<vmem_shared>>
        tpu.wait_indirect_dma semaphore(%run_scoped3A_137 : memref<!tpu.dma_semaphore, #tpu.memory_space<semaphore_mem>>) src(%arg8 : memref<128x128xf32, #tpu.memory_space<vmem>>) dst(%dma_wait3A_149 : memref<10112x128xf32, #tpu.memory_space<vmem_shared>>)
        tpu.yield
      }) : () -> ()
      %scan3A_136 = arith.constant 0 : i32
      scf.yield %scan3A_136 : i32
    }
    %scan3A_73 = arith.constant 19 : i32
    %dma_start3A_74 = arith.constant 39 : i32
    %dma_start3A_75 = arith.constant 0 : i32
    %dma_start3A_76 = tpu.memref_slice %arg5[%dma_start3A_74, %dma_start3A_75] : memref<40x128xi32, #tpu.memory_space<vmem>> -> memref<1x128xi32, #tpu.memory_space<vmem>>
    %dma_start3A_77 = tpu.memref_squeeze %dma_start3A_76 : memref<1x128xi32, #tpu.memory_space<vmem>> -> memref<128xi32, #tpu.memory_space<vmem>>
    %dma_start3A_78 = arith.constant 0 : i32
    %dma_start3A_79 = arith.constant 0 : i32
    %dma_start3A_80 = tpu.memref_slice %arg2[%dma_start3A_78, %dma_start3A_79] : memref<10000x128xf32, #tpu.memory_space<hbm>> -> memref<10000x128xf32, #tpu.memory_space<hbm>>
    tpu.enqueue_indirect_dma source(%dma_start3A_80 : memref<10000x128xf32, #tpu.memory_space<hbm>>) target(%arg8 : memref<128x128xf32, #tpu.memory_space<vmem>>) offsets(%dma_start3A_77 : memref<128xi32, #tpu.memory_space<vmem>>) semaphore(%arg11 : memref<!tpu.dma_semaphore, #tpu.memory_space<semaphore_mem>>)
    %dma_wait3A_81 = arith.constant 0 : i32
    %dma_wait3A_82 = arith.constant 0 : i32
    %dma_wait3A_83 = tpu.memref_slice %arg5[%dma_wait3A_81, %dma_wait3A_82] : memref<40x128xi32, #tpu.memory_space<vmem>> -> memref<1x128xi32, #tpu.memory_space<vmem>>
    %dma_wait3A_84 = tpu.memref_squeeze %dma_wait3A_83 : memref<1x128xi32, #tpu.memory_space<vmem>> -> memref<128xi32, #tpu.memory_space<vmem>>
    %dma_wait3A_85 = arith.constant 0 : i32
    %dma_wait3A_86 = arith.constant 0 : i32
    %dma_wait3A_87 = tpu.memref_slice %arg2[%dma_wait3A_85, %dma_wait3A_86] : memref<10000x128xf32, #tpu.memory_space<hbm>> -> memref<10000x128xf32, #tpu.memory_space<hbm>>
    tpu.wait_indirect_dma semaphore(%arg10 : memref<!tpu.dma_semaphore, #tpu.memory_space<semaphore_mem>>) src(%dma_wait3A_87 : memref<10000x128xf32, #tpu.memory_space<hbm>>) dst(%arg7 : memref<128x128xf32, #tpu.memory_space<vmem>>)
    %run_scoped3A_88 = arith.constant 38 : i32
    "tpu.region"() ({
      %run_scoped3A_102 = tpu.sem_alloc : memref<!tpu.dma_semaphore, #tpu.memory_space<semaphore_mem>>
      %dma_start3A_103 = arith.constant 0 : i32
      %dma_start3A_104 = tpu.memref_slice %arg6[%run_scoped3A_88, %dma_start3A_103] : memref<40x128xi32, #tpu.memory_space<vmem>> -> memref<1x128xi32, #tpu.memory_space<vmem>>
      %dma_start3A_105 = tpu.memref_squeeze %dma_start3A_104 : memref<1x128xi32, #tpu.memory_space<vmem>> -> memref<128xi32, #tpu.memory_space<vmem>>
      %dma_start3A_106 = arith.constant 0 : i32
      %dma_start3A_107 = arith.constant 0 : i32
      %dma_start3A_108 = tpu.memref_slice %arg9[%dma_start3A_106, %dma_start3A_107] : memref<10112x128xf32, #tpu.memory_space<vmem_shared>> -> memref<10112x128xf32, #tpu.memory_space<vmem_shared>>
      tpu.enqueue_indirect_dma source(%arg7 : memref<128x128xf32, #tpu.memory_space<vmem>>) target(%dma_start3A_108 : memref<10112x128xf32, #tpu.memory_space<vmem_shared>>) offsets(%dma_start3A_105 : memref<128xi32, #tpu.memory_space<vmem>>) semaphore(%run_scoped3A_102 : memref<!tpu.dma_semaphore, #tpu.memory_space<semaphore_mem>>) {add = true}
      %dma_wait3A_109 = arith.constant 0 : i32
      %dma_wait3A_110 = tpu.memref_slice %arg6[%run_scoped3A_88, %dma_wait3A_109] : memref<40x128xi32, #tpu.memory_space<vmem>> -> memref<1x128xi32, #tpu.memory_space<vmem>>
      %dma_wait3A_111 = tpu.memref_squeeze %dma_wait3A_110 : memref<1x128xi32, #tpu.memory_space<vmem>> -> memref<128xi32, #tpu.memory_space<vmem>>
      %dma_wait3A_112 = arith.constant 0 : i32
      %dma_wait3A_113 = arith.constant 0 : i32
      %dma_wait3A_114 = tpu.memref_slice %arg9[%dma_wait3A_112, %dma_wait3A_113] : memref<10112x128xf32, #tpu.memory_space<vmem_shared>> -> memref<10112x128xf32, #tpu.memory_space<vmem_shared>>
      tpu.wait_indirect_dma semaphore(%run_scoped3A_102 : memref<!tpu.dma_semaphore, #tpu.memory_space<semaphore_mem>>) src(%arg7 : memref<128x128xf32, #tpu.memory_space<vmem>>) dst(%dma_wait3A_114 : memref<10112x128xf32, #tpu.memory_space<vmem_shared>>)
      tpu.yield
    }) : () -> ()
    %dma_wait3A_89 = arith.constant 39 : i32
    %dma_wait3A_90 = arith.constant 0 : i32
    %dma_wait3A_91 = tpu.memref_slice %arg5[%dma_wait3A_89, %dma_wait3A_90] : memref<40x128xi32, #tpu.memory_space<vmem>> -> memref<1x128xi32, #tpu.memory_space<vmem>>
    %dma_wait3A_92 = tpu.memref_squeeze %dma_wait3A_91 : memref<1x128xi32, #tpu.memory_space<vmem>> -> memref<128xi32, #tpu.memory_space<vmem>>
    %dma_wait3A_93 = arith.constant 0 : i32
    %dma_wait3A_94 = arith.constant 0 : i32
    %dma_wait3A_95 = tpu.memref_slice %arg2[%dma_wait3A_93, %dma_wait3A_94] : memref<10000x128xf32, #tpu.memory_space<hbm>> -> memref<10000x128xf32, #tpu.memory_space<hbm>>
    tpu.wait_indirect_dma semaphore(%arg11 : memref<!tpu.dma_semaphore, #tpu.memory_space<semaphore_mem>>) src(%dma_wait3A_95 : memref<10000x128xf32, #tpu.memory_space<hbm>>) dst(%arg8 : memref<128x128xf32, #tpu.memory_space<vmem>>)
    %run_scoped3A_96 = arith.constant 39 : i32
    "tpu.region"() ({
      %run_scoped3A_102 = tpu.sem_alloc : memref<!tpu.dma_semaphore, #tpu.memory_space<semaphore_mem>>
      %dma_start3A_103 = arith.constant 0 : i32
      %dma_start3A_104 = tpu.memref_slice %arg6[%run_scoped3A_96, %dma_start3A_103] : memref<40x128xi32, #tpu.memory_space<vmem>> -> memref<1x128xi32, #tpu.memory_space<vmem>>
      %dma_start3A_105 = tpu.memref_squeeze %dma_start3A_104 : memref<1x128xi32, #tpu.memory_space<vmem>> -> memref<128xi32, #tpu.memory_space<vmem>>
      %dma_start3A_106 = arith.constant 0 : i32
      %dma_start3A_107 = arith.constant 0 : i32
      %dma_start3A_108 = tpu.memref_slice %arg9[%dma_start3A_106, %dma_start3A_107] : memref<10112x128xf32, #tpu.memory_space<vmem_shared>> -> memref<10112x128xf32, #tpu.memory_space<vmem_shared>>
      tpu.enqueue_indirect_dma source(%arg8 : memref<128x128xf32, #tpu.memory_space<vmem>>) target(%dma_start3A_108 : memref<10112x128xf32, #tpu.memory_space<vmem_shared>>) offsets(%dma_start3A_105 : memref<128xi32, #tpu.memory_space<vmem>>) semaphore(%run_scoped3A_102 : memref<!tpu.dma_semaphore, #tpu.memory_space<semaphore_mem>>) {add = true}
      %dma_wait3A_109 = arith.constant 0 : i32
      %dma_wait3A_110 = tpu.memref_slice %arg6[%run_scoped3A_96, %dma_wait3A_109] : memref<40x128xi32, #tpu.memory_space<vmem>> -> memref<1x128xi32, #tpu.memory_space<vmem>>
      %dma_wait3A_111 = tpu.memref_squeeze %dma_wait3A_110 : memref<1x128xi32, #tpu.memory_space<vmem>> -> memref<128xi32, #tpu.memory_space<vmem>>
      %dma_wait3A_112 = arith.constant 0 : i32
      %dma_wait3A_113 = arith.constant 0 : i32
      %dma_wait3A_114 = tpu.memref_slice %arg9[%dma_wait3A_112, %dma_wait3A_113] : memref<10112x128xf32, #tpu.memory_space<vmem_shared>> -> memref<10112x128xf32, #tpu.memory_space<vmem_shared>>
      tpu.wait_indirect_dma semaphore(%run_scoped3A_102 : memref<!tpu.dma_semaphore, #tpu.memory_space<semaphore_mem>>) src(%arg8 : memref<128x128xf32, #tpu.memory_space<vmem>>) dst(%dma_wait3A_114 : memref<10112x128xf32, #tpu.memory_space<vmem_shared>>)
      tpu.yield
    }) : () -> ()
    %barrier3A_97 = arith.constant 0 : index
    tpu.barrier barrier_id(%barrier3A_97)
    %mul3A_98 = arith.constant 632 : i32
    %mul3A_99 = arith.muli %arg1, %mul3A_98 : i32
    %mul3A_100 = arith.constant 632 : i32
    %mul3A_101 = arith.muli %arg1, %mul3A_100 : i32
    "tpu.region"() ({
      %run_scoped3A_102 = tpu.sem_alloc : memref<!tpu.dma_semaphore, #tpu.memory_space<semaphore_mem>>
      %dma_start3A_103 = arith.constant 0 : i32
      %dma_start3A_104 = tpu.memref_slice %arg4[%arg0, %mul3A_101, %dma_start3A_103] : memref<2x10112x128xf32, #tpu.memory_space<hbm>> -> memref<1x632x128xf32, #tpu.memory_space<hbm>>
      %dma_start3A_105 = tpu.memref_squeeze %dma_start3A_104 : memref<1x632x128xf32, #tpu.memory_space<hbm>> -> memref<632x128xf32, #tpu.memory_space<hbm>>
      %dma_start3A_106 = arith.constant 0 : i32
      %dma_start3A_107 = tpu.memref_slice %arg9[%mul3A_99, %dma_start3A_106] : memref<10112x128xf32, #tpu.memory_space<vmem_shared>> -> memref<632x128xf32, #tpu.memory_space<vmem_shared>>
      tpu.enqueue_dma source(%dma_start3A_107 : memref<632x128xf32, #tpu.memory_space<vmem_shared>>) target(%dma_start3A_105 : memref<632x128xf32, #tpu.memory_space<hbm>>) target_semaphore(%run_scoped3A_102 : memref<!tpu.dma_semaphore, #tpu.memory_space<semaphore_mem>>)
      %dma_wait3A_108 = arith.constant 0 : i32
      %dma_wait3A_109 = tpu.memref_slice %arg4[%arg0, %mul3A_101, %dma_wait3A_108] : memref<2x10112x128xf32, #tpu.memory_space<hbm>> -> memref<1x632x128xf32, #tpu.memory_space<hbm>>
      %dma_wait3A_110 = tpu.memref_squeeze %dma_wait3A_109 : memref<1x632x128xf32, #tpu.memory_space<hbm>> -> memref<632x128xf32, #tpu.memory_space<hbm>>
      %dma_wait3A_111 = arith.constant 0 : i32
      %dma_wait3A_112 = tpu.memref_slice %arg9[%mul3A_99, %dma_wait3A_111] : memref<10112x128xf32, #tpu.memory_space<vmem_shared>> -> memref<632x128xf32, #tpu.memory_space<vmem_shared>>
      tpu.wait_dma2 semaphore(%run_scoped3A_102 : memref<!tpu.dma_semaphore, #tpu.memory_space<semaphore_mem>>) src(%dma_wait3A_112 : memref<632x128xf32, #tpu.memory_space<vmem_shared>>) dst(%dma_wait3A_110 : memref<632x128xf32, #tpu.memory_space<hbm>>)
      tpu.yield
    }) : () -> ()
    return
  }
}

#map = affine_map<(d0, d1) -> (0, 0)>
#map1 = affine_map<(d0, d1) -> (0, 0, 0, 0)>
#map2 = affine_map<(d0, d1) -> (0, 0, 0)>
module attributes {stable_mosaic.version = 14 : i64} {
  func.func @segsum(%arg0: i32, %arg1: i32, %arg2: memref<10000x32xf32, #tpu.memory_space<hbm>>, %arg3: memref<2x32x80x128xi32, #tpu.memory_space<hbm>>, %arg4: memref<2x10112x32xf32, #tpu.memory_space<hbm>>, %arg5: memref<80x128xi32, #tpu.memory_space<vmem>>, %arg6: memref<80x128xi32, #tpu.memory_space<vmem>>, %arg7: memref<128x32xf32, #tpu.memory_space<vmem>>, %arg8: memref<128x32xf32, #tpu.memory_space<vmem>>, %arg9: memref<128x32xf32, #tpu.memory_space<vmem>>, %arg10: memref<128x32xf32, #tpu.memory_space<vmem>>, %arg11: memref<128x32xf32, #tpu.memory_space<vmem>>, %arg12: memref<128x32xf32, #tpu.memory_space<vmem>>, %arg13: memref<128x32xf32, #tpu.memory_space<vmem>>, %arg14: memref<128x32xf32, #tpu.memory_space<vmem>>, %arg15: memref<10112x32xf32, #tpu.memory_space<vmem_shared>>, %arg16: memref<!tpu.dma_semaphore, #tpu.memory_space<semaphore_mem>>, %arg17: memref<!tpu.dma_semaphore, #tpu.memory_space<semaphore_mem>>, %arg18: memref<!tpu.dma_semaphore, #tpu.memory_space<semaphore_mem>>, %arg19: memref<!tpu.dma_semaphore, #tpu.memory_space<semaphore_mem>>) attributes {dimension_semantics = [#tpu.dimension_semantics<core_parallel>, #tpu.dimension_semantics<subcore_parallel>], iteration_bounds = array<i64: 2, 16>, scalar_prefetch = 0 : i64, scratch_operands = 15 : i64, tpu.core_type = #tpu.core_type<sc_vector_subcore>, window_params = [{transform_indices = #map}, {transform_indices = #map1}, {transform_indices = #map2}]} {
    %mul3A = arith.constant 2 : i32
    %mul3A_0 = arith.muli %arg1, %mul3A : i32
    %add3A = arith.addi %mul3A_0, %arg0 : i32
    %broadcast_in_dim3A = arith.constant 0.000000e+00 : f32
    %broadcast_in_dim3A_1 = vector.broadcast %broadcast_in_dim3A : f32 to vector<16xf32>
    %scan3A = arith.constant 0 : i32
    %scan3A_2 = arith.constant 0 : i32
    %scan3A_3 = arith.constant 128 : i32
    %scan3A_4 = arith.addi %scan3A_2, %scan3A_3 : i32
    %scan3A_5 = arith.constant 1 : i32
    %scan3A_6 = scf.for %scan3A_255 = %scan3A_2 to %scan3A_4 step %scan3A_5 iter_args(%scan3A_256 = %scan3A) -> (i32)  : i32 {
      %swap3A = arith.index_cast %scan3A_255 : i32 to index
      %swap3A_257 = arith.constant 0 : index
      %swap3A_258 = tpu.vector_load %arg7[%swap3A, %swap3A_257] {strides = array<i32>} : memref<128x32xf32, #tpu.memory_space<vmem>>, vector<1x16xf32>,
      %swap3A_259 = vector.shape_cast %swap3A_258 : vector<1x16xf32> to vector<16xf32>
      %swap3A_260 = vector.shape_cast %broadcast_in_dim3A_1 : vector<16xf32> to vector<1x16xf32>
      tpu.vector_store %arg7[%swap3A, %swap3A_257], %swap3A_260 {strides = array<i32>} : memref<128x32xf32, #tpu.memory_space<vmem>>, vector<1x16xf32>,
      %swap3A_261 = arith.index_cast %scan3A_255 : i32 to index
      %swap3A_262 = arith.constant 16 : index
      %swap3A_263 = tpu.vector_load %arg7[%swap3A_261, %swap3A_262] {strides = array<i32>} : memref<128x32xf32, #tpu.memory_space<vmem>>, vector<1x16xf32>,
      %swap3A_264 = vector.shape_cast %swap3A_263 : vector<1x16xf32> to vector<16xf32>
      %swap3A_265 = vector.shape_cast %broadcast_in_dim3A_1 : vector<16xf32> to vector<1x16xf32>
      tpu.vector_store %arg7[%swap3A_261, %swap3A_262], %swap3A_265 {strides = array<i32>} : memref<128x32xf32, #tpu.memory_space<vmem>>, vector<1x16xf32>,
      %scan3A_266 = arith.constant 0 : i32
      scf.yield %scan3A_266 : i32
    }
    %scan3A_7 = arith.constant 128 : i32
    %mul3A_8 = arith.constant 632 : i32
    %mul3A_9 = arith.muli %arg1, %mul3A_8 : i32
    %add3A_10 = arith.constant 0 : i32
    %add3A_11 = arith.addi %mul3A_9, %add3A_10 : i32
    "tpu.region"() ({
      %run_scoped3A_255 = tpu.sem_alloc : memref<!tpu.dma_semaphore, #tpu.memory_space<semaphore_mem>>
      %dma_start3A_256 = arith.constant 0 : i32
      %dma_start3A_257 = tpu.memref_slice %arg15[%add3A_11, %dma_start3A_256] : memref<10112x32xf32, #tpu.memory_space<vmem_shared>> -> memref<128x32xf32, #tpu.memory_space<vmem_shared>>
      %dma_start3A_258 = arith.constant 0 : i32
      %dma_start3A_259 = tpu.memref_slice %arg15[%add3A_11, %dma_start3A_258] : memref<10112x32xf32, #tpu.memory_space<vmem_shared>> -> memref<128x32xf32, #tpu.memory_space<vmem_shared>>
      tpu.enqueue_dma source(%arg7 : memref<128x32xf32, #tpu.memory_space<vmem>>) target(%dma_start3A_259 : memref<128x32xf32, #tpu.memory_space<vmem_shared>>) target_semaphore(%run_scoped3A_255 : memref<!tpu.dma_semaphore, #tpu.memory_space<semaphore_mem>>)
      %dma_wait3A_260 = arith.constant 0 : i32
      %dma_wait3A_261 = tpu.memref_slice %arg15[%add3A_11, %dma_wait3A_260] : memref<10112x32xf32, #tpu.memory_space<vmem_shared>> -> memref<128x32xf32, #tpu.memory_space<vmem_shared>>
      %dma_wait3A_262 = arith.constant 0 : i32
      %dma_wait3A_263 = tpu.memref_slice %arg15[%add3A_11, %dma_wait3A_262] : memref<10112x32xf32, #tpu.memory_space<vmem_shared>> -> memref<128x32xf32, #tpu.memory_space<vmem_shared>>
      tpu.wait_dma2 semaphore(%run_scoped3A_255 : memref<!tpu.dma_semaphore, #tpu.memory_space<semaphore_mem>>) src(%arg7 : memref<128x32xf32, #tpu.memory_space<vmem>>) dst(%dma_wait3A_263 : memref<128x32xf32, #tpu.memory_space<vmem_shared>>)
      tpu.yield
    }) : () -> ()
    %add3A_12 = arith.constant 128 : i32
    %add3A_13 = arith.addi %mul3A_9, %add3A_12 : i32
    "tpu.region"() ({
      %run_scoped3A_255 = tpu.sem_alloc : memref<!tpu.dma_semaphore, #tpu.memory_space<semaphore_mem>>
      %dma_start3A_256 = arith.constant 0 : i32
      %dma_start3A_257 = tpu.memref_slice %arg15[%add3A_13, %dma_start3A_256] : memref<10112x32xf32, #tpu.memory_space<vmem_shared>> -> memref<128x32xf32, #tpu.memory_space<vmem_shared>>
      %dma_start3A_258 = arith.constant 0 : i32
      %dma_start3A_259 = tpu.memref_slice %arg15[%add3A_13, %dma_start3A_258] : memref<10112x32xf32, #tpu.memory_space<vmem_shared>> -> memref<128x32xf32, #tpu.memory_space<vmem_shared>>
      tpu.enqueue_dma source(%arg7 : memref<128x32xf32, #tpu.memory_space<vmem>>) target(%dma_start3A_259 : memref<128x32xf32, #tpu.memory_space<vmem_shared>>) target_semaphore(%run_scoped3A_255 : memref<!tpu.dma_semaphore, #tpu.memory_space<semaphore_mem>>)
      %dma_wait3A_260 = arith.constant 0 : i32
      %dma_wait3A_261 = tpu.memref_slice %arg15[%add3A_13, %dma_wait3A_260] : memref<10112x32xf32, #tpu.memory_space<vmem_shared>> -> memref<128x32xf32, #tpu.memory_space<vmem_shared>>
      %dma_wait3A_262 = arith.constant 0 : i32
      %dma_wait3A_263 = tpu.memref_slice %arg15[%add3A_13, %dma_wait3A_262] : memref<10112x32xf32, #tpu.memory_space<vmem_shared>> -> memref<128x32xf32, #tpu.memory_space<vmem_shared>>
      tpu.wait_dma2 semaphore(%run_scoped3A_255 : memref<!tpu.dma_semaphore, #tpu.memory_space<semaphore_mem>>) src(%arg7 : memref<128x32xf32, #tpu.memory_space<vmem>>) dst(%dma_wait3A_263 : memref<128x32xf32, #tpu.memory_space<vmem_shared>>)
      tpu.yield
    }) : () -> ()
    %add3A_14 = arith.constant 256 : i32
    %add3A_15 = arith.addi %mul3A_9, %add3A_14 : i32
    "tpu.region"() ({
      %run_scoped3A_255 = tpu.sem_alloc : memref<!tpu.dma_semaphore, #tpu.memory_space<semaphore_mem>>
      %dma_start3A_256 = arith.constant 0 : i32
      %dma_start3A_257 = tpu.memref_slice %arg15[%add3A_15, %dma_start3A_256] : memref<10112x32xf32, #tpu.memory_space<vmem_shared>> -> memref<128x32xf32, #tpu.memory_space<vmem_shared>>
      %dma_start3A_258 = arith.constant 0 : i32
      %dma_start3A_259 = tpu.memref_slice %arg15[%add3A_15, %dma_start3A_258] : memref<10112x32xf32, #tpu.memory_space<vmem_shared>> -> memref<128x32xf32, #tpu.memory_space<vmem_shared>>
      tpu.enqueue_dma source(%arg7 : memref<128x32xf32, #tpu.memory_space<vmem>>) target(%dma_start3A_259 : memref<128x32xf32, #tpu.memory_space<vmem_shared>>) target_semaphore(%run_scoped3A_255 : memref<!tpu.dma_semaphore, #tpu.memory_space<semaphore_mem>>)
      %dma_wait3A_260 = arith.constant 0 : i32
      %dma_wait3A_261 = tpu.memref_slice %arg15[%add3A_15, %dma_wait3A_260] : memref<10112x32xf32, #tpu.memory_space<vmem_shared>> -> memref<128x32xf32, #tpu.memory_space<vmem_shared>>
      %dma_wait3A_262 = arith.constant 0 : i32
      %dma_wait3A_263 = tpu.memref_slice %arg15[%add3A_15, %dma_wait3A_262] : memref<10112x32xf32, #tpu.memory_space<vmem_shared>> -> memref<128x32xf32, #tpu.memory_space<vmem_shared>>
      tpu.wait_dma2 semaphore(%run_scoped3A_255 : memref<!tpu.dma_semaphore, #tpu.memory_space<semaphore_mem>>) src(%arg7 : memref<128x32xf32, #tpu.memory_space<vmem>>) dst(%dma_wait3A_263 : memref<128x32xf32, #tpu.memory_space<vmem_shared>>)
      tpu.yield
    }) : () -> ()
    %add3A_16 = arith.constant 384 : i32
    %add3A_17 = arith.addi %mul3A_9, %add3A_16 : i32
    "tpu.region"() ({
      %run_scoped3A_255 = tpu.sem_alloc : memref<!tpu.dma_semaphore, #tpu.memory_space<semaphore_mem>>
      %dma_start3A_256 = arith.constant 0 : i32
      %dma_start3A_257 = tpu.memref_slice %arg15[%add3A_17, %dma_start3A_256] : memref<10112x32xf32, #tpu.memory_space<vmem_shared>> -> memref<128x32xf32, #tpu.memory_space<vmem_shared>>
      %dma_start3A_258 = arith.constant 0 : i32
      %dma_start3A_259 = tpu.memref_slice %arg15[%add3A_17, %dma_start3A_258] : memref<10112x32xf32, #tpu.memory_space<vmem_shared>> -> memref<128x32xf32, #tpu.memory_space<vmem_shared>>
      tpu.enqueue_dma source(%arg7 : memref<128x32xf32, #tpu.memory_space<vmem>>) target(%dma_start3A_259 : memref<128x32xf32, #tpu.memory_space<vmem_shared>>) target_semaphore(%run_scoped3A_255 : memref<!tpu.dma_semaphore, #tpu.memory_space<semaphore_mem>>)
      %dma_wait3A_260 = arith.constant 0 : i32
      %dma_wait3A_261 = tpu.memref_slice %arg15[%add3A_17, %dma_wait3A_260] : memref<10112x32xf32, #tpu.memory_space<vmem_shared>> -> memref<128x32xf32, #tpu.memory_space<vmem_shared>>
      %dma_wait3A_262 = arith.constant 0 : i32
      %dma_wait3A_263 = tpu.memref_slice %arg15[%add3A_17, %dma_wait3A_262] : memref<10112x32xf32, #tpu.memory_space<vmem_shared>> -> memref<128x32xf32, #tpu.memory_space<vmem_shared>>
      tpu.wait_dma2 semaphore(%run_scoped3A_255 : memref<!tpu.dma_semaphore, #tpu.memory_space<semaphore_mem>>) src(%arg7 : memref<128x32xf32, #tpu.memory_space<vmem>>) dst(%dma_wait3A_263 : memref<128x32xf32, #tpu.memory_space<vmem_shared>>)
      tpu.yield
    }) : () -> ()
    %add3A_18 = arith.constant 512 : i32
    %add3A_19 = arith.addi %mul3A_9, %add3A_18 : i32
    "tpu.region"() ({
      %run_scoped3A_255 = tpu.sem_alloc : memref<!tpu.dma_semaphore, #tpu.memory_space<semaphore_mem>>
      %dma_start3A_256 = arith.constant 0 : i32
      %dma_start3A_257 = arith.constant 0 : i32
      %dma_start3A_258 = tpu.memref_slice %arg7[%dma_start3A_256, %dma_start3A_257] : memref<128x32xf32, #tpu.memory_space<vmem>> -> memref<120x32xf32, #tpu.memory_space<vmem>>
      %dma_start3A_259 = arith.constant 0 : i32
      %dma_start3A_260 = tpu.memref_slice %arg15[%add3A_19, %dma_start3A_259] : memref<10112x32xf32, #tpu.memory_space<vmem_shared>> -> memref<120x32xf32, #tpu.memory_space<vmem_shared>>
      %dma_start3A_261 = arith.constant 0 : i32
      %dma_start3A_262 = tpu.memref_slice %arg15[%add3A_19, %dma_start3A_261] : memref<10112x32xf32, #tpu.memory_space<vmem_shared>> -> memref<120x32xf32, #tpu.memory_space<vmem_shared>>
      %dma_start3A_263 = arith.constant 0 : i32
      %dma_start3A_264 = arith.constant 0 : i32
      %dma_start3A_265 = tpu.memref_slice %arg7[%dma_start3A_263, %dma_start3A_264] : memref<128x32xf32, #tpu.memory_space<vmem>> -> memref<120x32xf32, #tpu.memory_space<vmem>>
      tpu.enqueue_dma source(%dma_start3A_265 : memref<120x32xf32, #tpu.memory_space<vmem>>) target(%dma_start3A_262 : memref<120x32xf32, #tpu.memory_space<vmem_shared>>) target_semaphore(%run_scoped3A_255 : memref<!tpu.dma_semaphore, #tpu.memory_space<semaphore_mem>>)
      %dma_wait3A_266 = arith.constant 0 : i32
      %dma_wait3A_267 = arith.constant 0 : i32
      %dma_wait3A_268 = tpu.memref_slice %arg7[%dma_wait3A_266, %dma_wait3A_267] : memref<128x32xf32, #tpu.memory_space<vmem>> -> memref<120x32xf32, #tpu.memory_space<vmem>>
      %dma_wait3A_269 = arith.constant 0 : i32
      %dma_wait3A_270 = tpu.memref_slice %arg15[%add3A_19, %dma_wait3A_269] : memref<10112x32xf32, #tpu.memory_space<vmem_shared>> -> memref<120x32xf32, #tpu.memory_space<vmem_shared>>
      %dma_wait3A_271 = arith.constant 0 : i32
      %dma_wait3A_272 = tpu.memref_slice %arg15[%add3A_19, %dma_wait3A_271] : memref<10112x32xf32, #tpu.memory_space<vmem_shared>> -> memref<120x32xf32, #tpu.memory_space<vmem_shared>>
      %dma_wait3A_273 = arith.constant 0 : i32
      %dma_wait3A_274 = arith.constant 0 : i32
      %dma_wait3A_275 = tpu.memref_slice %arg7[%dma_wait3A_273, %dma_wait3A_274] : memref<128x32xf32, #tpu.memory_space<vmem>> -> memref<120x32xf32, #tpu.memory_space<vmem>>
      tpu.wait_dma2 semaphore(%run_scoped3A_255 : memref<!tpu.dma_semaphore, #tpu.memory_space<semaphore_mem>>) src(%dma_wait3A_275 : memref<120x32xf32, #tpu.memory_space<vmem>>) dst(%dma_wait3A_272 : memref<120x32xf32, #tpu.memory_space<vmem_shared>>)
      tpu.yield
    }) : () -> ()
    %run_scoped3A = arith.constant 0 : i32
    "tpu.region"() ({
      %run_scoped3A_255 = tpu.sem_alloc : memref<!tpu.dma_semaphore, #tpu.memory_space<semaphore_mem>>
      %dma_start3A_256 = arith.constant 0 : i32
      %dma_start3A_257 = arith.constant 0 : i32
      %dma_start3A_258 = tpu.memref_slice %arg3[%run_scoped3A, %add3A, %dma_start3A_256, %dma_start3A_257] : memref<2x32x80x128xi32, #tpu.memory_space<hbm>> -> memref<1x1x80x128xi32, #tpu.memory_space<hbm>>
      %dma_start3A_259 = tpu.memref_squeeze %dma_start3A_258 : memref<1x1x80x128xi32, #tpu.memory_space<hbm>> -> memref<80x128xi32, #tpu.memory_space<hbm>>
      %dma_start3A_260 = arith.constant 0 : i32
      %dma_start3A_261 = arith.constant 0 : i32
      %dma_start3A_262 = tpu.memref_slice %arg3[%run_scoped3A, %add3A, %dma_start3A_260, %dma_start3A_261] : memref<2x32x80x128xi32, #tpu.memory_space<hbm>> -> memref<1x1x80x128xi32, #tpu.memory_space<hbm>>
      %dma_start3A_263 = tpu.memref_squeeze %dma_start3A_262 : memref<1x1x80x128xi32, #tpu.memory_space<hbm>> -> memref<80x128xi32, #tpu.memory_space<hbm>>
      tpu.enqueue_dma source(%dma_start3A_263 : memref<80x128xi32, #tpu.memory_space<hbm>>) target(%arg5 : memref<80x128xi32, #tpu.memory_space<vmem>>) target_semaphore(%run_scoped3A_255 : memref<!tpu.dma_semaphore, #tpu.memory_space<semaphore_mem>>)
      %dma_wait3A_264 = arith.constant 0 : i32
      %dma_wait3A_265 = arith.constant 0 : i32
      %dma_wait3A_266 = tpu.memref_slice %arg3[%run_scoped3A, %add3A, %dma_wait3A_264, %dma_wait3A_265] : memref<2x32x80x128xi32, #tpu.memory_space<hbm>> -> memref<1x1x80x128xi32, #tpu.memory_space<hbm>>
      %dma_wait3A_267 = tpu.memref_squeeze %dma_wait3A_266 : memref<1x1x80x128xi32, #tpu.memory_space<hbm>> -> memref<80x128xi32, #tpu.memory_space<hbm>>
      %dma_wait3A_268 = arith.constant 0 : i32
      %dma_wait3A_269 = arith.constant 0 : i32
      %dma_wait3A_270 = tpu.memref_slice %arg3[%run_scoped3A, %add3A, %dma_wait3A_268, %dma_wait3A_269] : memref<2x32x80x128xi32, #tpu.memory_space<hbm>> -> memref<1x1x80x128xi32, #tpu.memory_space<hbm>>
      %dma_wait3A_271 = tpu.memref_squeeze %dma_wait3A_270 : memref<1x1x80x128xi32, #tpu.memory_space<hbm>> -> memref<80x128xi32, #tpu.memory_space<hbm>>
      tpu.wait_dma2 semaphore(%run_scoped3A_255 : memref<!tpu.dma_semaphore, #tpu.memory_space<semaphore_mem>>) src(%dma_wait3A_271 : memref<80x128xi32, #tpu.memory_space<hbm>>) dst(%arg5 : memref<80x128xi32, #tpu.memory_space<vmem>>)
      tpu.yield
    }) : () -> ()
    %run_scoped3A_20 = arith.constant 1 : i32
    "tpu.region"() ({
      %run_scoped3A_255 = tpu.sem_alloc : memref<!tpu.dma_semaphore, #tpu.memory_space<semaphore_mem>>
      %dma_start3A_256 = arith.constant 0 : i32
      %dma_start3A_257 = arith.constant 0 : i32
      %dma_start3A_258 = tpu.memref_slice %arg3[%run_scoped3A_20, %add3A, %dma_start3A_256, %dma_start3A_257] : memref<2x32x80x128xi32, #tpu.memory_space<hbm>> -> memref<1x1x80x128xi32, #tpu.memory_space<hbm>>
      %dma_start3A_259 = tpu.memref_squeeze %dma_start3A_258 : memref<1x1x80x128xi32, #tpu.memory_space<hbm>> -> memref<80x128xi32, #tpu.memory_space<hbm>>
      %dma_start3A_260 = arith.constant 0 : i32
      %dma_start3A_261 = arith.constant 0 : i32
      %dma_start3A_262 = tpu.memref_slice %arg3[%run_scoped3A_20, %add3A, %dma_start3A_260, %dma_start3A_261] : memref<2x32x80x128xi32, #tpu.memory_space<hbm>> -> memref<1x1x80x128xi32, #tpu.memory_space<hbm>>
      %dma_start3A_263 = tpu.memref_squeeze %dma_start3A_262 : memref<1x1x80x128xi32, #tpu.memory_space<hbm>> -> memref<80x128xi32, #tpu.memory_space<hbm>>
      tpu.enqueue_dma source(%dma_start3A_263 : memref<80x128xi32, #tpu.memory_space<hbm>>) target(%arg6 : memref<80x128xi32, #tpu.memory_space<vmem>>) target_semaphore(%run_scoped3A_255 : memref<!tpu.dma_semaphore, #tpu.memory_space<semaphore_mem>>)
      %dma_wait3A_264 = arith.constant 0 : i32
      %dma_wait3A_265 = arith.constant 0 : i32
      %dma_wait3A_266 = tpu.memref_slice %arg3[%run_scoped3A_20, %add3A, %dma_wait3A_264, %dma_wait3A_265] : memref<2x32x80x128xi32, #tpu.memory_space<hbm>> -> memref<1x1x80x128xi32, #tpu.memory_space<hbm>>
      %dma_wait3A_267 = tpu.memref_squeeze %dma_wait3A_266 : memref<1x1x80x128xi32, #tpu.memory_space<hbm>> -> memref<80x128xi32, #tpu.memory_space<hbm>>
      %dma_wait3A_268 = arith.constant 0 : i32
      %dma_wait3A_269 = arith.constant 0 : i32
      %dma_wait3A_270 = tpu.memref_slice %arg3[%run_scoped3A_20, %add3A, %dma_wait3A_268, %dma_wait3A_269] : memref<2x32x80x128xi32, #tpu.memory_space<hbm>> -> memref<1x1x80x128xi32, #tpu.memory_space<hbm>>
      %dma_wait3A_271 = tpu.memref_squeeze %dma_wait3A_270 : memref<1x1x80x128xi32, #tpu.memory_space<hbm>> -> memref<80x128xi32, #tpu.memory_space<hbm>>
      tpu.wait_dma2 semaphore(%run_scoped3A_255 : memref<!tpu.dma_semaphore, #tpu.memory_space<semaphore_mem>>) src(%dma_wait3A_271 : memref<80x128xi32, #tpu.memory_space<hbm>>) dst(%arg6 : memref<80x128xi32, #tpu.memory_space<vmem>>)
      tpu.yield
    }) : () -> ()
    %barrier3A = arith.constant 0 : index
    tpu.barrier barrier_id(%barrier3A)
    %dma_start3A = arith.constant 0 : i32
    %dma_start3A_21 = arith.constant 0 : i32
    %dma_start3A_22 = tpu.memref_slice %arg5[%dma_start3A, %dma_start3A_21] : memref<80x128xi32, #tpu.memory_space<vmem>> -> memref<1x128xi32, #tpu.memory_space<vmem>>
    %dma_start3A_23 = tpu.memref_squeeze %dma_start3A_22 : memref<1x128xi32, #tpu.memory_space<vmem>> -> memref<128xi32, #tpu.memory_space<vmem>>
    %dma_start3A_24 = arith.constant 0 : i32
    %dma_start3A_25 = arith.constant 0 : i32
    %dma_start3A_26 = tpu.memref_slice %arg2[%dma_start3A_24, %dma_start3A_25] : memref<10000x32xf32, #tpu.memory_space<hbm>> -> memref<10000x32xf32, #tpu.memory_space<hbm>>
    tpu.enqueue_indirect_dma source(%dma_start3A_26 : memref<10000x32xf32, #tpu.memory_space<hbm>>) target(%arg7 : memref<128x32xf32, #tpu.memory_space<vmem>>) offsets(%dma_start3A_23 : memref<128xi32, #tpu.memory_space<vmem>>) semaphore(%arg16 : memref<!tpu.dma_semaphore, #tpu.memory_space<semaphore_mem>>)
    %dma_start3A_27 = arith.constant 1 : i32
    %dma_start3A_28 = arith.constant 0 : i32
    %dma_start3A_29 = tpu.memref_slice %arg5[%dma_start3A_27, %dma_start3A_28] : memref<80x128xi32, #tpu.memory_space<vmem>> -> memref<1x128xi32, #tpu.memory_space<vmem>>
    %dma_start3A_30 = tpu.memref_squeeze %dma_start3A_29 : memref<1x128xi32, #tpu.memory_space<vmem>> -> memref<128xi32, #tpu.memory_space<vmem>>
    %dma_start3A_31 = arith.constant 0 : i32
    %dma_start3A_32 = arith.constant 0 : i32
    %dma_start3A_33 = tpu.memref_slice %arg2[%dma_start3A_31, %dma_start3A_32] : memref<10000x32xf32, #tpu.memory_space<hbm>> -> memref<10000x32xf32, #tpu.memory_space<hbm>>
    tpu.enqueue_indirect_dma source(%dma_start3A_33 : memref<10000x32xf32, #tpu.memory_space<hbm>>) target(%arg8 : memref<128x32xf32, #tpu.memory_space<vmem>>) offsets(%dma_start3A_30 : memref<128xi32, #tpu.memory_space<vmem>>) semaphore(%arg16 : memref<!tpu.dma_semaphore, #tpu.memory_space<semaphore_mem>>)
    %dma_start3A_34 = arith.constant 2 : i32
    %dma_start3A_35 = arith.constant 0 : i32
    %dma_start3A_36 = tpu.memref_slice %arg5[%dma_start3A_34, %dma_start3A_35] : memref<80x128xi32, #tpu.memory_space<vmem>> -> memref<1x128xi32, #tpu.memory_space<vmem>>
    %dma_start3A_37 = tpu.memref_squeeze %dma_start3A_36 : memref<1x128xi32, #tpu.memory_space<vmem>> -> memref<128xi32, #tpu.memory_space<vmem>>
    %dma_start3A_38 = arith.constant 0 : i32
    %dma_start3A_39 = arith.constant 0 : i32
    %dma_start3A_40 = tpu.memref_slice %arg2[%dma_start3A_38, %dma_start3A_39] : memref<10000x32xf32, #tpu.memory_space<hbm>> -> memref<10000x32xf32, #tpu.memory_space<hbm>>
    tpu.enqueue_indirect_dma source(%dma_start3A_40 : memref<10000x32xf32, #tpu.memory_space<hbm>>) target(%arg9 : memref<128x32xf32, #tpu.memory_space<vmem>>) offsets(%dma_start3A_37 : memref<128xi32, #tpu.memory_space<vmem>>) semaphore(%arg16 : memref<!tpu.dma_semaphore, #tpu.memory_space<semaphore_mem>>)
    %dma_start3A_41 = arith.constant 3 : i32
    %dma_start3A_42 = arith.constant 0 : i32
    %dma_start3A_43 = tpu.memref_slice %arg5[%dma_start3A_41, %dma_start3A_42] : memref<80x128xi32, #tpu.memory_space<vmem>> -> memref<1x128xi32, #tpu.memory_space<vmem>>
    %dma_start3A_44 = tpu.memref_squeeze %dma_start3A_43 : memref<1x128xi32, #tpu.memory_space<vmem>> -> memref<128xi32, #tpu.memory_space<vmem>>
    %dma_start3A_45 = arith.constant 0 : i32
    %dma_start3A_46 = arith.constant 0 : i32
    %dma_start3A_47 = tpu.memref_slice %arg2[%dma_start3A_45, %dma_start3A_46] : memref<10000x32xf32, #tpu.memory_space<hbm>> -> memref<10000x32xf32, #tpu.memory_space<hbm>>
    tpu.enqueue_indirect_dma source(%dma_start3A_47 : memref<10000x32xf32, #tpu.memory_space<hbm>>) target(%arg10 : memref<128x32xf32, #tpu.memory_space<vmem>>) offsets(%dma_start3A_44 : memref<128xi32, #tpu.memory_space<vmem>>) semaphore(%arg16 : memref<!tpu.dma_semaphore, #tpu.memory_space<semaphore_mem>>)
    %scan3A_48 = arith.constant 0 : i32
    %scan3A_49 = arith.constant 0 : i32
    %scan3A_50 = arith.constant 9 : i32
    %scan3A_51 = arith.addi %scan3A_49, %scan3A_50 : i32
    %scan3A_52 = arith.constant 1 : i32
    %scan3A_53 = scf.for %scan3A_255 = %scan3A_49 to %scan3A_51 step %scan3A_52 iter_args(%scan3A_256 = %scan3A_48) -> (i32)  : i32 {
      %mul3A_257 = arith.constant 8 : i32
      %mul3A_258 = arith.muli %mul3A_257, %scan3A_255 : i32
      %add3A_259 = arith.constant 4 : i32
      %add3A_260 = arith.addi %mul3A_258, %add3A_259 : i32
      %add3A_261 = arith.constant 0 : i32
      %add3A_262 = arith.addi %add3A_260, %add3A_261 : i32
      %dma_start3A_263 = arith.constant 0 : i32
      %dma_start3A_264 = tpu.memref_slice %arg5[%add3A_262, %dma_start3A_263] : memref<80x128xi32, #tpu.memory_space<vmem>> -> memref<1x128xi32, #tpu.memory_space<vmem>>
      %dma_start3A_265 = tpu.memref_squeeze %dma_start3A_264 : memref<1x128xi32, #tpu.memory_space<vmem>> -> memref<128xi32, #tpu.memory_space<vmem>>
      %dma_start3A_266 = arith.constant 0 : i32
      %dma_start3A_267 = arith.constant 0 : i32
      %dma_start3A_268 = tpu.memref_slice %arg2[%dma_start3A_266, %dma_start3A_267] : memref<10000x32xf32, #tpu.memory_space<hbm>> -> memref<10000x32xf32, #tpu.memory_space<hbm>>
      tpu.enqueue_indirect_dma source(%dma_start3A_268 : memref<10000x32xf32, #tpu.memory_space<hbm>>) target(%arg11 : memref<128x32xf32, #tpu.memory_space<vmem>>) offsets(%dma_start3A_265 : memref<128xi32, #tpu.memory_space<vmem>>) semaphore(%arg17 : memref<!tpu.dma_semaphore, #tpu.memory_space<semaphore_mem>>)
      %add3A_269 = arith.constant 4 : i32
      %add3A_270 = arith.addi %mul3A_258, %add3A_269 : i32
      %add3A_271 = arith.constant 1 : i32
      %add3A_272 = arith.addi %add3A_270, %add3A_271 : i32
      %dma_start3A_273 = arith.constant 0 : i32
      %dma_start3A_274 = tpu.memref_slice %arg5[%add3A_272, %dma_start3A_273] : memref<80x128xi32, #tpu.memory_space<vmem>> -> memref<1x128xi32, #tpu.memory_space<vmem>>
      %dma_start3A_275 = tpu.memref_squeeze %dma_start3A_274 : memref<1x128xi32, #tpu.memory_space<vmem>> -> memref<128xi32, #tpu.memory_space<vmem>>
      %dma_start3A_276 = arith.constant 0 : i32
      %dma_start3A_277 = arith.constant 0 : i32
      %dma_start3A_278 = tpu.memref_slice %arg2[%dma_start3A_276, %dma_start3A_277] : memref<10000x32xf32, #tpu.memory_space<hbm>> -> memref<10000x32xf32, #tpu.memory_space<hbm>>
      tpu.enqueue_indirect_dma source(%dma_start3A_278 : memref<10000x32xf32, #tpu.memory_space<hbm>>) target(%arg12 : memref<128x32xf32, #tpu.memory_space<vmem>>) offsets(%dma_start3A_275 : memref<128xi32, #tpu.memory_space<vmem>>) semaphore(%arg17 : memref<!tpu.dma_semaphore, #tpu.memory_space<semaphore_mem>>)
      %add3A_279 = arith.constant 4 : i32
      %add3A_280 = arith.addi %mul3A_258, %add3A_279 : i32
      %add3A_281 = arith.constant 2 : i32
      %add3A_282 = arith.addi %add3A_280, %add3A_281 : i32
      %dma_start3A_283 = arith.constant 0 : i32
      %dma_start3A_284 = tpu.memref_slice %arg5[%add3A_282, %dma_start3A_283] : memref<80x128xi32, #tpu.memory_space<vmem>> -> memref<1x128xi32, #tpu.memory_space<vmem>>
      %dma_start3A_285 = tpu.memref_squeeze %dma_start3A_284 : memref<1x128xi32, #tpu.memory_space<vmem>> -> memref<128xi32, #tpu.memory_space<vmem>>
      %dma_start3A_286 = arith.constant 0 : i32
      %dma_start3A_287 = arith.constant 0 : i32
      %dma_start3A_288 = tpu.memref_slice %arg2[%dma_start3A_286, %dma_start3A_287] : memref<10000x32xf32, #tpu.memory_space<hbm>> -> memref<10000x32xf32, #tpu.memory_space<hbm>>
      tpu.enqueue_indirect_dma source(%dma_start3A_288 : memref<10000x32xf32, #tpu.memory_space<hbm>>) target(%arg13 : memref<128x32xf32, #tpu.memory_space<vmem>>) offsets(%dma_start3A_285 : memref<128xi32, #tpu.memory_space<vmem>>) semaphore(%arg17 : memref<!tpu.dma_semaphore, #tpu.memory_space<semaphore_mem>>)
      %add3A_289 = arith.constant 4 : i32
      %add3A_290 = arith.addi %mul3A_258, %add3A_289 : i32
      %add3A_291 = arith.constant 3 : i32
      %add3A_292 = arith.addi %add3A_290, %add3A_291 : i32
      %dma_start3A_293 = arith.constant 0 : i32
      %dma_start3A_294 = tpu.memref_slice %arg5[%add3A_292, %dma_start3A_293] : memref<80x128xi32, #tpu.memory_space<vmem>> -> memref<1x128xi32, #tpu.memory_space<vmem>>
      %dma_start3A_295 = tpu.memref_squeeze %dma_start3A_294 : memref<1x128xi32, #tpu.memory_space<vmem>> -> memref<128xi32, #tpu.memory_space<vmem>>
      %dma_start3A_296 = arith.constant 0 : i32
      %dma_start3A_297 = arith.constant 0 : i32
      %dma_start3A_298 = tpu.memref_slice %arg2[%dma_start3A_296, %dma_start3A_297] : memref<10000x32xf32, #tpu.memory_space<hbm>> -> memref<10000x32xf32, #tpu.memory_space<hbm>>
      tpu.enqueue_indirect_dma source(%dma_start3A_298 : memref<10000x32xf32, #tpu.memory_space<hbm>>) target(%arg14 : memref<128x32xf32, #tpu.memory_space<vmem>>) offsets(%dma_start3A_295 : memref<128xi32, #tpu.memory_space<vmem>>) semaphore(%arg17 : memref<!tpu.dma_semaphore, #tpu.memory_space<semaphore_mem>>)
      %add3A_299 = arith.constant 8 : i32
      %add3A_300 = arith.addi %mul3A_258, %add3A_299 : i32
      %add3A_301 = arith.constant 0 : i32
      %add3A_302 = arith.addi %mul3A_258, %add3A_301 : i32
      %dma_wait3A_303 = arith.constant 0 : i32
      %dma_wait3A_304 = tpu.memref_slice %arg5[%add3A_302, %dma_wait3A_303] : memref<80x128xi32, #tpu.memory_space<vmem>> -> memref<1x128xi32, #tpu.memory_space<vmem>>
      %dma_wait3A_305 = tpu.memref_squeeze %dma_wait3A_304 : memref<1x128xi32, #tpu.memory_space<vmem>> -> memref<128xi32, #tpu.memory_space<vmem>>
      %dma_wait3A_306 = arith.constant 0 : i32
      %dma_wait3A_307 = arith.constant 0 : i32
      %dma_wait3A_308 = tpu.memref_slice %arg2[%dma_wait3A_306, %dma_wait3A_307] : memref<10000x32xf32, #tpu.memory_space<hbm>> -> memref<10000x32xf32, #tpu.memory_space<hbm>>
      tpu.wait_indirect_dma semaphore(%arg16 : memref<!tpu.dma_semaphore, #tpu.memory_space<semaphore_mem>>) src(%dma_wait3A_308 : memref<10000x32xf32, #tpu.memory_space<hbm>>) dst(%arg7 : memref<128x32xf32, #tpu.memory_space<vmem>>)
      %add3A_309 = arith.constant 0 : i32
      %add3A_310 = arith.addi %mul3A_258, %add3A_309 : i32
      %dma_start3A_311 = arith.constant 0 : i32
      %dma_start3A_312 = tpu.memref_slice %arg6[%add3A_310, %dma_start3A_311] : memref<80x128xi32, #tpu.memory_space<vmem>> -> memref<1x128xi32, #tpu.memory_space<vmem>>
      %dma_start3A_313 = tpu.memref_squeeze %dma_start3A_312 : memref<1x128xi32, #tpu.memory_space<vmem>> -> memref<128xi32, #tpu.memory_space<vmem>>
      %dma_start3A_314 = arith.constant 0 : i32
      %dma_start3A_315 = arith.constant 0 : i32
      %dma_start3A_316 = tpu.memref_slice %arg15[%dma_start3A_314, %dma_start3A_315] : memref<10112x32xf32, #tpu.memory_space<vmem_shared>> -> memref<10112x32xf32, #tpu.memory_space<vmem_shared>>
      tpu.enqueue_indirect_dma source(%arg7 : memref<128x32xf32, #tpu.memory_space<vmem>>) target(%dma_start3A_316 : memref<10112x32xf32, #tpu.memory_space<vmem_shared>>) offsets(%dma_start3A_313 : memref<128xi32, #tpu.memory_space<vmem>>) semaphore(%arg18 : memref<!tpu.dma_semaphore, #tpu.memory_space<semaphore_mem>>) {add = true}
      %add3A_317 = arith.constant 1 : i32
      %add3A_318 = arith.addi %mul3A_258, %add3A_317 : i32
      %dma_wait3A_319 = arith.constant 0 : i32
      %dma_wait3A_320 = tpu.memref_slice %arg5[%add3A_318, %dma_wait3A_319] : memref<80x128xi32, #tpu.memory_space<vmem>> -> memref<1x128xi32, #tpu.memory_space<vmem>>
      %dma_wait3A_321 = tpu.memref_squeeze %dma_wait3A_320 : memref<1x128xi32, #tpu.memory_space<vmem>> -> memref<128xi32, #tpu.memory_space<vmem>>
      %dma_wait3A_322 = arith.constant 0 : i32
      %dma_wait3A_323 = arith.constant 0 : i32
      %dma_wait3A_324 = tpu.memref_slice %arg2[%dma_wait3A_322, %dma_wait3A_323] : memref<10000x32xf32, #tpu.memory_space<hbm>> -> memref<10000x32xf32, #tpu.memory_space<hbm>>
      tpu.wait_indirect_dma semaphore(%arg16 : memref<!tpu.dma_semaphore, #tpu.memory_space<semaphore_mem>>) src(%dma_wait3A_324 : memref<10000x32xf32, #tpu.memory_space<hbm>>) dst(%arg8 : memref<128x32xf32, #tpu.memory_space<vmem>>)
      %add3A_325 = arith.constant 1 : i32
      %add3A_326 = arith.addi %mul3A_258, %add3A_325 : i32
      %dma_start3A_327 = arith.constant 0 : i32
      %dma_start3A_328 = tpu.memref_slice %arg6[%add3A_326, %dma_start3A_327] : memref<80x128xi32, #tpu.memory_space<vmem>> -> memref<1x128xi32, #tpu.memory_space<vmem>>
      %dma_start3A_329 = tpu.memref_squeeze %dma_start3A_328 : memref<1x128xi32, #tpu.memory_space<vmem>> -> memref<128xi32, #tpu.memory_space<vmem>>
      %dma_start3A_330 = arith.constant 0 : i32
      %dma_start3A_331 = arith.constant 0 : i32
      %dma_start3A_332 = tpu.memref_slice %arg15[%dma_start3A_330, %dma_start3A_331] : memref<10112x32xf32, #tpu.memory_space<vmem_shared>> -> memref<10112x32xf32, #tpu.memory_space<vmem_shared>>
      tpu.enqueue_indirect_dma source(%arg8 : memref<128x32xf32, #tpu.memory_space<vmem>>) target(%dma_start3A_332 : memref<10112x32xf32, #tpu.memory_space<vmem_shared>>) offsets(%dma_start3A_329 : memref<128xi32, #tpu.memory_space<vmem>>) semaphore(%arg18 : memref<!tpu.dma_semaphore, #tpu.memory_space<semaphore_mem>>) {add = true}
      %add3A_333 = arith.constant 2 : i32
      %add3A_334 = arith.addi %mul3A_258, %add3A_333 : i32
      %dma_wait3A_335 = arith.constant 0 : i32
      %dma_wait3A_336 = tpu.memref_slice %arg5[%add3A_334, %dma_wait3A_335] : memref<80x128xi32, #tpu.memory_space<vmem>> -> memref<1x128xi32, #tpu.memory_space<vmem>>
      %dma_wait3A_337 = tpu.memref_squeeze %dma_wait3A_336 : memref<1x128xi32, #tpu.memory_space<vmem>> -> memref<128xi32, #tpu.memory_space<vmem>>
      %dma_wait3A_338 = arith.constant 0 : i32
      %dma_wait3A_339 = arith.constant 0 : i32
      %dma_wait3A_340 = tpu.memref_slice %arg2[%dma_wait3A_338, %dma_wait3A_339] : memref<10000x32xf32, #tpu.memory_space<hbm>> -> memref<10000x32xf32, #tpu.memory_space<hbm>>
      tpu.wait_indirect_dma semaphore(%arg16 : memref<!tpu.dma_semaphore, #tpu.memory_space<semaphore_mem>>) src(%dma_wait3A_340 : memref<10000x32xf32, #tpu.memory_space<hbm>>) dst(%arg9 : memref<128x32xf32, #tpu.memory_space<vmem>>)
      %add3A_341 = arith.constant 2 : i32
      %add3A_342 = arith.addi %mul3A_258, %add3A_341 : i32
      %dma_start3A_343 = arith.constant 0 : i32
      %dma_start3A_344 = tpu.memref_slice %arg6[%add3A_342, %dma_start3A_343] : memref<80x128xi32, #tpu.memory_space<vmem>> -> memref<1x128xi32, #tpu.memory_space<vmem>>
      %dma_start3A_345 = tpu.memref_squeeze %dma_start3A_344 : memref<1x128xi32, #tpu.memory_space<vmem>> -> memref<128xi32, #tpu.memory_space<vmem>>
      %dma_start3A_346 = arith.constant 0 : i32
      %dma_start3A_347 = arith.constant 0 : i32
      %dma_start3A_348 = tpu.memref_slice %arg15[%dma_start3A_346, %dma_start3A_347] : memref<10112x32xf32, #tpu.memory_space<vmem_shared>> -> memref<10112x32xf32, #tpu.memory_space<vmem_shared>>
      tpu.enqueue_indirect_dma source(%arg9 : memref<128x32xf32, #tpu.memory_space<vmem>>) target(%dma_start3A_348 : memref<10112x32xf32, #tpu.memory_space<vmem_shared>>) offsets(%dma_start3A_345 : memref<128xi32, #tpu.memory_space<vmem>>) semaphore(%arg18 : memref<!tpu.dma_semaphore, #tpu.memory_space<semaphore_mem>>) {add = true}
      %add3A_349 = arith.constant 3 : i32
      %add3A_350 = arith.addi %mul3A_258, %add3A_349 : i32
      %dma_wait3A_351 = arith.constant 0 : i32
      %dma_wait3A_352 = tpu.memref_slice %arg5[%add3A_350, %dma_wait3A_351] : memref<80x128xi32, #tpu.memory_space<vmem>> -> memref<1x128xi32, #tpu.memory_space<vmem>>
      %dma_wait3A_353 = tpu.memref_squeeze %dma_wait3A_352 : memref<1x128xi32, #tpu.memory_space<vmem>> -> memref<128xi32, #tpu.memory_space<vmem>>
      %dma_wait3A_354 = arith.constant 0 : i32
      %dma_wait3A_355 = arith.constant 0 : i32
      %dma_wait3A_356 = tpu.memref_slice %arg2[%dma_wait3A_354, %dma_wait3A_355] : memref<10000x32xf32, #tpu.memory_space<hbm>> -> memref<10000x32xf32, #tpu.memory_space<hbm>>
      tpu.wait_indirect_dma semaphore(%arg16 : memref<!tpu.dma_semaphore, #tpu.memory_space<semaphore_mem>>) src(%dma_wait3A_356 : memref<10000x32xf32, #tpu.memory_space<hbm>>) dst(%arg10 : memref<128x32xf32, #tpu.memory_space<vmem>>)
      %add3A_357 = arith.constant 3 : i32
      %add3A_358 = arith.addi %mul3A_258, %add3A_357 : i32
      %dma_start3A_359 = arith.constant 0 : i32
      %dma_start3A_360 = tpu.memref_slice %arg6[%add3A_358, %dma_start3A_359] : memref<80x128xi32, #tpu.memory_space<vmem>> -> memref<1x128xi32, #tpu.memory_space<vmem>>
      %dma_start3A_361 = tpu.memref_squeeze %dma_start3A_360 : memref<1x128xi32, #tpu.memory_space<vmem>> -> memref<128xi32, #tpu.memory_space<vmem>>
      %dma_start3A_362 = arith.constant 0 : i32
      %dma_start3A_363 = arith.constant 0 : i32
      %dma_start3A_364 = tpu.memref_slice %arg15[%dma_start3A_362, %dma_start3A_363] : memref<10112x32xf32, #tpu.memory_space<vmem_shared>> -> memref<10112x32xf32, #tpu.memory_space<vmem_shared>>
      tpu.enqueue_indirect_dma source(%arg10 : memref<128x32xf32, #tpu.memory_space<vmem>>) target(%dma_start3A_364 : memref<10112x32xf32, #tpu.memory_space<vmem_shared>>) offsets(%dma_start3A_361 : memref<128xi32, #tpu.memory_space<vmem>>) semaphore(%arg18 : memref<!tpu.dma_semaphore, #tpu.memory_space<semaphore_mem>>) {add = true}
      %dma_wait3A_365 = arith.constant 0 : i32
      %dma_wait3A_366 = tpu.memref_slice %arg6[%add3A_310, %dma_wait3A_365] : memref<80x128xi32, #tpu.memory_space<vmem>> -> memref<1x128xi32, #tpu.memory_space<vmem>>
      %dma_wait3A_367 = tpu.memref_squeeze %dma_wait3A_366 : memref<1x128xi32, #tpu.memory_space<vmem>> -> memref<128xi32, #tpu.memory_space<vmem>>
      %dma_wait3A_368 = arith.constant 0 : i32
      %dma_wait3A_369 = arith.constant 0 : i32
      %dma_wait3A_370 = tpu.memref_slice %arg15[%dma_wait3A_368, %dma_wait3A_369] : memref<10112x32xf32, #tpu.memory_space<vmem_shared>> -> memref<10112x32xf32, #tpu.memory_space<vmem_shared>>
      tpu.wait_indirect_dma semaphore(%arg18 : memref<!tpu.dma_semaphore, #tpu.memory_space<semaphore_mem>>) src(%arg7 : memref<128x32xf32, #tpu.memory_space<vmem>>) dst(%dma_wait3A_370 : memref<10112x32xf32, #tpu.memory_space<vmem_shared>>)
      %dma_wait3A_371 = arith.constant 0 : i32
      %dma_wait3A_372 = tpu.memref_slice %arg6[%add3A_326, %dma_wait3A_371] : memref<80x128xi32, #tpu.memory_space<vmem>> -> memref<1x128xi32, #tpu.memory_space<vmem>>
      %dma_wait3A_373 = tpu.memref_squeeze %dma_wait3A_372 : memref<1x128xi32, #tpu.memory_space<vmem>> -> memref<128xi32, #tpu.memory_space<vmem>>
      %dma_wait3A_374 = arith.constant 0 : i32
      %dma_wait3A_375 = arith.constant 0 : i32
      %dma_wait3A_376 = tpu.memref_slice %arg15[%dma_wait3A_374, %dma_wait3A_375] : memref<10112x32xf32, #tpu.memory_space<vmem_shared>> -> memref<10112x32xf32, #tpu.memory_space<vmem_shared>>
      tpu.wait_indirect_dma semaphore(%arg18 : memref<!tpu.dma_semaphore, #tpu.memory_space<semaphore_mem>>) src(%arg8 : memref<128x32xf32, #tpu.memory_space<vmem>>) dst(%dma_wait3A_376 : memref<10112x32xf32, #tpu.memory_space<vmem_shared>>)
      %dma_wait3A_377 = arith.constant 0 : i32
      %dma_wait3A_378 = tpu.memref_slice %arg6[%add3A_342, %dma_wait3A_377] : memref<80x128xi32, #tpu.memory_space<vmem>> -> memref<1x128xi32, #tpu.memory_space<vmem>>
      %dma_wait3A_379 = tpu.memref_squeeze %dma_wait3A_378 : memref<1x128xi32, #tpu.memory_space<vmem>> -> memref<128xi32, #tpu.memory_space<vmem>>
      %dma_wait3A_380 = arith.constant 0 : i32
      %dma_wait3A_381 = arith.constant 0 : i32
      %dma_wait3A_382 = tpu.memref_slice %arg15[%dma_wait3A_380, %dma_wait3A_381] : memref<10112x32xf32, #tpu.memory_space<vmem_shared>> -> memref<10112x32xf32, #tpu.memory_space<vmem_shared>>
      tpu.wait_indirect_dma semaphore(%arg18 : memref<!tpu.dma_semaphore, #tpu.memory_space<semaphore_mem>>) src(%arg9 : memref<128x32xf32, #tpu.memory_space<vmem>>) dst(%dma_wait3A_382 : memref<10112x32xf32, #tpu.memory_space<vmem_shared>>)
      %dma_wait3A_383 = arith.constant 0 : i32
      %dma_wait3A_384 = tpu.memref_slice %arg6[%add3A_358, %dma_wait3A_383] : memref<80x128xi32, #tpu.memory_space<vmem>> -> memref<1x128xi32, #tpu.memory_space<vmem>>
      %dma_wait3A_385 = tpu.memref_squeeze %dma_wait3A_384 : memref<1x128xi32, #tpu.memory_space<vmem>> -> memref<128xi32, #tpu.memory_space<vmem>>
      %dma_wait3A_386 = arith.constant 0 : i32
      %dma_wait3A_387 = arith.constant 0 : i32
      %dma_wait3A_388 = tpu.memref_slice %arg15[%dma_wait3A_386, %dma_wait3A_387] : memref<10112x32xf32, #tpu.memory_space<vmem_shared>> -> memref<10112x32xf32, #tpu.memory_space<vmem_shared>>
      tpu.wait_indirect_dma semaphore(%arg18 : memref<!tpu.dma_semaphore, #tpu.memory_space<semaphore_mem>>) src(%arg10 : memref<128x32xf32, #tpu.memory_space<vmem>>) dst(%dma_wait3A_388 : memref<10112x32xf32, #tpu.memory_space<vmem_shared>>)
      %add3A_389 = arith.constant 0 : i32
      %add3A_390 = arith.addi %add3A_300, %add3A_389 : i32
      %dma_start3A_391 = arith.constant 0 : i32
      %dma_start3A_392 = tpu.memref_slice %arg5[%add3A_390, %dma_start3A_391] : memref<80x128xi32, #tpu.memory_space<vmem>> -> memref<1x128xi32, #tpu.memory_space<vmem>>
      %dma_start3A_393 = tpu.memref_squeeze %dma_start3A_392 : memref<1x128xi32, #tpu.memory_space<vmem>> -> memref<128xi32, #tpu.memory_space<vmem>>
      %dma_start3A_394 = arith.constant 0 : i32
      %dma_start3A_395 = arith.constant 0 : i32
      %dma_start3A_396 = tpu.memref_slice %arg2[%dma_start3A_394, %dma_start3A_395] : memref<10000x32xf32, #tpu.memory_space<hbm>> -> memref<10000x32xf32, #tpu.memory_space<hbm>>
      tpu.enqueue_indirect_dma source(%dma_start3A_396 : memref<10000x32xf32, #tpu.memory_space<hbm>>) target(%arg7 : memref<128x32xf32, #tpu.memory_space<vmem>>) offsets(%dma_start3A_393 : memref<128xi32, #tpu.memory_space<vmem>>) semaphore(%arg16 : memref<!tpu.dma_semaphore, #tpu.memory_space<semaphore_mem>>)
      %add3A_397 = arith.constant 1 : i32
      %add3A_398 = arith.addi %add3A_300, %add3A_397 : i32
      %dma_start3A_399 = arith.constant 0 : i32
      %dma_start3A_400 = tpu.memref_slice %arg5[%add3A_398, %dma_start3A_399] : memref<80x128xi32, #tpu.memory_space<vmem>> -> memref<1x128xi32, #tpu.memory_space<vmem>>
      %dma_start3A_401 = tpu.memref_squeeze %dma_start3A_400 : memref<1x128xi32, #tpu.memory_space<vmem>> -> memref<128xi32, #tpu.memory_space<vmem>>
      %dma_start3A_402 = arith.constant 0 : i32
      %dma_start3A_403 = arith.constant 0 : i32
      %dma_start3A_404 = tpu.memref_slice %arg2[%dma_start3A_402, %dma_start3A_403] : memref<10000x32xf32, #tpu.memory_space<hbm>> -> memref<10000x32xf32, #tpu.memory_space<hbm>>
      tpu.enqueue_indirect_dma source(%dma_start3A_404 : memref<10000x32xf32, #tpu.memory_space<hbm>>) target(%arg8 : memref<128x32xf32, #tpu.memory_space<vmem>>) offsets(%dma_start3A_401 : memref<128xi32, #tpu.memory_space<vmem>>) semaphore(%arg16 : memref<!tpu.dma_semaphore, #tpu.memory_space<semaphore_mem>>)
      %add3A_405 = arith.constant 2 : i32
      %add3A_406 = arith.addi %add3A_300, %add3A_405 : i32
      %dma_start3A_407 = arith.constant 0 : i32
      %dma_start3A_408 = tpu.memref_slice %arg5[%add3A_406, %dma_start3A_407] : memref<80x128xi32, #tpu.memory_space<vmem>> -> memref<1x128xi32, #tpu.memory_space<vmem>>
      %dma_start3A_409 = tpu.memref_squeeze %dma_start3A_408 : memref<1x128xi32, #tpu.memory_space<vmem>> -> memref<128xi32, #tpu.memory_space<vmem>>
      %dma_start3A_410 = arith.constant 0 : i32
      %dma_start3A_411 = arith.constant 0 : i32
      %dma_start3A_412 = tpu.memref_slice %arg2[%dma_start3A_410, %dma_start3A_411] : memref<10000x32xf32, #tpu.memory_space<hbm>> -> memref<10000x32xf32, #tpu.memory_space<hbm>>
      tpu.enqueue_indirect_dma source(%dma_start3A_412 : memref<10000x32xf32, #tpu.memory_space<hbm>>) target(%arg9 : memref<128x32xf32, #tpu.memory_space<vmem>>) offsets(%dma_start3A_409 : memref<128xi32, #tpu.memory_space<vmem>>) semaphore(%arg16 : memref<!tpu.dma_semaphore, #tpu.memory_space<semaphore_mem>>)
      %add3A_413 = arith.constant 3 : i32
      %add3A_414 = arith.addi %add3A_300, %add3A_413 : i32
      %dma_start3A_415 = arith.constant 0 : i32
      %dma_start3A_416 = tpu.memref_slice %arg5[%add3A_414, %dma_start3A_415] : memref<80x128xi32, #tpu.memory_space<vmem>> -> memref<1x128xi32, #tpu.memory_space<vmem>>
      %dma_start3A_417 = tpu.memref_squeeze %dma_start3A_416 : memref<1x128xi32, #tpu.memory_space<vmem>> -> memref<128xi32, #tpu.memory_space<vmem>>
      %dma_start3A_418 = arith.constant 0 : i32
      %dma_start3A_419 = arith.constant 0 : i32
      %dma_start3A_420 = tpu.memref_slice %arg2[%dma_start3A_418, %dma_start3A_419] : memref<10000x32xf32, #tpu.memory_space<hbm>> -> memref<10000x32xf32, #tpu.memory_space<hbm>>
      tpu.enqueue_indirect_dma source(%dma_start3A_420 : memref<10000x32xf32, #tpu.memory_space<hbm>>) target(%arg10 : memref<128x32xf32, #tpu.memory_space<vmem>>) offsets(%dma_start3A_417 : memref<128xi32, #tpu.memory_space<vmem>>) semaphore(%arg16 : memref<!tpu.dma_semaphore, #tpu.memory_space<semaphore_mem>>)
      %add3A_421 = arith.constant 4 : i32
      %add3A_422 = arith.addi %mul3A_258, %add3A_421 : i32
      %add3A_423 = arith.constant 0 : i32
      %add3A_424 = arith.addi %add3A_422, %add3A_423 : i32
      %dma_wait3A_425 = arith.constant 0 : i32
      %dma_wait3A_426 = tpu.memref_slice %arg5[%add3A_424, %dma_wait3A_425] : memref<80x128xi32, #tpu.memory_space<vmem>> -> memref<1x128xi32, #tpu.memory_space<vmem>>
      %dma_wait3A_427 = tpu.memref_squeeze %dma_wait3A_426 : memref<1x128xi32, #tpu.memory_space<vmem>> -> memref<128xi32, #tpu.memory_space<vmem>>
      %dma_wait3A_428 = arith.constant 0 : i32
      %dma_wait3A_429 = arith.constant 0 : i32
      %dma_wait3A_430 = tpu.memref_slice %arg2[%dma_wait3A_428, %dma_wait3A_429] : memref<10000x32xf32, #tpu.memory_space<hbm>> -> memref<10000x32xf32, #tpu.memory_space<hbm>>
      tpu.wait_indirect_dma semaphore(%arg17 : memref<!tpu.dma_semaphore, #tpu.memory_space<semaphore_mem>>) src(%dma_wait3A_430 : memref<10000x32xf32, #tpu.memory_space<hbm>>) dst(%arg11 : memref<128x32xf32, #tpu.memory_space<vmem>>)
      %add3A_431 = arith.constant 0 : i32
      %add3A_432 = arith.addi %add3A_422, %add3A_431 : i32
      %dma_start3A_433 = arith.constant 0 : i32
      %dma_start3A_434 = tpu.memref_slice %arg6[%add3A_432, %dma_start3A_433] : memref<80x128xi32, #tpu.memory_space<vmem>> -> memref<1x128xi32, #tpu.memory_space<vmem>>
      %dma_start3A_435 = tpu.memref_squeeze %dma_start3A_434 : memref<1x128xi32, #tpu.memory_space<vmem>> -> memref<128xi32, #tpu.memory_space<vmem>>
      %dma_start3A_436 = arith.constant 0 : i32
      %dma_start3A_437 = arith.constant 0 : i32
      %dma_start3A_438 = tpu.memref_slice %arg15[%dma_start3A_436, %dma_start3A_437] : memref<10112x32xf32, #tpu.memory_space<vmem_shared>> -> memref<10112x32xf32, #tpu.memory_space<vmem_shared>>
      tpu.enqueue_indirect_dma source(%arg11 : memref<128x32xf32, #tpu.memory_space<vmem>>) target(%dma_start3A_438 : memref<10112x32xf32, #tpu.memory_space<vmem_shared>>) offsets(%dma_start3A_435 : memref<128xi32, #tpu.memory_space<vmem>>) semaphore(%arg19 : memref<!tpu.dma_semaphore, #tpu.memory_space<semaphore_mem>>) {add = true}
      %add3A_439 = arith.constant 1 : i32
      %add3A_440 = arith.addi %add3A_422, %add3A_439 : i32
      %dma_wait3A_441 = arith.constant 0 : i32
      %dma_wait3A_442 = tpu.memref_slice %arg5[%add3A_440, %dma_wait3A_441] : memref<80x128xi32, #tpu.memory_space<vmem>> -> memref<1x128xi32, #tpu.memory_space<vmem>>
      %dma_wait3A_443 = tpu.memref_squeeze %dma_wait3A_442 : memref<1x128xi32, #tpu.memory_space<vmem>> -> memref<128xi32, #tpu.memory_space<vmem>>
      %dma_wait3A_444 = arith.constant 0 : i32
      %dma_wait3A_445 = arith.constant 0 : i32
      %dma_wait3A_446 = tpu.memref_slice %arg2[%dma_wait3A_444, %dma_wait3A_445] : memref<10000x32xf32, #tpu.memory_space<hbm>> -> memref<10000x32xf32, #tpu.memory_space<hbm>>
      tpu.wait_indirect_dma semaphore(%arg17 : memref<!tpu.dma_semaphore, #tpu.memory_space<semaphore_mem>>) src(%dma_wait3A_446 : memref<10000x32xf32, #tpu.memory_space<hbm>>) dst(%arg12 : memref<128x32xf32, #tpu.memory_space<vmem>>)
      %add3A_447 = arith.constant 1 : i32
      %add3A_448 = arith.addi %add3A_422, %add3A_447 : i32
      %dma_start3A_449 = arith.constant 0 : i32
      %dma_start3A_450 = tpu.memref_slice %arg6[%add3A_448, %dma_start3A_449] : memref<80x128xi32, #tpu.memory_space<vmem>> -> memref<1x128xi32, #tpu.memory_space<vmem>>
      %dma_start3A_451 = tpu.memref_squeeze %dma_start3A_450 : memref<1x128xi32, #tpu.memory_space<vmem>> -> memref<128xi32, #tpu.memory_space<vmem>>
      %dma_start3A_452 = arith.constant 0 : i32
      %dma_start3A_453 = arith.constant 0 : i32
      %dma_start3A_454 = tpu.memref_slice %arg15[%dma_start3A_452, %dma_start3A_453] : memref<10112x32xf32, #tpu.memory_space<vmem_shared>> -> memref<10112x32xf32, #tpu.memory_space<vmem_shared>>
      tpu.enqueue_indirect_dma source(%arg12 : memref<128x32xf32, #tpu.memory_space<vmem>>) target(%dma_start3A_454 : memref<10112x32xf32, #tpu.memory_space<vmem_shared>>) offsets(%dma_start3A_451 : memref<128xi32, #tpu.memory_space<vmem>>) semaphore(%arg19 : memref<!tpu.dma_semaphore, #tpu.memory_space<semaphore_mem>>) {add = true}
      %add3A_455 = arith.constant 2 : i32
      %add3A_456 = arith.addi %add3A_422, %add3A_455 : i32
      %dma_wait3A_457 = arith.constant 0 : i32
      %dma_wait3A_458 = tpu.memref_slice %arg5[%add3A_456, %dma_wait3A_457] : memref<80x128xi32, #tpu.memory_space<vmem>> -> memref<1x128xi32, #tpu.memory_space<vmem>>
      %dma_wait3A_459 = tpu.memref_squeeze %dma_wait3A_458 : memref<1x128xi32, #tpu.memory_space<vmem>> -> memref<128xi32, #tpu.memory_space<vmem>>
      %dma_wait3A_460 = arith.constant 0 : i32
      %dma_wait3A_461 = arith.constant 0 : i32
      %dma_wait3A_462 = tpu.memref_slice %arg2[%dma_wait3A_460, %dma_wait3A_461] : memref<10000x32xf32, #tpu.memory_space<hbm>> -> memref<10000x32xf32, #tpu.memory_space<hbm>>
      tpu.wait_indirect_dma semaphore(%arg17 : memref<!tpu.dma_semaphore, #tpu.memory_space<semaphore_mem>>) src(%dma_wait3A_462 : memref<10000x32xf32, #tpu.memory_space<hbm>>) dst(%arg13 : memref<128x32xf32, #tpu.memory_space<vmem>>)
      %add3A_463 = arith.constant 2 : i32
      %add3A_464 = arith.addi %add3A_422, %add3A_463 : i32
      %dma_start3A_465 = arith.constant 0 : i32
      %dma_start3A_466 = tpu.memref_slice %arg6[%add3A_464, %dma_start3A_465] : memref<80x128xi32, #tpu.memory_space<vmem>> -> memref<1x128xi32, #tpu.memory_space<vmem>>
      %dma_start3A_467 = tpu.memref_squeeze %dma_start3A_466 : memref<1x128xi32, #tpu.memory_space<vmem>> -> memref<128xi32, #tpu.memory_space<vmem>>
      %dma_start3A_468 = arith.constant 0 : i32
      %dma_start3A_469 = arith.constant 0 : i32
      %dma_start3A_470 = tpu.memref_slice %arg15[%dma_start3A_468, %dma_start3A_469] : memref<10112x32xf32, #tpu.memory_space<vmem_shared>> -> memref<10112x32xf32, #tpu.memory_space<vmem_shared>>
      tpu.enqueue_indirect_dma source(%arg13 : memref<128x32xf32, #tpu.memory_space<vmem>>) target(%dma_start3A_470 : memref<10112x32xf32, #tpu.memory_space<vmem_shared>>) offsets(%dma_start3A_467 : memref<128xi32, #tpu.memory_space<vmem>>) semaphore(%arg19 : memref<!tpu.dma_semaphore, #tpu.memory_space<semaphore_mem>>) {add = true}
      %add3A_471 = arith.constant 3 : i32
      %add3A_472 = arith.addi %add3A_422, %add3A_471 : i32
      %dma_wait3A_473 = arith.constant 0 : i32
      %dma_wait3A_474 = tpu.memref_slice %arg5[%add3A_472, %dma_wait3A_473] : memref<80x128xi32, #tpu.memory_space<vmem>> -> memref<1x128xi32, #tpu.memory_space<vmem>>
      %dma_wait3A_475 = tpu.memref_squeeze %dma_wait3A_474 : memref<1x128xi32, #tpu.memory_space<vmem>> -> memref<128xi32, #tpu.memory_space<vmem>>
      %dma_wait3A_476 = arith.constant 0 : i32
      %dma_wait3A_477 = arith.constant 0 : i32
      %dma_wait3A_478 = tpu.memref_slice %arg2[%dma_wait3A_476, %dma_wait3A_477] : memref<10000x32xf32, #tpu.memory_space<hbm>> -> memref<10000x32xf32, #tpu.memory_space<hbm>>
      tpu.wait_indirect_dma semaphore(%arg17 : memref<!tpu.dma_semaphore, #tpu.memory_space<semaphore_mem>>) src(%dma_wait3A_478 : memref<10000x32xf32, #tpu.memory_space<hbm>>) dst(%arg14 : memref<128x32xf32, #tpu.memory_space<vmem>>)
      %add3A_479 = arith.constant 3 : i32
      %add3A_480 = arith.addi %add3A_422, %add3A_479 : i32
      %dma_start3A_481 = arith.constant 0 : i32
      %dma_start3A_482 = tpu.memref_slice %arg6[%add3A_480, %dma_start3A_481] : memref<80x128xi32, #tpu.memory_space<vmem>> -> memref<1x128xi32, #tpu.memory_space<vmem>>
      %dma_start3A_483 = tpu.memref_squeeze %dma_start3A_482 : memref<1x128xi32, #tpu.memory_space<vmem>> -> memref<128xi32, #tpu.memory_space<vmem>>
      %dma_start3A_484 = arith.constant 0 : i32
      %dma_start3A_485 = arith.constant 0 : i32
      %dma_start3A_486 = tpu.memref_slice %arg15[%dma_start3A_484, %dma_start3A_485] : memref<10112x32xf32, #tpu.memory_space<vmem_shared>> -> memref<10112x32xf32, #tpu.memory_space<vmem_shared>>
      tpu.enqueue_indirect_dma source(%arg14 : memref<128x32xf32, #tpu.memory_space<vmem>>) target(%dma_start3A_486 : memref<10112x32xf32, #tpu.memory_space<vmem_shared>>) offsets(%dma_start3A_483 : memref<128xi32, #tpu.memory_space<vmem>>) semaphore(%arg19 : memref<!tpu.dma_semaphore, #tpu.memory_space<semaphore_mem>>) {add = true}
      %dma_wait3A_487 = arith.constant 0 : i32
      %dma_wait3A_488 = tpu.memref_slice %arg6[%add3A_432, %dma_wait3A_487] : memref<80x128xi32, #tpu.memory_space<vmem>> -> memref<1x128xi32, #tpu.memory_space<vmem>>
      %dma_wait3A_489 = tpu.memref_squeeze %dma_wait3A_488 : memref<1x128xi32, #tpu.memory_space<vmem>> -> memref<128xi32, #tpu.memory_space<vmem>>
      %dma_wait3A_490 = arith.constant 0 : i32
      %dma_wait3A_491 = arith.constant 0 : i32
      %dma_wait3A_492 = tpu.memref_slice %arg15[%dma_wait3A_490, %dma_wait3A_491] : memref<10112x32xf32, #tpu.memory_space<vmem_shared>> -> memref<10112x32xf32, #tpu.memory_space<vmem_shared>>
      tpu.wait_indirect_dma semaphore(%arg19 : memref<!tpu.dma_semaphore, #tpu.memory_space<semaphore_mem>>) src(%arg11 : memref<128x32xf32, #tpu.memory_space<vmem>>) dst(%dma_wait3A_492 : memref<10112x32xf32, #tpu.memory_space<vmem_shared>>)
      %dma_wait3A_493 = arith.constant 0 : i32
      %dma_wait3A_494 = tpu.memref_slice %arg6[%add3A_448, %dma_wait3A_493] : memref<80x128xi32, #tpu.memory_space<vmem>> -> memref<1x128xi32, #tpu.memory_space<vmem>>
      %dma_wait3A_495 = tpu.memref_squeeze %dma_wait3A_494 : memref<1x128xi32, #tpu.memory_space<vmem>> -> memref<128xi32, #tpu.memory_space<vmem>>
      %dma_wait3A_496 = arith.constant 0 : i32
      %dma_wait3A_497 = arith.constant 0 : i32
      %dma_wait3A_498 = tpu.memref_slice %arg15[%dma_wait3A_496, %dma_wait3A_497] : memref<10112x32xf32, #tpu.memory_space<vmem_shared>> -> memref<10112x32xf32, #tpu.memory_space<vmem_shared>>
      tpu.wait_indirect_dma semaphore(%arg19 : memref<!tpu.dma_semaphore, #tpu.memory_space<semaphore_mem>>) src(%arg12 : memref<128x32xf32, #tpu.memory_space<vmem>>) dst(%dma_wait3A_498 : memref<10112x32xf32, #tpu.memory_space<vmem_shared>>)
      %dma_wait3A_499 = arith.constant 0 : i32
      %dma_wait3A_500 = tpu.memref_slice %arg6[%add3A_464, %dma_wait3A_499] : memref<80x128xi32, #tpu.memory_space<vmem>> -> memref<1x128xi32, #tpu.memory_space<vmem>>
      %dma_wait3A_501 = tpu.memref_squeeze %dma_wait3A_500 : memref<1x128xi32, #tpu.memory_space<vmem>> -> memref<128xi32, #tpu.memory_space<vmem>>
      %dma_wait3A_502 = arith.constant 0 : i32
      %dma_wait3A_503 = arith.constant 0 : i32
      %dma_wait3A_504 = tpu.memref_slice %arg15[%dma_wait3A_502, %dma_wait3A_503] : memref<10112x32xf32, #tpu.memory_space<vmem_shared>> -> memref<10112x32xf32, #tpu.memory_space<vmem_shared>>
      tpu.wait_indirect_dma semaphore(%arg19 : memref<!tpu.dma_semaphore, #tpu.memory_space<semaphore_mem>>) src(%arg13 : memref<128x32xf32, #tpu.memory_space<vmem>>) dst(%dma_wait3A_504 : memref<10112x32xf32, #tpu.memory_space<vmem_shared>>)
      %dma_wait3A_505 = arith.constant 0 : i32
      %dma_wait3A_506 = tpu.memref_slice %arg6[%add3A_480, %dma_wait3A_505] : memref<80x128xi32, #tpu.memory_space<vmem>> -> memref<1x128xi32, #tpu.memory_space<vmem>>
      %dma_wait3A_507 = tpu.memref_squeeze %dma_wait3A_506 : memref<1x128xi32, #tpu.memory_space<vmem>> -> memref<128xi32, #tpu.memory_space<vmem>>
      %dma_wait3A_508 = arith.constant 0 : i32
      %dma_wait3A_509 = arith.constant 0 : i32
      %dma_wait3A_510 = tpu.memref_slice %arg15[%dma_wait3A_508, %dma_wait3A_509] : memref<10112x32xf32, #tpu.memory_space<vmem_shared>> -> memref<10112x32xf32, #tpu.memory_space<vmem_shared>>
      tpu.wait_indirect_dma semaphore(%arg19 : memref<!tpu.dma_semaphore, #tpu.memory_space<semaphore_mem>>) src(%arg14 : memref<128x32xf32, #tpu.memory_space<vmem>>) dst(%dma_wait3A_510 : memref<10112x32xf32, #tpu.memory_space<vmem_shared>>)
      %scan3A_511 = arith.constant 0 : i32
      scf.yield %scan3A_511 : i32
    }
    %scan3A_54 = arith.constant 9 : i32
    %dma_start3A_55 = arith.constant 76 : i32
    %dma_start3A_56 = arith.constant 0 : i32
    %dma_start3A_57 = tpu.memref_slice %arg5[%dma_start3A_55, %dma_start3A_56] : memref<80x128xi32, #tpu.memory_space<vmem>> -> memref<1x128xi32, #tpu.memory_space<vmem>>
    %dma_start3A_58 = tpu.memref_squeeze %dma_start3A_57 : memref<1x128xi32, #tpu.memory_space<vmem>> -> memref<128xi32, #tpu.memory_space<vmem>>
    %dma_start3A_59 = arith.constant 0 : i32
    %dma_start3A_60 = arith.constant 0 : i32
    %dma_start3A_61 = tpu.memref_slice %arg2[%dma_start3A_59, %dma_start3A_60] : memref<10000x32xf32, #tpu.memory_space<hbm>> -> memref<10000x32xf32, #tpu.memory_space<hbm>>
    tpu.enqueue_indirect_dma source(%dma_start3A_61 : memref<10000x32xf32, #tpu.memory_space<hbm>>) target(%arg11 : memref<128x32xf32, #tpu.memory_space<vmem>>) offsets(%dma_start3A_58 : memref<128xi32, #tpu.memory_space<vmem>>) semaphore(%arg17 : memref<!tpu.dma_semaphore, #tpu.memory_space<semaphore_mem>>)
    %dma_start3A_62 = arith.constant 77 : i32
    %dma_start3A_63 = arith.constant 0 : i32
    %dma_start3A_64 = tpu.memref_slice %arg5[%dma_start3A_62, %dma_start3A_63] : memref<80x128xi32, #tpu.memory_space<vmem>> -> memref<1x128xi32, #tpu.memory_space<vmem>>
    %dma_start3A_65 = tpu.memref_squeeze %dma_start3A_64 : memref<1x128xi32, #tpu.memory_space<vmem>> -> memref<128xi32, #tpu.memory_space<vmem>>
    %dma_start3A_66 = arith.constant 0 : i32
    %dma_start3A_67 = arith.constant 0 : i32
    %dma_start3A_68 = tpu.memref_slice %arg2[%dma_start3A_66, %dma_start3A_67] : memref<10000x32xf32, #tpu.memory_space<hbm>> -> memref<10000x32xf32, #tpu.memory_space<hbm>>
    tpu.enqueue_indirect_dma source(%dma_start3A_68 : memref<10000x32xf32, #tpu.memory_space<hbm>>) target(%arg12 : memref<128x32xf32, #tpu.memory_space<vmem>>) offsets(%dma_start3A_65 : memref<128xi32, #tpu.memory_space<vmem>>) semaphore(%arg17 : memref<!tpu.dma_semaphore, #tpu.memory_space<semaphore_mem>>)
    %dma_start3A_69 = arith.constant 78 : i32
    %dma_start3A_70 = arith.constant 0 : i32
    %dma_start3A_71 = tpu.memref_slice %arg5[%dma_start3A_69, %dma_start3A_70] : memref<80x128xi32, #tpu.memory_space<vmem>> -> memref<1x128xi32, #tpu.memory_space<vmem>>
    %dma_start3A_72 = tpu.memref_squeeze %dma_start3A_71 : memref<1x128xi32, #tpu.memory_space<vmem>> -> memref<128xi32, #tpu.memory_space<vmem>>
    %dma_start3A_73 = arith.constant 0 : i32
    %dma_start3A_74 = arith.constant 0 : i32
    %dma_start3A_75 = tpu.memref_slice %arg2[%dma_start3A_73, %dma_start3A_74] : memref<10000x32xf32, #tpu.memory_space<hbm>> -> memref<10000x32xf32, #tpu.memory_space<hbm>>
    tpu.enqueue_indirect_dma source(%dma_start3A_75 : memref<10000x32xf32, #tpu.memory_space<hbm>>) target(%arg13 : memref<128x32xf32, #tpu.memory_space<vmem>>) offsets(%dma_start3A_72 : memref<128xi32, #tpu.memory_space<vmem>>) semaphore(%arg17 : memref<!tpu.dma_semaphore, #tpu.memory_space<semaphore_mem>>)
    %dma_start3A_76 = arith.constant 79 : i32
    %dma_start3A_77 = arith.constant 0 : i32
    %dma_start3A_78 = tpu.memref_slice %arg5[%dma_start3A_76, %dma_start3A_77] : memref<80x128xi32, #tpu.memory_space<vmem>> -> memref<1x128xi32, #tpu.memory_space<vmem>>
    %dma_start3A_79 = tpu.memref_squeeze %dma_start3A_78 : memref<1x128xi32, #tpu.memory_space<vmem>> -> memref<128xi32, #tpu.memory_space<vmem>>
    %dma_start3A_80 = arith.constant 0 : i32
    %dma_start3A_81 = arith.constant 0 : i32
    %dma_start3A_82 = tpu.memref_slice %arg2[%dma_start3A_80, %dma_start3A_81] : memref<10000x32xf32, #tpu.memory_space<hbm>> -> memref<10000x32xf32, #tpu.memory_space<hbm>>
    tpu.enqueue_indirect_dma source(%dma_start3A_82 : memref<10000x32xf32, #tpu.memory_space<hbm>>) target(%arg14 : memref<128x32xf32, #tpu.memory_space<vmem>>) offsets(%dma_start3A_79 : memref<128xi32, #tpu.memory_space<vmem>>) semaphore(%arg17 : memref<!tpu.dma_semaphore, #tpu.memory_space<semaphore_mem>>)
    %dma_wait3A = arith.constant 72 : i32
    %dma_wait3A_83 = arith.constant 0 : i32
    %dma_wait3A_84 = tpu.memref_slice %arg5[%dma_wait3A, %dma_wait3A_83] : memref<80x128xi32, #tpu.memory_space<vmem>> -> memref<1x128xi32, #tpu.memory_space<vmem>>
    %dma_wait3A_85 = tpu.memref_squeeze %dma_wait3A_84 : memref<1x128xi32, #tpu.memory_space<vmem>> -> memref<128xi32, #tpu.memory_space<vmem>>
    %dma_wait3A_86 = arith.constant 0 : i32
    %dma_wait3A_87 = arith.constant 0 : i32
    %dma_wait3A_88 = tpu.memref_slice %arg2[%dma_wait3A_86, %dma_wait3A_87] : memref<10000x32xf32, #tpu.memory_space<hbm>> -> memref<10000x32xf32, #tpu.memory_space<hbm>>
    tpu.wait_indirect_dma semaphore(%arg16 : memref<!tpu.dma_semaphore, #tpu.memory_space<semaphore_mem>>) src(%dma_wait3A_88 : memref<10000x32xf32, #tpu.memory_space<hbm>>) dst(%arg7 : memref<128x32xf32, #tpu.memory_space<vmem>>)
    %dma_start3A_89 = arith.constant 72 : i32
    %dma_start3A_90 = arith.constant 0 : i32
    %dma_start3A_91 = tpu.memref_slice %arg6[%dma_start3A_89, %dma_start3A_90] : memref<80x128xi32, #tpu.memory_space<vmem>> -> memref<1x128xi32, #tpu.memory_space<vmem>>
    %dma_start3A_92 = tpu.memref_squeeze %dma_start3A_91 : memref<1x128xi32, #tpu.memory_space<vmem>> -> memref<128xi32, #tpu.memory_space<vmem>>
    %dma_start3A_93 = arith.constant 0 : i32
    %dma_start3A_94 = arith.constant 0 : i32
    %dma_start3A_95 = tpu.memref_slice %arg15[%dma_start3A_93, %dma_start3A_94] : memref<10112x32xf32, #tpu.memory_space<vmem_shared>> -> memref<10112x32xf32, #tpu.memory_space<vmem_shared>>
    tpu.enqueue_indirect_dma source(%arg7 : memref<128x32xf32, #tpu.memory_space<vmem>>) target(%dma_start3A_95 : memref<10112x32xf32, #tpu.memory_space<vmem_shared>>) offsets(%dma_start3A_92 : memref<128xi32, #tpu.memory_space<vmem>>) semaphore(%arg18 : memref<!tpu.dma_semaphore, #tpu.memory_space<semaphore_mem>>) {add = true}
    %dma_wait3A_96 = arith.constant 73 : i32
    %dma_wait3A_97 = arith.constant 0 : i32
    %dma_wait3A_98 = tpu.memref_slice %arg5[%dma_wait3A_96, %dma_wait3A_97] : memref<80x128xi32, #tpu.memory_space<vmem>> -> memref<1x128xi32, #tpu.memory_space<vmem>>
    %dma_wait3A_99 = tpu.memref_squeeze %dma_wait3A_98 : memref<1x128xi32, #tpu.memory_space<vmem>> -> memref<128xi32, #tpu.memory_space<vmem>>
    %dma_wait3A_100 = arith.constant 0 : i32
    %dma_wait3A_101 = arith.constant 0 : i32
    %dma_wait3A_102 = tpu.memref_slice %arg2[%dma_wait3A_100, %dma_wait3A_101] : memref<10000x32xf32, #tpu.memory_space<hbm>> -> memref<10000x32xf32, #tpu.memory_space<hbm>>
    tpu.wait_indirect_dma semaphore(%arg16 : memref<!tpu.dma_semaphore, #tpu.memory_space<semaphore_mem>>) src(%dma_wait3A_102 : memref<10000x32xf32, #tpu.memory_space<hbm>>) dst(%arg8 : memref<128x32xf32, #tpu.memory_space<vmem>>)
    %dma_start3A_103 = arith.constant 73 : i32
    %dma_start3A_104 = arith.constant 0 : i32
    %dma_start3A_105 = tpu.memref_slice %arg6[%dma_start3A_103, %dma_start3A_104] : memref<80x128xi32, #tpu.memory_space<vmem>> -> memref<1x128xi32, #tpu.memory_space<vmem>>
    %dma_start3A_106 = tpu.memref_squeeze %dma_start3A_105 : memref<1x128xi32, #tpu.memory_space<vmem>> -> memref<128xi32, #tpu.memory_space<vmem>>
    %dma_start3A_107 = arith.constant 0 : i32
    %dma_start3A_108 = arith.constant 0 : i32
    %dma_start3A_109 = tpu.memref_slice %arg15[%dma_start3A_107, %dma_start3A_108] : memref<10112x32xf32, #tpu.memory_space<vmem_shared>> -> memref<10112x32xf32, #tpu.memory_space<vmem_shared>>
    tpu.enqueue_indirect_dma source(%arg8 : memref<128x32xf32, #tpu.memory_space<vmem>>) target(%dma_start3A_109 : memref<10112x32xf32, #tpu.memory_space<vmem_shared>>) offsets(%dma_start3A_106 : memref<128xi32, #tpu.memory_space<vmem>>) semaphore(%arg18 : memref<!tpu.dma_semaphore, #tpu.memory_space<semaphore_mem>>) {add = true}
    %dma_wait3A_110 = arith.constant 74 : i32
    %dma_wait3A_111 = arith.constant 0 : i32
    %dma_wait3A_112 = tpu.memref_slice %arg5[%dma_wait3A_110, %dma_wait3A_111] : memref<80x128xi32, #tpu.memory_space<vmem>> -> memref<1x128xi32, #tpu.memory_space<vmem>>
    %dma_wait3A_113 = tpu.memref_squeeze %dma_wait3A_112 : memref<1x128xi32, #tpu.memory_space<vmem>> -> memref<128xi32, #tpu.memory_space<vmem>>
    %dma_wait3A_114 = arith.constant 0 : i32
    %dma_wait3A_115 = arith.constant 0 : i32
    %dma_wait3A_116 = tpu.memref_slice %arg2[%dma_wait3A_114, %dma_wait3A_115] : memref<10000x32xf32, #tpu.memory_space<hbm>> -> memref<10000x32xf32, #tpu.memory_space<hbm>>
    tpu.wait_indirect_dma semaphore(%arg16 : memref<!tpu.dma_semaphore, #tpu.memory_space<semaphore_mem>>) src(%dma_wait3A_116 : memref<10000x32xf32, #tpu.memory_space<hbm>>) dst(%arg9 : memref<128x32xf32, #tpu.memory_space<vmem>>)
    %dma_start3A_117 = arith.constant 74 : i32
    %dma_start3A_118 = arith.constant 0 : i32
    %dma_start3A_119 = tpu.memref_slice %arg6[%dma_start3A_117, %dma_start3A_118] : memref<80x128xi32, #tpu.memory_space<vmem>> -> memref<1x128xi32, #tpu.memory_space<vmem>>
    %dma_start3A_120 = tpu.memref_squeeze %dma_start3A_119 : memref<1x128xi32, #tpu.memory_space<vmem>> -> memref<128xi32, #tpu.memory_space<vmem>>
    %dma_start3A_121 = arith.constant 0 : i32
    %dma_start3A_122 = arith.constant 0 : i32
    %dma_start3A_123 = tpu.memref_slice %arg15[%dma_start3A_121, %dma_start3A_122] : memref<10112x32xf32, #tpu.memory_space<vmem_shared>> -> memref<10112x32xf32, #tpu.memory_space<vmem_shared>>
    tpu.enqueue_indirect_dma source(%arg9 : memref<128x32xf32, #tpu.memory_space<vmem>>) target(%dma_start3A_123 : memref<10112x32xf32, #tpu.memory_space<vmem_shared>>) offsets(%dma_start3A_120 : memref<128xi32, #tpu.memory_space<vmem>>) semaphore(%arg18 : memref<!tpu.dma_semaphore, #tpu.memory_space<semaphore_mem>>) {add = true}
    %dma_wait3A_124 = arith.constant 75 : i32
    %dma_wait3A_125 = arith.constant 0 : i32
    %dma_wait3A_126 = tpu.memref_slice %arg5[%dma_wait3A_124, %dma_wait3A_125] : memref<80x128xi32, #tpu.memory_space<vmem>> -> memref<1x128xi32, #tpu.memory_space<vmem>>
    %dma_wait3A_127 = tpu.memref_squeeze %dma_wait3A_126 : memref<1x128xi32, #tpu.memory_space<vmem>> -> memref<128xi32, #tpu.memory_space<vmem>>
    %dma_wait3A_128 = arith.constant 0 : i32
    %dma_wait3A_129 = arith.constant 0 : i32
    %dma_wait3A_130 = tpu.memref_slice %arg2[%dma_wait3A_128, %dma_wait3A_129] : memref<10000x32xf32, #tpu.memory_space<hbm>> -> memref<10000x32xf32, #tpu.memory_space<hbm>>
    tpu.wait_indirect_dma semaphore(%arg16 : memref<!tpu.dma_semaphore, #tpu.memory_space<semaphore_mem>>) src(%dma_wait3A_130 : memref<10000x32xf32, #tpu.memory_space<hbm>>) dst(%arg10 : memref<128x32xf32, #tpu.memory_space<vmem>>)
    %dma_start3A_131 = arith.constant 75 : i32
    %dma_start3A_132 = arith.constant 0 : i32
    %dma_start3A_133 = tpu.memref_slice %arg6[%dma_start3A_131, %dma_start3A_132] : memref<80x128xi32, #tpu.memory_space<vmem>> -> memref<1x128xi32, #tpu.memory_space<vmem>>
    %dma_start3A_134 = tpu.memref_squeeze %dma_start3A_133 : memref<1x128xi32, #tpu.memory_space<vmem>> -> memref<128xi32, #tpu.memory_space<vmem>>
    %dma_start3A_135 = arith.constant 0 : i32
    %dma_start3A_136 = arith.constant 0 : i32
    %dma_start3A_137 = tpu.memref_slice %arg15[%dma_start3A_135, %dma_start3A_136] : memref<10112x32xf32, #tpu.memory_space<vmem_shared>> -> memref<10112x32xf32, #tpu.memory_space<vmem_shared>>
    tpu.enqueue_indirect_dma source(%arg10 : memref<128x32xf32, #tpu.memory_space<vmem>>) target(%dma_start3A_137 : memref<10112x32xf32, #tpu.memory_space<vmem_shared>>) offsets(%dma_start3A_134 : memref<128xi32, #tpu.memory_space<vmem>>) semaphore(%arg18 : memref<!tpu.dma_semaphore, #tpu.memory_space<semaphore_mem>>) {add = true}
    %dma_wait3A_138 = arith.constant 72 : i32
    %dma_wait3A_139 = arith.constant 0 : i32
    %dma_wait3A_140 = tpu.memref_slice %arg6[%dma_wait3A_138, %dma_wait3A_139] : memref<80x128xi32, #tpu.memory_space<vmem>> -> memref<1x128xi32, #tpu.memory_space<vmem>>
    %dma_wait3A_141 = tpu.memref_squeeze %dma_wait3A_140 : memref<1x128xi32, #tpu.memory_space<vmem>> -> memref<128xi32, #tpu.memory_space<vmem>>
    %dma_wait3A_142 = arith.constant 0 : i32
    %dma_wait3A_143 = arith.constant 0 : i32
    %dma_wait3A_144 = tpu.memref_slice %arg15[%dma_wait3A_142, %dma_wait3A_143] : memref<10112x32xf32, #tpu.memory_space<vmem_shared>> -> memref<10112x32xf32, #tpu.memory_space<vmem_shared>>
    tpu.wait_indirect_dma semaphore(%arg18 : memref<!tpu.dma_semaphore, #tpu.memory_space<semaphore_mem>>) src(%arg7 : memref<128x32xf32, #tpu.memory_space<vmem>>) dst(%dma_wait3A_144 : memref<10112x32xf32, #tpu.memory_space<vmem_shared>>)
    %dma_wait3A_145 = arith.constant 73 : i32
    %dma_wait3A_146 = arith.constant 0 : i32
    %dma_wait3A_147 = tpu.memref_slice %arg6[%dma_wait3A_145, %dma_wait3A_146] : memref<80x128xi32, #tpu.memory_space<vmem>> -> memref<1x128xi32, #tpu.memory_space<vmem>>
    %dma_wait3A_148 = tpu.memref_squeeze %dma_wait3A_147 : memref<1x128xi32, #tpu.memory_space<vmem>> -> memref<128xi32, #tpu.memory_space<vmem>>
    %dma_wait3A_149 = arith.constant 0 : i32
    %dma_wait3A_150 = arith.constant 0 : i32
    %dma_wait3A_151 = tpu.memref_slice %arg15[%dma_wait3A_149, %dma_wait3A_150] : memref<10112x32xf32, #tpu.memory_space<vmem_shared>> -> memref<10112x32xf32, #tpu.memory_space<vmem_shared>>
    tpu.wait_indirect_dma semaphore(%arg18 : memref<!tpu.dma_semaphore, #tpu.memory_space<semaphore_mem>>) src(%arg8 : memref<128x32xf32, #tpu.memory_space<vmem>>) dst(%dma_wait3A_151 : memref<10112x32xf32, #tpu.memory_space<vmem_shared>>)
    %dma_wait3A_152 = arith.constant 74 : i32
    %dma_wait3A_153 = arith.constant 0 : i32
    %dma_wait3A_154 = tpu.memref_slice %arg6[%dma_wait3A_152, %dma_wait3A_153] : memref<80x128xi32, #tpu.memory_space<vmem>> -> memref<1x128xi32, #tpu.memory_space<vmem>>
    %dma_wait3A_155 = tpu.memref_squeeze %dma_wait3A_154 : memref<1x128xi32, #tpu.memory_space<vmem>> -> memref<128xi32, #tpu.memory_space<vmem>>
    %dma_wait3A_156 = arith.constant 0 : i32
    %dma_wait3A_157 = arith.constant 0 : i32
    %dma_wait3A_158 = tpu.memref_slice %arg15[%dma_wait3A_156, %dma_wait3A_157] : memref<10112x32xf32, #tpu.memory_space<vmem_shared>> -> memref<10112x32xf32, #tpu.memory_space<vmem_shared>>
    tpu.wait_indirect_dma semaphore(%arg18 : memref<!tpu.dma_semaphore, #tpu.memory_space<semaphore_mem>>) src(%arg9 : memref<128x32xf32, #tpu.memory_space<vmem>>) dst(%dma_wait3A_158 : memref<10112x32xf32, #tpu.memory_space<vmem_shared>>)
    %dma_wait3A_159 = arith.constant 75 : i32
    %dma_wait3A_160 = arith.constant 0 : i32
    %dma_wait3A_161 = tpu.memref_slice %arg6[%dma_wait3A_159, %dma_wait3A_160] : memref<80x128xi32, #tpu.memory_space<vmem>> -> memref<1x128xi32, #tpu.memory_space<vmem>>
    %dma_wait3A_162 = tpu.memref_squeeze %dma_wait3A_161 : memref<1x128xi32, #tpu.memory_space<vmem>> -> memref<128xi32, #tpu.memory_space<vmem>>
    %dma_wait3A_163 = arith.constant 0 : i32
    %dma_wait3A_164 = arith.constant 0 : i32
    %dma_wait3A_165 = tpu.memref_slice %arg15[%dma_wait3A_163, %dma_wait3A_164] : memref<10112x32xf32, #tpu.memory_space<vmem_shared>> -> memref<10112x32xf32, #tpu.memory_space<vmem_shared>>
    tpu.wait_indirect_dma semaphore(%arg18 : memref<!tpu.dma_semaphore, #tpu.memory_space<semaphore_mem>>) src(%arg10 : memref<128x32xf32, #tpu.memory_space<vmem>>) dst(%dma_wait3A_165 : memref<10112x32xf32, #tpu.memory_space<vmem_shared>>)
    %dma_wait3A_166 = arith.constant 76 : i32
    %dma_wait3A_167 = arith.constant 0 : i32
    %dma_wait3A_168 = tpu.memref_slice %arg5[%dma_wait3A_166, %dma_wait3A_167] : memref<80x128xi32, #tpu.memory_space<vmem>> -> memref<1x128xi32, #tpu.memory_space<vmem>>
    %dma_wait3A_169 = tpu.memref_squeeze %dma_wait3A_168 : memref<1x128xi32, #tpu.memory_space<vmem>> -> memref<128xi32, #tpu.memory_space<vmem>>
    %dma_wait3A_170 = arith.constant 0 : i32
    %dma_wait3A_171 = arith.constant 0 : i32
    %dma_wait3A_172 = tpu.memref_slice %arg2[%dma_wait3A_170, %dma_wait3A_171] : memref<10000x32xf32, #tpu.memory_space<hbm>> -> memref<10000x32xf32, #tpu.memory_space<hbm>>
    tpu.wait_indirect_dma semaphore(%arg17 : memref<!tpu.dma_semaphore, #tpu.memory_space<semaphore_mem>>) src(%dma_wait3A_172 : memref<10000x32xf32, #tpu.memory_space<hbm>>) dst(%arg11 : memref<128x32xf32, #tpu.memory_space<vmem>>)
    %dma_start3A_173 = arith.constant 76 : i32
    %dma_start3A_174 = arith.constant 0 : i32
    %dma_start3A_175 = tpu.memref_slice %arg6[%dma_start3A_173, %dma_start3A_174] : memref<80x128xi32, #tpu.memory_space<vmem>> -> memref<1x128xi32, #tpu.memory_space<vmem>>
    %dma_start3A_176 = tpu.memref_squeeze %dma_start3A_175 : memref<1x128xi32, #tpu.memory_space<vmem>> -> memref<128xi32, #tpu.memory_space<vmem>>
    %dma_start3A_177 = arith.constant 0 : i32
    %dma_start3A_178 = arith.constant 0 : i32
    %dma_start3A_179 = tpu.memref_slice %arg15[%dma_start3A_177, %dma_start3A_178] : memref<10112x32xf32, #tpu.memory_space<vmem_shared>> -> memref<10112x32xf32, #tpu.memory_space<vmem_shared>>
    tpu.enqueue_indirect_dma source(%arg11 : memref<128x32xf32, #tpu.memory_space<vmem>>) target(%dma_start3A_179 : memref<10112x32xf32, #tpu.memory_space<vmem_shared>>) offsets(%dma_start3A_176 : memref<128xi32, #tpu.memory_space<vmem>>) semaphore(%arg19 : memref<!tpu.dma_semaphore, #tpu.memory_space<semaphore_mem>>) {add = true}
    %dma_wait3A_180 = arith.constant 77 : i32
    %dma_wait3A_181 = arith.constant 0 : i32
    %dma_wait3A_182 = tpu.memref_slice %arg5[%dma_wait3A_180, %dma_wait3A_181] : memref<80x128xi32, #tpu.memory_space<vmem>> -> memref<1x128xi32, #tpu.memory_space<vmem>>
    %dma_wait3A_183 = tpu.memref_squeeze %dma_wait3A_182 : memref<1x128xi32, #tpu.memory_space<vmem>> -> memref<128xi32, #tpu.memory_space<vmem>>
    %dma_wait3A_184 = arith.constant 0 : i32
    %dma_wait3A_185 = arith.constant 0 : i32
    %dma_wait3A_186 = tpu.memref_slice %arg2[%dma_wait3A_184, %dma_wait3A_185] : memref<10000x32xf32, #tpu.memory_space<hbm>> -> memref<10000x32xf32, #tpu.memory_space<hbm>>
    tpu.wait_indirect_dma semaphore(%arg17 : memref<!tpu.dma_semaphore, #tpu.memory_space<semaphore_mem>>) src(%dma_wait3A_186 : memref<10000x32xf32, #tpu.memory_space<hbm>>) dst(%arg12 : memref<128x32xf32, #tpu.memory_space<vmem>>)
    %dma_start3A_187 = arith.constant 77 : i32
    %dma_start3A_188 = arith.constant 0 : i32
    %dma_start3A_189 = tpu.memref_slice %arg6[%dma_start3A_187, %dma_start3A_188] : memref<80x128xi32, #tpu.memory_space<vmem>> -> memref<1x128xi32, #tpu.memory_space<vmem>>
    %dma_start3A_190 = tpu.memref_squeeze %dma_start3A_189 : memref<1x128xi32, #tpu.memory_space<vmem>> -> memref<128xi32, #tpu.memory_space<vmem>>
    %dma_start3A_191 = arith.constant 0 : i32
    %dma_start3A_192 = arith.constant 0 : i32
    %dma_start3A_193 = tpu.memref_slice %arg15[%dma_start3A_191, %dma_start3A_192] : memref<10112x32xf32, #tpu.memory_space<vmem_shared>> -> memref<10112x32xf32, #tpu.memory_space<vmem_shared>>
    tpu.enqueue_indirect_dma source(%arg12 : memref<128x32xf32, #tpu.memory_space<vmem>>) target(%dma_start3A_193 : memref<10112x32xf32, #tpu.memory_space<vmem_shared>>) offsets(%dma_start3A_190 : memref<128xi32, #tpu.memory_space<vmem>>) semaphore(%arg19 : memref<!tpu.dma_semaphore, #tpu.memory_space<semaphore_mem>>) {add = true}
    %dma_wait3A_194 = arith.constant 78 : i32
    %dma_wait3A_195 = arith.constant 0 : i32
    %dma_wait3A_196 = tpu.memref_slice %arg5[%dma_wait3A_194, %dma_wait3A_195] : memref<80x128xi32, #tpu.memory_space<vmem>> -> memref<1x128xi32, #tpu.memory_space<vmem>>
    %dma_wait3A_197 = tpu.memref_squeeze %dma_wait3A_196 : memref<1x128xi32, #tpu.memory_space<vmem>> -> memref<128xi32, #tpu.memory_space<vmem>>
    %dma_wait3A_198 = arith.constant 0 : i32
    %dma_wait3A_199 = arith.constant 0 : i32
    %dma_wait3A_200 = tpu.memref_slice %arg2[%dma_wait3A_198, %dma_wait3A_199] : memref<10000x32xf32, #tpu.memory_space<hbm>> -> memref<10000x32xf32, #tpu.memory_space<hbm>>
    tpu.wait_indirect_dma semaphore(%arg17 : memref<!tpu.dma_semaphore, #tpu.memory_space<semaphore_mem>>) src(%dma_wait3A_200 : memref<10000x32xf32, #tpu.memory_space<hbm>>) dst(%arg13 : memref<128x32xf32, #tpu.memory_space<vmem>>)
    %dma_start3A_201 = arith.constant 78 : i32
    %dma_start3A_202 = arith.constant 0 : i32
    %dma_start3A_203 = tpu.memref_slice %arg6[%dma_start3A_201, %dma_start3A_202] : memref<80x128xi32, #tpu.memory_space<vmem>> -> memref<1x128xi32, #tpu.memory_space<vmem>>
    %dma_start3A_204 = tpu.memref_squeeze %dma_start3A_203 : memref<1x128xi32, #tpu.memory_space<vmem>> -> memref<128xi32, #tpu.memory_space<vmem>>
    %dma_start3A_205 = arith.constant 0 : i32
    %dma_start3A_206 = arith.constant 0 : i32
    %dma_start3A_207 = tpu.memref_slice %arg15[%dma_start3A_205, %dma_start3A_206] : memref<10112x32xf32, #tpu.memory_space<vmem_shared>> -> memref<10112x32xf32, #tpu.memory_space<vmem_shared>>
    tpu.enqueue_indirect_dma source(%arg13 : memref<128x32xf32, #tpu.memory_space<vmem>>) target(%dma_start3A_207 : memref<10112x32xf32, #tpu.memory_space<vmem_shared>>) offsets(%dma_start3A_204 : memref<128xi32, #tpu.memory_space<vmem>>) semaphore(%arg19 : memref<!tpu.dma_semaphore, #tpu.memory_space<semaphore_mem>>) {add = true}
    %dma_wait3A_208 = arith.constant 79 : i32
    %dma_wait3A_209 = arith.constant 0 : i32
    %dma_wait3A_210 = tpu.memref_slice %arg5[%dma_wait3A_208, %dma_wait3A_209] : memref<80x128xi32, #tpu.memory_space<vmem>> -> memref<1x128xi32, #tpu.memory_space<vmem>>
    %dma_wait3A_211 = tpu.memref_squeeze %dma_wait3A_210 : memref<1x128xi32, #tpu.memory_space<vmem>> -> memref<128xi32, #tpu.memory_space<vmem>>
    %dma_wait3A_212 = arith.constant 0 : i32
    %dma_wait3A_213 = arith.constant 0 : i32
    %dma_wait3A_214 = tpu.memref_slice %arg2[%dma_wait3A_212, %dma_wait3A_213] : memref<10000x32xf32, #tpu.memory_space<hbm>> -> memref<10000x32xf32, #tpu.memory_space<hbm>>
    tpu.wait_indirect_dma semaphore(%arg17 : memref<!tpu.dma_semaphore, #tpu.memory_space<semaphore_mem>>) src(%dma_wait3A_214 : memref<10000x32xf32, #tpu.memory_space<hbm>>) dst(%arg14 : memref<128x32xf32, #tpu.memory_space<vmem>>)
    %dma_start3A_215 = arith.constant 79 : i32
    %dma_start3A_216 = arith.constant 0 : i32
    %dma_start3A_217 = tpu.memref_slice %arg6[%dma_start3A_215, %dma_start3A_216] : memref<80x128xi32, #tpu.memory_space<vmem>> -> memref<1x128xi32, #tpu.memory_space<vmem>>
    %dma_start3A_218 = tpu.memref_squeeze %dma_start3A_217 : memref<1x128xi32, #tpu.memory_space<vmem>> -> memref<128xi32, #tpu.memory_space<vmem>>
    %dma_start3A_219 = arith.constant 0 : i32
    %dma_start3A_220 = arith.constant 0 : i32
    %dma_start3A_221 = tpu.memref_slice %arg15[%dma_start3A_219, %dma_start3A_220] : memref<10112x32xf32, #tpu.memory_space<vmem_shared>> -> memref<10112x32xf32, #tpu.memory_space<vmem_shared>>
    tpu.enqueue_indirect_dma source(%arg14 : memref<128x32xf32, #tpu.memory_space<vmem>>) target(%dma_start3A_221 : memref<10112x32xf32, #tpu.memory_space<vmem_shared>>) offsets(%dma_start3A_218 : memref<128xi32, #tpu.memory_space<vmem>>) semaphore(%arg19 : memref<!tpu.dma_semaphore, #tpu.memory_space<semaphore_mem>>) {add = true}
    %dma_wait3A_222 = arith.constant 76 : i32
    %dma_wait3A_223 = arith.constant 0 : i32
    %dma_wait3A_224 = tpu.memref_slice %arg6[%dma_wait3A_222, %dma_wait3A_223] : memref<80x128xi32, #tpu.memory_space<vmem>> -> memref<1x128xi32, #tpu.memory_space<vmem>>
    %dma_wait3A_225 = tpu.memref_squeeze %dma_wait3A_224 : memref<1x128xi32, #tpu.memory_space<vmem>> -> memref<128xi32, #tpu.memory_space<vmem>>
    %dma_wait3A_226 = arith.constant 0 : i32
    %dma_wait3A_227 = arith.constant 0 : i32
    %dma_wait3A_228 = tpu.memref_slice %arg15[%dma_wait3A_226, %dma_wait3A_227] : memref<10112x32xf32, #tpu.memory_space<vmem_shared>> -> memref<10112x32xf32, #tpu.memory_space<vmem_shared>>
    tpu.wait_indirect_dma semaphore(%arg19 : memref<!tpu.dma_semaphore, #tpu.memory_space<semaphore_mem>>) src(%arg11 : memref<128x32xf32, #tpu.memory_space<vmem>>) dst(%dma_wait3A_228 : memref<10112x32xf32, #tpu.memory_space<vmem_shared>>)
    %dma_wait3A_229 = arith.constant 77 : i32
    %dma_wait3A_230 = arith.constant 0 : i32
    %dma_wait3A_231 = tpu.memref_slice %arg6[%dma_wait3A_229, %dma_wait3A_230] : memref<80x128xi32, #tpu.memory_space<vmem>> -> memref<1x128xi32, #tpu.memory_space<vmem>>
    %dma_wait3A_232 = tpu.memref_squeeze %dma_wait3A_231 : memref<1x128xi32, #tpu.memory_space<vmem>> -> memref<128xi32, #tpu.memory_space<vmem>>
    %dma_wait3A_233 = arith.constant 0 : i32
    %dma_wait3A_234 = arith.constant 0 : i32
    %dma_wait3A_235 = tpu.memref_slice %arg15[%dma_wait3A_233, %dma_wait3A_234] : memref<10112x32xf32, #tpu.memory_space<vmem_shared>> -> memref<10112x32xf32, #tpu.memory_space<vmem_shared>>
    tpu.wait_indirect_dma semaphore(%arg19 : memref<!tpu.dma_semaphore, #tpu.memory_space<semaphore_mem>>) src(%arg12 : memref<128x32xf32, #tpu.memory_space<vmem>>) dst(%dma_wait3A_235 : memref<10112x32xf32, #tpu.memory_space<vmem_shared>>)
    %dma_wait3A_236 = arith.constant 78 : i32
    %dma_wait3A_237 = arith.constant 0 : i32
    %dma_wait3A_238 = tpu.memref_slice %arg6[%dma_wait3A_236, %dma_wait3A_237] : memref<80x128xi32, #tpu.memory_space<vmem>> -> memref<1x128xi32, #tpu.memory_space<vmem>>
    %dma_wait3A_239 = tpu.memref_squeeze %dma_wait3A_238 : memref<1x128xi32, #tpu.memory_space<vmem>> -> memref<128xi32, #tpu.memory_space<vmem>>
    %dma_wait3A_240 = arith.constant 0 : i32
    %dma_wait3A_241 = arith.constant 0 : i32
    %dma_wait3A_242 = tpu.memref_slice %arg15[%dma_wait3A_240, %dma_wait3A_241] : memref<10112x32xf32, #tpu.memory_space<vmem_shared>> -> memref<10112x32xf32, #tpu.memory_space<vmem_shared>>
    tpu.wait_indirect_dma semaphore(%arg19 : memref<!tpu.dma_semaphore, #tpu.memory_space<semaphore_mem>>) src(%arg13 : memref<128x32xf32, #tpu.memory_space<vmem>>) dst(%dma_wait3A_242 : memref<10112x32xf32, #tpu.memory_space<vmem_shared>>)
    %dma_wait3A_243 = arith.constant 79 : i32
    %dma_wait3A_244 = arith.constant 0 : i32
    %dma_wait3A_245 = tpu.memref_slice %arg6[%dma_wait3A_243, %dma_wait3A_244] : memref<80x128xi32, #tpu.memory_space<vmem>> -> memref<1x128xi32, #tpu.memory_space<vmem>>
    %dma_wait3A_246 = tpu.memref_squeeze %dma_wait3A_245 : memref<1x128xi32, #tpu.memory_space<vmem>> -> memref<128xi32, #tpu.memory_space<vmem>>
    %dma_wait3A_247 = arith.constant 0 : i32
    %dma_wait3A_248 = arith.constant 0 : i32
    %dma_wait3A_249 = tpu.memref_slice %arg15[%dma_wait3A_247, %dma_wait3A_248] : memref<10112x32xf32, #tpu.memory_space<vmem_shared>> -> memref<10112x32xf32, #tpu.memory_space<vmem_shared>>
    tpu.wait_indirect_dma semaphore(%arg19 : memref<!tpu.dma_semaphore, #tpu.memory_space<semaphore_mem>>) src(%arg14 : memref<128x32xf32, #tpu.memory_space<vmem>>) dst(%dma_wait3A_249 : memref<10112x32xf32, #tpu.memory_space<vmem_shared>>)
    %barrier3A_250 = arith.constant 0 : index
    tpu.barrier barrier_id(%barrier3A_250)
    %mul3A_251 = arith.constant 632 : i32
    %mul3A_252 = arith.muli %arg1, %mul3A_251 : i32
    %mul3A_253 = arith.constant 632 : i32
    %mul3A_254 = arith.muli %arg1, %mul3A_253 : i32
    "tpu.region"() ({
      %run_scoped3A_255 = tpu.sem_alloc : memref<!tpu.dma_semaphore, #tpu.memory_space<semaphore_mem>>
      %dma_start3A_256 = arith.constant 0 : i32
      %dma_start3A_257 = tpu.memref_slice %arg4[%arg0, %mul3A_254, %dma_start3A_256] : memref<2x10112x32xf32, #tpu.memory_space<hbm>> -> memref<1x632x32xf32, #tpu.memory_space<hbm>>
      %dma_start3A_258 = tpu.memref_squeeze %dma_start3A_257 : memref<1x632x32xf32, #tpu.memory_space<hbm>> -> memref<632x32xf32, #tpu.memory_space<hbm>>
      %dma_start3A_259 = arith.constant 0 : i32
      %dma_start3A_260 = tpu.memref_slice %arg15[%mul3A_252, %dma_start3A_259] : memref<10112x32xf32, #tpu.memory_space<vmem_shared>> -> memref<632x32xf32, #tpu.memory_space<vmem_shared>>
      tpu.enqueue_dma source(%dma_start3A_260 : memref<632x32xf32, #tpu.memory_space<vmem_shared>>) target(%dma_start3A_258 : memref<632x32xf32, #tpu.memory_space<hbm>>) target_semaphore(%run_scoped3A_255 : memref<!tpu.dma_semaphore, #tpu.memory_space<semaphore_mem>>)
      %dma_wait3A_261 = arith.constant 0 : i32
      %dma_wait3A_262 = tpu.memref_slice %arg4[%arg0, %mul3A_254, %dma_wait3A_261] : memref<2x10112x32xf32, #tpu.memory_space<hbm>> -> memref<1x632x32xf32, #tpu.memory_space<hbm>>
      %dma_wait3A_263 = tpu.memref_squeeze %dma_wait3A_262 : memref<1x632x32xf32, #tpu.memory_space<hbm>> -> memref<632x32xf32, #tpu.memory_space<hbm>>
      %dma_wait3A_264 = arith.constant 0 : i32
      %dma_wait3A_265 = tpu.memref_slice %arg15[%mul3A_252, %dma_wait3A_264] : memref<10112x32xf32, #tpu.memory_space<vmem_shared>> -> memref<632x32xf32, #tpu.memory_space<vmem_shared>>
      tpu.wait_dma2 semaphore(%run_scoped3A_255 : memref<!tpu.dma_semaphore, #tpu.memory_space<semaphore_mem>>) src(%dma_wait3A_265 : memref<632x32xf32, #tpu.memory_space<vmem_shared>>) dst(%dma_wait3A_263 : memref<632x32xf32, #tpu.memory_space<hbm>>)
      tpu.yield
    }) : () -> ()
    return
  }
}

module attributes {stable_mosaic.version = 14 : i64} {
  func.func @_first_body(%arg0: memref<10000x128xf32, #tpu.memory_space<vmem>>, %arg1: memref<128x128xf32, #tpu.memory_space<vmem>>, %arg2: memref<10000x1xf32, #tpu.memory_space<vmem>>, %arg3: memref<10000x1xf32, #tpu.memory_space<vmem>>, %arg4: memref<10000x128xf32, #tpu.memory_space<vmem>>, %arg5: memref<10000x1xf32, #tpu.memory_space<vmem>>) attributes {dimension_semantics = [], scalar_prefetch = 0 : i64, scratch_operands = 0 : i64, tpu.core_type = #tpu.core_type<tc>} {
    %get3A = arith.constant 0 : index
    %get3A_0 = arith.constant 0 : index
    %get3A_1 = vector.load %arg2[%get3A, %get3A_0] : memref<10000x1xf32, #tpu.memory_space<vmem>>, vector<10000x1xf32>
    %add3A = arith.constant 1.000000e+00 : f32
    %add3A_2 = vector.broadcast %add3A : f32 to vector<10000x1xf32>
    %add3A_3 = arith.addf %add3A_2, %get3A_1 : vector<10000x1xf32>
    %get3A_4 = arith.constant 0 : index
    %get3A_5 = arith.constant 0 : index
    %get3A_6 = vector.load %arg3[%get3A_4, %get3A_5] : memref<10000x1xf32, #tpu.memory_space<vmem>>, vector<10000x1xf32>
    %add3A_7 = arith.addf %add3A_3, %get3A_6 : vector<10000x1xf32>
    %rsqrt3A = math.rsqrt %add3A_7 : vector<10000x1xf32>
    %swap3A = arith.constant 0 : index
    %swap3A_8 = arith.constant 0 : index
    %swap3A_9 = vector.load %arg5[%swap3A, %swap3A_8] : memref<10000x1xf32, #tpu.memory_space<vmem>>, vector<10000x1xf32>
    tpu.vector_store %arg5[%swap3A, %swap3A_8], %rsqrt3A {strides = array<i32>} : memref<10000x1xf32, #tpu.memory_space<vmem>>, vector<10000x1xf32>,
    %get3A_10 = arith.constant 0 : index
    %get3A_11 = arith.constant 0 : index
    %get3A_12 = vector.load %arg0[%get3A_10, %get3A_11] : memref<10000x128xf32, #tpu.memory_space<vmem>>, vector<10000x128xf32>
    %get3A_13 = arith.constant 0 : index
    %get3A_14 = arith.constant 0 : index
    %get3A_15 = vector.load %arg1[%get3A_13, %get3A_14] : memref<128x128xf32, #tpu.memory_space<vmem>>, vector<128x128xf32>
    %dot_general3A = arith.constant dense<0.000000e+00> : vector<10000x128xf32>
    %dot_general3A_16 = tpu.matmul %get3A_12, %get3A_15, %dot_general3A {dimension_numbers = #tpu.dot_dimension_numbers<[1], [0], [0], [1], [0, 0, 1, 1], [], []>, transpose_lhs_hint = false} : vector<10000x128xf32>, vector<128x128xf32>, vector<10000x128xf32> -> vector<10000x128xf32>
    %mul3A = vector.broadcast %rsqrt3A : vector<10000x1xf32> to vector<10000x128xf32>
    %mul3A_17 = arith.mulf %dot_general3A_16, %mul3A : vector<10000x128xf32>
    %swap3A_18 = arith.constant 0 : index
    %swap3A_19 = arith.constant 0 : index
    %swap3A_20 = vector.load %arg4[%swap3A_18, %swap3A_19] : memref<10000x128xf32, #tpu.memory_space<vmem>>, vector<10000x128xf32>
    tpu.vector_store %arg4[%swap3A_18, %swap3A_19], %mul3A_17 {strides = array<i32>} : memref<10000x128xf32, #tpu.memory_space<vmem>>, vector<10000x128xf32>,
    return
  }
}

module attributes {stable_mosaic.version = 14 : i64} {
  func.func @_mid_body(%arg0: memref<2x10112x128xf32, #tpu.memory_space<vmem>>, %arg1: memref<10000x128xf32, #tpu.memory_space<vmem>>, %arg2: memref<10000x1xf32, #tpu.memory_space<vmem>>, %arg3: memref<1x128xf32, #tpu.memory_space<vmem>>, %arg4: memref<128x128xf32, #tpu.memory_space<vmem>>, %arg5: memref<10000x128xf32, #tpu.memory_space<vmem>>) attributes {dimension_semantics = [], scalar_prefetch = 0 : i64, scratch_operands = 0 : i64, tpu.core_type = #tpu.core_type<tc>} {
    %get3A = arith.constant 0 : index
    %get3A_0 = arith.constant 0 : index
    %get3A_1 = vector.load %arg2[%get3A, %get3A_0] : memref<10000x1xf32, #tpu.memory_space<vmem>>, vector<10000x1xf32>
    %get3A_2 = arith.constant 0 : index
    %get3A_3 = arith.constant 0 : index
    %get3A_4 = arith.constant 0 : index
    %get3A_5 = vector.load %arg0[%get3A_2, %get3A_3, %get3A_4] : memref<2x10112x128xf32, #tpu.memory_space<vmem>>, vector<1x10000x128xf32>
    %get3A_6 = vector.shape_cast %get3A_5 : vector<1x10000x128xf32> to vector<10000x128xf32>
    %get3A_7 = arith.constant 1 : index
    %get3A_8 = arith.constant 0 : index
    %get3A_9 = arith.constant 0 : index
    %get3A_10 = vector.load %arg0[%get3A_7, %get3A_8, %get3A_9] : memref<2x10112x128xf32, #tpu.memory_space<vmem>>, vector<1x10000x128xf32>
    %get3A_11 = vector.shape_cast %get3A_10 : vector<1x10000x128xf32> to vector<10000x128xf32>
    %add3A = arith.addf %get3A_6, %get3A_11 : vector<10000x128xf32>
    %get3A_12 = arith.constant 0 : index
    %get3A_13 = arith.constant 0 : index
    %get3A_14 = vector.load %arg1[%get3A_12, %get3A_13] : memref<10000x128xf32, #tpu.memory_space<vmem>>, vector<10000x128xf32>
    %add3A_15 = arith.addf %add3A, %get3A_14 : vector<10000x128xf32>
    %mul3A = vector.broadcast %get3A_1 : vector<10000x1xf32> to vector<10000x128xf32>
    %mul3A_16 = arith.mulf %add3A_15, %mul3A : vector<10000x128xf32>
    %get3A_17 = arith.constant 0 : index
    %get3A_18 = arith.constant 0 : index
    %get3A_19 = vector.load %arg3[%get3A_17, %get3A_18] : memref<1x128xf32, #tpu.memory_space<vmem>>, vector<1x128xf32>
    %add3A_20 = vector.broadcast %get3A_19 : vector<1x128xf32> to vector<10000x128xf32>
    %add3A_21 = arith.addf %mul3A_16, %add3A_20 : vector<10000x128xf32>
    %max3A = arith.constant 0.000000e+00 : f32
    %max3A_22 = vector.broadcast %max3A : f32 to vector<10000x128xf32>
    %max3A_23 = arith.maximumf %add3A_21, %max3A_22 : vector<10000x128xf32>
    %get3A_24 = arith.constant 0 : index
    %get3A_25 = arith.constant 0 : index
    %get3A_26 = vector.load %arg4[%get3A_24, %get3A_25] : memref<128x128xf32, #tpu.memory_space<vmem>>, vector<128x128xf32>
    %dot_general3A = arith.constant dense<0.000000e+00> : vector<10000x128xf32>
    %dot_general3A_27 = tpu.matmul %max3A_23, %get3A_26, %dot_general3A {dimension_numbers = #tpu.dot_dimension_numbers<[1], [0], [0], [1], [0, 0, 1, 1], [], []>, transpose_lhs_hint = false} : vector<10000x128xf32>, vector<128x128xf32>, vector<10000x128xf32> -> vector<10000x128xf32>
    %mul3A_28 = vector.broadcast %get3A_1 : vector<10000x1xf32> to vector<10000x128xf32>
    %mul3A_29 = arith.mulf %dot_general3A_27, %mul3A_28 : vector<10000x128xf32>
    %swap3A = arith.constant 0 : index
    %swap3A_30 = arith.constant 0 : index
    %swap3A_31 = vector.load %arg5[%swap3A, %swap3A_30] : memref<10000x128xf32, #tpu.memory_space<vmem>>, vector<10000x128xf32>
    tpu.vector_store %arg5[%swap3A, %swap3A_30], %mul3A_29 {strides = array<i32>} : memref<10000x128xf32, #tpu.memory_space<vmem>>, vector<10000x128xf32>,
    return
  }
}

module attributes {stable_mosaic.version = 14 : i64} {
  func.func @_mid_body(%arg0: memref<2x10112x128xf32, #tpu.memory_space<vmem>>, %arg1: memref<10000x128xf32, #tpu.memory_space<vmem>>, %arg2: memref<10000x1xf32, #tpu.memory_space<vmem>>, %arg3: memref<1x128xf32, #tpu.memory_space<vmem>>, %arg4: memref<128x32xf32, #tpu.memory_space<vmem>>, %arg5: memref<10000x32xf32, #tpu.memory_space<vmem>>) attributes {dimension_semantics = [], scalar_prefetch = 0 : i64, scratch_operands = 0 : i64, tpu.core_type = #tpu.core_type<tc>} {
    %get3A = arith.constant 0 : index
    %get3A_0 = arith.constant 0 : index
    %get3A_1 = vector.load %arg2[%get3A, %get3A_0] : memref<10000x1xf32, #tpu.memory_space<vmem>>, vector<10000x1xf32>
    %get3A_2 = arith.constant 0 : index
    %get3A_3 = arith.constant 0 : index
    %get3A_4 = arith.constant 0 : index
    %get3A_5 = vector.load %arg0[%get3A_2, %get3A_3, %get3A_4] : memref<2x10112x128xf32, #tpu.memory_space<vmem>>, vector<1x10000x128xf32>
    %get3A_6 = vector.shape_cast %get3A_5 : vector<1x10000x128xf32> to vector<10000x128xf32>
    %get3A_7 = arith.constant 1 : index
    %get3A_8 = arith.constant 0 : index
    %get3A_9 = arith.constant 0 : index
    %get3A_10 = vector.load %arg0[%get3A_7, %get3A_8, %get3A_9] : memref<2x10112x128xf32, #tpu.memory_space<vmem>>, vector<1x10000x128xf32>
    %get3A_11 = vector.shape_cast %get3A_10 : vector<1x10000x128xf32> to vector<10000x128xf32>
    %add3A = arith.addf %get3A_6, %get3A_11 : vector<10000x128xf32>
    %get3A_12 = arith.constant 0 : index
    %get3A_13 = arith.constant 0 : index
    %get3A_14 = vector.load %arg1[%get3A_12, %get3A_13] : memref<10000x128xf32, #tpu.memory_space<vmem>>, vector<10000x128xf32>
    %add3A_15 = arith.addf %add3A, %get3A_14 : vector<10000x128xf32>
    %mul3A = vector.broadcast %get3A_1 : vector<10000x1xf32> to vector<10000x128xf32>
    %mul3A_16 = arith.mulf %add3A_15, %mul3A : vector<10000x128xf32>
    %get3A_17 = arith.constant 0 : index
    %get3A_18 = arith.constant 0 : index
    %get3A_19 = vector.load %arg3[%get3A_17, %get3A_18] : memref<1x128xf32, #tpu.memory_space<vmem>>, vector<1x128xf32>
    %add3A_20 = vector.broadcast %get3A_19 : vector<1x128xf32> to vector<10000x128xf32>
    %add3A_21 = arith.addf %mul3A_16, %add3A_20 : vector<10000x128xf32>
    %max3A = arith.constant 0.000000e+00 : f32
    %max3A_22 = vector.broadcast %max3A : f32 to vector<10000x128xf32>
    %max3A_23 = arith.maximumf %add3A_21, %max3A_22 : vector<10000x128xf32>
    %get3A_24 = arith.constant 0 : index
    %get3A_25 = arith.constant 0 : index
    %get3A_26 = vector.load %arg4[%get3A_24, %get3A_25] : memref<128x32xf32, #tpu.memory_space<vmem>>, vector<128x32xf32>
    %dot_general3A = arith.constant dense<0.000000e+00> : vector<10000x32xf32>
    %dot_general3A_27 = tpu.matmul %max3A_23, %get3A_26, %dot_general3A {dimension_numbers = #tpu.dot_dimension_numbers<[1], [0], [0], [1], [0, 0, 1, 1], [], []>, transpose_lhs_hint = false} : vector<10000x128xf32>, vector<128x32xf32>, vector<10000x32xf32> -> vector<10000x32xf32>
    %mul3A_28 = vector.broadcast %get3A_1 : vector<10000x1xf32> to vector<10000x32xf32>
    %mul3A_29 = arith.mulf %dot_general3A_27, %mul3A_28 : vector<10000x32xf32>
    %swap3A = arith.constant 0 : index
    %swap3A_30 = arith.constant 0 : index
    %swap3A_31 = vector.load %arg5[%swap3A, %swap3A_30] : memref<10000x32xf32, #tpu.memory_space<vmem>>, vector<10000x32xf32>
    tpu.vector_store %arg5[%swap3A, %swap3A_30], %mul3A_29 {strides = array<i32>} : memref<10000x32xf32, #tpu.memory_space<vmem>>, vector<10000x32xf32>,
    return
  }
}

module attributes {stable_mosaic.version = 14 : i64} {
  func.func @_fin_body(%arg0: memref<2x10112x32xf32, #tpu.memory_space<vmem>>, %arg1: memref<10000x32xf32, #tpu.memory_space<vmem>>, %arg2: memref<10000x1xf32, #tpu.memory_space<vmem>>, %arg3: memref<1x32xf32, #tpu.memory_space<vmem>>, %arg4: memref<10000x32xf32, #tpu.memory_space<vmem>>) attributes {dimension_semantics = [], scalar_prefetch = 0 : i64, scratch_operands = 0 : i64, tpu.core_type = #tpu.core_type<tc>} {
    %get3A = arith.constant 0 : index
    %get3A_0 = arith.constant 0 : index
    %get3A_1 = arith.constant 0 : index
    %get3A_2 = vector.load %arg0[%get3A, %get3A_0, %get3A_1] : memref<2x10112x32xf32, #tpu.memory_space<vmem>>, vector<1x10000x32xf32>
    %get3A_3 = vector.shape_cast %get3A_2 : vector<1x10000x32xf32> to vector<10000x32xf32>
    %get3A_4 = arith.constant 1 : index
    %get3A_5 = arith.constant 0 : index
    %get3A_6 = arith.constant 0 : index
    %get3A_7 = vector.load %arg0[%get3A_4, %get3A_5, %get3A_6] : memref<2x10112x32xf32, #tpu.memory_space<vmem>>, vector<1x10000x32xf32>
    %get3A_8 = vector.shape_cast %get3A_7 : vector<1x10000x32xf32> to vector<10000x32xf32>
    %add3A = arith.addf %get3A_3, %get3A_8 : vector<10000x32xf32>
    %get3A_9 = arith.constant 0 : index
    %get3A_10 = arith.constant 0 : index
    %get3A_11 = vector.load %arg1[%get3A_9, %get3A_10] : memref<10000x32xf32, #tpu.memory_space<vmem>>, vector<10000x32xf32>
    %add3A_12 = arith.addf %add3A, %get3A_11 : vector<10000x32xf32>
    %get3A_13 = arith.constant 0 : index
    %get3A_14 = arith.constant 0 : index
    %get3A_15 = vector.load %arg2[%get3A_13, %get3A_14] : memref<10000x1xf32, #tpu.memory_space<vmem>>, vector<10000x1xf32>
    %mul3A = vector.broadcast %get3A_15 : vector<10000x1xf32> to vector<10000x32xf32>
    %mul3A_16 = arith.mulf %add3A_12, %mul3A : vector<10000x32xf32>
    %get3A_17 = arith.constant 0 : index
    %get3A_18 = arith.constant 0 : index
    %get3A_19 = vector.load %arg3[%get3A_17, %get3A_18] : memref<1x32xf32, #tpu.memory_space<vmem>>, vector<1x32xf32>
    %add3A_20 = vector.broadcast %get3A_19 : vector<1x32xf32> to vector<10000x32xf32>
    %add3A_21 = arith.addf %mul3A_16, %add3A_20 : vector<10000x32xf32>
    %swap3A = arith.constant 0 : index
    %swap3A_22 = arith.constant 0 : index
    %swap3A_23 = vector.load %arg4[%swap3A, %swap3A_22] : memref<10000x32xf32, #tpu.memory_space<vmem>>, vector<10000x32xf32>
    tpu.vector_store %arg4[%swap3A, %swap3A_22], %add3A_21 {strides = array<i32>} : memref<10000x32xf32, #tpu.memory_space<vmem>>, vector<10000x32xf32>,
    return
  }
}

</mosaic_0001>

<sc_bundles>
// kernel: kernel.10.cloned.1.call-start
scs
__scs_entry_jumppad:
0x0: {  	(pc) =	sbr.rel $0x88, $3  }
0x1: {  	(tag) =	ssettag $0x0;
	lr =	simm.s32 $0x1  }
0x2: {  	[smem:$0x3F99] =	sst lr;
	_ =	strace $0xD0000000  }
0x3: {  	_ = 	snop  }
0x4: {  	_ = 	snop  }
0x5: {  	_ = 	snop  }
0x6: {  	_ = 	snop  }
0x7: {  	_ = 	snop  }
__scs_overlays_trampoline_lowered:
0x8: {  	[smem:$0x3FA8] =	sst s0  }
0x9: {  	[smem:$0x3FA9] =	sst s1  }
0xa: {  	[smem:$0x3FAA] =	sst s2  }
0xb: {  	[smem:$0x3FAB] =	sst s3  }
0xc: {  	[smem:$0x3FAC] =	sst s4  }
0xd: {  	[smem:$0x3FAD] =	sst s5  }
0xe: {  	[smem:$0x3FAE] =	sst s6  }
0xf: {  	[smem:$0x3FAF] =	sst s7  }
0x10: {  	[smem:$0x3FB0] =	sst s8  }
0x11: {  	[smem:$0x3FB1] =	sst s9;
	s0 =	simm.s32 @!p0 $0x0  }
0x12: {  	s1 =	sld [smem:$0x3F97];
	s0 =	simm.s32 @p0 $0x1  }
0x13: {  	[smem:$0x3FB2] =	sst s0;
	s0 =	simm.s32 @!p1 $0x0  }
0x14: {  	s2 =	sld [smem:$0x3F96];
	s0 =	simm.s32 @p1 $0x1  }
0x15: {  	[smem:$0x3FB3] =	sst s0;
	s0 =	simm.s32 @!p2 $0x0  }
0x16: {  	s3 =	sld [smem:$0x3FDB];
	s0 =	simm.s32 @p2 $0x1  }
0x17: {  	s4 =	simm.s32 $0x1BF5;
	[smem:$0x3FB5] =	sst s0  }
0x18: {  	s0 =	sld [smem:$0x3F98];
	_ =	swait.ge [sflag:s4], $0x0  }
0x19: {  	s7 =	sld [smem:$0x3F99]  }
0x1a: {  	s8 =	sadd.s32 $0xFFFFE003, lr  }
0x1b: {  	s9 =	sadd.s32 $0xFFFFFEF7, lr;
	s5 =	simm.s32 $0xFFFFFFFF;
	p2 =	slt.u32 s8, $0xFFFFF086  }
0x1c: {  	p1 =	slt.u32 s9, $0xF7A;
	s5 =	simm.s32 @!p2 $0x0  }
0x1d: {  	s5 =	simm.s32 @p1 $0x1;
	p0 =	seq.s32 s7, s2  }
0x1e: {  	s7 =	smul.u32 @!p0 $0xF7A, s2;
	p2 =	seq.s32 @!p0 s5, $0x0  }
0x1f: {  	s9 =	smul.u32 $0xF7A, s1;
	s8 =	simm.s32 @!p0 $0x1BF5;
	p2 =	por !p2, p0  }
0x20: {  	[sflag:s8] =	ssyncset.s32 @!p0 $0xFFFFF086;
	s6 =	sadd.s32 @!p0 s3, s7;
	s7 =	simm.s32 @!p0 $0x108  }
0x21: {  	s3 =	sadd.s32 s3, s9;
	s6 =	sadd.s32 @!p0 $0x88, s6;
	s7 =	simm.s32 @p2 $0x1082  }
0x22: {  	[simem:s7], [sflag:s8] =	dma.local @!p0 [hbm:s6], $0xF7A  }
0x23: {  	s9 =	sor.u32 $0xD0000000, s2;
	s6 =	simm.s32 $0x108;
	_ =	swait.ge @!p0 [sflag:s8], $0x0  }
0x24: {  	s3 =	sadd.s32 $0x88, s3;
	s6 =	simm.s32 @!p1 $0x1082;
	[sflag:s4] =	ssyncset.s32 $0xFFFFF086  }
0x25: {  	[simem:s6], [sflag:s4] =	dma.local [hbm:s3], $0xF7A  }
0x26: {  	[smem:$0x3F99] =	sst s1;
	(tag) =	ssettag s2;
	_ =	strace s9  }
0x27: {  	s1 =	sld [smem:$0x3FA9]  }
0x28: {  	s2 =	sld [smem:$0x3FAA]  }
0x29: {  	s4 =	sld [smem:$0x3FAC]  }
0x2a: {  	p0 =	seq.s32 s5, $0x0;
	s5 =	sld [smem:$0x3FAD]  }
0x2b: {  	s6 =	sld [smem:$0x3FAE]  }
0x2c: {  	s7 =	sld [smem:$0x3FAF]  }
0x2d: {  	s3 =	simm.s32 $0x108;
	s8 =	sld [smem:$0x3FB0]  }
0x2e: {  	s3 =	simm.s32 @!p0 $0x1082;
	s9 =	sld [smem:$0x3FB1]  }
0x2f: {  	lr =	sadd.s32 s0, s3;
	s0 =	sld [smem:$0x3FA8]  }
0x30: {  	s3 =	sld [smem:$0x3FAB]  }
0x31: {  	[smem:$0x3FB4] =	sst s10  }
0x32: {  	s10 =	sld [smem:$0x3FB2];
	_ =	sdelay $0x3  }
0x33: {  	p0 =	seq.s32 s10, $0x1;
	s10 =	sld [smem:$0x3FB4];
	_ =	sdelay $0x3  }
0x34: {  	[smem:$0x3FB4] =	sst s10  }
0x35: {  	s10 =	sld [smem:$0x3FB3];
	_ =	sdelay $0x3  }
0x36: {  	p1 =	seq.s32 s10, $0x1;
	s10 =	sld [smem:$0x3FB4];
	_ =	sdelay $0x3  }
0x37: {  	[smem:$0x3FB4] =	sst s10  }
0x38: {  	s10 =	sld [smem:$0x3FB5]  }
0x39: {  	_ = 	snop;
	(pc) =	sbr.ind lr, $3  }
0x3a: {  	_ = 	snop  }
0x3b: {  	_ = 	snop  }
0x3c: {  	p2 =	seq.s32 s10, $0x1;
	s10 =	sld [smem:$0x3FB4]  }
0x3d: {  	_ =	shalt  }
0x3e: {  	_ =	shalt  }
0x3f: {  	_ =	shalt  }
0x40: {  	_ =	shalt  }
0x41: {  	_ =	shalt  }
0x42: {  	_ =	shalt  }
0x43: {  	_ =	shalt  }
0x44: {  	_ =	shalt  }
0x45: {  	_ =	shalt  }
0x46: {  	_ =	shalt  }
0x47: {  	_ =	shalt  }
0x48: {  	_ =	shalt  }
0x49: {  	_ =	shalt  }
0x4a: {  	_ =	shalt  }
0x4b: {  	_ =	shalt  }
0x4c: {  	_ =	shalt  }
0x4d: {  	_ =	shalt  }
0x4e: {  	_ =	shalt  }
0x4f: {  	_ =	shalt  }
0x50: {  	_ =	shalt  }
0x51: {  	_ =	shalt  }
0x52: {  	_ =	shalt  }
0x53: {  	_ =	shalt  }
0x54: {  	_ =	shalt  }
0x55: {  	_ =	shalt  }
0x56: {  	_ =	shalt  }
0x57: {  	_ =	shalt  }
0x58: {  	_ =	shalt  }
0x59: {  	_ =	shalt  }
0x5a: {  	_ =	shalt  }
0x5b: {  	_ =	shalt  }
0x5c: {  	_ =	shalt  }
0x5d: {  	_ =	shalt  }
0x5e: {  	_ =	shalt  }
0x5f: {  	_ =	shalt  }
0x60: {  	_ =	shalt  }
0x61: {  	_ =	shalt  }
0x62: {  	_ =	shalt  }
0x63: {  	_ =	shalt  }
0x64: {  	_ =	shalt  }
0x65: {  	_ =	shalt  }
0x66: {  	_ =	shalt  }
0x67: {  	_ =	shalt  }
0x68: {  	_ =	shalt  }
0x69: {  	_ =	shalt  }
0x6a: {  	_ =	shalt  }
0x6b: {  	_ =	shalt  }
0x6c: {  	_ =	shalt  }
0x6d: {  	_ =	shalt  }
0x6e: {  	_ =	shalt  }
0x6f: {  	_ =	shalt  }
0x70: {  	_ =	shalt  }
0x71: {  	_ =	shalt  }
0x72: {  	_ =	shalt  }
0x73: {  	_ =	shalt  }
0x74: {  	_ =	shalt  }
0x75: {  	_ =	shalt  }
0x76: {  	_ =	shalt  }
0x77: {  	_ =	shalt  }
0x78: {  	_ =	shalt  }
0x79: {  	_ =	shalt  }
0x7a: {  	_ =	shalt  }
0x7b: {  	_ =	shalt  }
0x7c: {  	_ =	shalt  }
0x7d: {  	_ =	shalt  }
0x7e: {  	_ =	shalt  }
0x7f: {  	_ =	shalt  }
0x80: {  	_ =	shalt  }
0x81: {  	_ =	shalt  }
0x82: {  	_ =	shalt  }
0x83: {  	_ =	shalt  }
0x84: {  	_ =	shalt  }
0x85: {  	_ =	shalt  }
0x86: {  	_ =	shalt  }
0x87: {  	_ =	shalt  }
.Lfunc_end0:
.L_simem_size_0:
called_computation_lowered:
.L_overlay_start_0:
0x88: {  	s2 =	sld [smem:$0x3FD9]  }
0x89: {  	s3 =	sld [smem:$0x3FFE];
	_ =	sdelay $0x1  }
0x8a: {  	s1 =	srdreg.scid  }
0x8b: {  	s0 =	sand.u32 $0x1, s1  }
0x8c: {  	s17 =	sshll.u32 s0, $0xA;
	s2 =	sadd.s32 s3, s2  }
0x8d: {  	s2 =	sadd.s32 s2, s17  }
0x8e: {  	[smem:$0x3FC0] =	sst s2  }
0x8f: {  	_ = 	snop  }
0x90: {  	s2 =	sld [smem:$0x3FD0];
	(tm) =	ssettm $0x1  }
0x91: {  	s18 =	sld [smem:$0x3FFB];
	_ =	sdelay $0x3  }
0x92: {  	_ =	strace s18  }
0x93: {  	s3 =	sld [smem:$0x3FFC];
	_ =	sdelay $0x3  }
0x94: {  	_ =	strace s3  }
0x95: {  	s3 =	sld [smem:$0x3FFD];
	_ =	sdelay $0x3  }
0x96: {  	_ =	strace s3  }
0x97: {  	_ =	strace $0x8FFFFFFF  }
0x98: {  	s19 =	sld [smem:$0x3FDB];
	_ =	sdelay $0x1  }
0x99: {  	s4 =	simm.s32 $_scs_section_size  }
0x9a: {  	s5 =	simm.s32 $_size__tile_overlayer_lowered;
	s6 =	simm.s32 $_tile_overlayer_lowered  }
0x9b: {  	s22 =	simm.s32 $0x1BFF;
	s21 =	sshll.u32 s6, $0x1;
	s3 =	sadd.s32 s4, s19  }
0x9c: {  	s7 =	simm.s32 $0x0;
	s20 =	sshll.u32 s5, $0x1;
	s5 =	sadd.s32 s21, s3  }
0x9d: {  	[timem:s7], [sflag:s22] =	dma.local [hbm:s5], s20  }
0x9e: {  	_ =	swait.ge [sflag:s22], s20  }
0x9f: {  	s4 =	ssub.s32 $0x0, s20;
	[sflag:s22] =	ssyncset.done $0x0  }
0xa0: {  	[sflag:s22] =	ssyncadd.s32 s4;
	_ =	sdelay $0x1  }
0xa1: {  	s23 =	simm.s32 $0x1B8B  }
0xa2: {  	_ =	swait.ge [sflag:s23], $0x1  }
0xa3: {  	[sflag:s23] =	ssyncset.done $0x0  }
0xa4: {  	s25 =	simm.s32 $0x1B8E;
	s24 =	sld [smem:$0x3FFE];
	[sflag:s23] =	ssyncadd.s32 $0xFFFFFFFF  }
0xa5: {  	s26 =	simm.s32 $execute0_lowered;
	[smem:$0x3FD2] =	sst s25  }
0xa6: {  	s5 =	sshll.u32 s26, $0x1;
	_ =	strace $0x80000046;
	[dreg:$0x1] =	wrdreg $0xFFFFFFFF  }
0xa7: {  	s28 =	simm.s32 $_size_execute0_lowered;
	s3 =	sadd.s32 s3, s5;
	[dreg:$0x0] =	wrdreg $0x0  }
0xa8: {  	s5 =	sshll.u32 s28, $0x1;
	[dreg:$0x2] =	wrdreg s3  }
0xa9: {  	[dreg:$0x3] =	wrdreg s5  }
0xaa: {  	[dreg:$0x4] =	wrdreg $0xC0  }
0xab: {  	_ =	task [dreg:s7], $0x5FFFF  }
0xac: {  	[dreg:$0x1] =	wrdreg $0xFFFFFFFF  }
0xad: {  	[dreg:$0x0] =	wrdreg $0x60  }
0xae: {  	[dreg:$0x2] =	wrdreg s24  }
0xaf: {  	[dreg:$0x3] =	wrdreg s2  }
0xb0: {  	[dreg:$0x4] =	wrdreg $0x2B000  }
0xb1: {  	[dreg:$0x5] =	wrdreg $0x9  }
0xb2: {  	_ =	task.clear_ibuf [dreg:s7], $0x6FFFF;
	_ =	strace $0x90000046  }
0xb3: {  	s29 =	simm.s32 $0x9;
	_ =	strace $0x80000048  }
0xb4: {  	_ =	swait.ge [sflag:s29], $0x1  }
0xb5: {  	[sflag:s29] =	ssyncadd.s32 $0xFFFFFFFF  }
0xb6: {  	_ =	strace $0x90000048  }
0xb7: {  	_ =	sfence  }
0xb8: {  	s30 =	sld [smem:$0x0];
	_ =	sdelay $0x2  }
0xb9: {  	s31 =	sshll.u32 s1, $0xD;
	s1 =	sshrl.u32 s1, $0x2  }
0xba: {  	s3 =	sand.u32 $0x4000, s31;
	s1 =	sadd.s32 s1, s30  }
0xbb: {  	s0 =	sor.u32 s3, s0;
	s1 =	sshll.u32 s1, $0x11  }
0xbc: {  	s0 =	sor.u32 s1, s0  }
0xbd: {  	s0 =	sadd.s32 $0x8F2B, s0  }
0xbe: {  	[sflag:s0] =	ssyncadd.remote.s32 $0x1  }
0xbf: {  	_ =	sfence.sel $0xFFFF  }
0xc0: {  	[dreg:$0x0] =	wrdreg $0xFFFFFFFF;
	(pc) =	sbr.abs _section_cstart, $3  }
0xc1: {  	[dreg:$0x1] =	wrdreg $0xFFFFFFFF  }
0xc2: {  	_ =	task.clear_ibuf [dreg:s7], $0x2FFFF;
	_ =	strace $0x9FFFFFFF  }
0xc3: {  	(tm) =	ssettm $0x7FFFFFFF  }
tec
execute0_lowered:
.L_overlay_start_1:
0x0: {  	(tag) =	ssettag $0x1  }
0x1: {  	s4 =	rddreg [dreg:$0x0]  }
0x2: {  	s1 =	srdreg.scid;
	s6 =	rddreg [dreg:$0x1]  }
0x3: {  	s0 =	stileid.u32;
	s2 =	rddreg [dreg:$0x2]  }
0x4: {  	s3 =	simm.s32 $0x0;
	s11 =	simm.s32 $0x80;
	s12 =	simm.s32 $0x2800  }
0x5: {  	s15 =	simm.s32 $0x0;
	s5 =	sand.u32 $0x1, s1;
	s29 =	sshll.u32 s0, $0x1  }
0x6: {  	s8 =	smul.u32 $0x280, s0;
	[smem:$0x7FF] =	sst s3;
	s13 =	sshll.u32 s0, $0x6  }
0x7: {  	s1 =	sor.u32 s5, s29;
	s9 =	smul.u32 $0x2800, s5;
	s5 =	ssub.s32 $0x2, s5  }
0x8: {  	s13 =	sor.u32 $0x1C02, s13;
	s7 =	smul.u32 $0x2800, s1;
	s1 =	rddreg [dreg:$0x3]  }
0x9: {  	_ =	strace $0x80000047;
	s10 =	sshrl.u32 s5, $0x1;
	s30 =	sadd.s32 s8, s9  }
0xa: {  	s31 =	ssub.s32 s5, s10;
	s5 =	sadd.s32 s8, s2;
	s8 =	simm.s32 $0x2880  }
0xb: {  	s9 =	simm.s32 $0x2;
	s10 =	simm.s32 $0x1;
	s7 =	sshrl.u32 s7, $0x3  }
0xc: {  	s14 =	sshrl.u32 s5, $0x3;
	s4 =	sadd.s32 s4, s7;
	s7 =	sshrl.u32 s30, $0x3  }
0xd: {  	v0 =	vimm.f32 $1.000000000e+00;
	v1 =	vimm.f32 $0.0e+00;
	s4 =	sadd.s32 $0xDA00, s4;
	s6 =	sadd.s32 s6, s7;
	s7 =	smax.u32 s31, $0x1  }
.LBB2_1:
0xe: {  	[tilespmem:s3], [sflag:$0x1] =	stream.linear.gather [hbm4b:s4+s3], $0x2800, $0x38;
	[tilespmem:$0x2D80] =	vst v63  }
0xf: {  	[tilespmem:$0x2800] =	vst v0  }
0x10: {  	[tilespmem:$0x2810] =	vst v0  }
0x11: {  	[tilespmem:$0x2820] =	vst v0  }
0x12: {  	[tilespmem:$0x2830] =	vst v0  }
0x13: {  	[tilespmem:$0x2840] =	vst v0  }
0x14: {  	[tilespmem:$0x2850] =	vst v0  }
0x15: {  	[tilespmem:$0x2860] =	vst v0  }
0x16: {  	[tilespmem:$0x2870] =	vst v0  }
0x17: {  	[tilespmem:$0x2880] =	vst v1  }
0x18: {  	[tilespmem:$0x2890] =	vst v1  }
0x19: {  	[tilespmem:$0x28A0] =	vst v1  }
0x1a: {  	[tilespmem:$0x28B0] =	vst v1  }
0x1b: {  	[tilespmem:$0x28C0] =	vst v1  }
0x1c: {  	[tilespmem:$0x28D0] =	vst v1  }
0x1d: {  	[tilespmem:$0x28E0] =	vst v1  }
0x1e: {  	[tilespmem:$0x28F0] =	vst v1  }
0x1f: {  	[tilespmem:$0x2900] =	vst v1  }
0x20: {  	[tilespmem:$0x2910] =	vst v1  }
0x21: {  	[tilespmem:$0x2920] =	vst v1  }
0x22: {  	[tilespmem:$0x2930] =	vst v1  }
0x23: {  	[tilespmem:$0x2940] =	vst v1  }
0x24: {  	[tilespmem:$0x2950] =	vst v1  }
0x25: {  	[tilespmem:$0x2960] =	vst v1  }
0x26: {  	[tilespmem:$0x2970] =	vst v1  }
0x27: {  	[tilespmem:$0x2980] =	vst v1  }
0x28: {  	[tilespmem:$0x2990] =	vst v1  }
0x29: {  	[tilespmem:$0x29A0] =	vst v1  }
0x2a: {  	[tilespmem:$0x29B0] =	vst v1  }
0x2b: {  	[tilespmem:$0x29C0] =	vst v1  }
0x2c: {  	[tilespmem:$0x29D0] =	vst v1  }
0x2d: {  	[tilespmem:$0x29E0] =	vst v1  }
0x2e: {  	[tilespmem:$0x29F0] =	vst v1  }
0x2f: {  	[tilespmem:$0x2A00] =	vst v1  }
0x30: {  	[tilespmem:$0x2A10] =	vst v1  }
0x31: {  	[tilespmem:$0x2A20] =	vst v1  }
0x32: {  	[tilespmem:$0x2A30] =	vst v1  }
0x33: {  	[tilespmem:$0x2A40] =	vst v1  }
0x34: {  	[tilespmem:$0x2A50] =	vst v1  }
0x35: {  	[tilespmem:$0x2A60] =	vst v1  }
0x36: {  	[tilespmem:$0x2A70] =	vst v1  }
0x37: {  	[tilespmem:$0x2A80] =	vst v1  }
0x38: {  	[tilespmem:$0x2A90] =	vst v1  }
0x39: {  	[tilespmem:$0x2AA0] =	vst v1  }
0x3a: {  	[tilespmem:$0x2AB0] =	vst v1  }
0x3b: {  	[tilespmem:$0x2AC0] =	vst v1  }
0x3c: {  	[tilespmem:$0x2AD0] =	vst v1  }
0x3d: {  	[tilespmem:$0x2AE0] =	vst v1  }
0x3e: {  	[tilespmem:$0x2AF0] =	vst v1  }
0x3f: {  	[spmem:s5] =	stream.linear.scatter [tilespmem:s8], [sflag:$0x2], $0x280, $0x38;
	[tilespmem:$0x2D80] =	vst v63  }
0x40: {  	_ =	swait.ge [sflag:s9], $0x280  }
0x41: {  	[sflag:s9] =	ssyncset.done $0x0  }
0x42: {  	[sflag:s9] =	ssyncadd.s32 $0xFFFFFD80  }
0x43: {  	_ =	swait.ge [sflag:s10], $0x2800  }
0x44: {  	[sflag:s10] =	ssyncset.done $0x0  }
0x45: {  	[sflag:s10] =	ssyncadd.s32 $0xFFFFD800  }
0x46: {  	s16 =	simm.s32 $0x0;
	[bflag:$0x0] =	sbarrier.arrive $0xFFFF  }
0x47: {  	[spmem:s2] =	stream.indirect.scatter.add.f32 [tilespmem:s12], [sflag:$0x2], $0x1, s16, s11, $0xb8;
	[tilespmem:$0x2D80] =	vst v63  }
0x48: {  	_ =	swait.ge [sflag:s9], $0x80  }
0x49: {  	s16 =	simm.s32 $0x200;
	[sflag:s9] =	ssyncset.done $0x0  }
.LBB2_2:
0x4a: {  	s17 =	sshra.s32 s16, $0x2;
	[sflag:s9] =	ssyncadd.s32 $0xFFFFFF80;
	p0 =	sne.s32 s16, $0x9E00  }
0x4b: {  	[spmem:s2] =	stream.indirect.scatter.add.f32 [tilespmem:s12], [sflag:$0x2], $0x1, s17, s11, $0xb8;
	[tilespmem:$0x2D80] =	vst v63  }
.Ltmp0:
0x4c: {  	_ = 	snop;
	(pc) =	sbr.rel @p0 .LBB2_2-.Ltmp0, $4  }
0x4d: {  	_ = 	snop  }
0x4e: {  	s16 =	sadd.s32 $0x200, s16  }
0x4f: {  	_ =	swait.ge [sflag:s9], $0x80  }
0x50: {  	[sflag:s9] =	ssyncset.done $0x0  }
0x51: {  	s15 =	sadd.s32 $0x1, s15  }
0x52: {  	[sflag:s9] =	ssyncadd.s32 $0xFFFFFF80;
	p0 =	sne.s32 s15, s7  }
.Ltmp1:
0x53: {  	[bflag:$0x0] =	sbarrier.arrive $0xFFFF;
	(pc) =	sbr.rel @p0 .LBB2_1-.Ltmp1, $4  }
0x54: {  	[hbm:s6], [sflag:s13] =	dma.local [spmem:s14], $0x50  }
0x55: {  	_ =	swait.ge [sflag:s9], $0x50  }
0x56: {  	[sflag:s9] =	ssyncset.done $0x0  }
0x57: {  	[sflag:s9] =	ssyncadd.s32 $0xFFFFFFB0  }
0x58: {  	_ =	sfence.sel $0x180000  }
0x59: {  	[bflag:$0x0] =	sbarrier.arrive $0xFFFF  }
0x5a: {  	p0 =	sne.s32 s0, $0x0;
	_ =	strace $0x90000047  }
0x5b: {  	s0 =	sadd.s32 @!p0 $0x100000, s1;
	[bflag:$0x2] =	sbarrier.arrive $0xFFFF  }
0x5c: {  	[sflag:s0] =	ssyncadd.tile.s32 @!p0 $0x1;
	_ =	shalt  }
.Lfunc_end2:
_tile_overlayer_lowered:
.L_overlay_start_2:
0x5d: {  	(tag) =	ssettag $0x2  }
0x5e: {  	s0 =	rddreg [dreg:$0x0];
	s2 =	stileid.u32  }
0x5f: {  	s1 =	rddreg [dreg:$0x1];
	p0 =	sne.s32 s2, $0x0  }
0x60: {  	s3 =	rddreg [dreg:$0x2];
	[bflag:$0x3] =	sbarrier.arrive $0xFFFF;
	s2 =	simm.s32 @!p0 $0x1C02  }
0x61: {  	[timem:s3], [sflag:s2] =	dma.local @!p0 [hbm:s0], s1  }
0x62: {  	s0 =	simm.s32 @!p0 $0x2  }
0x63: {  	_ =	swait.ge @!p0 [sflag:s0], s1  }
0x64: {  	s1 =	ssub.s32 @!p0 $0x0, s1;
	[sflag:s0] =	ssyncset.done @!p0 $0x0  }
0x65: {  	[sflag:s0] =	ssyncadd.s32 @!p0 s1  }
0x66: {  	[bflag:$0x3] =	sbarrier.arrive $0xFFFF  }
0x67: {  	_ =	shalt  }

// kernel: kernel.13.cloned.1.call-start
scs
__scs_entry_jumppad:
0x0: {  	(pc) =	sbr.rel $0x88, $3  }
0x1: {  	(tag) =	ssettag $0x0;
	lr =	simm.s32 $0x1  }
0x2: {  	[smem:$0x3F99] =	sst lr;
	_ =	strace $0xD0000000  }
0x3: {  	_ = 	snop  }
0x4: {  	_ = 	snop  }
0x5: {  	_ = 	snop  }
0x6: {  	_ = 	snop  }
0x7: {  	_ = 	snop  }
__scs_overlays_trampoline_lowered:
0x8: {  	[smem:$0x3FA8] =	sst s0  }
0x9: {  	[smem:$0x3FA9] =	sst s1  }
0xa: {  	[smem:$0x3FAA] =	sst s2  }
0xb: {  	[smem:$0x3FAB] =	sst s3  }
0xc: {  	[smem:$0x3FAC] =	sst s4  }
0xd: {  	[smem:$0x3FAD] =	sst s5  }
0xe: {  	[smem:$0x3FAE] =	sst s6  }
0xf: {  	[smem:$0x3FAF] =	sst s7  }
0x10: {  	[smem:$0x3FB0] =	sst s8  }
0x11: {  	[smem:$0x3FB1] =	sst s9;
	s0 =	simm.s32 @!p0 $0x0  }
0x12: {  	s1 =	sld [smem:$0x3F97];
	s0 =	simm.s32 @p0 $0x1  }
0x13: {  	[smem:$0x3FB2] =	sst s0;
	s0 =	simm.s32 @!p1 $0x0  }
0x14: {  	s2 =	sld [smem:$0x3F96];
	s0 =	simm.s32 @p1 $0x1  }
0x15: {  	[smem:$0x3FB3] =	sst s0;
	s0 =	simm.s32 @!p2 $0x0  }
0x16: {  	s3 =	sld [smem:$0x3FDB];
	s0 =	simm.s32 @p2 $0x1  }
0x17: {  	s4 =	simm.s32 $0x1BF5;
	[smem:$0x3FB5] =	sst s0  }
0x18: {  	s0 =	sld [smem:$0x3F98];
	_ =	swait.ge [sflag:s4], $0x0  }
0x19: {  	s7 =	sld [smem:$0x3F99]  }
0x1a: {  	s8 =	sadd.s32 $0xFFFFE003, lr  }
0x1b: {  	s9 =	sadd.s32 $0xFFFFFEF7, lr;
	s5 =	simm.s32 $0xFFFFFFFF;
	p2 =	slt.u32 s8, $0xFFFFF086  }
0x1c: {  	p1 =	slt.u32 s9, $0xF7A;
	s5 =	simm.s32 @!p2 $0x0  }
0x1d: {  	s5 =	simm.s32 @p1 $0x1;
	p0 =	seq.s32 s7, s2  }
0x1e: {  	s7 =	smul.u32 @!p0 $0xF7A, s2;
	p2 =	seq.s32 @!p0 s5, $0x0  }
0x1f: {  	s9 =	smul.u32 $0xF7A, s1;
	s8 =	simm.s32 @!p0 $0x1BF5;
	p2 =	por !p2, p0  }
0x20: {  	[sflag:s8] =	ssyncset.s32 @!p0 $0xFFFFF086;
	s6 =	sadd.s32 @!p0 s3, s7;
	s7 =	simm.s32 @!p0 $0x108  }
0x21: {  	s3 =	sadd.s32 s3, s9;
	s6 =	sadd.s32 @!p0 $0x88, s6;
	s7 =	simm.s32 @p2 $0x1082  }
0x22: {  	[simem:s7], [sflag:s8] =	dma.local @!p0 [hbm:s6], $0xF7A  }
0x23: {  	s9 =	sor.u32 $0xD0000000, s2;
	s6 =	simm.s32 $0x108;
	_ =	swait.ge @!p0 [sflag:s8], $0x0  }
0x24: {  	s3 =	sadd.s32 $0x88, s3;
	s6 =	simm.s32 @!p1 $0x1082;
	[sflag:s4] =	ssyncset.s32 $0xFFFFF086  }
0x25: {  	[simem:s6], [sflag:s4] =	dma.local [hbm:s3], $0xF7A  }
0x26: {  	[smem:$0x3F99] =	sst s1;
	(tag) =	ssettag s2;
	_ =	strace s9  }
0x27: {  	s1 =	sld [smem:$0x3FA9]  }
0x28: {  	s2 =	sld [smem:$0x3FAA]  }
0x29: {  	s4 =	sld [smem:$0x3FAC]  }
0x2a: {  	p0 =	seq.s32 s5, $0x0;
	s5 =	sld [smem:$0x3FAD]  }
0x2b: {  	s6 =	sld [smem:$0x3FAE]  }
0x2c: {  	s7 =	sld [smem:$0x3FAF]  }
0x2d: {  	s3 =	simm.s32 $0x108;
	s8 =	sld [smem:$0x3FB0]  }
0x2e: {  	s3 =	simm.s32 @!p0 $0x1082;
	s9 =	sld [smem:$0x3FB1]  }
0x2f: {  	lr =	sadd.s32 s0, s3;
	s0 =	sld [smem:$0x3FA8]  }
0x30: {  	s3 =	sld [smem:$0x3FAB]  }
0x31: {  	[smem:$0x3FB4] =	sst s10  }
0x32: {  	s10 =	sld [smem:$0x3FB2];
	_ =	sdelay $0x3  }
0x33: {  	p0 =	seq.s32 s10, $0x1;
	s10 =	sld [smem:$0x3FB4];
	_ =	sdelay $0x3  }
0x34: {  	[smem:$0x3FB4] =	sst s10  }
0x35: {  	s10 =	sld [smem:$0x3FB3];
	_ =	sdelay $0x3  }
0x36: {  	p1 =	seq.s32 s10, $0x1;
	s10 =	sld [smem:$0x3FB4];
	_ =	sdelay $0x3  }
0x37: {  	[smem:$0x3FB4] =	sst s10  }
0x38: {  	s10 =	sld [smem:$0x3FB5]  }
0x39: {  	_ = 	snop;
	(pc) =	sbr.ind lr, $3  }
0x3a: {  	_ = 	snop  }
0x3b: {  	_ = 	snop  }
0x3c: {  	p2 =	seq.s32 s10, $0x1;
	s10 =	sld [smem:$0x3FB4]  }
0x3d: {  	_ =	shalt  }
0x3e: {  	_ =	shalt  }
0x3f: {  	_ =	shalt  }
0x40: {  	_ =	shalt  }
0x41: {  	_ =	shalt  }
0x42: {  	_ =	shalt  }
0x43: {  	_ =	shalt  }
0x44: {  	_ =	shalt  }
0x45: {  	_ =	shalt  }
0x46: {  	_ =	shalt  }
0x47: {  	_ =	shalt  }
0x48: {  	_ =	shalt  }
0x49: {  	_ =	shalt  }
0x4a: {  	_ =	shalt  }
0x4b: {  	_ =	shalt  }
0x4c: {  	_ =	shalt  }
0x4d: {  	_ =	shalt  }
0x4e: {  	_ =	shalt  }
0x4f: {  	_ =	shalt  }
0x50: {  	_ =	shalt  }
0x51: {  	_ =	shalt  }
0x52: {  	_ =	shalt  }
0x53: {  	_ =	shalt  }
0x54: {  	_ =	shalt  }
0x55: {  	_ =	shalt  }
0x56: {  	_ =	shalt  }
0x57: {  	_ =	shalt  }
0x58: {  	_ =	shalt  }
0x59: {  	_ =	shalt  }
0x5a: {  	_ =	shalt  }
0x5b: {  	_ =	shalt  }
0x5c: {  	_ =	shalt  }
0x5d: {  	_ =	shalt  }
0x5e: {  	_ =	shalt  }
0x5f: {  	_ =	shalt  }
0x60: {  	_ =	shalt  }
0x61: {  	_ =	shalt  }
0x62: {  	_ =	shalt  }
0x63: {  	_ =	shalt  }
0x64: {  	_ =	shalt  }
0x65: {  	_ =	shalt  }
0x66: {  	_ =	shalt  }
0x67: {  	_ =	shalt  }
0x68: {  	_ =	shalt  }
0x69: {  	_ =	shalt  }
0x6a: {  	_ =	shalt  }
0x6b: {  	_ =	shalt  }
0x6c: {  	_ =	shalt  }
0x6d: {  	_ =	shalt  }
0x6e: {  	_ =	shalt  }
0x6f: {  	_ =	shalt  }
0x70: {  	_ =	shalt  }
0x71: {  	_ =	shalt  }
0x72: {  	_ =	shalt  }
0x73: {  	_ =	shalt  }
0x74: {  	_ =	shalt  }
0x75: {  	_ =	shalt  }
0x76: {  	_ =	shalt  }
0x77: {  	_ =	shalt  }
0x78: {  	_ =	shalt  }
0x79: {  	_ =	shalt  }
0x7a: {  	_ =	shalt  }
0x7b: {  	_ =	shalt  }
0x7c: {  	_ =	shalt  }
0x7d: {  	_ =	shalt  }
0x7e: {  	_ =	shalt  }
0x7f: {  	_ =	shalt  }
0x80: {  	_ =	shalt  }
0x81: {  	_ =	shalt  }
0x82: {  	_ =	shalt  }
0x83: {  	_ =	shalt  }
0x84: {  	_ =	shalt  }
0x85: {  	_ =	shalt  }
0x86: {  	_ =	shalt  }
0x87: {  	_ =	shalt  }
.Lfunc_end0:
.L_simem_size_0:
called_computation.1_lowered:
.L_overlay_start_0:
0x88: {  	s2 =	sld [smem:$0x3FD9]  }
0x89: {  	s3 =	sld [smem:$0x3FFE];
	_ =	sdelay $0x1  }
0x8a: {  	s1 =	srdreg.scid  }
0x8b: {  	s0 =	sand.u32 $0x1, s1  }
0x8c: {  	s16 =	sshll.u32 s0, $0xA;
	s2 =	sadd.s32 s3, s2  }
0x8d: {  	s2 =	sadd.s32 s2, s16  }
0x8e: {  	[smem:$0x3FC0] =	sst s2  }
0x8f: {  	_ = 	snop  }
0x90: {  	(tm) =	ssettm $0x1  }
0x91: {  	s17 =	sld [smem:$0x3FFB];
	_ =	sdelay $0x3  }
0x92: {  	_ =	strace s17  }
0x93: {  	s2 =	sld [smem:$0x3FFC];
	_ =	sdelay $0x3  }
0x94: {  	_ =	strace s2  }
0x95: {  	s2 =	sld [smem:$0x3FFD];
	_ =	sdelay $0x3  }
0x96: {  	_ =	strace s2  }
0x97: {  	_ =	strace $0x8FFFFFFF  }
0x98: {  	s18 =	sld [smem:$0x3FDB];
	_ =	sdelay $0x1  }
0x99: {  	s19 =	simm.s32 $_scs_section_size  }
0x9a: {  	s4 =	simm.s32 $_size__tile_overlayer_lowered;
	s5 =	simm.s32 $_tile_overlayer_lowered  }
0x9b: {  	s22 =	simm.s32 $0x1BFF;
	s21 =	sshll.u32 s5, $0x1;
	s2 =	sadd.s32 s19, s18  }
0x9c: {  	s6 =	simm.s32 $0x0;
	s20 =	sshll.u32 s4, $0x1;
	s4 =	sadd.s32 s21, s2  }
0x9d: {  	[timem:s6], [sflag:s22] =	dma.local [hbm:s4], s20  }
0x9e: {  	_ =	swait.ge [sflag:s22], s20  }
0x9f: {  	s3 =	ssub.s32 $0x0, s20;
	[sflag:s22] =	ssyncset.done $0x0  }
0xa0: {  	[sflag:s22] =	ssyncadd.s32 s3;
	_ =	sdelay $0x1  }
0xa1: {  	s23 =	simm.s32 $0x1B8B  }
0xa2: {  	_ =	swait.ge [sflag:s23], $0x1  }
0xa3: {  	[sflag:s23] =	ssyncset.done $0x0  }
0xa4: {  	s25 =	simm.s32 $0x1B8E;
	s24 =	sld [smem:$0x3FFE];
	[sflag:s23] =	ssyncadd.s32 $0xFFFFFFFF  }
0xa5: {  	s26 =	simm.s32 $execute0_lowered;
	[smem:$0x3FD2] =	sst s25  }
0xa6: {  	s4 =	sshll.u32 s26, $0x1;
	_ =	strace $0x80000049;
	[dreg:$0x1] =	wrdreg $0xFFFFFFFF  }
0xa7: {  	s28 =	simm.s32 $_size_execute0_lowered;
	s2 =	sadd.s32 s2, s4;
	[dreg:$0x0] =	wrdreg $0x0  }
0xa8: {  	s4 =	sshll.u32 s28, $0x1;
	[dreg:$0x2] =	wrdreg s2  }
0xa9: {  	[dreg:$0x3] =	wrdreg s4  }
0xaa: {  	[dreg:$0x4] =	wrdreg $0xC0  }
0xab: {  	_ =	task [dreg:s6], $0x5FFFF  }
0xac: {  	[dreg:$0x1] =	wrdreg $0xFFFFFFFF  }
0xad: {  	[dreg:$0x0] =	wrdreg $0x60  }
0xae: {  	[dreg:$0x2] =	wrdreg s24  }
0xaf: {  	[dreg:$0x3] =	wrdreg $0xA8000  }
0xb0: {  	[dreg:$0x4] =	wrdreg $0x9  }
0xb1: {  	_ =	task.clear_ibuf [dreg:s6], $0x5FFFF;
	_ =	strace $0x90000049  }
0xb2: {  	s29 =	simm.s32 $0x9;
	_ =	strace $0x8000004B  }
0xb3: {  	_ =	swait.ge [sflag:s29], $0x1  }
0xb4: {  	[sflag:s29] =	ssyncadd.s32 $0xFFFFFFFF  }
0xb5: {  	_ =	strace $0x9000004B  }
0xb6: {  	_ =	sfence  }
0xb7: {  	s30 =	sld [smem:$0x0];
	_ =	sdelay $0x2  }
0xb8: {  	s31 =	sshll.u32 s1, $0xD;
	s1 =	sshrl.u32 s1, $0x2  }
0xb9: {  	s3 =	sand.u32 $0x4000, s31;
	s1 =	sadd.s32 s1, s30  }
0xba: {  	s0 =	sor.u32 s3, s0;
	s1 =	sshll.u32 s1, $0x11  }
0xbb: {  	s0 =	sor.u32 s1, s0  }
0xbc: {  	s0 =	sadd.s32 $0x8F2B, s0  }
0xbd: {  	[sflag:s0] =	ssyncadd.remote.s32 $0x1  }
0xbe: {  	_ =	sfence.sel $0xFFFF  }
0xbf: {  	[dreg:$0x0] =	wrdreg $0xFFFFFFFF;
	(pc) =	sbr.abs _section_cstart, $3  }
0xc0: {  	[dreg:$0x1] =	wrdreg $0xFFFFFFFF  }
0xc1: {  	_ =	task.clear_ibuf [dreg:s6], $0x2FFFF;
	_ =	strace $0x9FFFFFFF  }
0xc2: {  	(tm) =	ssettm $0x7FFFFFFF  }
0xc3: {  	_ =	shalt  }
tec
execute0_lowered:
.L_overlay_start_1:
0x0: {  	(tag) =	ssettag $0x1  }
0x1: {  	s1 =	srdreg.scid;
	s6 =	rddreg [dreg:$0x0]  }
0x2: {  	s0 =	stileid.u32;
	s2 =	rddreg [dreg:$0x1]  }
0x3: {  	s3 =	simm.s32 $0x0;
	s16 =	simm.s32 $0x2800;
	s17 =	simm.s32 $0x3  }
0x4: {  	s18 =	simm.s32 $0x1400;
	s19 =	simm.s32 $0x80;
	s20 =	simm.s32 $0x6800  }
0x5: {  	s21 =	simm.s32 $0x1;
	s22 =	simm.s32 $0x2;
	s23 =	simm.s32 $0x1380  }
0x6: {  	s24 =	simm.s32 $0x2700;
	s25 =	simm.s32 $0x2780;
	s8 =	smul.u32 $0x13C00, s0  }
0x7: {  	s5 =	sand.u32 $0x1, s1;
	s28 =	sshll.u32 s0, $0x1;
	s10 =	smul.u32 $0x4F000, s0  }
0x8: {  	[smem:$0x7FF] =	sst s3;
	s1 =	sor.u32 s5, s28;
	s7 =	smul.u32 $0x13C000, s5  }
0x9: {  	s29 =	ssub.s32 $0x2, s5;
	s4 =	smul.u32 $0x2800, s1;
	s1 =	rddreg [dreg:$0x2]  }
0xa: {  	_ =	strace $0x8000004A;
	s30 =	sshrl.u32 s10, $0x2;
	s31 =	sshrl.u32 s29, $0x1  }
0xb: {  	s7 =	sadd.s32 s8, s7;
	s5 =	sadd.s32 s30, s2;
	s15 =	ssub.s32 s29, s31  }
0xc: {  	s9 =	sshrl.u32 s4, $0x3;
	s4 =	sadd.s32 $0x17A00, s6;
	s7 =	sshrl.u32 s7, $0x3  }
0xd: {  	s8 =	sadd.s32 $0xC000, s5;
	s15 =	smax.u32 s15, $0x1;
	s13 =	sadd.s32 s9, s6  }
0xe: {  	s14 =	sadd.s32 s7, s6;
	s6 =	sadd.s32 $0x4000, s5;
	s7 =	sadd.s32 $0x8000, s5  }
0xf: {  	s9 =	sadd.s32 $0x10000, s5;
	s10 =	sadd.s32 $0x3A00, s13;
	s11 =	sadd.s32 $0xDA00, s13  }
0x10: {  	v0 =	vimm.f32 $0.0e+00;
	s12 =	sadd.s32 $0x3C80, s13;
	s13 =	sadd.s32 $0xDC80, s13;
	s14 =	sadd.s32 $0x3EC00, s14  }
.LBB2_1:
0x11: {  	s26 =	simm.s32 $0x0;
	s28 =	simm.s32 $0x200  }
.LBB2_2:
0x12: {  	p0 =	sne.s32 s28, $0xFE00;
	[tilespmem:s26+$0x2870] =	vst v0  }
0x13: {  	[tilespmem:s26+$0x2800] =	vst v0  }
0x14: {  	[tilespmem:s26+$0x2810] =	vst v0  }
.Ltmp0:
0x15: {  	[tilespmem:s26+$0x2820] =	vst v0;
	(pc) =	sbr.rel @p0 .LBB2_2-.Ltmp0, $4  }
0x16: {  	[tilespmem:s26+$0x2830] =	vst v0  }
0x17: {  	[tilespmem:s26+$0x2840] =	vst v0  }
0x18: {  	[tilespmem:s26+$0x2850] =	vst v0  }
0x19: {  	[tilespmem:s26+$0x2860] =	vst v0;
	s26 =	sshra.s32 s28, $0x2;
	s28 =	sadd.s32 $0x200, s28  }
0x1a: {  	[tilespmem:s26+$0x2870] =	vst v0  }
0x1b: {  	[tilespmem:s26+$0x2800] =	vst v0  }
0x1c: {  	[tilespmem:s26+$0x2810] =	vst v0  }
0x1d: {  	[tilespmem:s26+$0x2820] =	vst v0  }
0x1e: {  	[tilespmem:s26+$0x2830] =	vst v0  }
0x1f: {  	[tilespmem:s26+$0x2840] =	vst v0  }
0x20: {  	[tilespmem:s26+$0x2850] =	vst v0  }
0x21: {  	[tilespmem:s26+$0x2860] =	vst v0  }
0x22: {  	[spmem:s5] =	stream.linear.scatter [tilespmem:s16], [sflag:$0x3], $0x4000, $0x38;
	[tilespmem:$0x1E400] =	vst v63  }
0x23: {  	_ =	swait.ge [sflag:s17], $0x4000  }
0x24: {  	[sflag:s17] =	ssyncset.done $0x0  }
0x25: {  	[sflag:s17] =	ssyncadd.s32 $0xFFFFC000  }
0x26: {  	[spmem:s6] =	stream.linear.scatter [tilespmem:s16], [sflag:$0x3], $0x4000, $0x38;
	[tilespmem:$0x1E400] =	vst v63  }
0x27: {  	_ =	swait.ge [sflag:s17], $0x4000  }
0x28: {  	[sflag:s17] =	ssyncset.done $0x0  }
0x29: {  	[sflag:s17] =	ssyncadd.s32 $0xFFFFC000  }
0x2a: {  	[spmem:s7] =	stream.linear.scatter [tilespmem:s16], [sflag:$0x3], $0x4000, $0x38;
	[tilespmem:$0x1E400] =	vst v63  }
0x2b: {  	_ =	swait.ge [sflag:s17], $0x4000  }
0x2c: {  	[sflag:s17] =	ssyncset.done $0x0  }
0x2d: {  	[sflag:s17] =	ssyncadd.s32 $0xFFFFC000  }
0x2e: {  	[spmem:s8] =	stream.linear.scatter [tilespmem:s16], [sflag:$0x3], $0x4000, $0x38;
	[tilespmem:$0x1E400] =	vst v63  }
0x2f: {  	_ =	swait.ge [sflag:s17], $0x4000  }
0x30: {  	[sflag:s17] =	ssyncset.done $0x0  }
0x31: {  	[sflag:s17] =	ssyncadd.s32 $0xFFFFC000  }
0x32: {  	[spmem:s9] =	stream.linear.scatter [tilespmem:s16], [sflag:$0x3], $0x3C00, $0x38;
	[tilespmem:$0x1E400] =	vst v63  }
0x33: {  	_ =	swait.ge [sflag:s17], $0x3C00  }
0x34: {  	[sflag:s17] =	ssyncset.done $0x0  }
0x35: {  	[sflag:s17] =	ssyncadd.s32 $0xFFFFC400  }
0x36: {  	s30 =	simm.s32 $0x0;
	[bflag:$0x0] =	sbarrier.arrive $0xFFFF  }
0x37: {  	[tilespmem:s30], [sflag:$0x3] =	stream.linear.gather [hbm4b:s10+s30], $0x1400, $0x38;
	[tilespmem:$0x1E400] =	vst v63  }
0x38: {  	_ =	swait.ge [sflag:s17], $0x1400  }
0x39: {  	[sflag:s17] =	ssyncset.done $0x0  }
0x3a: {  	[sflag:s17] =	ssyncadd.s32 $0xFFFFEC00  }
0x3b: {  	[tilespmem:s18], [sflag:$0x3] =	stream.linear.gather [hbm4b:s11+s30], $0x1400, $0x38;
	[tilespmem:$0x1E400] =	vst v63  }
0x3c: {  	_ =	swait.ge [sflag:s17], $0x1400  }
0x3d: {  	[sflag:s17] =	ssyncset.done $0x0  }
0x3e: {  	[sflag:s17] =	ssyncadd.s32 $0xFFFFEC00  }
0x3f: {  	[tilespmem:s16], [sflag:$0x1] =	stream.indirect.gather [hbm4b:s4+s19], $0x80, s30, s19, $0xb8;
	[tilespmem:$0x1E400] =	vst v63  }
0x40: {  	s31 =	simm.s32 $0x80  }
0x41: {  	[tilespmem:s20], [sflag:$0x2] =	stream.indirect.gather [hbm4b:s4+s19], $0x80, s31, s19, $0xb8;
	[tilespmem:$0x1E400] =	vst v63  }
0x42: {  	_ =	swait.ge [sflag:s21], $0x4000  }
0x43: {  	[sflag:s21] =	ssyncset.done $0x0  }
0x44: {  	s29 =	simm.s32 $0x1400;
	[sflag:s21] =	ssyncadd.s32 $0xFFFFC000  }
0x45: {  	[spmem:s2] =	stream.indirect.scatter.add.f32 [tilespmem:s16], [sflag:$0x3], $0x80, s29, s19, $0xb8;
	[tilespmem:$0x1E400] =	vst v63  }
0x46: {  	_ =	swait.ge [sflag:s17], $0x4000  }
0x47: {  	[sflag:s17] =	ssyncset.done $0x0  }
0x48: {  	s30 =	simm.s32 $0x100;
	[sflag:s17] =	ssyncadd.s32 $0xFFFFC000  }
0x49: {  	[tilespmem:s16], [sflag:$0x1] =	stream.indirect.gather [hbm4b:s4+s19], $0x80, s30, s19, $0xb8;
	[tilespmem:$0x1E400] =	vst v63  }
0x4a: {  	_ =	swait.ge [sflag:s22], $0x4000  }
0x4b: {  	[sflag:s22] =	ssyncset.done $0x0  }
0x4c: {  	s31 =	simm.s32 $0x1480;
	[sflag:s22] =	ssyncadd.s32 $0xFFFFC000  }
0x4d: {  	[spmem:s2] =	stream.indirect.scatter.add.f32 [tilespmem:s20], [sflag:$0x3], $0x80, s31, s19, $0xb8;
	[tilespmem:$0x1E400] =	vst v63  }
0x4e: {  	_ =	swait.ge [sflag:s17], $0x4000  }
0x4f: {  	s28 =	simm.s32 $0x800;
	s26 =	simm.s32 $0x100;
	[sflag:s17] =	ssyncset.done $0x0  }
.LBB2_4:
0x50: {  	s29 =	sadd.s32 $0x80, s26  }
0x51: {  	[sflag:s17] =	ssyncadd.s32 $0xFFFFC000;
	s30 =	smov.u32 s28;
	s31 =	sadd.s32 $0x400, s28  }
0x52: {  	[tilespmem:s20], [sflag:$0x2] =	stream.indirect.gather [hbm4b:s4+s19], $0x80, s29, s19, $0xb8;
	[tilespmem:$0x1E400] =	vst v63  }
0x53: {  	p0 =	sne.s32 s28, $0x4800;
	_ =	swait.ge [sflag:s21], $0x4000  }
0x54: {  	[sflag:s21] =	ssyncset.done $0x0  }
0x55: {  	s28 =	sadd.s32 $0x1400, s26;
	[sflag:s21] =	ssyncadd.s32 $0xFFFFC000  }
0x56: {  	[spmem:s2] =	stream.indirect.scatter.add.f32 [tilespmem:s16], [sflag:$0x3], $0x80, s28, s19, $0xb8;
	[tilespmem:$0x1E400] =	vst v63  }
0x57: {  	_ =	swait.ge [sflag:s17], $0x4000  }
0x58: {  	[sflag:s17] =	ssyncset.done $0x0  }
0x59: {  	s28 =	sadd.s32 $0x100, s26;
	[sflag:s17] =	ssyncadd.s32 $0xFFFFC000  }
0x5a: {  	[tilespmem:s16], [sflag:$0x1] =	stream.indirect.gather [hbm4b:s4+s19], $0x80, s28, s19, $0xb8;
	[tilespmem:$0x1E400] =	vst v63  }
0x5b: {  	_ =	swait.ge [sflag:s22], $0x4000  }
.Ltmp1:
0x5c: {  	[sflag:s22] =	ssyncset.done $0x0;
	(pc) =	sbr.rel @p0 .LBB2_4-.Ltmp1, $4  }
0x5d: {  	s26 =	sadd.s32 $0x1480, s26;
	[sflag:s22] =	ssyncadd.s32 $0xFFFFC000  }
0x5e: {  	[spmem:s2] =	stream.indirect.scatter.add.f32 [tilespmem:s20], [sflag:$0x3], $0x80, s26, s19, $0xb8;
	[tilespmem:$0x1E400] =	vst v63  }
0x5f: {  	_ =	swait.ge [sflag:s17], $0x4000  }
0x60: {  	s28 =	smov.u32 s31;
	s26 =	sshra.s32 s30, $0x2;
	[sflag:s17] =	ssyncset.done $0x0  }
0x61: {  	s28 =	sadd.s32 $0x80, s26;
	[sflag:s17] =	ssyncadd.s32 $0xFFFFC000  }
0x62: {  	[tilespmem:s20], [sflag:$0x2] =	stream.indirect.gather [hbm4b:s4+s19], $0x80, s28, s19, $0xb8;
	[tilespmem:$0x1E400] =	vst v63  }
0x63: {  	_ =	swait.ge [sflag:s21], $0x4000  }
0x64: {  	[sflag:s21] =	ssyncset.done $0x0  }
0x65: {  	s28 =	sadd.s32 $0x1400, s26;
	[sflag:s21] =	ssyncadd.s32 $0xFFFFC000  }
0x66: {  	[spmem:s2] =	stream.indirect.scatter.add.f32 [tilespmem:s16], [sflag:$0x3], $0x80, s28, s19, $0xb8;
	[tilespmem:$0x1E400] =	vst v63  }
0x67: {  	_ =	swait.ge [sflag:s17], $0x4000  }
0x68: {  	[sflag:s17] =	ssyncset.done $0x0  }
0x69: {  	s28 =	sadd.s32 $0x100, s26;
	[sflag:s17] =	ssyncadd.s32 $0xFFFFC000  }
0x6a: {  	[tilespmem:s16], [sflag:$0x1] =	stream.indirect.gather [hbm4b:s4+s19], $0x80, s28, s19, $0xb8;
	[tilespmem:$0x1E400] =	vst v63  }
0x6b: {  	_ =	swait.ge [sflag:s22], $0x4000  }
0x6c: {  	[sflag:s22] =	ssyncset.done $0x0  }
0x6d: {  	s29 =	sadd.s32 $0x1480, s26;
	[sflag:s22] =	ssyncadd.s32 $0xFFFFC000  }
0x6e: {  	[spmem:s2] =	stream.indirect.scatter.add.f32 [tilespmem:s20], [sflag:$0x3], $0x80, s29, s19, $0xb8;
	[tilespmem:$0x1E400] =	vst v63  }
0x6f: {  	_ =	swait.ge [sflag:s17], $0x4000  }
0x70: {  	[sflag:s17] =	ssyncset.done $0x0  }
0x71: {  	[sflag:s17] =	ssyncadd.s32 $0xFFFFC000  }
0x72: {  	[tilespmem:s20], [sflag:$0x2] =	stream.indirect.gather [hbm4b:s4+s19], $0x80, s23, s19, $0xb8;
	[tilespmem:$0x1E400] =	vst v63  }
0x73: {  	_ =	swait.ge [sflag:s21], $0x4000  }
0x74: {  	[sflag:s21] =	ssyncset.done $0x0  }
0x75: {  	[sflag:s21] =	ssyncadd.s32 $0xFFFFC000  }
0x76: {  	[spmem:s2] =	stream.indirect.scatter.add.f32 [tilespmem:s16], [sflag:$0x3], $0x80, s24, s19, $0xb8;
	[tilespmem:$0x1E400] =	vst v63  }
0x77: {  	_ =	swait.ge [sflag:s17], $0x4000  }
0x78: {  	[sflag:s17] =	ssyncset.done $0x0  }
0x79: {  	[sflag:s17] =	ssyncadd.s32 $0xFFFFC000  }
0x7a: {  	_ =	swait.ge [sflag:s22], $0x4000  }
0x7b: {  	[sflag:s22] =	ssyncset.done $0x0  }
0x7c: {  	[sflag:s22] =	ssyncadd.s32 $0xFFFFC000  }
0x7d: {  	[spmem:s2] =	stream.indirect.scatter.add.f32 [tilespmem:s20], [sflag:$0x3], $0x80, s25, s19, $0xb8;
	[tilespmem:$0x1E400] =	vst v63  }
0x7e: {  	_ =	swait.ge [sflag:s17], $0x4000  }
0x7f: {  	[sflag:s17] =	ssyncset.done $0x0  }
0x80: {  	s30 =	simm.s32 $0x0;
	[sflag:s17] =	ssyncadd.s32 $0xFFFFC000  }
0x81: {  	[tilespmem:s30], [sflag:$0x3] =	stream.linear.gather [hbm4b:s12+s30], $0x1400, $0x38;
	[tilespmem:$0x1E400] =	vst v63  }
0x82: {  	_ =	swait.ge [sflag:s17], $0x1400  }
0x83: {  	[sflag:s17] =	ssyncset.done $0x0  }
0x84: {  	[sflag:s17] =	ssyncadd.s32 $0xFFFFEC00  }
0x85: {  	[tilespmem:s18], [sflag:$0x3] =	stream.linear.gather [hbm4b:s13+s30], $0x1400, $0x38;
	[tilespmem:$0x1E400] =	vst v63  }
0x86: {  	_ =	swait.ge [sflag:s17], $0x1400  }
0x87: {  	[sflag:s17] =	ssyncset.done $0x0  }
0x88: {  	[sflag:s17] =	ssyncadd.s32 $0xFFFFEC00  }
0x89: {  	[tilespmem:s16], [sflag:$0x1] =	stream.indirect.gather [hbm4b:s4+s19], $0x80, s30, s19, $0xb8;
	[tilespmem:$0x1E400] =	vst v63  }
0x8a: {  	s31 =	simm.s32 $0x80  }
0x8b: {  	[tilespmem:s20], [sflag:$0x2] =	stream.indirect.gather [hbm4b:s4+s19], $0x80, s31, s19, $0xb8;
	[tilespmem:$0x1E400] =	vst v63  }
0x8c: {  	_ =	swait.ge [sflag:s21], $0x4000  }
0x8d: {  	[sflag:s21] =	ssyncset.done $0x0  }
0x8e: {  	s29 =	simm.s32 $0x1400;
	[sflag:s21] =	ssyncadd.s32 $0xFFFFC000  }
0x8f: {  	[spmem:s2] =	stream.indirect.scatter.add.f32 [tilespmem:s16], [sflag:$0x3], $0x80, s29, s19, $0xb8;
	[tilespmem:$0x1E400] =	vst v63  }
0x90: {  	_ =	swait.ge [sflag:s17], $0x4000  }
0x91: {  	[sflag:s17] =	ssyncset.done $0x0  }
0x92: {  	s30 =	simm.s32 $0x100;
	[sflag:s17] =	ssyncadd.s32 $0xFFFFC000  }
0x93: {  	[tilespmem:s16], [sflag:$0x1] =	stream.indirect.gather [hbm4b:s4+s19], $0x80, s30, s19, $0xb8;
	[tilespmem:$0x1E400] =	vst v63  }
0x94: {  	_ =	swait.ge [sflag:s22], $0x4000  }
0x95: {  	[sflag:s22] =	ssyncset.done $0x0  }
0x96: {  	s31 =	simm.s32 $0x1480;
	[sflag:s22] =	ssyncadd.s32 $0xFFFFC000  }
0x97: {  	[spmem:s2] =	stream.indirect.scatter.add.f32 [tilespmem:s20], [sflag:$0x3], $0x80, s31, s19, $0xb8;
	[tilespmem:$0x1E400] =	vst v63  }
0x98: {  	_ =	swait.ge [sflag:s17], $0x4000  }
0x99: {  	s26 =	simm.s32 $0x100;
	s28 =	simm.s32 $0x800;
	[sflag:s17] =	ssyncset.done $0x0  }
.LBB2_6:
0x9a: {  	s29 =	sadd.s32 $0x80, s26  }
0x9b: {  	[sflag:s17] =	ssyncadd.s32 $0xFFFFC000;
	s30 =	smov.u32 s28;
	s31 =	sadd.s32 $0x400, s28  }
0x9c: {  	[tilespmem:s20], [sflag:$0x2] =	stream.indirect.gather [hbm4b:s4+s19], $0x80, s29, s19, $0xb8;
	[tilespmem:$0x1E400] =	vst v63  }
0x9d: {  	p0 =	sne.s32 s28, $0x4800;
	_ =	swait.ge [sflag:s21], $0x4000  }
0x9e: {  	[sflag:s21] =	ssyncset.done $0x0  }
0x9f: {  	s28 =	sadd.s32 $0x1400, s26;
	[sflag:s21] =	ssyncadd.s32 $0xFFFFC000  }
0xa0: {  	[spmem:s2] =	stream.indirect.scatter.add.f32 [tilespmem:s16], [sflag:$0x3], $0x80, s28, s19, $0xb8;
	[tilespmem:$0x1E400] =	vst v63  }
0xa1: {  	_ =	swait.ge [sflag:s17], $0x4000  }
0xa2: {  	[sflag:s17] =	ssyncset.done $0x0  }
0xa3: {  	s28 =	sadd.s32 $0x100, s26;
	[sflag:s17] =	ssyncadd.s32 $0xFFFFC000  }
0xa4: {  	[tilespmem:s16], [sflag:$0x1] =	stream.indirect.gather [hbm4b:s4+s19], $0x80, s28, s19, $0xb8;
	[tilespmem:$0x1E400] =	vst v63  }
0xa5: {  	_ =	swait.ge [sflag:s22], $0x4000  }
.Ltmp2:
0xa6: {  	[sflag:s22] =	ssyncset.done $0x0;
	(pc) =	sbr.rel @p0 .LBB2_6-.Ltmp2, $4  }
0xa7: {  	s26 =	sadd.s32 $0x1480, s26;
	[sflag:s22] =	ssyncadd.s32 $0xFFFFC000  }
0xa8: {  	[spmem:s2] =	stream.indirect.scatter.add.f32 [tilespmem:s20], [sflag:$0x3], $0x80, s26, s19, $0xb8;
	[tilespmem:$0x1E400] =	vst v63  }
0xa9: {  	_ =	swait.ge [sflag:s17], $0x4000  }
0xaa: {  	s28 =	smov.u32 s31;
	s26 =	sshra.s32 s30, $0x2;
	[sflag:s17] =	ssyncset.done $0x0  }
0xab: {  	s28 =	sadd.s32 $0x80, s26;
	[sflag:s17] =	ssyncadd.s32 $0xFFFFC000  }
0xac: {  	[tilespmem:s20], [sflag:$0x2] =	stream.indirect.gather [hbm4b:s4+s19], $0x80, s28, s19, $0xb8;
	[tilespmem:$0x1E400] =	vst v63  }
0xad: {  	_ =	swait.ge [sflag:s21], $0x4000  }
0xae: {  	[sflag:s21] =	ssyncset.done $0x0  }
0xaf: {  	s30 =	sadd.s32 $0x1400, s26;
	[sflag:s21] =	ssyncadd.s32 $0xFFFFC000  }
0xb0: {  	[spmem:s2] =	stream.indirect.scatter.add.f32 [tilespmem:s16], [sflag:$0x3], $0x80, s30, s19, $0xb8;
	[tilespmem:$0x1E400] =	vst v63  }
0xb1: {  	_ =	swait.ge [sflag:s17], $0x4000  }
0xb2: {  	[sflag:s17] =	ssyncset.done $0x0  }
0xb3: {  	s31 =	sadd.s32 $0x100, s26;
	[sflag:s17] =	ssyncadd.s32 $0xFFFFC000  }
0xb4: {  	[tilespmem:s16], [sflag:$0x1] =	stream.indirect.gather [hbm4b:s4+s19], $0x80, s31, s19, $0xb8;
	[tilespmem:$0x1E400] =	vst v63  }
0xb5: {  	_ =	swait.ge [sflag:s22], $0x4000  }
0xb6: {  	[sflag:s22] =	ssyncset.done $0x0  }
0xb7: {  	s29 =	sadd.s32 $0x1480, s26;
	[sflag:s22] =	ssyncadd.s32 $0xFFFFC000  }
0xb8: {  	[spmem:s2] =	stream.indirect.scatter.add.f32 [tilespmem:s20], [sflag:$0x3], $0x80, s29, s19, $0xb8;
	[tilespmem:$0x1E400] =	vst v63  }
0xb9: {  	_ =	swait.ge [sflag:s17], $0x4000  }
0xba: {  	[sflag:s17] =	ssyncset.done $0x0  }
0xbb: {  	[sflag:s17] =	ssyncadd.s32 $0xFFFFC000  }
0xbc: {  	[tilespmem:s20], [sflag:$0x2] =	stream.indirect.gather [hbm4b:s4+s19], $0x80, s23, s19, $0xb8;
	[tilespmem:$0x1E400] =	vst v63  }
0xbd: {  	_ =	swait.ge [sflag:s21], $0x4000  }
0xbe: {  	[sflag:s21] =	ssyncset.done $0x0  }
0xbf: {  	[sflag:s21] =	ssyncadd.s32 $0xFFFFC000  }
0xc0: {  	[spmem:s2] =	stream.indirect.scatter.add.f32 [tilespmem:s16], [sflag:$0x3], $0x80, s24, s19, $0xb8;
	[tilespmem:$0x1E400] =	vst v63  }
0xc1: {  	_ =	swait.ge [sflag:s17], $0x4000  }
0xc2: {  	[sflag:s17] =	ssyncset.done $0x0  }
0xc3: {  	[sflag:s17] =	ssyncadd.s32 $0xFFFFC000  }
0xc4: {  	_ =	swait.ge [sflag:s22], $0x4000  }
0xc5: {  	[sflag:s22] =	ssyncset.done $0x0  }
0xc6: {  	[sflag:s22] =	ssyncadd.s32 $0xFFFFC000  }
0xc7: {  	[spmem:s2] =	stream.indirect.scatter.add.f32 [tilespmem:s20], [sflag:$0x3], $0x80, s25, s19, $0xb8;
	[tilespmem:$0x1E400] =	vst v63  }
0xc8: {  	_ =	swait.ge [sflag:s17], $0x4000  }
0xc9: {  	s3 =	sadd.s32 $0x1, s3;
	s30 =	sshll.u32 s0, $0x6;
	[sflag:s17] =	ssyncset.done $0x0  }
0xca: {  	p0 =	sne.s32 s3, s15;
	s26 =	sor.u32 $0x1C03, s30;
	[sflag:s17] =	ssyncadd.s32 $0xFFFFC000  }
.Ltmp3:
0xcb: {  	s31 =	sshrl.u32 s5, $0x3;
	[bflag:$0x0] =	sbarrier.arrive $0xFFFF;
	(pc) =	sbr.rel @p0 .LBB2_1-.Ltmp3, $4  }
0xcc: {  	[hbm:s14], [sflag:s26] =	dma.local [spmem:s31], $0x2780  }
0xcd: {  	_ =	swait.ge [sflag:s17], $0x2780  }
0xce: {  	[sflag:s17] =	ssyncset.done $0x0  }
0xcf: {  	[sflag:s17] =	ssyncadd.s32 $0xFFFFD880  }
0xd0: {  	_ =	sfence.sel $0x180000  }
0xd1: {  	[bflag:$0x0] =	sbarrier.arrive $0xFFFF  }
0xd2: {  	p0 =	sne.s32 s0, $0x0;
	_ =	strace $0x9000004A  }
0xd3: {  	s0 =	sadd.s32 @!p0 $0x100000, s1;
	[bflag:$0x2] =	sbarrier.arrive $0xFFFF  }
0xd4: {  	[sflag:s0] =	ssyncadd.tile.s32 @!p0 $0x1;
	_ =	shalt  }
.Lfunc_end2:
_tile_overlayer_lowered:
.L_overlay_start_2:
0xd5: {  	(tag) =	ssettag $0x2  }
0xd6: {  	s0 =	rddreg [dreg:$0x0];
	s2 =	stileid.u32  }
0xd7: {  	s1 =	rddreg [dreg:$0x1];
	p0 =	sne.s32 s2, $0x0  }
0xd8: {  	s3 =	rddreg [dreg:$0x2];
	[bflag:$0x3] =	sbarrier.arrive $0xFFFF;
	s2 =	simm.s32 @!p0 $0x1C03  }
0xd9: {  	[timem:s3], [sflag:s2] =	dma.local @!p0 [hbm:s0], s1  }
0xda: {  	s0 =	simm.s32 @!p0 $0x3  }
0xdb: {  	_ =	swait.ge @!p0 [sflag:s0], s1  }
0xdc: {  	s1 =	ssub.s32 @!p0 $0x0, s1;
	[sflag:s0] =	ssyncset.done @!p0 $0x0  }
0xdd: {  	[sflag:s0] =	ssyncadd.s32 @!p0 s1  }
0xde: {  	[bflag:$0x3] =	sbarrier.arrive $0xFFFF  }
0xdf: {  	_ =	shalt  }

// kernel: kernel.16.cloned.1.call-start
scs
__scs_entry_jumppad:
0x0: {  	(pc) =	sbr.rel $0x88, $3  }
0x1: {  	(tag) =	ssettag $0x0;
	lr =	simm.s32 $0x1  }
0x2: {  	[smem:$0x3F99] =	sst lr;
	_ =	strace $0xD0000000  }
0x3: {  	_ = 	snop  }
0x4: {  	_ = 	snop  }
0x5: {  	_ = 	snop  }
0x6: {  	_ = 	snop  }
0x7: {  	_ = 	snop  }
__scs_overlays_trampoline_lowered:
0x8: {  	[smem:$0x3FA8] =	sst s0  }
0x9: {  	[smem:$0x3FA9] =	sst s1  }
0xa: {  	[smem:$0x3FAA] =	sst s2  }
0xb: {  	[smem:$0x3FAB] =	sst s3  }
0xc: {  	[smem:$0x3FAC] =	sst s4  }
0xd: {  	[smem:$0x3FAD] =	sst s5  }
0xe: {  	[smem:$0x3FAE] =	sst s6  }
0xf: {  	[smem:$0x3FAF] =	sst s7  }
0x10: {  	[smem:$0x3FB0] =	sst s8  }
0x11: {  	[smem:$0x3FB1] =	sst s9;
	s0 =	simm.s32 @!p0 $0x0  }
0x12: {  	s1 =	sld [smem:$0x3F97];
	s0 =	simm.s32 @p0 $0x1  }
0x13: {  	[smem:$0x3FB2] =	sst s0;
	s0 =	simm.s32 @!p1 $0x0  }
0x14: {  	s2 =	sld [smem:$0x3F96];
	s0 =	simm.s32 @p1 $0x1  }
0x15: {  	[smem:$0x3FB3] =	sst s0;
	s0 =	simm.s32 @!p2 $0x0  }
0x16: {  	s3 =	sld [smem:$0x3FDB];
	s0 =	simm.s32 @p2 $0x1  }
0x17: {  	s4 =	simm.s32 $0x1BF5;
	[smem:$0x3FB5] =	sst s0  }
0x18: {  	s0 =	sld [smem:$0x3F98];
	_ =	swait.ge [sflag:s4], $0x0  }
0x19: {  	s7 =	sld [smem:$0x3F99]  }
0x1a: {  	s8 =	sadd.s32 $0xFFFFE003, lr  }
0x1b: {  	s9 =	sadd.s32 $0xFFFFFEF7, lr;
	s5 =	simm.s32 $0xFFFFFFFF;
	p2 =	slt.u32 s8, $0xFFFFF086  }
0x1c: {  	p1 =	slt.u32 s9, $0xF7A;
	s5 =	simm.s32 @!p2 $0x0  }
0x1d: {  	s5 =	simm.s32 @p1 $0x1;
	p0 =	seq.s32 s7, s2  }
0x1e: {  	s7 =	smul.u32 @!p0 $0xF7A, s2;
	p2 =	seq.s32 @!p0 s5, $0x0  }
0x1f: {  	s9 =	smul.u32 $0xF7A, s1;
	s8 =	simm.s32 @!p0 $0x1BF5;
	p2 =	por !p2, p0  }
0x20: {  	[sflag:s8] =	ssyncset.s32 @!p0 $0xFFFFF086;
	s6 =	sadd.s32 @!p0 s3, s7;
	s7 =	simm.s32 @!p0 $0x108  }
0x21: {  	s3 =	sadd.s32 s3, s9;
	s6 =	sadd.s32 @!p0 $0x88, s6;
	s7 =	simm.s32 @p2 $0x1082  }
0x22: {  	[simem:s7], [sflag:s8] =	dma.local @!p0 [hbm:s6], $0xF7A  }
0x23: {  	s9 =	sor.u32 $0xD0000000, s2;
	s6 =	simm.s32 $0x108;
	_ =	swait.ge @!p0 [sflag:s8], $0x0  }
0x24: {  	s3 =	sadd.s32 $0x88, s3;
	s6 =	simm.s32 @!p1 $0x1082;
	[sflag:s4] =	ssyncset.s32 $0xFFFFF086  }
0x25: {  	[simem:s6], [sflag:s4] =	dma.local [hbm:s3], $0xF7A  }
0x26: {  	[smem:$0x3F99] =	sst s1;
	(tag) =	ssettag s2;
	_ =	strace s9  }
0x27: {  	s1 =	sld [smem:$0x3FA9]  }
0x28: {  	s2 =	sld [smem:$0x3FAA]  }
0x29: {  	s4 =	sld [smem:$0x3FAC]  }
0x2a: {  	p0 =	seq.s32 s5, $0x0;
	s5 =	sld [smem:$0x3FAD]  }
0x2b: {  	s6 =	sld [smem:$0x3FAE]  }
0x2c: {  	s7 =	sld [smem:$0x3FAF]  }
0x2d: {  	s3 =	simm.s32 $0x108;
	s8 =	sld [smem:$0x3FB0]  }
0x2e: {  	s3 =	simm.s32 @!p0 $0x1082;
	s9 =	sld [smem:$0x3FB1]  }
0x2f: {  	lr =	sadd.s32 s0, s3;
	s0 =	sld [smem:$0x3FA8]  }
0x30: {  	s3 =	sld [smem:$0x3FAB]  }
0x31: {  	[smem:$0x3FB4] =	sst s10  }
0x32: {  	s10 =	sld [smem:$0x3FB2];
	_ =	sdelay $0x3  }
0x33: {  	p0 =	seq.s32 s10, $0x1;
	s10 =	sld [smem:$0x3FB4];
	_ =	sdelay $0x3  }
0x34: {  	[smem:$0x3FB4] =	sst s10  }
0x35: {  	s10 =	sld [smem:$0x3FB3];
	_ =	sdelay $0x3  }
0x36: {  	p1 =	seq.s32 s10, $0x1;
	s10 =	sld [smem:$0x3FB4];
	_ =	sdelay $0x3  }
0x37: {  	[smem:$0x3FB4] =	sst s10  }
0x38: {  	s10 =	sld [smem:$0x3FB5]  }
0x39: {  	_ = 	snop;
	(pc) =	sbr.ind lr, $3  }
0x3a: {  	_ = 	snop  }
0x3b: {  	_ = 	snop  }
0x3c: {  	p2 =	seq.s32 s10, $0x1;
	s10 =	sld [smem:$0x3FB4]  }
0x3d: {  	_ =	shalt  }
0x3e: {  	_ =	shalt  }
0x3f: {  	_ =	shalt  }
0x40: {  	_ =	shalt  }
0x41: {  	_ =	shalt  }
0x42: {  	_ =	shalt  }
0x43: {  	_ =	shalt  }
0x44: {  	_ =	shalt  }
0x45: {  	_ =	shalt  }
0x46: {  	_ =	shalt  }
0x47: {  	_ =	shalt  }
0x48: {  	_ =	shalt  }
0x49: {  	_ =	shalt  }
0x4a: {  	_ =	shalt  }
0x4b: {  	_ =	shalt  }
0x4c: {  	_ =	shalt  }
0x4d: {  	_ =	shalt  }
0x4e: {  	_ =	shalt  }
0x4f: {  	_ =	shalt  }
0x50: {  	_ =	shalt  }
0x51: {  	_ =	shalt  }
0x52: {  	_ =	shalt  }
0x53: {  	_ =	shalt  }
0x54: {  	_ =	shalt  }
0x55: {  	_ =	shalt  }
0x56: {  	_ =	shalt  }
0x57: {  	_ =	shalt  }
0x58: {  	_ =	shalt  }
0x59: {  	_ =	shalt  }
0x5a: {  	_ =	shalt  }
0x5b: {  	_ =	shalt  }
0x5c: {  	_ =	shalt  }
0x5d: {  	_ =	shalt  }
0x5e: {  	_ =	shalt  }
0x5f: {  	_ =	shalt  }
0x60: {  	_ =	shalt  }
0x61: {  	_ =	shalt  }
0x62: {  	_ =	shalt  }
0x63: {  	_ =	shalt  }
0x64: {  	_ =	shalt  }
0x65: {  	_ =	shalt  }
0x66: {  	_ =	shalt  }
0x67: {  	_ =	shalt  }
0x68: {  	_ =	shalt  }
0x69: {  	_ =	shalt  }
0x6a: {  	_ =	shalt  }
0x6b: {  	_ =	shalt  }
0x6c: {  	_ =	shalt  }
0x6d: {  	_ =	shalt  }
0x6e: {  	_ =	shalt  }
0x6f: {  	_ =	shalt  }
0x70: {  	_ =	shalt  }
0x71: {  	_ =	shalt  }
0x72: {  	_ =	shalt  }
0x73: {  	_ =	shalt  }
0x74: {  	_ =	shalt  }
0x75: {  	_ =	shalt  }
0x76: {  	_ =	shalt  }
0x77: {  	_ =	shalt  }
0x78: {  	_ =	shalt  }
0x79: {  	_ =	shalt  }
0x7a: {  	_ =	shalt  }
0x7b: {  	_ =	shalt  }
0x7c: {  	_ =	shalt  }
0x7d: {  	_ =	shalt  }
0x7e: {  	_ =	shalt  }
0x7f: {  	_ =	shalt  }
0x80: {  	_ =	shalt  }
0x81: {  	_ =	shalt  }
0x82: {  	_ =	shalt  }
0x83: {  	_ =	shalt  }
0x84: {  	_ =	shalt  }
0x85: {  	_ =	shalt  }
0x86: {  	_ =	shalt  }
0x87: {  	_ =	shalt  }
.Lfunc_end0:
.L_simem_size_0:
called_computation.2_lowered:
.L_overlay_start_0:
0x88: {  	s2 =	sld [smem:$0x3FD9]  }
0x89: {  	s3 =	sld [smem:$0x3FFE];
	_ =	sdelay $0x1  }
0x8a: {  	s1 =	srdreg.scid  }
0x8b: {  	s0 =	sand.u32 $0x1, s1  }
0x8c: {  	s16 =	sshll.u32 s0, $0xA;
	s2 =	sadd.s32 s3, s2  }
0x8d: {  	s2 =	sadd.s32 s2, s16  }
0x8e: {  	[smem:$0x3FC0] =	sst s2  }
0x8f: {  	_ = 	snop  }
0x90: {  	(tm) =	ssettm $0x1  }
0x91: {  	s17 =	sld [smem:$0x3FFB];
	_ =	sdelay $0x3  }
0x92: {  	_ =	strace s17  }
0x93: {  	s2 =	sld [smem:$0x3FFC];
	_ =	sdelay $0x3  }
0x94: {  	_ =	strace s2  }
0x95: {  	s2 =	sld [smem:$0x3FFD];
	_ =	sdelay $0x3  }
0x96: {  	_ =	strace s2  }
0x97: {  	_ =	strace $0x8FFFFFFF  }
0x98: {  	s18 =	sld [smem:$0x3FDB];
	_ =	sdelay $0x1  }
0x99: {  	s19 =	simm.s32 $_scs_section_size  }
0x9a: {  	s4 =	simm.s32 $_size__tile_overlayer_lowered;
	s5 =	simm.s32 $_tile_overlayer_lowered  }
0x9b: {  	s22 =	simm.s32 $0x1BFF;
	s21 =	sshll.u32 s5, $0x1;
	s2 =	sadd.s32 s19, s18  }
0x9c: {  	s6 =	simm.s32 $0x0;
	s20 =	sshll.u32 s4, $0x1;
	s4 =	sadd.s32 s21, s2  }
0x9d: {  	[timem:s6], [sflag:s22] =	dma.local [hbm:s4], s20  }
0x9e: {  	_ =	swait.ge [sflag:s22], s20  }
0x9f: {  	s3 =	ssub.s32 $0x0, s20;
	[sflag:s22] =	ssyncset.done $0x0  }
0xa0: {  	[sflag:s22] =	ssyncadd.s32 s3;
	_ =	sdelay $0x1  }
0xa1: {  	s23 =	simm.s32 $0x1B8B  }
0xa2: {  	_ =	swait.ge [sflag:s23], $0x1  }
0xa3: {  	[sflag:s23] =	ssyncset.done $0x0  }
0xa4: {  	s25 =	simm.s32 $0x1B8E;
	s24 =	sld [smem:$0x3FFE];
	[sflag:s23] =	ssyncadd.s32 $0xFFFFFFFF  }
0xa5: {  	s26 =	simm.s32 $execute0_lowered;
	[smem:$0x3FD2] =	sst s25  }
0xa6: {  	s4 =	sshll.u32 s26, $0x1;
	_ =	strace $0x8000004C;
	[dreg:$0x1] =	wrdreg $0xFFFFFFFF  }
0xa7: {  	s28 =	simm.s32 $_size_execute0_lowered;
	s2 =	sadd.s32 s2, s4;
	[dreg:$0x0] =	wrdreg $0x0  }
0xa8: {  	s4 =	sshll.u32 s28, $0x1;
	[dreg:$0x2] =	wrdreg s2  }
0xa9: {  	[dreg:$0x3] =	wrdreg s4  }
0xaa: {  	[dreg:$0x4] =	wrdreg $0xC0  }
0xab: {  	_ =	task [dreg:s6], $0x5FFFF  }
0xac: {  	[dreg:$0x1] =	wrdreg $0xFFFFFFFF  }
0xad: {  	[dreg:$0x0] =	wrdreg $0x60  }
0xae: {  	[dreg:$0x2] =	wrdreg s24  }
0xaf: {  	[dreg:$0x3] =	wrdreg $0xA8000  }
0xb0: {  	[dreg:$0x4] =	wrdreg $0x9  }
0xb1: {  	_ =	task.clear_ibuf [dreg:s6], $0x5FFFF;
	_ =	strace $0x9000004C  }
0xb2: {  	s29 =	simm.s32 $0x9;
	_ =	strace $0x8000004E  }
0xb3: {  	_ =	swait.ge [sflag:s29], $0x1  }
0xb4: {  	[sflag:s29] =	ssyncadd.s32 $0xFFFFFFFF  }
0xb5: {  	_ =	strace $0x9000004E  }
0xb6: {  	_ =	sfence  }
0xb7: {  	s30 =	sld [smem:$0x0];
	_ =	sdelay $0x2  }
0xb8: {  	s31 =	sshll.u32 s1, $0xD;
	s1 =	sshrl.u32 s1, $0x2  }
0xb9: {  	s3 =	sand.u32 $0x4000, s31;
	s1 =	sadd.s32 s1, s30  }
0xba: {  	s0 =	sor.u32 s3, s0;
	s1 =	sshll.u32 s1, $0x11  }
0xbb: {  	s0 =	sor.u32 s1, s0  }
0xbc: {  	s0 =	sadd.s32 $0x8F2B, s0  }
0xbd: {  	[sflag:s0] =	ssyncadd.remote.s32 $0x1  }
0xbe: {  	_ =	sfence.sel $0xFFFF  }
0xbf: {  	[dreg:$0x0] =	wrdreg $0xFFFFFFFF;
	(pc) =	sbr.abs _section_cstart, $3  }
0xc0: {  	[dreg:$0x1] =	wrdreg $0xFFFFFFFF  }
0xc1: {  	_ =	task.clear_ibuf [dreg:s6], $0x2FFFF;
	_ =	strace $0x9FFFFFFF  }
0xc2: {  	(tm) =	ssettm $0x7FFFFFFF  }
0xc3: {  	_ =	shalt  }
tec
execute0_lowered:
.L_overlay_start_1:
0x0: {  	(tag) =	ssettag $0x1  }
0x1: {  	s1 =	srdreg.scid;
	s6 =	rddreg [dreg:$0x0]  }
0x2: {  	s0 =	stileid.u32;
	s2 =	rddreg [dreg:$0x1]  }
0x3: {  	s3 =	simm.s32 $0x0;
	s16 =	simm.s32 $0x2800;
	s17 =	simm.s32 $0x3  }
0x4: {  	s18 =	simm.s32 $0x1400;
	s19 =	simm.s32 $0x80;
	s20 =	simm.s32 $0x6800  }
0x5: {  	s21 =	simm.s32 $0x1;
	s22 =	simm.s32 $0x2;
	s23 =	simm.s32 $0x1380  }
0x6: {  	s24 =	simm.s32 $0x2700;
	s25 =	simm.s32 $0x2780;
	s8 =	smul.u32 $0x13C00, s0  }
0x7: {  	s5 =	sand.u32 $0x1, s1;
	s28 =	sshll.u32 s0, $0x1;
	s10 =	smul.u32 $0x4F000, s0  }
0x8: {  	[smem:$0x7FF] =	sst s3;
	s1 =	sor.u32 s5, s28;
	s7 =	smul.u32 $0x13C000, s5  }
0x9: {  	s29 =	ssub.s32 $0x2, s5;
	s4 =	smul.u32 $0x2800, s1;
	s1 =	rddreg [dreg:$0x2]  }
0xa: {  	_ =	strace $0x8000004D;
	s30 =	sshrl.u32 s10, $0x2;
	s31 =	sshrl.u32 s29, $0x1  }
0xb: {  	s7 =	sadd.s32 s8, s7;
	s5 =	sadd.s32 s30, s2;
	s15 =	ssub.s32 s29, s31  }
0xc: {  	s9 =	sshrl.u32 s4, $0x3;
	s4 =	sadd.s32 $0x17A00, s6;
	s7 =	sshrl.u32 s7, $0x3  }
0xd: {  	s8 =	sadd.s32 $0xC000, s5;
	s15 =	smax.u32 s15, $0x1;
	s13 =	sadd.s32 s9, s6  }
0xe: {  	s14 =	sadd.s32 s7, s6;
	s6 =	sadd.s32 $0x4000, s5;
	s7 =	sadd.s32 $0x8000, s5  }
0xf: {  	s9 =	sadd.s32 $0x10000, s5;
	s10 =	sadd.s32 $0x3A00, s13;
	s11 =	sadd.s32 $0xDA00, s13  }
0x10: {  	v0 =	vimm.f32 $0.0e+00;
	s12 =	sadd.s32 $0x3C80, s13;
	s13 =	sadd.s32 $0xDC80, s13;
	s14 =	sadd.s32 $0x3EC00, s14  }
.LBB2_1:
0x11: {  	s26 =	simm.s32 $0x0;
	s28 =	simm.s32 $0x200  }
.LBB2_2:
0x12: {  	p0 =	sne.s32 s28, $0xFE00;
	[tilespmem:s26+$0x2870] =	vst v0  }
0x13: {  	[tilespmem:s26+$0x2800] =	vst v0  }
0x14: {  	[tilespmem:s26+$0x2810] =	vst v0  }
.Ltmp0:
0x15: {  	[tilespmem:s26+$0x2820] =	vst v0;
	(pc) =	sbr.rel @p0 .LBB2_2-.Ltmp0, $4  }
0x16: {  	[tilespmem:s26+$0x2830] =	vst v0  }
0x17: {  	[tilespmem:s26+$0x2840] =	vst v0  }
0x18: {  	[tilespmem:s26+$0x2850] =	vst v0  }
0x19: {  	[tilespmem:s26+$0x2860] =	vst v0;
	s26 =	sshra.s32 s28, $0x2;
	s28 =	sadd.s32 $0x200, s28  }
0x1a: {  	[tilespmem:s26+$0x2870] =	vst v0  }
0x1b: {  	[tilespmem:s26+$0x2800] =	vst v0  }
0x1c: {  	[tilespmem:s26+$0x2810] =	vst v0  }
0x1d: {  	[tilespmem:s26+$0x2820] =	vst v0  }
0x1e: {  	[tilespmem:s26+$0x2830] =	vst v0  }
0x1f: {  	[tilespmem:s26+$0x2840] =	vst v0  }
0x20: {  	[tilespmem:s26+$0x2850] =	vst v0  }
0x21: {  	[tilespmem:s26+$0x2860] =	vst v0  }
0x22: {  	[spmem:s5] =	stream.linear.scatter [tilespmem:s16], [sflag:$0x3], $0x4000, $0x38;
	[tilespmem:$0x1E400] =	vst v63  }
0x23: {  	_ =	swait.ge [sflag:s17], $0x4000  }
0x24: {  	[sflag:s17] =	ssyncset.done $0x0  }
0x25: {  	[sflag:s17] =	ssyncadd.s32 $0xFFFFC000  }
0x26: {  	[spmem:s6] =	stream.linear.scatter [tilespmem:s16], [sflag:$0x3], $0x4000, $0x38;
	[tilespmem:$0x1E400] =	vst v63  }
0x27: {  	_ =	swait.ge [sflag:s17], $0x4000  }
0x28: {  	[sflag:s17] =	ssyncset.done $0x0  }
0x29: {  	[sflag:s17] =	ssyncadd.s32 $0xFFFFC000  }
0x2a: {  	[spmem:s7] =	stream.linear.scatter [tilespmem:s16], [sflag:$0x3], $0x4000, $0x38;
	[tilespmem:$0x1E400] =	vst v63  }
0x2b: {  	_ =	swait.ge [sflag:s17], $0x4000  }
0x2c: {  	[sflag:s17] =	ssyncset.done $0x0  }
0x2d: {  	[sflag:s17] =	ssyncadd.s32 $0xFFFFC000  }
0x2e: {  	[spmem:s8] =	stream.linear.scatter [tilespmem:s16], [sflag:$0x3], $0x4000, $0x38;
	[tilespmem:$0x1E400] =	vst v63  }
0x2f: {  	_ =	swait.ge [sflag:s17], $0x4000  }
0x30: {  	[sflag:s17] =	ssyncset.done $0x0  }
0x31: {  	[sflag:s17] =	ssyncadd.s32 $0xFFFFC000  }
0x32: {  	[spmem:s9] =	stream.linear.scatter [tilespmem:s16], [sflag:$0x3], $0x3C00, $0x38;
	[tilespmem:$0x1E400] =	vst v63  }
0x33: {  	_ =	swait.ge [sflag:s17], $0x3C00  }
0x34: {  	[sflag:s17] =	ssyncset.done $0x0  }
0x35: {  	[sflag:s17] =	ssyncadd.s32 $0xFFFFC400  }
0x36: {  	s30 =	simm.s32 $0x0;
	[bflag:$0x0] =	sbarrier.arrive $0xFFFF  }
0x37: {  	[tilespmem:s30], [sflag:$0x3] =	stream.linear.gather [hbm4b:s10+s30], $0x1400, $0x38;
	[tilespmem:$0x1E400] =	vst v63  }
0x38: {  	_ =	swait.ge [sflag:s17], $0x1400  }
0x39: {  	[sflag:s17] =	ssyncset.done $0x0  }
0x3a: {  	[sflag:s17] =	ssyncadd.s32 $0xFFFFEC00  }
0x3b: {  	[tilespmem:s18], [sflag:$0x3] =	stream.linear.gather [hbm4b:s11+s30], $0x1400, $0x38;
	[tilespmem:$0x1E400] =	vst v63  }
0x3c: {  	_ =	swait.ge [sflag:s17], $0x1400  }
0x3d: {  	[sflag:s17] =	ssyncset.done $0x0  }
0x3e: {  	[sflag:s17] =	ssyncadd.s32 $0xFFFFEC00  }
0x3f: {  	[tilespmem:s16], [sflag:$0x1] =	stream.indirect.gather [hbm4b:s4+s19], $0x80, s30, s19, $0xb8;
	[tilespmem:$0x1E400] =	vst v63  }
0x40: {  	s31 =	simm.s32 $0x80  }
0x41: {  	[tilespmem:s20], [sflag:$0x2] =	stream.indirect.gather [hbm4b:s4+s19], $0x80, s31, s19, $0xb8;
	[tilespmem:$0x1E400] =	vst v63  }
0x42: {  	_ =	swait.ge [sflag:s21], $0x4000  }
0x43: {  	[sflag:s21] =	ssyncset.done $0x0  }
0x44: {  	s29 =	simm.s32 $0x1400;
	[sflag:s21] =	ssyncadd.s32 $0xFFFFC000  }
0x45: {  	[spmem:s2] =	stream.indirect.scatter.add.f32 [tilespmem:s16], [sflag:$0x3], $0x80, s29, s19, $0xb8;
	[tilespmem:$0x1E400] =	vst v63  }
0x46: {  	_ =	swait.ge [sflag:s17], $0x4000  }
0x47: {  	[sflag:s17] =	ssyncset.done $0x0  }
0x48: {  	s30 =	simm.s32 $0x100;
	[sflag:s17] =	ssyncadd.s32 $0xFFFFC000  }
0x49: {  	[tilespmem:s16], [sflag:$0x1] =	stream.indirect.gather [hbm4b:s4+s19], $0x80, s30, s19, $0xb8;
	[tilespmem:$0x1E400] =	vst v63  }
0x4a: {  	_ =	swait.ge [sflag:s22], $0x4000  }
0x4b: {  	[sflag:s22] =	ssyncset.done $0x0  }
0x4c: {  	s31 =	simm.s32 $0x1480;
	[sflag:s22] =	ssyncadd.s32 $0xFFFFC000  }
0x4d: {  	[spmem:s2] =	stream.indirect.scatter.add.f32 [tilespmem:s20], [sflag:$0x3], $0x80, s31, s19, $0xb8;
	[tilespmem:$0x1E400] =	vst v63  }
0x4e: {  	_ =	swait.ge [sflag:s17], $0x4000  }
0x4f: {  	s28 =	simm.s32 $0x800;
	s26 =	simm.s32 $0x100;
	[sflag:s17] =	ssyncset.done $0x0  }
.LBB2_4:
0x50: {  	s29 =	sadd.s32 $0x80, s26  }
0x51: {  	[sflag:s17] =	ssyncadd.s32 $0xFFFFC000;
	s30 =	smov.u32 s28;
	s31 =	sadd.s32 $0x400, s28  }
0x52: {  	[tilespmem:s20], [sflag:$0x2] =	stream.indirect.gather [hbm4b:s4+s19], $0x80, s29, s19, $0xb8;
	[tilespmem:$0x1E400] =	vst v63  }
0x53: {  	p0 =	sne.s32 s28, $0x4800;
	_ =	swait.ge [sflag:s21], $0x4000  }
0x54: {  	[sflag:s21] =	ssyncset.done $0x0  }
0x55: {  	s28 =	sadd.s32 $0x1400, s26;
	[sflag:s21] =	ssyncadd.s32 $0xFFFFC000  }
0x56: {  	[spmem:s2] =	stream.indirect.scatter.add.f32 [tilespmem:s16], [sflag:$0x3], $0x80, s28, s19, $0xb8;
	[tilespmem:$0x1E400] =	vst v63  }
0x57: {  	_ =	swait.ge [sflag:s17], $0x4000  }
0x58: {  	[sflag:s17] =	ssyncset.done $0x0  }
0x59: {  	s28 =	sadd.s32 $0x100, s26;
	[sflag:s17] =	ssyncadd.s32 $0xFFFFC000  }
0x5a: {  	[tilespmem:s16], [sflag:$0x1] =	stream.indirect.gather [hbm4b:s4+s19], $0x80, s28, s19, $0xb8;
	[tilespmem:$0x1E400] =	vst v63  }
0x5b: {  	_ =	swait.ge [sflag:s22], $0x4000  }
.Ltmp1:
0x5c: {  	[sflag:s22] =	ssyncset.done $0x0;
	(pc) =	sbr.rel @p0 .LBB2_4-.Ltmp1, $4  }
0x5d: {  	s26 =	sadd.s32 $0x1480, s26;
	[sflag:s22] =	ssyncadd.s32 $0xFFFFC000  }
0x5e: {  	[spmem:s2] =	stream.indirect.scatter.add.f32 [tilespmem:s20], [sflag:$0x3], $0x80, s26, s19, $0xb8;
	[tilespmem:$0x1E400] =	vst v63  }
0x5f: {  	_ =	swait.ge [sflag:s17], $0x4000  }
0x60: {  	s28 =	smov.u32 s31;
	s26 =	sshra.s32 s30, $0x2;
	[sflag:s17] =	ssyncset.done $0x0  }
0x61: {  	s28 =	sadd.s32 $0x80, s26;
	[sflag:s17] =	ssyncadd.s32 $0xFFFFC000  }
0x62: {  	[tilespmem:s20], [sflag:$0x2] =	stream.indirect.gather [hbm4b:s4+s19], $0x80, s28, s19, $0xb8;
	[tilespmem:$0x1E400] =	vst v63  }
0x63: {  	_ =	swait.ge [sflag:s21], $0x4000  }
0x64: {  	[sflag:s21] =	ssyncset.done $0x0  }
0x65: {  	s28 =	sadd.s32 $0x1400, s26;
	[sflag:s21] =	ssyncadd.s32 $0xFFFFC000  }
0x66: {  	[spmem:s2] =	stream.indirect.scatter.add.f32 [tilespmem:s16], [sflag:$0x3], $0x80, s28, s19, $0xb8;
	[tilespmem:$0x1E400] =	vst v63  }
0x67: {  	_ =	swait.ge [sflag:s17], $0x4000  }
0x68: {  	[sflag:s17] =	ssyncset.done $0x0  }
0x69: {  	s28 =	sadd.s32 $0x100, s26;
	[sflag:s17] =	ssyncadd.s32 $0xFFFFC000  }
0x6a: {  	[tilespmem:s16], [sflag:$0x1] =	stream.indirect.gather [hbm4b:s4+s19], $0x80, s28, s19, $0xb8;
	[tilespmem:$0x1E400] =	vst v63  }
0x6b: {  	_ =	swait.ge [sflag:s22], $0x4000  }
0x6c: {  	[sflag:s22] =	ssyncset.done $0x0  }
0x6d: {  	s29 =	sadd.s32 $0x1480, s26;
	[sflag:s22] =	ssyncadd.s32 $0xFFFFC000  }
0x6e: {  	[spmem:s2] =	stream.indirect.scatter.add.f32 [tilespmem:s20], [sflag:$0x3], $0x80, s29, s19, $0xb8;
	[tilespmem:$0x1E400] =	vst v63  }
0x6f: {  	_ =	swait.ge [sflag:s17], $0x4000  }
0x70: {  	[sflag:s17] =	ssyncset.done $0x0  }
0x71: {  	[sflag:s17] =	ssyncadd.s32 $0xFFFFC000  }
0x72: {  	[tilespmem:s20], [sflag:$0x2] =	stream.indirect.gather [hbm4b:s4+s19], $0x80, s23, s19, $0xb8;
	[tilespmem:$0x1E400] =	vst v63  }
0x73: {  	_ =	swait.ge [sflag:s21], $0x4000  }
0x74: {  	[sflag:s21] =	ssyncset.done $0x0  }
0x75: {  	[sflag:s21] =	ssyncadd.s32 $0xFFFFC000  }
0x76: {  	[spmem:s2] =	stream.indirect.scatter.add.f32 [tilespmem:s16], [sflag:$0x3], $0x80, s24, s19, $0xb8;
	[tilespmem:$0x1E400] =	vst v63  }
0x77: {  	_ =	swait.ge [sflag:s17], $0x4000  }
0x78: {  	[sflag:s17] =	ssyncset.done $0x0  }
0x79: {  	[sflag:s17] =	ssyncadd.s32 $0xFFFFC000  }
0x7a: {  	_ =	swait.ge [sflag:s22], $0x4000  }
0x7b: {  	[sflag:s22] =	ssyncset.done $0x0  }
0x7c: {  	[sflag:s22] =	ssyncadd.s32 $0xFFFFC000  }
0x7d: {  	[spmem:s2] =	stream.indirect.scatter.add.f32 [tilespmem:s20], [sflag:$0x3], $0x80, s25, s19, $0xb8;
	[tilespmem:$0x1E400] =	vst v63  }
0x7e: {  	_ =	swait.ge [sflag:s17], $0x4000  }
0x7f: {  	[sflag:s17] =	ssyncset.done $0x0  }
0x80: {  	s30 =	simm.s32 $0x0;
	[sflag:s17] =	ssyncadd.s32 $0xFFFFC000  }
0x81: {  	[tilespmem:s30], [sflag:$0x3] =	stream.linear.gather [hbm4b:s12+s30], $0x1400, $0x38;
	[tilespmem:$0x1E400] =	vst v63  }
0x82: {  	_ =	swait.ge [sflag:s17], $0x1400  }
0x83: {  	[sflag:s17] =	ssyncset.done $0x0  }
0x84: {  	[sflag:s17] =	ssyncadd.s32 $0xFFFFEC00  }
0x85: {  	[tilespmem:s18], [sflag:$0x3] =	stream.linear.gather [hbm4b:s13+s30], $0x1400, $0x38;
	[tilespmem:$0x1E400] =	vst v63  }
0x86: {  	_ =	swait.ge [sflag:s17], $0x1400  }
0x87: {  	[sflag:s17] =	ssyncset.done $0x0  }
0x88: {  	[sflag:s17] =	ssyncadd.s32 $0xFFFFEC00  }
0x89: {  	[tilespmem:s16], [sflag:$0x1] =	stream.indirect.gather [hbm4b:s4+s19], $0x80, s30, s19, $0xb8;
	[tilespmem:$0x1E400] =	vst v63  }
0x8a: {  	s31 =	simm.s32 $0x80  }
0x8b: {  	[tilespmem:s20], [sflag:$0x2] =	stream.indirect.gather [hbm4b:s4+s19], $0x80, s31, s19, $0xb8;
	[tilespmem:$0x1E400] =	vst v63  }
0x8c: {  	_ =	swait.ge [sflag:s21], $0x4000  }
0x8d: {  	[sflag:s21] =	ssyncset.done $0x0  }
0x8e: {  	s29 =	simm.s32 $0x1400;
	[sflag:s21] =	ssyncadd.s32 $0xFFFFC000  }
0x8f: {  	[spmem:s2] =	stream.indirect.scatter.add.f32 [tilespmem:s16], [sflag:$0x3], $0x80, s29, s19, $0xb8;
	[tilespmem:$0x1E400] =	vst v63  }
0x90: {  	_ =	swait.ge [sflag:s17], $0x4000  }
0x91: {  	[sflag:s17] =	ssyncset.done $0x0  }
0x92: {  	s30 =	simm.s32 $0x100;
	[sflag:s17] =	ssyncadd.s32 $0xFFFFC000  }
0x93: {  	[tilespmem:s16], [sflag:$0x1] =	stream.indirect.gather [hbm4b:s4+s19], $0x80, s30, s19, $0xb8;
	[tilespmem:$0x1E400] =	vst v63  }
0x94: {  	_ =	swait.ge [sflag:s22], $0x4000  }
0x95: {  	[sflag:s22] =	ssyncset.done $0x0  }
0x96: {  	s31 =	simm.s32 $0x1480;
	[sflag:s22] =	ssyncadd.s32 $0xFFFFC000  }
0x97: {  	[spmem:s2] =	stream.indirect.scatter.add.f32 [tilespmem:s20], [sflag:$0x3], $0x80, s31, s19, $0xb8;
	[tilespmem:$0x1E400] =	vst v63  }
0x98: {  	_ =	swait.ge [sflag:s17], $0x4000  }
0x99: {  	s26 =	simm.s32 $0x100;
	s28 =	simm.s32 $0x800;
	[sflag:s17] =	ssyncset.done $0x0  }
.LBB2_6:
0x9a: {  	s29 =	sadd.s32 $0x80, s26  }
0x9b: {  	[sflag:s17] =	ssyncadd.s32 $0xFFFFC000;
	s30 =	smov.u32 s28;
	s31 =	sadd.s32 $0x400, s28  }
0x9c: {  	[tilespmem:s20], [sflag:$0x2] =	stream.indirect.gather [hbm4b:s4+s19], $0x80, s29, s19, $0xb8;
	[tilespmem:$0x1E400] =	vst v63  }
0x9d: {  	p0 =	sne.s32 s28, $0x4800;
	_ =	swait.ge [sflag:s21], $0x4000  }
0x9e: {  	[sflag:s21] =	ssyncset.done $0x0  }
0x9f: {  	s28 =	sadd.s32 $0x1400, s26;
	[sflag:s21] =	ssyncadd.s32 $0xFFFFC000  }
0xa0: {  	[spmem:s2] =	stream.indirect.scatter.add.f32 [tilespmem:s16], [sflag:$0x3], $0x80, s28, s19, $0xb8;
	[tilespmem:$0x1E400] =	vst v63  }
0xa1: {  	_ =	swait.ge [sflag:s17], $0x4000  }
0xa2: {  	[sflag:s17] =	ssyncset.done $0x0  }
0xa3: {  	s28 =	sadd.s32 $0x100, s26;
	[sflag:s17] =	ssyncadd.s32 $0xFFFFC000  }
0xa4: {  	[tilespmem:s16], [sflag:$0x1] =	stream.indirect.gather [hbm4b:s4+s19], $0x80, s28, s19, $0xb8;
	[tilespmem:$0x1E400] =	vst v63  }
0xa5: {  	_ =	swait.ge [sflag:s22], $0x4000  }
.Ltmp2:
0xa6: {  	[sflag:s22] =	ssyncset.done $0x0;
	(pc) =	sbr.rel @p0 .LBB2_6-.Ltmp2, $4  }
0xa7: {  	s26 =	sadd.s32 $0x1480, s26;
	[sflag:s22] =	ssyncadd.s32 $0xFFFFC000  }
0xa8: {  	[spmem:s2] =	stream.indirect.scatter.add.f32 [tilespmem:s20], [sflag:$0x3], $0x80, s26, s19, $0xb8;
	[tilespmem:$0x1E400] =	vst v63  }
0xa9: {  	_ =	swait.ge [sflag:s17], $0x4000  }
0xaa: {  	s28 =	smov.u32 s31;
	s26 =	sshra.s32 s30, $0x2;
	[sflag:s17] =	ssyncset.done $0x0  }
0xab: {  	s28 =	sadd.s32 $0x80, s26;
	[sflag:s17] =	ssyncadd.s32 $0xFFFFC000  }
0xac: {  	[tilespmem:s20], [sflag:$0x2] =	stream.indirect.gather [hbm4b:s4+s19], $0x80, s28, s19, $0xb8;
	[tilespmem:$0x1E400] =	vst v63  }
0xad: {  	_ =	swait.ge [sflag:s21], $0x4000  }
0xae: {  	[sflag:s21] =	ssyncset.done $0x0  }
0xaf: {  	s30 =	sadd.s32 $0x1400, s26;
	[sflag:s21] =	ssyncadd.s32 $0xFFFFC000  }
0xb0: {  	[spmem:s2] =	stream.indirect.scatter.add.f32 [tilespmem:s16], [sflag:$0x3], $0x80, s30, s19, $0xb8;
	[tilespmem:$0x1E400] =	vst v63  }
0xb1: {  	_ =	swait.ge [sflag:s17], $0x4000  }
0xb2: {  	[sflag:s17] =	ssyncset.done $0x0  }
0xb3: {  	s31 =	sadd.s32 $0x100, s26;
	[sflag:s17] =	ssyncadd.s32 $0xFFFFC000  }
0xb4: {  	[tilespmem:s16], [sflag:$0x1] =	stream.indirect.gather [hbm4b:s4+s19], $0x80, s31, s19, $0xb8;
	[tilespmem:$0x1E400] =	vst v63  }
0xb5: {  	_ =	swait.ge [sflag:s22], $0x4000  }
0xb6: {  	[sflag:s22] =	ssyncset.done $0x0  }
0xb7: {  	s29 =	sadd.s32 $0x1480, s26;
	[sflag:s22] =	ssyncadd.s32 $0xFFFFC000  }
0xb8: {  	[spmem:s2] =	stream.indirect.scatter.add.f32 [tilespmem:s20], [sflag:$0x3], $0x80, s29, s19, $0xb8;
	[tilespmem:$0x1E400] =	vst v63  }
0xb9: {  	_ =	swait.ge [sflag:s17], $0x4000  }
0xba: {  	[sflag:s17] =	ssyncset.done $0x0  }
0xbb: {  	[sflag:s17] =	ssyncadd.s32 $0xFFFFC000  }
0xbc: {  	[tilespmem:s20], [sflag:$0x2] =	stream.indirect.gather [hbm4b:s4+s19], $0x80, s23, s19, $0xb8;
	[tilespmem:$0x1E400] =	vst v63  }
0xbd: {  	_ =	swait.ge [sflag:s21], $0x4000  }
0xbe: {  	[sflag:s21] =	ssyncset.done $0x0  }
0xbf: {  	[sflag:s21] =	ssyncadd.s32 $0xFFFFC000  }
0xc0: {  	[spmem:s2] =	stream.indirect.scatter.add.f32 [tilespmem:s16], [sflag:$0x3], $0x80, s24, s19, $0xb8;
	[tilespmem:$0x1E400] =	vst v63  }
0xc1: {  	_ =	swait.ge [sflag:s17], $0x4000  }
0xc2: {  	[sflag:s17] =	ssyncset.done $0x0  }
0xc3: {  	[sflag:s17] =	ssyncadd.s32 $0xFFFFC000  }
0xc4: {  	_ =	swait.ge [sflag:s22], $0x4000  }
0xc5: {  	[sflag:s22] =	ssyncset.done $0x0  }
0xc6: {  	[sflag:s22] =	ssyncadd.s32 $0xFFFFC000  }
0xc7: {  	[spmem:s2] =	stream.indirect.scatter.add.f32 [tilespmem:s20], [sflag:$0x3], $0x80, s25, s19, $0xb8;
	[tilespmem:$0x1E400] =	vst v63  }
0xc8: {  	_ =	swait.ge [sflag:s17], $0x4000  }
0xc9: {  	s3 =	sadd.s32 $0x1, s3;
	s30 =	sshll.u32 s0, $0x6;
	[sflag:s17] =	ssyncset.done $0x0  }
0xca: {  	p0 =	sne.s32 s3, s15;
	s26 =	sor.u32 $0x1C03, s30;
	[sflag:s17] =	ssyncadd.s32 $0xFFFFC000  }
.Ltmp3:
0xcb: {  	s31 =	sshrl.u32 s5, $0x3;
	[bflag:$0x0] =	sbarrier.arrive $0xFFFF;
	(pc) =	sbr.rel @p0 .LBB2_1-.Ltmp3, $4  }
0xcc: {  	[hbm:s14], [sflag:s26] =	dma.local [spmem:s31], $0x2780  }
0xcd: {  	_ =	swait.ge [sflag:s17], $0x2780  }
0xce: {  	[sflag:s17] =	ssyncset.done $0x0  }
0xcf: {  	[sflag:s17] =	ssyncadd.s32 $0xFFFFD880  }
0xd0: {  	_ =	sfence.sel $0x180000  }
0xd1: {  	[bflag:$0x0] =	sbarrier.arrive $0xFFFF  }
0xd2: {  	p0 =	sne.s32 s0, $0x0;
	_ =	strace $0x9000004D  }
0xd3: {  	s0 =	sadd.s32 @!p0 $0x100000, s1;
	[bflag:$0x2] =	sbarrier.arrive $0xFFFF  }
0xd4: {  	[sflag:s0] =	ssyncadd.tile.s32 @!p0 $0x1;
	_ =	shalt  }
.Lfunc_end2:
_tile_overlayer_lowered:
.L_overlay_start_2:
0xd5: {  	(tag) =	ssettag $0x2  }
0xd6: {  	s0 =	rddreg [dreg:$0x0];
	s2 =	stileid.u32  }
0xd7: {  	s1 =	rddreg [dreg:$0x1];
	p0 =	sne.s32 s2, $0x0  }
0xd8: {  	s3 =	rddreg [dreg:$0x2];
	[bflag:$0x3] =	sbarrier.arrive $0xFFFF;
	s2 =	simm.s32 @!p0 $0x1C03  }
0xd9: {  	[timem:s3], [sflag:s2] =	dma.local @!p0 [hbm:s0], s1  }
0xda: {  	s0 =	simm.s32 @!p0 $0x3  }
0xdb: {  	_ =	swait.ge @!p0 [sflag:s0], s1  }
0xdc: {  	s1 =	ssub.s32 @!p0 $0x0, s1;
	[sflag:s0] =	ssyncset.done @!p0 $0x0  }
0xdd: {  	[sflag:s0] =	ssyncadd.s32 @!p0 s1  }
0xde: {  	[bflag:$0x3] =	sbarrier.arrive $0xFFFF  }
0xdf: {  	_ =	shalt  }

// kernel: kernel.19.cloned.1.call-start
scs
__scs_entry_jumppad:
0x0: {  	(pc) =	sbr.rel $0x88, $3  }
0x1: {  	(tag) =	ssettag $0x0;
	lr =	simm.s32 $0x1  }
0x2: {  	[smem:$0x3F99] =	sst lr;
	_ =	strace $0xD0000000  }
0x3: {  	_ = 	snop  }
0x4: {  	_ = 	snop  }
0x5: {  	_ = 	snop  }
0x6: {  	_ = 	snop  }
0x7: {  	_ = 	snop  }
__scs_overlays_trampoline_lowered:
0x8: {  	[smem:$0x3FA8] =	sst s0  }
0x9: {  	[smem:$0x3FA9] =	sst s1  }
0xa: {  	[smem:$0x3FAA] =	sst s2  }
0xb: {  	[smem:$0x3FAB] =	sst s3  }
0xc: {  	[smem:$0x3FAC] =	sst s4  }
0xd: {  	[smem:$0x3FAD] =	sst s5  }
0xe: {  	[smem:$0x3FAE] =	sst s6  }
0xf: {  	[smem:$0x3FAF] =	sst s7  }
0x10: {  	[smem:$0x3FB0] =	sst s8  }
0x11: {  	[smem:$0x3FB1] =	sst s9;
	s0 =	simm.s32 @!p0 $0x0  }
0x12: {  	s1 =	sld [smem:$0x3F97];
	s0 =	simm.s32 @p0 $0x1  }
0x13: {  	[smem:$0x3FB2] =	sst s0;
	s0 =	simm.s32 @!p1 $0x0  }
0x14: {  	s2 =	sld [smem:$0x3F96];
	s0 =	simm.s32 @p1 $0x1  }
0x15: {  	[smem:$0x3FB3] =	sst s0;
	s0 =	simm.s32 @!p2 $0x0  }
0x16: {  	s3 =	sld [smem:$0x3FDB];
	s0 =	simm.s32 @p2 $0x1  }
0x17: {  	s4 =	simm.s32 $0x1BF5;
	[smem:$0x3FB5] =	sst s0  }
0x18: {  	s0 =	sld [smem:$0x3F98];
	_ =	swait.ge [sflag:s4], $0x0  }
0x19: {  	s7 =	sld [smem:$0x3F99]  }
0x1a: {  	s8 =	sadd.s32 $0xFFFFE003, lr  }
0x1b: {  	s9 =	sadd.s32 $0xFFFFFEF7, lr;
	s5 =	simm.s32 $0xFFFFFFFF;
	p2 =	slt.u32 s8, $0xFFFFF086  }
0x1c: {  	p1 =	slt.u32 s9, $0xF7A;
	s5 =	simm.s32 @!p2 $0x0  }
0x1d: {  	s5 =	simm.s32 @p1 $0x1;
	p0 =	seq.s32 s7, s2  }
0x1e: {  	s7 =	smul.u32 @!p0 $0xF7A, s2;
	p2 =	seq.s32 @!p0 s5, $0x0  }
0x1f: {  	s9 =	smul.u32 $0xF7A, s1;
	s8 =	simm.s32 @!p0 $0x1BF5;
	p2 =	por !p2, p0  }
0x20: {  	[sflag:s8] =	ssyncset.s32 @!p0 $0xFFFFF086;
	s6 =	sadd.s32 @!p0 s3, s7;
	s7 =	simm.s32 @!p0 $0x108  }
0x21: {  	s3 =	sadd.s32 s3, s9;
	s6 =	sadd.s32 @!p0 $0x88, s6;
	s7 =	simm.s32 @p2 $0x1082  }
0x22: {  	[simem:s7], [sflag:s8] =	dma.local @!p0 [hbm:s6], $0xF7A  }
0x23: {  	s9 =	sor.u32 $0xD0000000, s2;
	s6 =	simm.s32 $0x108;
	_ =	swait.ge @!p0 [sflag:s8], $0x0  }
0x24: {  	s3 =	sadd.s32 $0x88, s3;
	s6 =	simm.s32 @!p1 $0x1082;
	[sflag:s4] =	ssyncset.s32 $0xFFFFF086  }
0x25: {  	[simem:s6], [sflag:s4] =	dma.local [hbm:s3], $0xF7A  }
0x26: {  	[smem:$0x3F99] =	sst s1;
	(tag) =	ssettag s2;
	_ =	strace s9  }
0x27: {  	s1 =	sld [smem:$0x3FA9]  }
0x28: {  	s2 =	sld [smem:$0x3FAA]  }
0x29: {  	s4 =	sld [smem:$0x3FAC]  }
0x2a: {  	p0 =	seq.s32 s5, $0x0;
	s5 =	sld [smem:$0x3FAD]  }
0x2b: {  	s6 =	sld [smem:$0x3FAE]  }
0x2c: {  	s7 =	sld [smem:$0x3FAF]  }
0x2d: {  	s3 =	simm.s32 $0x108;
	s8 =	sld [smem:$0x3FB0]  }
0x2e: {  	s3 =	simm.s32 @!p0 $0x1082;
	s9 =	sld [smem:$0x3FB1]  }
0x2f: {  	lr =	sadd.s32 s0, s3;
	s0 =	sld [smem:$0x3FA8]  }
0x30: {  	s3 =	sld [smem:$0x3FAB]  }
0x31: {  	[smem:$0x3FB4] =	sst s10  }
0x32: {  	s10 =	sld [smem:$0x3FB2];
	_ =	sdelay $0x3  }
0x33: {  	p0 =	seq.s32 s10, $0x1;
	s10 =	sld [smem:$0x3FB4];
	_ =	sdelay $0x3  }
0x34: {  	[smem:$0x3FB4] =	sst s10  }
0x35: {  	s10 =	sld [smem:$0x3FB3];
	_ =	sdelay $0x3  }
0x36: {  	p1 =	seq.s32 s10, $0x1;
	s10 =	sld [smem:$0x3FB4];
	_ =	sdelay $0x3  }
0x37: {  	[smem:$0x3FB4] =	sst s10  }
0x38: {  	s10 =	sld [smem:$0x3FB5]  }
0x39: {  	_ = 	snop;
	(pc) =	sbr.ind lr, $3  }
0x3a: {  	_ = 	snop  }
0x3b: {  	_ = 	snop  }
0x3c: {  	p2 =	seq.s32 s10, $0x1;
	s10 =	sld [smem:$0x3FB4]  }
0x3d: {  	_ =	shalt  }
0x3e: {  	_ =	shalt  }
0x3f: {  	_ =	shalt  }
0x40: {  	_ =	shalt  }
0x41: {  	_ =	shalt  }
0x42: {  	_ =	shalt  }
0x43: {  	_ =	shalt  }
0x44: {  	_ =	shalt  }
0x45: {  	_ =	shalt  }
0x46: {  	_ =	shalt  }
0x47: {  	_ =	shalt  }
0x48: {  	_ =	shalt  }
0x49: {  	_ =	shalt  }
0x4a: {  	_ =	shalt  }
0x4b: {  	_ =	shalt  }
0x4c: {  	_ =	shalt  }
0x4d: {  	_ =	shalt  }
0x4e: {  	_ =	shalt  }
0x4f: {  	_ =	shalt  }
0x50: {  	_ =	shalt  }
0x51: {  	_ =	shalt  }
0x52: {  	_ =	shalt  }
0x53: {  	_ =	shalt  }
0x54: {  	_ =	shalt  }
0x55: {  	_ =	shalt  }
0x56: {  	_ =	shalt  }
0x57: {  	_ =	shalt  }
0x58: {  	_ =	shalt  }
0x59: {  	_ =	shalt  }
0x5a: {  	_ =	shalt  }
0x5b: {  	_ =	shalt  }
0x5c: {  	_ =	shalt  }
0x5d: {  	_ =	shalt  }
0x5e: {  	_ =	shalt  }
0x5f: {  	_ =	shalt  }
0x60: {  	_ =	shalt  }
0x61: {  	_ =	shalt  }
0x62: {  	_ =	shalt  }
0x63: {  	_ =	shalt  }
0x64: {  	_ =	shalt  }
0x65: {  	_ =	shalt  }
0x66: {  	_ =	shalt  }
0x67: {  	_ =	shalt  }
0x68: {  	_ =	shalt  }
0x69: {  	_ =	shalt  }
0x6a: {  	_ =	shalt  }
0x6b: {  	_ =	shalt  }
0x6c: {  	_ =	shalt  }
0x6d: {  	_ =	shalt  }
0x6e: {  	_ =	shalt  }
0x6f: {  	_ =	shalt  }
0x70: {  	_ =	shalt  }
0x71: {  	_ =	shalt  }
0x72: {  	_ =	shalt  }
0x73: {  	_ =	shalt  }
0x74: {  	_ =	shalt  }
0x75: {  	_ =	shalt  }
0x76: {  	_ =	shalt  }
0x77: {  	_ =	shalt  }
0x78: {  	_ =	shalt  }
0x79: {  	_ =	shalt  }
0x7a: {  	_ =	shalt  }
0x7b: {  	_ =	shalt  }
0x7c: {  	_ =	shalt  }
0x7d: {  	_ =	shalt  }
0x7e: {  	_ =	shalt  }
0x7f: {  	_ =	shalt  }
0x80: {  	_ =	shalt  }
0x81: {  	_ =	shalt  }
0x82: {  	_ =	shalt  }
0x83: {  	_ =	shalt  }
0x84: {  	_ =	shalt  }
0x85: {  	_ =	shalt  }
0x86: {  	_ =	shalt  }
0x87: {  	_ =	shalt  }
.Lfunc_end0:
.L_simem_size_0:
called_computation.3_lowered:
.L_overlay_start_0:
0x88: {  	s2 =	sld [smem:$0x3FD9]  }
0x89: {  	s3 =	sld [smem:$0x3FFE];
	_ =	sdelay $0x1  }
0x8a: {  	s1 =	srdreg.scid  }
0x8b: {  	s0 =	sand.u32 $0x1, s1  }
0x8c: {  	s17 =	sshll.u32 s0, $0xA;
	s2 =	sadd.s32 s3, s2  }
0x8d: {  	s2 =	sadd.s32 s2, s17  }
0x8e: {  	[smem:$0x3FC0] =	sst s2  }
0x8f: {  	_ = 	snop  }
0x90: {  	s2 =	sld [smem:$0x3FD0];
	(tm) =	ssettm $0x1  }
0x91: {  	s18 =	sld [smem:$0x3FFB];
	_ =	sdelay $0x3  }
0x92: {  	_ =	strace s18  }
0x93: {  	s3 =	sld [smem:$0x3FFC];
	_ =	sdelay $0x3  }
0x94: {  	_ =	strace s3  }
0x95: {  	s3 =	sld [smem:$0x3FFD];
	_ =	sdelay $0x3  }
0x96: {  	_ =	strace s3  }
0x97: {  	_ =	strace $0x8FFFFFFF  }
0x98: {  	s19 =	sld [smem:$0x3FDB];
	_ =	sdelay $0x1  }
0x99: {  	s4 =	simm.s32 $_scs_section_size  }
0x9a: {  	s5 =	simm.s32 $_size__tile_overlayer_lowered;
	s6 =	simm.s32 $_tile_overlayer_lowered  }
0x9b: {  	s22 =	simm.s32 $0x1BFF;
	s21 =	sshll.u32 s6, $0x1;
	s3 =	sadd.s32 s4, s19  }
0x9c: {  	s7 =	simm.s32 $0x0;
	s20 =	sshll.u32 s5, $0x1;
	s5 =	sadd.s32 s21, s3  }
0x9d: {  	[timem:s7], [sflag:s22] =	dma.local [hbm:s5], s20  }
0x9e: {  	_ =	swait.ge [sflag:s22], s20  }
0x9f: {  	s4 =	ssub.s32 $0x0, s20;
	[sflag:s22] =	ssyncset.done $0x0  }
0xa0: {  	[sflag:s22] =	ssyncadd.s32 s4;
	_ =	sdelay $0x1  }
0xa1: {  	s23 =	simm.s32 $0x1B8B  }
0xa2: {  	_ =	swait.ge [sflag:s23], $0x1  }
0xa3: {  	[sflag:s23] =	ssyncset.done $0x0  }
0xa4: {  	s25 =	simm.s32 $0x1B8E;
	s24 =	sld [smem:$0x3FFE];
	[sflag:s23] =	ssyncadd.s32 $0xFFFFFFFF  }
0xa5: {  	s26 =	simm.s32 $execute0_lowered;
	[smem:$0x3FD2] =	sst s25  }
0xa6: {  	s5 =	sshll.u32 s26, $0x1;
	_ =	strace $0x8000004F;
	[dreg:$0x1] =	wrdreg $0xFFFFFFFF  }
0xa7: {  	s28 =	simm.s32 $_size_execute0_lowered;
	s3 =	sadd.s32 s3, s5;
	[dreg:$0x0] =	wrdreg $0x0  }
0xa8: {  	s5 =	sshll.u32 s28, $0x1;
	[dreg:$0x2] =	wrdreg s3  }
0xa9: {  	[dreg:$0x3] =	wrdreg s5  }
0xaa: {  	[dreg:$0x4] =	wrdreg $0xC0  }
0xab: {  	_ =	task [dreg:s7], $0x5FFFF  }
0xac: {  	[dreg:$0x1] =	wrdreg $0xFFFFFFFF  }
0xad: {  	[dreg:$0x0] =	wrdreg $0x60  }
0xae: {  	[dreg:$0x2] =	wrdreg s2  }
0xaf: {  	[dreg:$0x3] =	wrdreg s24  }
0xb0: {  	[dreg:$0x4] =	wrdreg $0xD0000  }
0xb1: {  	[dreg:$0x5] =	wrdreg $0x9  }
0xb2: {  	_ =	task.clear_ibuf [dreg:s7], $0x6FFFF;
	_ =	strace $0x9000004F  }
0xb3: {  	s29 =	simm.s32 $0x9;
	_ =	strace $0x80000051  }
0xb4: {  	_ =	swait.ge [sflag:s29], $0x1  }
0xb5: {  	[sflag:s29] =	ssyncadd.s32 $0xFFFFFFFF  }
0xb6: {  	_ =	strace $0x90000051  }
0xb7: {  	_ =	sfence  }
0xb8: {  	s30 =	sld [smem:$0x0];
	_ =	sdelay $0x2  }
0xb9: {  	s31 =	sshll.u32 s1, $0xD;
	s1 =	sshrl.u32 s1, $0x2  }
0xba: {  	s3 =	sand.u32 $0x4000, s31;
	s1 =	sadd.s32 s1, s30  }
0xbb: {  	s0 =	sor.u32 s3, s0;
	s1 =	sshll.u32 s1, $0x11  }
0xbc: {  	s0 =	sor.u32 s1, s0  }
0xbd: {  	s0 =	sadd.s32 $0x8F2B, s0  }
0xbe: {  	[sflag:s0] =	ssyncadd.remote.s32 $0x1  }
0xbf: {  	_ =	sfence.sel $0xFFFF  }
0xc0: {  	[dreg:$0x0] =	wrdreg $0xFFFFFFFF;
	(pc) =	sbr.abs _section_cstart, $3  }
0xc1: {  	[dreg:$0x1] =	wrdreg $0xFFFFFFFF  }
0xc2: {  	_ =	task.clear_ibuf [dreg:s7], $0x2FFFF;
	_ =	strace $0x9FFFFFFF  }
0xc3: {  	(tm) =	ssettm $0x7FFFFFFF  }
tec
execute0_lowered:
.L_overlay_start_1:
0x0: {  	(tag) =	ssettag $0x1  }
0x1: {  	s2 =	rddreg [dreg:$0x0]  }
0x2: {  	s0 =	srdreg.scid;
	s5 =	rddreg [dreg:$0x1]  }
0x3: {  	s8 =	stileid.u32;
	s3 =	rddreg [dreg:$0x2];
	s4 =	simm.s32 $0x0  }
0x4: {  	s14 =	simm.s32 $0x5000;
	s15 =	simm.s32 $0x5;
	s17 =	simm.s32 $0x80  }
0x5: {  	s18 =	simm.s32 $0x6000;
	s20 =	simm.s32 $0x7000;
	s22 =	simm.s32 $0x8000  }
0x6: {  	s23 =	simm.s32 $0x9000;
	s24 =	simm.s32 $0xA000;
	s25 =	simm.s32 $0xB000  }
0x7: {  	s28 =	simm.s32 $0x1;
	s29 =	simm.s32 $0x3;
	s30 =	simm.s32 $0x2  }
0x8: {  	s31 =	simm.s32 $0x4;
	s0 =	sand.u32 $0x1, s0;
	s6 =	smul.u32 $0x4F00, s8  }
0x9: {  	s1 =	sshll.u32 s8, $0x1;
	[smem:$0x7FF] =	sst s4;
	s8 =	smul.u32 $0x13C00, s8  }
0xa: {  	s1 =	sor.u32 s0, s1;
	s7 =	smul.u32 $0x4F000, s0;
	_ =	strace $0x80000050  }
0xb: {  	s0 =	ssub.s32 $0x2, s0;
	s1 =	smul.u32 $0x2800, s1;
	s8 =	sshrl.u32 s8, $0x2  }
0xc: {  	s26 =	sshrl.u32 s0, $0x1;
	s7 =	sadd.s32 s6, s7;
	s9 =	sadd.s32 s8, s3  }
0xd: {  	s0 =	ssub.s32 s0, s26;
	s26 =	simm.s32 $0xC000;
	s1 =	sshrl.u32 s1, $0x3  }
0xe: {  	s7 =	sshrl.u32 s7, $0x3;
	s8 =	sadd.s32 $0x3000, s9;
	s13 =	smax.u32 s0, $0x1  }
0xf: {  	s1 =	sadd.s32 s1, s5;
	s12 =	sadd.s32 s7, s5;
	s5 =	sadd.s32 s6, s3  }
0x10: {  	s6 =	sadd.s32 $0x1000, s9;
	s7 =	sadd.s32 $0x2000, s9;
	s9 =	sadd.s32 $0x4000, s9  }
0x11: {  	v0 =	vimm.f32 $0.0e+00;
	s10 =	sadd.s32 $0x8DC00, s1;
	s11 =	sadd.s32 $0x97C00, s1;
	s12 =	sadd.s32 $0x3A00, s12  }
.LBB2_1:
0x12: {  	s0 =	simm.s32 $0x80;
	s1 =	simm.s32 $0x0  }
.LBB2_2:
0x13: {  	p0 =	sne.s32 s0, $0x3F80;
	[tilespmem:s1+$0x5000] =	vst v0;
	s16 =	smov.u32 s0;
	s0 =	sadd.s32 $0x80, s0  }
.Ltmp0:
0x14: {  	[tilespmem:s1+$0x5010] =	vst v0;
	(pc) =	sbr.rel @p0 .LBB2_2-.Ltmp0, $2  }
0x15: {  	_ =	sdelay $0x2  }
0x16: {  	s1 =	sshra.s32 s16, $0x2  }
0x17: {  	[tilespmem:s1+$0x5000] =	vst v0  }
0x18: {  	[tilespmem:s1+$0x5010] =	vst v0  }
0x19: {  	[spmem:s5] =	stream.linear.scatter [tilespmem:s14], [sflag:$0x5], $0x1000, $0x38;
	[tilespmem:$0x11F00] =	vst v63  }
0x1a: {  	_ =	swait.ge [sflag:s15], $0x1000  }
0x1b: {  	[sflag:s15] =	ssyncset.done $0x0  }
0x1c: {  	[sflag:s15] =	ssyncadd.s32 $0xFFFFF000  }
0x1d: {  	[spmem:s6] =	stream.linear.scatter [tilespmem:s14], [sflag:$0x5], $0x1000, $0x38;
	[tilespmem:$0x11F00] =	vst v63  }
0x1e: {  	_ =	swait.ge [sflag:s15], $0x1000  }
0x1f: {  	[sflag:s15] =	ssyncset.done $0x0  }
0x20: {  	[sflag:s15] =	ssyncadd.s32 $0xFFFFF000  }
0x21: {  	[spmem:s7] =	stream.linear.scatter [tilespmem:s14], [sflag:$0x5], $0x1000, $0x38;
	[tilespmem:$0x11F00] =	vst v63  }
0x22: {  	_ =	swait.ge [sflag:s15], $0x1000  }
0x23: {  	[sflag:s15] =	ssyncset.done $0x0  }
0x24: {  	[sflag:s15] =	ssyncadd.s32 $0xFFFFF000  }
0x25: {  	[spmem:s8] =	stream.linear.scatter [tilespmem:s14], [sflag:$0x5], $0x1000, $0x38;
	[tilespmem:$0x11F00] =	vst v63  }
0x26: {  	_ =	swait.ge [sflag:s15], $0x1000  }
0x27: {  	[sflag:s15] =	ssyncset.done $0x0  }
0x28: {  	[sflag:s15] =	ssyncadd.s32 $0xFFFFF000  }
0x29: {  	[spmem:s9] =	stream.linear.scatter [tilespmem:s14], [sflag:$0x5], $0xF00, $0x38;
	[tilespmem:$0x11F00] =	vst v63  }
0x2a: {  	_ =	swait.ge [sflag:s15], $0xF00  }
0x2b: {  	[sflag:s15] =	ssyncset.done $0x0  }
0x2c: {  	s0 =	simm.s32 $0x0;
	[sflag:s15] =	ssyncadd.s32 $0xFFFFF100  }
0x2d: {  	[tilespmem:s0], [sflag:$0x5] =	stream.linear.gather [hbm4b:s10+s0], $0x2800, $0x38;
	[tilespmem:$0x11F00] =	vst v63  }
0x2e: {  	_ =	swait.ge [sflag:s15], $0x2800  }
0x2f: {  	[sflag:s15] =	ssyncset.done $0x0  }
0x30: {  	s16 =	simm.s32 $0x2800;
	[sflag:s15] =	ssyncadd.s32 $0xFFFFD800  }
0x31: {  	[tilespmem:s16], [sflag:$0x5] =	stream.linear.gather [hbm4b:s11+s0], $0x2800, $0x38;
	[tilespmem:$0x11F00] =	vst v63  }
0x32: {  	_ =	swait.ge [sflag:s15], $0x2800  }
0x33: {  	[sflag:s15] =	ssyncset.done $0x0  }
0x34: {  	[sflag:s15] =	ssyncadd.s32 $0xFFFFD800  }
0x35: {  	[bflag:$0x0] =	sbarrier.arrive $0xFFFF  }
0x36: {  	[tilespmem:s14], [sflag:$0x1] =	stream.indirect.gather [hbm4b:s2+s17], $0x20, s0, s17, $0xb8;
	[tilespmem:$0x11F00] =	vst v63  }
0x37: {  	_ = 	snop  }
0x38: {  	[tilespmem:s18], [sflag:$0x1] =	stream.indirect.gather [hbm4b:s2+s17], $0x20, s17, s17, $0xb8;
	[tilespmem:$0x11F00] =	vst v63  }
0x39: {  	s19 =	simm.s32 $0x100  }
0x3a: {  	[tilespmem:s20], [sflag:$0x1] =	stream.indirect.gather [hbm4b:s2+s17], $0x20, s19, s17, $0xb8;
	[tilespmem:$0x11F00] =	vst v63  }
0x3b: {  	s21 =	simm.s32 $0x180  }
0x3c: {  	[tilespmem:s22], [sflag:$0x1] =	stream.indirect.gather [hbm4b:s2+s17], $0x20, s21, s17, $0xb8;
	[tilespmem:$0x11F00] =	vst v63  }
0x3d: {  	s1 =	simm.s32 $0x200  }
0x3e: {  	[tilespmem:s23], [sflag:$0x2] =	stream.indirect.gather [hbm4b:s2+s17], $0x20, s1, s17, $0xb8;
	[tilespmem:$0x11F00] =	vst v63  }
0x3f: {  	s16 =	simm.s32 $0x280  }
0x40: {  	[tilespmem:s24], [sflag:$0x2] =	stream.indirect.gather [hbm4b:s2+s17], $0x20, s16, s17, $0xb8;
	[tilespmem:$0x11F00] =	vst v63  }
0x41: {  	s19 =	simm.s32 $0x300  }
0x42: {  	[tilespmem:s25], [sflag:$0x2] =	stream.indirect.gather [hbm4b:s2+s17], $0x20, s19, s17, $0xb8;
	[tilespmem:$0x11F00] =	vst v63  }
0x43: {  	s21 =	simm.s32 $0x380  }
0x44: {  	[tilespmem:s26], [sflag:$0x2] =	stream.indirect.gather [hbm4b:s2+s17], $0x20, s21, s17, $0xb8;
	[tilespmem:$0x11F00] =	vst v63  }
0x45: {  	_ =	swait.ge [sflag:s28], $0x1000  }
0x46: {  	[sflag:s28] =	ssyncset.done $0x0  }
0x47: {  	s1 =	simm.s32 $0x2800;
	[sflag:s28] =	ssyncadd.s32 $0xFFFFF000  }
0x48: {  	[spmem:s3] =	stream.indirect.scatter.add.f32 [tilespmem:s14], [sflag:$0x3], $0x20, s1, s17, $0xb8;
	[tilespmem:$0x11F00] =	vst v63  }
0x49: {  	_ =	swait.ge [sflag:s28], $0x1000  }
0x4a: {  	[sflag:s28] =	ssyncset.done $0x0  }
0x4b: {  	s16 =	simm.s32 $0x2880;
	[sflag:s28] =	ssyncadd.s32 $0xFFFFF000  }
0x4c: {  	[spmem:s3] =	stream.indirect.scatter.add.f32 [tilespmem:s18], [sflag:$0x3], $0x20, s16, s17, $0xb8;
	[tilespmem:$0x11F00] =	vst v63  }
0x4d: {  	_ =	swait.ge [sflag:s28], $0x1000  }
0x4e: {  	[sflag:s28] =	ssyncset.done $0x0  }
0x4f: {  	s19 =	simm.s32 $0x2900;
	[sflag:s28] =	ssyncadd.s32 $0xFFFFF000  }
0x50: {  	[spmem:s3] =	stream.indirect.scatter.add.f32 [tilespmem:s20], [sflag:$0x3], $0x20, s19, s17, $0xb8;
	[tilespmem:$0x11F00] =	vst v63  }
0x51: {  	_ =	swait.ge [sflag:s28], $0x1000  }
0x52: {  	[sflag:s28] =	ssyncset.done $0x0  }
0x53: {  	s21 =	simm.s32 $0x2980;
	[sflag:s28] =	ssyncadd.s32 $0xFFFFF000  }
0x54: {  	[spmem:s3] =	stream.indirect.scatter.add.f32 [tilespmem:s22], [sflag:$0x3], $0x20, s21, s17, $0xb8;
	[tilespmem:$0x11F00] =	vst v63  }
0x55: {  	_ =	swait.ge [sflag:s29], $0x1000  }
0x56: {  	[sflag:s29] =	ssyncset.done $0x0  }
0x57: {  	[sflag:s29] =	ssyncadd.s32 $0xFFFFF000  }
0x58: {  	_ =	swait.ge [sflag:s29], $0x1000  }
0x59: {  	[sflag:s29] =	ssyncset.done $0x0  }
0x5a: {  	[sflag:s29] =	ssyncadd.s32 $0xFFFFF000  }
0x5b: {  	_ =	swait.ge [sflag:s29], $0x1000  }
0x5c: {  	[sflag:s29] =	ssyncset.done $0x0  }
0x5d: {  	[sflag:s29] =	ssyncadd.s32 $0xFFFFF000  }
0x5e: {  	_ =	swait.ge [sflag:s29], $0x1000  }
0x5f: {  	[sflag:s29] =	ssyncset.done $0x0  }
0x60: {  	s1 =	simm.s32 $0x400;
	[sflag:s29] =	ssyncadd.s32 $0xFFFFF000  }
0x61: {  	[tilespmem:s14], [sflag:$0x1] =	stream.indirect.gather [hbm4b:s2+s17], $0x20, s1, s17, $0xb8;
	[tilespmem:$0x11F00] =	vst v63  }
0x62: {  	s16 =	simm.s32 $0x480  }
0x63: {  	[tilespmem:s18], [sflag:$0x1] =	stream.indirect.gather [hbm4b:s2+s17], $0x20, s16, s17, $0xb8;
	[tilespmem:$0x11F00] =	vst v63  }
0x64: {  	s19 =	simm.s32 $0x500  }
0x65: {  	[tilespmem:s20], [sflag:$0x1] =	stream.indirect.gather [hbm4b:s2+s17], $0x20, s19, s17, $0xb8;
	[tilespmem:$0x11F00] =	vst v63  }
0x66: {  	s21 =	simm.s32 $0x580  }
0x67: {  	[tilespmem:s22], [sflag:$0x1] =	stream.indirect.gather [hbm4b:s2+s17], $0x20, s21, s17, $0xb8;
	[tilespmem:$0x11F00] =	vst v63  }
0x68: {  	_ =	swait.ge [sflag:s30], $0x1000  }
0x69: {  	[sflag:s30] =	ssyncset.done $0x0  }
0x6a: {  	s1 =	simm.s32 $0x2A00;
	[sflag:s30] =	ssyncadd.s32 $0xFFFFF000  }
0x6b: {  	[spmem:s3] =	stream.indirect.scatter.add.f32 [tilespmem:s23], [sflag:$0x4], $0x20, s1, s17, $0xb8;
	[tilespmem:$0x11F00] =	vst v63  }
0x6c: {  	_ =	swait.ge [sflag:s30], $0x1000  }
0x6d: {  	[sflag:s30] =	ssyncset.done $0x0  }
0x6e: {  	s16 =	simm.s32 $0x2A80;
	[sflag:s30] =	ssyncadd.s32 $0xFFFFF000  }
0x6f: {  	[spmem:s3] =	stream.indirect.scatter.add.f32 [tilespmem:s24], [sflag:$0x4], $0x20, s16, s17, $0xb8;
	[tilespmem:$0x11F00] =	vst v63  }
0x70: {  	_ =	swait.ge [sflag:s30], $0x1000  }
0x71: {  	[sflag:s30] =	ssyncset.done $0x0  }
0x72: {  	s19 =	simm.s32 $0x2B00;
	[sflag:s30] =	ssyncadd.s32 $0xFFFFF000  }
0x73: {  	[spmem:s3] =	stream.indirect.scatter.add.f32 [tilespmem:s25], [sflag:$0x4], $0x20, s19, s17, $0xb8;
	[tilespmem:$0x11F00] =	vst v63  }
0x74: {  	_ =	swait.ge [sflag:s30], $0x1000  }
0x75: {  	[sflag:s30] =	ssyncset.done $0x0  }
0x76: {  	s21 =	simm.s32 $0x2B80;
	[sflag:s30] =	ssyncadd.s32 $0xFFFFF000  }
0x77: {  	[spmem:s3] =	stream.indirect.scatter.add.f32 [tilespmem:s26], [sflag:$0x4], $0x20, s21, s17, $0xb8;
	[tilespmem:$0x11F00] =	vst v63  }
0x78: {  	_ =	swait.ge [sflag:s31], $0x1000  }
0x79: {  	[sflag:s31] =	ssyncset.done $0x0  }
0x7a: {  	[sflag:s31] =	ssyncadd.s32 $0xFFFFF000  }
0x7b: {  	_ =	swait.ge [sflag:s31], $0x1000  }
0x7c: {  	[sflag:s31] =	ssyncset.done $0x0  }
0x7d: {  	[sflag:s31] =	ssyncadd.s32 $0xFFFFF000  }
0x7e: {  	_ =	swait.ge [sflag:s31], $0x1000  }
0x7f: {  	[sflag:s31] =	ssyncset.done $0x0  }
0x80: {  	[sflag:s31] =	ssyncadd.s32 $0xFFFFF000  }
0x81: {  	_ =	swait.ge [sflag:s31], $0x1000  }
0x82: {  	s0 =	simm.s32 $0x2000;
	s21 =	simm.s32 $0x400;
	[sflag:s31] =	ssyncset.done $0x0  }
.LBB2_4:
0x83: {  	s19 =	sadd.s32 $0x200, s21  }
0x84: {  	[sflag:s31] =	ssyncadd.s32 $0xFFFFF000;
	s1 =	smov.u32 s0;
	s16 =	sadd.s32 $0x1000, s0  }
0x85: {  	[tilespmem:s23], [sflag:$0x2] =	stream.indirect.gather [hbm4b:s2+s17], $0x20, s19, s17, $0xb8;
	[tilespmem:$0x11F00] =	vst v63  }
0x86: {  	p0 =	sne.s32 s0, $0x8000;
	s0 =	sadd.s32 $0x280, s21  }
0x87: {  	[tilespmem:s24], [sflag:$0x2] =	stream.indirect.gather [hbm4b:s2+s17], $0x20, s0, s17, $0xb8;
	[tilespmem:$0x11F00] =	vst v63  }
0x88: {  	s0 =	sadd.s32 $0x300, s21  }
0x89: {  	[tilespmem:s25], [sflag:$0x2] =	stream.indirect.gather [hbm4b:s2+s17], $0x20, s0, s17, $0xb8;
	[tilespmem:$0x11F00] =	vst v63  }
0x8a: {  	s0 =	sadd.s32 $0x380, s21  }
0x8b: {  	[tilespmem:s26], [sflag:$0x2] =	stream.indirect.gather [hbm4b:s2+s17], $0x20, s0, s17, $0xb8;
	[tilespmem:$0x11F00] =	vst v63  }
0x8c: {  	_ =	swait.ge [sflag:s28], $0x1000  }
0x8d: {  	[sflag:s28] =	ssyncset.done $0x0  }
0x8e: {  	s0 =	sadd.s32 $0x2800, s21;
	[sflag:s28] =	ssyncadd.s32 $0xFFFFF000  }
0x8f: {  	[spmem:s3] =	stream.indirect.scatter.add.f32 [tilespmem:s14], [sflag:$0x3], $0x20, s0, s17, $0xb8;
	[tilespmem:$0x11F00] =	vst v63  }
0x90: {  	_ =	swait.ge [sflag:s28], $0x1000  }
0x91: {  	[sflag:s28] =	ssyncset.done $0x0  }
0x92: {  	s0 =	sadd.s32 $0x2880, s21;
	[sflag:s28] =	ssyncadd.s32 $0xFFFFF000  }
0x93: {  	[spmem:s3] =	stream.indirect.scatter.add.f32 [tilespmem:s18], [sflag:$0x3], $0x20, s0, s17, $0xb8;
	[tilespmem:$0x11F00] =	vst v63  }
0x94: {  	_ =	swait.ge [sflag:s28], $0x1000  }
0x95: {  	[sflag:s28] =	ssyncset.done $0x0  }
0x96: {  	s0 =	sadd.s32 $0x2900, s21;
	[sflag:s28] =	ssyncadd.s32 $0xFFFFF000  }
0x97: {  	[spmem:s3] =	stream.indirect.scatter.add.f32 [tilespmem:s20], [sflag:$0x3], $0x20, s0, s17, $0xb8;
	[tilespmem:$0x11F00] =	vst v63  }
0x98: {  	_ =	swait.ge [sflag:s28], $0x1000  }
0x99: {  	[sflag:s28] =	ssyncset.done $0x0  }
0x9a: {  	s0 =	sadd.s32 $0x2980, s21;
	[sflag:s28] =	ssyncadd.s32 $0xFFFFF000  }
0x9b: {  	[spmem:s3] =	stream.indirect.scatter.add.f32 [tilespmem:s22], [sflag:$0x3], $0x20, s0, s17, $0xb8;
	[tilespmem:$0x11F00] =	vst v63  }
0x9c: {  	_ =	swait.ge [sflag:s29], $0x1000  }
0x9d: {  	[sflag:s29] =	ssyncset.done $0x0  }
0x9e: {  	[sflag:s29] =	ssyncadd.s32 $0xFFFFF000  }
0x9f: {  	_ =	swait.ge [sflag:s29], $0x1000  }
0xa0: {  	[sflag:s29] =	ssyncset.done $0x0  }
0xa1: {  	[sflag:s29] =	ssyncadd.s32 $0xFFFFF000  }
0xa2: {  	_ =	swait.ge [sflag:s29], $0x1000  }
0xa3: {  	[sflag:s29] =	ssyncset.done $0x0  }
0xa4: {  	[sflag:s29] =	ssyncadd.s32 $0xFFFFF000  }
0xa5: {  	_ =	swait.ge [sflag:s29], $0x1000  }
0xa6: {  	[sflag:s29] =	ssyncset.done $0x0  }
0xa7: {  	s0 =	sadd.s32 $0x400, s21;
	[sflag:s29] =	ssyncadd.s32 $0xFFFFF000  }
0xa8: {  	[tilespmem:s14], [sflag:$0x1] =	stream.indirect.gather [hbm4b:s2+s17], $0x20, s0, s17, $0xb8;
	[tilespmem:$0x11F00] =	vst v63  }
0xa9: {  	s0 =	sadd.s32 $0x480, s21  }
0xaa: {  	[tilespmem:s18], [sflag:$0x1] =	stream.indirect.gather [hbm4b:s2+s17], $0x20, s0, s17, $0xb8;
	[tilespmem:$0x11F00] =	vst v63  }
0xab: {  	s0 =	sadd.s32 $0x500, s21  }
0xac: {  	[tilespmem:s20], [sflag:$0x1] =	stream.indirect.gather [hbm4b:s2+s17], $0x20, s0, s17, $0xb8;
	[tilespmem:$0x11F00] =	vst v63  }
0xad: {  	s0 =	sadd.s32 $0x580, s21  }
0xae: {  	[tilespmem:s22], [sflag:$0x1] =	stream.indirect.gather [hbm4b:s2+s17], $0x20, s0, s17, $0xb8;
	[tilespmem:$0x11F00] =	vst v63  }
0xaf: {  	_ =	swait.ge [sflag:s30], $0x1000  }
0xb0: {  	[sflag:s30] =	ssyncset.done $0x0  }
0xb1: {  	s0 =	sadd.s32 $0x2A00, s21;
	[sflag:s30] =	ssyncadd.s32 $0xFFFFF000  }
0xb2: {  	[spmem:s3] =	stream.indirect.scatter.add.f32 [tilespmem:s23], [sflag:$0x4], $0x20, s0, s17, $0xb8;
	[tilespmem:$0x11F00] =	vst v63  }
0xb3: {  	_ =	swait.ge [sflag:s30], $0x1000  }
0xb4: {  	[sflag:s30] =	ssyncset.done $0x0  }
0xb5: {  	s0 =	sadd.s32 $0x2A80, s21;
	[sflag:s30] =	ssyncadd.s32 $0xFFFFF000  }
0xb6: {  	[spmem:s3] =	stream.indirect.scatter.add.f32 [tilespmem:s24], [sflag:$0x4], $0x20, s0, s17, $0xb8;
	[tilespmem:$0x11F00] =	vst v63  }
0xb7: {  	_ =	swait.ge [sflag:s30], $0x1000  }
0xb8: {  	[sflag:s30] =	ssyncset.done $0x0  }
0xb9: {  	s0 =	sadd.s32 $0x2B00, s21;
	[sflag:s30] =	ssyncadd.s32 $0xFFFFF000  }
0xba: {  	[spmem:s3] =	stream.indirect.scatter.add.f32 [tilespmem:s25], [sflag:$0x4], $0x20, s0, s17, $0xb8;
	[tilespmem:$0x11F00] =	vst v63  }
0xbb: {  	_ =	swait.ge [sflag:s30], $0x1000  }
0xbc: {  	[sflag:s30] =	ssyncset.done $0x0  }
0xbd: {  	s0 =	sadd.s32 $0x2B80, s21;
	[sflag:s30] =	ssyncadd.s32 $0xFFFFF000  }
0xbe: {  	[spmem:s3] =	stream.indirect.scatter.add.f32 [tilespmem:s26], [sflag:$0x4], $0x20, s0, s17, $0xb8;
	[tilespmem:$0x11F00] =	vst v63  }
0xbf: {  	_ =	swait.ge [sflag:s31], $0x1000  }
0xc0: {  	[sflag:s31] =	ssyncset.done $0x0  }
0xc1: {  	[sflag:s31] =	ssyncadd.s32 $0xFFFFF000  }
0xc2: {  	_ =	swait.ge [sflag:s31], $0x1000  }
0xc3: {  	[sflag:s31] =	ssyncset.done $0x0  }
0xc4: {  	[sflag:s31] =	ssyncadd.s32 $0xFFFFF000  }
.Ltmp1:
0xc5: {  	_ =	swait.ge [sflag:s31], $0x1000;
	(pc) =	sbr.rel @p0 .LBB2_4-.Ltmp1, $4  }
0xc6: {  	[sflag:s31] =	ssyncset.done $0x0  }
0xc7: {  	[sflag:s31] =	ssyncadd.s32 $0xFFFFF000  }
0xc8: {  	_ =	swait.ge [sflag:s31], $0x1000  }
0xc9: {  	s21 =	sshra.s32 s1, $0x2;
	s0 =	smov.u32 s16;
	[sflag:s31] =	ssyncset.done $0x0  }
0xca: {  	s0 =	sadd.s32 $0x200, s21;
	[sflag:s31] =	ssyncadd.s32 $0xFFFFF000  }
0xcb: {  	[tilespmem:s23], [sflag:$0x2] =	stream.indirect.gather [hbm4b:s2+s17], $0x20, s0, s17, $0xb8;
	[tilespmem:$0x11F00] =	vst v63  }
0xcc: {  	s1 =	sadd.s32 $0x280, s21  }
0xcd: {  	[tilespmem:s24], [sflag:$0x2] =	stream.indirect.gather [hbm4b:s2+s17], $0x20, s1, s17, $0xb8;
	[tilespmem:$0x11F00] =	vst v63  }
0xce: {  	s16 =	sadd.s32 $0x300, s21  }
0xcf: {  	[tilespmem:s25], [sflag:$0x2] =	stream.indirect.gather [hbm4b:s2+s17], $0x20, s16, s17, $0xb8;
	[tilespmem:$0x11F00] =	vst v63  }
0xd0: {  	s19 =	sadd.s32 $0x380, s21  }
0xd1: {  	[tilespmem:s26], [sflag:$0x2] =	stream.indirect.gather [hbm4b:s2+s17], $0x20, s19, s17, $0xb8;
	[tilespmem:$0x11F00] =	vst v63  }
0xd2: {  	_ =	swait.ge [sflag:s28], $0x1000  }
0xd3: {  	[sflag:s28] =	ssyncset.done $0x0  }
0xd4: {  	s1 =	sadd.s32 $0x2800, s21;
	[sflag:s28] =	ssyncadd.s32 $0xFFFFF000  }
0xd5: {  	[spmem:s3] =	stream.indirect.scatter.add.f32 [tilespmem:s14], [sflag:$0x3], $0x20, s1, s17, $0xb8;
	[tilespmem:$0x11F00] =	vst v63  }
0xd6: {  	_ =	swait.ge [sflag:s28], $0x1000  }
0xd7: {  	[sflag:s28] =	ssyncset.done $0x0  }
0xd8: {  	s16 =	sadd.s32 $0x2880, s21;
	[sflag:s28] =	ssyncadd.s32 $0xFFFFF000  }
0xd9: {  	[spmem:s3] =	stream.indirect.scatter.add.f32 [tilespmem:s18], [sflag:$0x3], $0x20, s16, s17, $0xb8;
	[tilespmem:$0x11F00] =	vst v63  }
0xda: {  	_ =	swait.ge [sflag:s28], $0x1000  }
0xdb: {  	[sflag:s28] =	ssyncset.done $0x0  }
0xdc: {  	s19 =	sadd.s32 $0x2900, s21;
	[sflag:s28] =	ssyncadd.s32 $0xFFFFF000  }
0xdd: {  	[spmem:s3] =	stream.indirect.scatter.add.f32 [tilespmem:s20], [sflag:$0x3], $0x20, s19, s17, $0xb8;
	[tilespmem:$0x11F00] =	vst v63  }
0xde: {  	_ =	swait.ge [sflag:s28], $0x1000  }
0xdf: {  	[sflag:s28] =	ssyncset.done $0x0  }
0xe0: {  	s1 =	sadd.s32 $0x2980, s21;
	[sflag:s28] =	ssyncadd.s32 $0xFFFFF000  }
0xe1: {  	[spmem:s3] =	stream.indirect.scatter.add.f32 [tilespmem:s22], [sflag:$0x3], $0x20, s1, s17, $0xb8;
	[tilespmem:$0x11F00] =	vst v63  }
0xe2: {  	_ =	swait.ge [sflag:s29], $0x1000  }
0xe3: {  	[sflag:s29] =	ssyncset.done $0x0  }
0xe4: {  	[sflag:s29] =	ssyncadd.s32 $0xFFFFF000  }
0xe5: {  	_ =	swait.ge [sflag:s29], $0x1000  }
0xe6: {  	[sflag:s29] =	ssyncset.done $0x0  }
0xe7: {  	[sflag:s29] =	ssyncadd.s32 $0xFFFFF000  }
0xe8: {  	_ =	swait.ge [sflag:s29], $0x1000  }
0xe9: {  	[sflag:s29] =	ssyncset.done $0x0  }
0xea: {  	[sflag:s29] =	ssyncadd.s32 $0xFFFFF000  }
0xeb: {  	_ =	swait.ge [sflag:s29], $0x1000  }
0xec: {  	[sflag:s29] =	ssyncset.done $0x0  }
0xed: {  	s16 =	sadd.s32 $0x400, s21;
	[sflag:s29] =	ssyncadd.s32 $0xFFFFF000  }
0xee: {  	[tilespmem:s14], [sflag:$0x1] =	stream.indirect.gather [hbm4b:s2+s17], $0x20, s16, s17, $0xb8;
	[tilespmem:$0x11F00] =	vst v63  }
0xef: {  	s19 =	sadd.s32 $0x480, s21  }
0xf0: {  	[tilespmem:s18], [sflag:$0x1] =	stream.indirect.gather [hbm4b:s2+s17], $0x20, s19, s17, $0xb8;
	[tilespmem:$0x11F00] =	vst v63  }
0xf1: {  	s1 =	sadd.s32 $0x500, s21  }
0xf2: {  	[tilespmem:s20], [sflag:$0x1] =	stream.indirect.gather [hbm4b:s2+s17], $0x20, s1, s17, $0xb8;
	[tilespmem:$0x11F00] =	vst v63  }
0xf3: {  	s16 =	sadd.s32 $0x580, s21  }
0xf4: {  	[tilespmem:s22], [sflag:$0x1] =	stream.indirect.gather [hbm4b:s2+s17], $0x20, s16, s17, $0xb8;
	[tilespmem:$0x11F00] =	vst v63  }
0xf5: {  	_ =	swait.ge [sflag:s30], $0x1000  }
0xf6: {  	[sflag:s30] =	ssyncset.done $0x0  }
0xf7: {  	s19 =	sadd.s32 $0x2A00, s21;
	[sflag:s30] =	ssyncadd.s32 $0xFFFFF000  }
0xf8: {  	[spmem:s3] =	stream.indirect.scatter.add.f32 [tilespmem:s23], [sflag:$0x4], $0x20, s19, s17, $0xb8;
	[tilespmem:$0x11F00] =	vst v63  }
0xf9: {  	_ =	swait.ge [sflag:s30], $0x1000  }
0xfa: {  	[sflag:s30] =	ssyncset.done $0x0  }
0xfb: {  	s1 =	sadd.s32 $0x2A80, s21;
	[sflag:s30] =	ssyncadd.s32 $0xFFFFF000  }
0xfc: {  	[spmem:s3] =	stream.indirect.scatter.add.f32 [tilespmem:s24], [sflag:$0x4], $0x20, s1, s17, $0xb8;
	[tilespmem:$0x11F00] =	vst v63  }
0xfd: {  	_ =	swait.ge [sflag:s30], $0x1000  }
0xfe: {  	[sflag:s30] =	ssyncset.done $0x0  }
0xff: {  	s16 =	sadd.s32 $0x2B00, s21;
	[sflag:s30] =	ssyncadd.s32 $0xFFFFF000  }
0x100: {  	[spmem:s3] =	stream.indirect.scatter.add.f32 [tilespmem:s25], [sflag:$0x4], $0x20, s16, s17, $0xb8;
	[tilespmem:$0x11F00] =	vst v63  }
0x101: {  	_ =	swait.ge [sflag:s30], $0x1000  }
0x102: {  	[sflag:s30] =	ssyncset.done $0x0  }
0x103: {  	s19 =	sadd.s32 $0x2B80, s21;
	[sflag:s30] =	ssyncadd.s32 $0xFFFFF000  }
0x104: {  	[spmem:s3] =	stream.indirect.scatter.add.f32 [tilespmem:s26], [sflag:$0x4], $0x20, s19, s17, $0xb8;
	[tilespmem:$0x11F00] =	vst v63  }
0x105: {  	_ =	swait.ge [sflag:s31], $0x1000  }
0x106: {  	[sflag:s31] =	ssyncset.done $0x0  }
0x107: {  	[sflag:s31] =	ssyncadd.s32 $0xFFFFF000  }
0x108: {  	_ =	swait.ge [sflag:s31], $0x1000  }
0x109: {  	[sflag:s31] =	ssyncset.done $0x0  }
0x10a: {  	[sflag:s31] =	ssyncadd.s32 $0xFFFFF000  }
0x10b: {  	_ =	swait.ge [sflag:s31], $0x1000  }
0x10c: {  	[sflag:s31] =	ssyncset.done $0x0  }
0x10d: {  	[sflag:s31] =	ssyncadd.s32 $0xFFFFF000  }
0x10e: {  	_ =	swait.ge [sflag:s31], $0x1000  }
0x10f: {  	[sflag:s31] =	ssyncset.done $0x0  }
0x110: {  	s21 =	simm.s32 $0x2600;
	[sflag:s31] =	ssyncadd.s32 $0xFFFFF000  }
0x111: {  	[tilespmem:s23], [sflag:$0x2] =	stream.indirect.gather [hbm4b:s2+s17], $0x20, s21, s17, $0xb8;
	[tilespmem:$0x11F00] =	vst v63  }
0x112: {  	s1 =	simm.s32 $0x2680  }
0x113: {  	[tilespmem:s24], [sflag:$0x2] =	stream.indirect.gather [hbm4b:s2+s17], $0x20, s1, s17, $0xb8;
	[tilespmem:$0x11F00] =	vst v63  }
0x114: {  	s16 =	simm.s32 $0x2700  }
0x115: {  	[tilespmem:s25], [sflag:$0x2] =	stream.indirect.gather [hbm4b:s2+s17], $0x20, s16, s17, $0xb8;
	[tilespmem:$0x11F00] =	vst v63  }
0x116: {  	s19 =	simm.s32 $0x2780  }
0x117: {  	[tilespmem:s26], [sflag:$0x2] =	stream.indirect.gather [hbm4b:s2+s17], $0x20, s19, s17, $0xb8;
	[tilespmem:$0x11F00] =	vst v63  }
0x118: {  	_ =	swait.ge [sflag:s28], $0x1000  }
0x119: {  	[sflag:s28] =	ssyncset.done $0x0  }
0x11a: {  	s21 =	simm.s32 $0x4C00;
	[sflag:s28] =	ssyncadd.s32 $0xFFFFF000  }
0x11b: {  	[spmem:s3] =	stream.indirect.scatter.add.f32 [tilespmem:s14], [sflag:$0x3], $0x20, s21, s17, $0xb8;
	[tilespmem:$0x11F00] =	vst v63  }
0x11c: {  	_ =	swait.ge [sflag:s28], $0x1000  }
0x11d: {  	[sflag:s28] =	ssyncset.done $0x0  }
0x11e: {  	s1 =	simm.s32 $0x4C80;
	[sflag:s28] =	ssyncadd.s32 $0xFFFFF000  }
0x11f: {  	[spmem:s3] =	stream.indirect.scatter.add.f32 [tilespmem:s18], [sflag:$0x3], $0x20, s1, s17, $0xb8;
	[tilespmem:$0x11F00] =	vst v63  }
0x120: {  	_ =	swait.ge [sflag:s28], $0x1000  }
0x121: {  	[sflag:s28] =	ssyncset.done $0x0  }
0x122: {  	s16 =	simm.s32 $0x4D00;
	[sflag:s28] =	ssyncadd.s32 $0xFFFFF000  }
0x123: {  	[spmem:s3] =	stream.indirect.scatter.add.f32 [tilespmem:s20], [sflag:$0x3], $0x20, s16, s17, $0xb8;
	[tilespmem:$0x11F00] =	vst v63  }
0x124: {  	_ =	swait.ge [sflag:s28], $0x1000  }
0x125: {  	[sflag:s28] =	ssyncset.done $0x0  }
0x126: {  	s19 =	simm.s32 $0x4D80;
	[sflag:s28] =	ssyncadd.s32 $0xFFFFF000  }
0x127: {  	[spmem:s3] =	stream.indirect.scatter.add.f32 [tilespmem:s22], [sflag:$0x3], $0x20, s19, s17, $0xb8;
	[tilespmem:$0x11F00] =	vst v63  }
0x128: {  	_ =	swait.ge [sflag:s29], $0x1000  }
0x129: {  	[sflag:s29] =	ssyncset.done $0x0  }
0x12a: {  	[sflag:s29] =	ssyncadd.s32 $0xFFFFF000  }
0x12b: {  	_ =	swait.ge [sflag:s29], $0x1000  }
0x12c: {  	[sflag:s29] =	ssyncset.done $0x0  }
0x12d: {  	[sflag:s29] =	ssyncadd.s32 $0xFFFFF000  }
0x12e: {  	_ =	swait.ge [sflag:s29], $0x1000  }
0x12f: {  	[sflag:s29] =	ssyncset.done $0x0  }
0x130: {  	[sflag:s29] =	ssyncadd.s32 $0xFFFFF000  }
0x131: {  	_ =	swait.ge [sflag:s29], $0x1000  }
0x132: {  	[sflag:s29] =	ssyncset.done $0x0  }
0x133: {  	[sflag:s29] =	ssyncadd.s32 $0xFFFFF000  }
0x134: {  	_ =	swait.ge [sflag:s30], $0x1000  }
0x135: {  	[sflag:s30] =	ssyncset.done $0x0  }
0x136: {  	s21 =	simm.s32 $0x4E00;
	[sflag:s30] =	ssyncadd.s32 $0xFFFFF000  }
0x137: {  	[spmem:s3] =	stream.indirect.scatter.add.f32 [tilespmem:s23], [sflag:$0x4], $0x20, s21, s17, $0xb8;
	[tilespmem:$0x11F00] =	vst v63  }
0x138: {  	_ =	swait.ge [sflag:s30], $0x1000  }
0x139: {  	[sflag:s30] =	ssyncset.done $0x0  }
0x13a: {  	s1 =	simm.s32 $0x4E80;
	[sflag:s30] =	ssyncadd.s32 $0xFFFFF000  }
0x13b: {  	[spmem:s3] =	stream.indirect.scatter.add.f32 [tilespmem:s24], [sflag:$0x4], $0x20, s1, s17, $0xb8;
	[tilespmem:$0x11F00] =	vst v63  }
0x13c: {  	_ =	swait.ge [sflag:s30], $0x1000  }
0x13d: {  	[sflag:s30] =	ssyncset.done $0x0  }
0x13e: {  	s16 =	simm.s32 $0x4F00;
	[sflag:s30] =	ssyncadd.s32 $0xFFFFF000  }
0x13f: {  	[spmem:s3] =	stream.indirect.scatter.add.f32 [tilespmem:s25], [sflag:$0x4], $0x20, s16, s17, $0xb8;
	[tilespmem:$0x11F00] =	vst v63  }
0x140: {  	_ =	swait.ge [sflag:s30], $0x1000  }
0x141: {  	[sflag:s30] =	ssyncset.done $0x0  }
0x142: {  	s19 =	simm.s32 $0x4F80;
	[sflag:s30] =	ssyncadd.s32 $0xFFFFF000  }
0x143: {  	[spmem:s3] =	stream.indirect.scatter.add.f32 [tilespmem:s26], [sflag:$0x4], $0x20, s19, s17, $0xb8;
	[tilespmem:$0x11F00] =	vst v63  }
0x144: {  	_ =	swait.ge [sflag:s31], $0x1000  }
0x145: {  	[sflag:s31] =	ssyncset.done $0x0  }
0x146: {  	[sflag:s31] =	ssyncadd.s32 $0xFFFFF000  }
0x147: {  	_ =	swait.ge [sflag:s31], $0x1000  }
0x148: {  	[sflag:s31] =	ssyncset.done $0x0  }
0x149: {  	[sflag:s31] =	ssyncadd.s32 $0xFFFFF000  }
0x14a: {  	_ =	swait.ge [sflag:s31], $0x1000  }
0x14b: {  	[sflag:s31] =	ssyncset.done $0x0  }
0x14c: {  	[sflag:s31] =	ssyncadd.s32 $0xFFFFF000  }
0x14d: {  	s21 =	stileid.u32;
	_ =	swait.ge [sflag:s31], $0x1000  }
0x14e: {  	s4 =	sadd.s32 $0x1, s4;
	s0 =	sshll.u32 s21, $0x6;
	[sflag:s31] =	ssyncset.done $0x0  }
0x14f: {  	p0 =	sne.s32 s4, s13;
	s0 =	sor.u32 $0x1C05, s0;
	[sflag:s31] =	ssyncadd.s32 $0xFFFFF000  }
.Ltmp2:
0x150: {  	s1 =	sshrl.u32 s5, $0x3;
	[bflag:$0x0] =	sbarrier.arrive $0xFFFF;
	(pc) =	sbr.rel @p0 .LBB2_1-.Ltmp2, $4  }
0x151: {  	[hbm:s12], [sflag:s0] =	dma.local [spmem:s1], $0x9E0  }
0x152: {  	_ =	swait.ge [sflag:s15], $0x9E0  }
0x153: {  	[sflag:s15] =	ssyncset.done $0x0  }
0x154: {  	[sflag:s15] =	ssyncadd.s32 $0xFFFFF620  }
0x155: {  	_ =	sfence.sel $0x180000  }
0x156: {  	[bflag:$0x0] =	sbarrier.arrive $0xFFFF  }
0x157: {  	_ =	strace $0x90000050  }
0x158: {  	s0 =	stileid.u32;
	[bflag:$0x2] =	sbarrier.arrive $0xFFFF  }
0x159: {  	p0 =	sne.s32 s0, $0x0;
	s0 =	rddreg [dreg:$0x3]  }
0x15a: {  	s0 =	sadd.s32 @!p0 $0x100000, s0  }
0x15b: {  	[sflag:s0] =	ssyncadd.tile.s32 @!p0 $0x1;
	_ =	shalt  }
.Lfunc_end2:
_tile_overlayer_lowered:
.L_overlay_start_2:
0x15c: {  	(tag) =	ssettag $0x2  }
0x15d: {  	s0 =	rddreg [dreg:$0x0];
	s2 =	stileid.u32  }
0x15e: {  	s1 =	rddreg [dreg:$0x1];
	p0 =	sne.s32 s2, $0x0  }
0x15f: {  	s3 =	rddreg [dreg:$0x2];
	[bflag:$0x3] =	sbarrier.arrive $0xFFFF;
	s2 =	simm.s32 @!p0 $0x1C05  }
0x160: {  	[timem:s3], [sflag:s2] =	dma.local @!p0 [hbm:s0], s1  }
0x161: {  	s0 =	simm.s32 @!p0 $0x5  }
0x162: {  	_ =	swait.ge @!p0 [sflag:s0], s1  }
0x163: {  	s1 =	ssub.s32 @!p0 $0x0, s1;
	[sflag:s0] =	ssyncset.done @!p0 $0x0  }
0x164: {  	[sflag:s0] =	ssyncadd.s32 @!p0 s1  }
0x165: {  	[bflag:$0x3] =	sbarrier.arrive $0xFFFF  }
0x166: {  	_ =	shalt  }

</sc_bundles>
